<compile_context>
chip_gen: v7x
topology: tpu7x:2x2x1
jax: 0.10.2.dev20260603
libtpu: 0.0.44.dev20260713+nightly
codegen_flags: <defaults>
</compile_context>

<pallas_src>
import functools

import jax
import jax.numpy as jnp
from jax import lax
from jax.experimental import pallas as pl
from jax.experimental.pallas import tpu as pltpu
from jax.experimental.pallas import tpu_sc as plsc

HIDDEN = 256
OUT = 256
HEADS = 4
HEAD_DIM = OUT // HEADS
N = 50000
G = 128

BLK = 1024
NP = 50176
NBLK = NP // BLK

NW = 32
GPW = G // NW
CH = 128


def _tc_body(h_ref, b_ref, w1_ref, b1_ref, w2_ref, b2_ref, pj_ref,
             whp_ref, invx_ref, meta_ref, se_ref):
    i = pl.program_id(0)

    @pl.when(i == 0)
    def _init():
        se_ref[...] = jnp.zeros_like(se_ref)

    hb = h_ref[...].astype(jnp.bfloat16)
    hid = jnp.tanh(
        jnp.dot(hb, w1_ref[...], preferred_element_type=jnp.float32)
        + b1_ref[...])
    es = jnp.exp(
        jnp.dot(hid.astype(jnp.bfloat16), w2_ref[...],
                preferred_element_type=jnp.float32)
        + b2_ref[...])
    rowid = lax.broadcasted_iota(jnp.int32, (BLK, 8), 0) + i * BLK
    es = jnp.where(rowid < N, es, 0.0)
    hp = jnp.dot(hb, pj_ref[...], preferred_element_type=jnp.float32)

    bv = b_ref[0]
    oh = (lax.broadcasted_iota(jnp.int32, (G, BLK), 0) == bv
          ).astype(jnp.float32)

    esx = jnp.concatenate(
        [jnp.broadcast_to(es[:, i:i + 1], (BLK, HEAD_DIM)) for i in range(HEADS)],
        axis=1)
    whpf = hp * esx
    lo = lax.convert_element_type(
        lax.bitcast_convert_type(whpf[:, :128].astype(jnp.bfloat16), jnp.uint16),
        jnp.uint32)
    hi = lax.convert_element_type(
        lax.bitcast_convert_type(whpf[:, 128:].astype(jnp.bfloat16), jnp.uint16),
        jnp.uint32)
    whp_ref[...] = lo | (hi << 16)

    se_ref[...] += jnp.dot(oh, es, preferred_element_type=jnp.float32)

    @pl.when(i == NBLK - 1)
    def _fin():
        se = se_ref[...]
        inv = 1.0 / jnp.clip(se, 1e-10, None)
        invx_ref[...] = jnp.concatenate(
            [jnp.broadcast_to(inv[:, i:i + 1], (G, HEAD_DIM))
             for i in range(HEADS)], axis=1)
        tri = (lax.broadcasted_iota(jnp.int32, (G, G), 1)
               < lax.broadcasted_iota(jnp.int32, (G, G), 0)).astype(jnp.float32)
        starts = jnp.dot(tri, se, preferred_element_type=jnp.float32,
                         precision=lax.Precision.HIGHEST)[:, 4:5]
        cnts = se[:, 4:5]
        col = lax.broadcasted_iota(jnp.int32, (G, 16), 1)
        metaf = jnp.where(col == 0, starts, jnp.where(col == 1, cnts, 0.0))
        meta_ref[...] = metaf.astype(jnp.int32)


def _sc_body(whp_hbm, invx_hbm, meta_hbm, pb_hbm, out_hbm,
             meta_v, invx_v, pb_v, rows_v, obuf_v):
    wid = lax.axis_index("s") * 2 + lax.axis_index("c")
    gbase = wid * GPW
    base8 = pl.multiple_of((wid // 2) * 8, 8)
    off = (wid % 2) * GPW
    pltpu.sync_copy(meta_hbm.at[pl.ds(base8, 8)], meta_v)
    pltpu.sync_copy(invx_hbm.at[pl.ds(base8, 8)], invx_v)
    pltpu.sync_copy(pb_hbm, pb_v)

    for gl in range(GPW):
        mrow = meta_v[off + gl]
        start = mrow[0]
        cnt = mrow[1]
        a0 = (start // 8) * 8
        lead = start - a0
        nch = (cnt + lead + CH - 1) // CH

        def chunk_body(c, acc):
            row0 = pl.multiple_of(a0 + c * CH, 8)
            pltpu.sync_copy(whp_hbm.at[pl.ds(row0, CH)], rows_v)
            jlo = jnp.maximum(start - row0, 0)
            jhi = jnp.minimum(start + cnt - row0, CH)

            def row_body(j, acc2):
                out = list(acc2)
                for k in range(8):
                    w = rows_v[j, pl.ds(k * 16, 16)]
                    a = plsc.bitcast(w << 16, jnp.float32)
                    b = plsc.bitcast(w & jnp.uint32(0xFFFF0000), jnp.float32)
                    out[k] = out[k] + a
                    out[8 + k] = out[8 + k] + b
                return tuple(out)

            return lax.fori_loop(jlo, jhi, row_body, acc)

        zero = jnp.zeros((16,), jnp.float32)
        acc = lax.fori_loop(0, nch, chunk_body, tuple(zero for _ in range(16)))
        for k in range(16):
            obuf_v[pl.ds(k * 16, 16)] = (
                acc[k] * invx_v[off + gl, pl.ds(k * 16, 16)]
                + pb_v[pl.ds(k * 16, 16)])
        pltpu.sync_copy(
            obuf_v, out_hbm.at[pl.ds(pl.multiple_of((gbase + gl) * OUT, 8), OUT)])


@jax.jit
def kernel(h, batch, attn_W1, attn_b1, attn_W2, attn_b2, proj_W, proj_b):
    bpad = jnp.full((NP,), G, jnp.int32).at[:N].set(batch.astype(jnp.int32))
    b3 = bpad.reshape(NBLK, 1, BLK)

    w1s = jnp.transpose(attn_W1, (1, 0, 2)).reshape(HIDDEN, HEADS * HIDDEN).astype(jnp.bfloat16)
    b1s = attn_b1.reshape(1, HEADS * HIDDEN)
    w2b = (attn_W2[..., 0][:, :, None] * jnp.eye(HEADS, dtype=jnp.float32)[:, None, :]
           ).reshape(HEADS * HIDDEN, HEADS)
    w2b = jnp.pad(w2b, ((0, 0), (0, 8 - HEADS))).astype(jnp.bfloat16)
    b2s = jnp.pad(attn_b2[:, 0], (0, 8 - HEADS)).reshape(1, 8)
    pjs = jnp.transpose(proj_W, (1, 0, 2)).reshape(HIDDEN, OUT).astype(jnp.bfloat16)
    pbf = proj_b.reshape(OUT)

    whp, invx, meta = pl.pallas_call(
        _tc_body,
        grid=(NBLK,),
        in_specs=[
            pl.BlockSpec((BLK, HIDDEN), lambda i: (i, 0)),
            pl.BlockSpec((1, 1, BLK), lambda i: (i, 0, 0)),
            pl.BlockSpec((HIDDEN, HEADS * HIDDEN), lambda i: (0, 0)),
            pl.BlockSpec((1, HEADS * HIDDEN), lambda i: (0, 0)),
            pl.BlockSpec((HEADS * HIDDEN, 8), lambda i: (0, 0)),
            pl.BlockSpec((1, 8), lambda i: (0, 0)),
            pl.BlockSpec((HIDDEN, OUT), lambda i: (0, 0)),
        ],
        out_specs=[
            pl.BlockSpec((BLK, OUT // 2), lambda i: (i, 0)),
            pl.BlockSpec((G, OUT), lambda i: (0, 0)),
            pl.BlockSpec((G, 16), lambda i: (0, 0)),
        ],
        out_shape=[
            jax.ShapeDtypeStruct((NP, OUT // 2), jnp.uint32),
            jax.ShapeDtypeStruct((G, OUT), jnp.float32),
            jax.ShapeDtypeStruct((G, 16), jnp.int32),
        ],
        scratch_shapes=[
            pltpu.VMEM((G, 8), jnp.float32),
        ],
    )(h, b3, w1s, b1s, w2b, b2s, pjs)

    sc_pool = functools.partial(
        pl.kernel,
        out_type=jax.ShapeDtypeStruct((G * OUT,), jnp.float32),
        mesh=plsc.VectorSubcoreMesh(core_axis_name="c", subcore_axis_name="s"),
        compiler_params=pltpu.CompilerParams(needs_layout_passes=False),
        scratch_types=[
            pltpu.VMEM((8, 16), jnp.int32),
            pltpu.VMEM((8, OUT), jnp.float32),
            pltpu.VMEM((OUT,), jnp.float32),
            pltpu.VMEM((CH, OUT // 2), jnp.uint32),
            pltpu.VMEM((OUT,), jnp.float32),
        ],
    )(_sc_body)

    return sc_pool(whp, invx, meta, pbf).reshape(G, OUT)

# --- scband reference (transcript-rebuilt; emitter-appended) ---
"""Pipeline reference for scband-multi-head-attention-pooling-59880434041207 (READ-ONLY COPY).

The authoritative reference and input builder live on the scoring server;
editing this copy changes nothing except your own understanding.
"""

import jax, jax.numpy as jnp
import numpy as np

HIDDEN = 256
OUT = 256
HEADS = 4
HEAD_DIM = OUT // HEADS
N = 50000
NUM_GRAPHS_MAX = 128


def setup_inputs(seed: int = 0) -> dict:
    key = jax.random.key(seed)
    ks = jax.random.split(key, 8)
    h = jax.random.normal(ks[0], (N, HIDDEN), dtype=jnp.float32)
    batch = jnp.sort(jax.random.randint(ks[1], (N,), 0, NUM_GRAPHS_MAX)).astype(jnp.int64)
    s1 = 1.0 / np.sqrt(HIDDEN)
    attn_W1 = jax.random.normal(ks[2], (HEADS, HIDDEN, HIDDEN), dtype=jnp.float32) * s1
    attn_b1 = jnp.zeros((HEADS, HIDDEN), dtype=jnp.float32)
    attn_W2 = jax.random.normal(ks[3], (HEADS, HIDDEN, 1), dtype=jnp.float32) * s1
    attn_b2 = jnp.zeros((HEADS, 1), dtype=jnp.float32)
    proj_W = jax.random.normal(ks[4], (HEADS, HIDDEN, HEAD_DIM), dtype=jnp.float32) * s1
    proj_b = jnp.zeros((HEADS, HEAD_DIM), dtype=jnp.float32)
    return {"h": h, "batch": batch, "attn_W1": attn_W1, "attn_b1": attn_b1,
            "attn_W2": attn_W2, "attn_b2": attn_b2, "proj_W": proj_W, "proj_b": proj_b}


def reference(h, batch, attn_W1, attn_b1, attn_W2, attn_b2, proj_W, proj_b):
    num_graphs = NUM_GRAPHS_MAX
    head_outputs = []
    for i in range(HEADS):
        # attention head: Linear -> Tanh -> Linear(->1)
        hid = jnp.tanh(h @ attn_W1[i] + attn_b1[i])
        scores = hid @ attn_W2[i] + attn_b2[i]  # [N, 1]
        # segment softmax over nodes of each graph
        max_scores = jax.ops.segment_max(scores, batch, num_segments=num_graphs)  # [G, 1]
        scores_shifted = scores - max_scores[batch]
        exp_scores = jnp.exp(scores_shifted)
        sum_exp = jax.ops.segment_sum(exp_scores, batch, num_segments=num_graphs)  # [G, 1]
        weights = exp_scores / jnp.clip(sum_exp[batch], 1e-10, None)
        weighted_h = weights * h  # [N, HIDDEN]
        pooled = jax.ops.segment_sum(weighted_h, batch, num_segments=num_graphs)  # [G, HIDDEN]
        head_out = pooled @ proj_W[i] + proj_b[i]  # [G, HEAD_DIM]
        head_outputs.append(head_out)
    return jnp.concatenate(head_outputs, axis=-1)  # [G, OUT]

if __name__ == "__main__":
    import jax
    _d = setup_inputs()
    print(jax.jit(kernel)(*tuple(_d.values())))

</pallas_src>

<mosaic_0001>
#map = affine_map<(d0, d1) -> (0, 0)>
#map1 = affine_map<(d0, d1) -> (0)>
module attributes {stable_mosaic.version = 14 : i64} {
  func.func @_sc_body(%arg0: i32, %arg1: i32, %arg2: memref<50176x128xi32, #tpu.memory_space<hbm>>, %arg3: memref<128x256xf32, #tpu.memory_space<hbm>>, %arg4: memref<128x16xi32, #tpu.memory_space<hbm>>, %arg5: memref<256xf32, #tpu.memory_space<hbm>>, %arg6: memref<32768xf32, #tpu.memory_space<hbm>>, %arg7: memref<8x16xi32, #tpu.memory_space<vmem>>, %arg8: memref<8x256xf32, #tpu.memory_space<vmem>>, %arg9: memref<256xf32, #tpu.memory_space<vmem>>, %arg10: memref<128x128xi32, #tpu.memory_space<vmem>>, %arg11: memref<256xf32, #tpu.memory_space<vmem>>) attributes {dimension_semantics = [#tpu.dimension_semantics<core_parallel>, #tpu.dimension_semantics<subcore_parallel>], iteration_bounds = array<i64: 2, 16>, scalar_prefetch = 0 : i64, scratch_operands = 5 : i64, tpu.core_type = #tpu.core_type<sc_vector_subcore>, window_params = [{transform_indices = #map}, {transform_indices = #map}, {transform_indices = #map}, {transform_indices = #map1}, {transform_indices = #map1}]} {
    %mul3A = arith.constant 2 : i32
    %mul3A_0 = arith.muli %arg1, %mul3A : i32
    %add3A = arith.addi %mul3A_0, %arg0 : i32
    %mul3A_1 = arith.constant 4 : i32
    %mul3A_2 = arith.muli %add3A, %mul3A_1 : i32
    %jit3A = arith.constant 2 : i32
    %div3A = arith.divsi %add3A, %jit3A : i32
    %sign3A = arith.constant 0 : i32
    %sign3A_3 = arith.cmpi sgt, %add3A, %sign3A : i32
    %sign3A_4 = arith.extui %sign3A_3 : i1 to i32
    %sign3A_5 = arith.constant 0 : i32
    %sign3A_6 = arith.cmpi slt, %add3A, %sign3A_5 : i32
    %sign3A_7 = arith.extui %sign3A_6 : i1 to i32
    %sign3A_8 = arith.subi %sign3A_4, %sign3A_7 : i32
    %sign3A_9 = arith.constant 0 : i32
    %sign3A_10 = arith.cmpi sgt, %jit3A, %sign3A_9 : i32
    %sign3A_11 = arith.extui %sign3A_10 : i1 to i32
    %sign3A_12 = arith.constant 0 : i32
    %sign3A_13 = arith.cmpi slt, %jit3A, %sign3A_12 : i32
    %sign3A_14 = arith.extui %sign3A_13 : i1 to i32
    %sign3A_15 = arith.subi %sign3A_11, %sign3A_14 : i32
    %ne3A = arith.cmpi ne, %sign3A_8, %sign3A_15 : i32
    %rem3A = arith.remsi %add3A, %jit3A : i32
    %ne3A_16 = arith.constant 0 : i32
    %ne3A_17 = arith.cmpi ne, %rem3A, %ne3A_16 : i32
    %and3A = arith.andi %ne3A, %ne3A_17 : i1
    %sub3A = arith.constant 1 : i32
    %sub3A_18 = arith.subi %div3A, %sub3A : i32
    %select_n3A = arith.select %and3A, %sub3A_18, %div3A : i32
    %mul3A_19 = arith.constant 8 : i32
    %mul3A_20 = arith.muli %select_n3A, %mul3A_19 : i32
    %multiple_of3A = tpu.assume_multiple %mul3A_20, 8 : i32
    %jit3A_21 = arith.constant 2 : i32
    %eq3A = arith.constant 0 : i32
    %eq3A_22 = arith.cmpi eq, %jit3A_21, %eq3A : i32
    %jit3A_23 = arith.constant 1 : i32
    %select_n3A_24 = arith.select %eq3A_22, %jit3A_23, %jit3A_21 : i32
    %rem3A_25 = arith.remsi %add3A, %select_n3A_24 : i32
    %ne3A_26 = arith.constant 0 : i32
    %ne3A_27 = arith.cmpi ne, %rem3A_25, %ne3A_26 : i32
    %lt3A = arith.constant 0 : i32
    %lt3A_28 = arith.cmpi slt, %rem3A_25, %lt3A : i32
    %lt3A_29 = arith.constant 0 : i32
    %lt3A_30 = arith.cmpi slt, %select_n3A_24, %lt3A_29 : i32
    %ne3A_31 = arith.xori %lt3A_28, %lt3A_30 : i1
    %and3A_32 = arith.andi %ne3A_31, %ne3A_27 : i1
    %add3A_33 = arith.addi %rem3A_25, %select_n3A_24 : i32
    %select_n3A_34 = arith.select %and3A_32, %add3A_33, %rem3A_25 : i32
    %mul3A_35 = arith.constant 4 : i32
    %mul3A_36 = arith.muli %select_n3A_34, %mul3A_35 : i32
    "tpu.region"() ({
      %run_scoped3A = tpu.sem_alloc : memref<!tpu.dma_semaphore, #tpu.memory_space<semaphore_mem>>
      %dma_start3A = arith.constant 0 : i32
      %dma_start3A_1067 = tpu.memref_slice %arg4[%multiple_of3A, %dma_start3A] : memref<128x16xi32, #tpu.memory_space<hbm>> -> memref<8x16xi32, #tpu.memory_space<hbm>>
      %dma_start3A_1068 = arith.constant 0 : i32
      %dma_start3A_1069 = tpu.memref_slice %arg4[%multiple_of3A, %dma_start3A_1068] : memref<128x16xi32, #tpu.memory_space<hbm>> -> memref<8x16xi32, #tpu.memory_space<hbm>>
      tpu.enqueue_dma source(%dma_start3A_1069 : memref<8x16xi32, #tpu.memory_space<hbm>>) target(%arg7 : memref<8x16xi32, #tpu.memory_space<vmem>>) target_semaphore(%run_scoped3A : memref<!tpu.dma_semaphore, #tpu.memory_space<semaphore_mem>>)
      %dma_wait3A = arith.constant 0 : i32
      %dma_wait3A_1070 = tpu.memref_slice %arg4[%multiple_of3A, %dma_wait3A] : memref<128x16xi32, #tpu.memory_space<hbm>> -> memref<8x16xi32, #tpu.memory_space<hbm>>
      %dma_wait3A_1071 = arith.constant 0 : i32
      %dma_wait3A_1072 = tpu.memref_slice %arg4[%multiple_of3A, %dma_wait3A_1071] : memref<128x16xi32, #tpu.memory_space<hbm>> -> memref<8x16xi32, #tpu.memory_space<hbm>>
      tpu.wait_dma2 semaphore(%run_scoped3A : memref<!tpu.dma_semaphore, #tpu.memory_space<semaphore_mem>>) src(%dma_wait3A_1072 : memref<8x16xi32, #tpu.memory_space<hbm>>) dst(%arg7 : memref<8x16xi32, #tpu.memory_space<vmem>>)
      tpu.yield
    }) : () -> ()
    "tpu.region"() ({
      %run_scoped3A = tpu.sem_alloc : memref<!tpu.dma_semaphore, #tpu.memory_space<semaphore_mem>>
      %dma_start3A = arith.constant 0 : i32
      %dma_start3A_1067 = tpu.memref_slice %arg3[%multiple_of3A, %dma_start3A] : memref<128x256xf32, #tpu.memory_space<hbm>> -> memref<8x256xf32, #tpu.memory_space<hbm>>
      %dma_start3A_1068 = arith.constant 0 : i32
      %dma_start3A_1069 = tpu.memref_slice %arg3[%multiple_of3A, %dma_start3A_1068] : memref<128x256xf32, #tpu.memory_space<hbm>> -> memref<8x256xf32, #tpu.memory_space<hbm>>
      tpu.enqueue_dma source(%dma_start3A_1069 : memref<8x256xf32, #tpu.memory_space<hbm>>) target(%arg8 : memref<8x256xf32, #tpu.memory_space<vmem>>) target_semaphore(%run_scoped3A : memref<!tpu.dma_semaphore, #tpu.memory_space<semaphore_mem>>)
      %dma_wait3A = arith.constant 0 : i32
      %dma_wait3A_1070 = tpu.memref_slice %arg3[%multiple_of3A, %dma_wait3A] : memref<128x256xf32, #tpu.memory_space<hbm>> -> memref<8x256xf32, #tpu.memory_space<hbm>>
      %dma_wait3A_1071 = arith.constant 0 : i32
      %dma_wait3A_1072 = tpu.memref_slice %arg3[%multiple_of3A, %dma_wait3A_1071] : memref<128x256xf32, #tpu.memory_space<hbm>> -> memref<8x256xf32, #tpu.memory_space<hbm>>
      tpu.wait_dma2 semaphore(%run_scoped3A : memref<!tpu.dma_semaphore, #tpu.memory_space<semaphore_mem>>) src(%dma_wait3A_1072 : memref<8x256xf32, #tpu.memory_space<hbm>>) dst(%arg8 : memref<8x256xf32, #tpu.memory_space<vmem>>)
      tpu.yield
    }) : () -> ()
    "tpu.region"() ({
      %run_scoped3A = tpu.sem_alloc : memref<!tpu.dma_semaphore, #tpu.memory_space<semaphore_mem>>
      tpu.enqueue_dma source(%arg5 : memref<256xf32, #tpu.memory_space<hbm>>) target(%arg9 : memref<256xf32, #tpu.memory_space<vmem>>) target_semaphore(%run_scoped3A : memref<!tpu.dma_semaphore, #tpu.memory_space<semaphore_mem>>)
      tpu.wait_dma2 semaphore(%run_scoped3A : memref<!tpu.dma_semaphore, #tpu.memory_space<semaphore_mem>>) src(%arg5 : memref<256xf32, #tpu.memory_space<hbm>>) dst(%arg9 : memref<256xf32, #tpu.memory_space<vmem>>)
      tpu.yield
    }) : () -> ()
    %add3A_37 = arith.constant 0 : i32
    %add3A_38 = arith.addi %mul3A_36, %add3A_37 : i32
    %get3A = arith.index_cast %add3A_38 : i32 to index
    %get3A_39 = arith.constant 0 : index
    %get3A_40 = tpu.vector_load %arg7[%get3A, %get3A_39] {strides = array<i32>} : memref<8x16xi32, #tpu.memory_space<vmem>>, vector<16xi32>,
    %slice3A = vector.extract_strided_slice %get3A_40 {offsets = [0], sizes = [1], strides = [1]} : vector<16xi32> to vector<1xi32>
    %squeeze3A = vector.extract %slice3A[0] : i32 from vector<1xi32>
    %slice3A_41 = vector.extract_strided_slice %get3A_40 {offsets = [1], sizes = [1], strides = [1]} : vector<16xi32> to vector<1xi32>
    %squeeze3A_42 = vector.extract %slice3A_41[0] : i32 from vector<1xi32>
    %jit3A_43 = arith.constant 8 : i32
    %div3A_44 = arith.divsi %squeeze3A, %jit3A_43 : i32
    %sign3A_45 = arith.constant 0 : i32
    %sign3A_46 = arith.cmpi sgt, %squeeze3A, %sign3A_45 : i32
    %sign3A_47 = arith.extui %sign3A_46 : i1 to i32
    %sign3A_48 = arith.constant 0 : i32
    %sign3A_49 = arith.cmpi slt, %squeeze3A, %sign3A_48 : i32
    %sign3A_50 = arith.extui %sign3A_49 : i1 to i32
    %sign3A_51 = arith.subi %sign3A_47, %sign3A_50 : i32
    %sign3A_52 = arith.constant 0 : i32
    %sign3A_53 = arith.cmpi sgt, %jit3A_43, %sign3A_52 : i32
    %sign3A_54 = arith.extui %sign3A_53 : i1 to i32
    %sign3A_55 = arith.constant 0 : i32
    %sign3A_56 = arith.cmpi slt, %jit3A_43, %sign3A_55 : i32
    %sign3A_57 = arith.extui %sign3A_56 : i1 to i32
    %sign3A_58 = arith.subi %sign3A_54, %sign3A_57 : i32
    %ne3A_59 = arith.cmpi ne, %sign3A_51, %sign3A_58 : i32
    %rem3A_60 = arith.remsi %squeeze3A, %jit3A_43 : i32
    %ne3A_61 = arith.constant 0 : i32
    %ne3A_62 = arith.cmpi ne, %rem3A_60, %ne3A_61 : i32
    %and3A_63 = arith.andi %ne3A_59, %ne3A_62 : i1
    %sub3A_64 = arith.constant 1 : i32
    %sub3A_65 = arith.subi %div3A_44, %sub3A_64 : i32
    %select_n3A_66 = arith.select %and3A_63, %sub3A_65, %div3A_44 : i32
    %mul3A_67 = arith.constant 8 : i32
    %mul3A_68 = arith.muli %select_n3A_66, %mul3A_67 : i32
    %sub3A_69 = arith.subi %squeeze3A, %mul3A_68 : i32
    %add3A_70 = arith.addi %squeeze3A_42, %sub3A_69 : i32
    %add3A_71 = arith.constant 128 : i32
    %add3A_72 = arith.addi %add3A_70, %add3A_71 : i32
    %sub3A_73 = arith.constant 1 : i32
    %sub3A_74 = arith.subi %add3A_72, %sub3A_73 : i32
    %jit3A_75 = arith.constant 128 : i32
    %div3A_76 = arith.divsi %sub3A_74, %jit3A_75 : i32
    %sign3A_77 = arith.constant 0 : i32
    %sign3A_78 = arith.cmpi sgt, %sub3A_74, %sign3A_77 : i32
    %sign3A_79 = arith.extui %sign3A_78 : i1 to i32
    %sign3A_80 = arith.constant 0 : i32
    %sign3A_81 = arith.cmpi slt, %sub3A_74, %sign3A_80 : i32
    %sign3A_82 = arith.extui %sign3A_81 : i1 to i32
    %sign3A_83 = arith.subi %sign3A_79, %sign3A_82 : i32
    %sign3A_84 = arith.constant 0 : i32
    %sign3A_85 = arith.cmpi sgt, %jit3A_75, %sign3A_84 : i32
    %sign3A_86 = arith.extui %sign3A_85 : i1 to i32
    %sign3A_87 = arith.constant 0 : i32
    %sign3A_88 = arith.cmpi slt, %jit3A_75, %sign3A_87 : i32
    %sign3A_89 = arith.extui %sign3A_88 : i1 to i32
    %sign3A_90 = arith.subi %sign3A_86, %sign3A_89 : i32
    %ne3A_91 = arith.cmpi ne, %sign3A_83, %sign3A_90 : i32
    %rem3A_92 = arith.remsi %sub3A_74, %jit3A_75 : i32
    %ne3A_93 = arith.constant 0 : i32
    %ne3A_94 = arith.cmpi ne, %rem3A_92, %ne3A_93 : i32
    %and3A_95 = arith.andi %ne3A_91, %ne3A_94 : i1
    %sub3A_96 = arith.constant 1 : i32
    %sub3A_97 = arith.subi %div3A_76, %sub3A_96 : i32
    %select_n3A_98 = arith.select %and3A_95, %sub3A_97, %div3A_76 : i32
    %broadcast_in_dim3A = arith.constant 0.000000e+00 : f32
    %broadcast_in_dim3A_99 = vector.broadcast %broadcast_in_dim3A : f32 to vector<16xf32>
    %while3A = arith.constant 0 : i32
    %while3A_100 = arith.subi %select_n3A_98, %while3A : i32
    %while3A_101 = arith.addi %while3A, %while3A_100 : i32
    %while3A_102 = arith.constant 1 : i32
    %while3A_103 = arith.divsi %while3A_100, %while3A_102 : i32
    %while3A_104 = arith.muli %while3A_103, %while3A_102 : i32
    %while3A_105 = arith.addi %while3A, %while3A_104 : i32
    %while3A_106 = arith.constant 1 : i32
    %while3A_107:16 = scf.for %while3A_1067 = %while3A to %while3A_105 step %while3A_106 iter_args(%while3A_1068 = %broadcast_in_dim3A_99, %while3A_1069 = %broadcast_in_dim3A_99, %while3A_1070 = %broadcast_in_dim3A_99, %while3A_1071 = %broadcast_in_dim3A_99, %while3A_1072 = %broadcast_in_dim3A_99, %while3A_1073 = %broadcast_in_dim3A_99, %while3A_1074 = %broadcast_in_dim3A_99, %while3A_1075 = %broadcast_in_dim3A_99, %while3A_1076 = %broadcast_in_dim3A_99, %while3A_1077 = %broadcast_in_dim3A_99, %while3A_1078 = %broadcast_in_dim3A_99, %while3A_1079 = %broadcast_in_dim3A_99, %while3A_1080 = %broadcast_in_dim3A_99, %while3A_1081 = %broadcast_in_dim3A_99, %while3A_1082 = %broadcast_in_dim3A_99, %while3A_1083 = %broadcast_in_dim3A_99) -> (vector<16xf32>, vector<16xf32>, vector<16xf32>, vector<16xf32>, vector<16xf32>, vector<16xf32>, vector<16xf32>, vector<16xf32>, vector<16xf32>, vector<16xf32>, vector<16xf32>, vector<16xf32>, vector<16xf32>, vector<16xf32>, vector<16xf32>, vector<16xf32>)  : i32 {
      %mul3A_1084 = arith.constant 128 : i32
      %mul3A_1085 = arith.muli %while3A_1067, %mul3A_1084 : i32
      %add3A_1086 = arith.addi %mul3A_68, %mul3A_1085 : i32
      %multiple_of3A_1087 = tpu.assume_multiple %add3A_1086, 8 : i32
      "tpu.region"() ({
        %run_scoped3A = tpu.sem_alloc : memref<!tpu.dma_semaphore, #tpu.memory_space<semaphore_mem>>
        %dma_start3A = arith.constant 0 : i32
        %dma_start3A_1103 = tpu.memref_slice %arg2[%multiple_of3A_1087, %dma_start3A] : memref<50176x128xi32, #tpu.memory_space<hbm>> -> memref<128x128xi32, #tpu.memory_space<hbm>>
        %dma_start3A_1104 = arith.constant 0 : i32
        %dma_start3A_1105 = tpu.memref_slice %arg2[%multiple_of3A_1087, %dma_start3A_1104] : memref<50176x128xi32, #tpu.memory_space<hbm>> -> memref<128x128xi32, #tpu.memory_space<hbm>>
        tpu.enqueue_dma source(%dma_start3A_1105 : memref<128x128xi32, #tpu.memory_space<hbm>>) target(%arg10 : memref<128x128xi32, #tpu.memory_space<vmem>>) target_semaphore(%run_scoped3A : memref<!tpu.dma_semaphore, #tpu.memory_space<semaphore_mem>>)
        %dma_wait3A = arith.constant 0 : i32
        %dma_wait3A_1106 = tpu.memref_slice %arg2[%multiple_of3A_1087, %dma_wait3A] : memref<50176x128xi32, #tpu.memory_space<hbm>> -> memref<128x128xi32, #tpu.memory_space<hbm>>
        %dma_wait3A_1107 = arith.constant 0 : i32
        %dma_wait3A_1108 = tpu.memref_slice %arg2[%multiple_of3A_1087, %dma_wait3A_1107] : memref<50176x128xi32, #tpu.memory_space<hbm>> -> memref<128x128xi32, #tpu.memory_space<hbm>>
        tpu.wait_dma2 semaphore(%run_scoped3A : memref<!tpu.dma_semaphore, #tpu.memory_space<semaphore_mem>>) src(%dma_wait3A_1108 : memref<128x128xi32, #tpu.memory_space<hbm>>) dst(%arg10 : memref<128x128xi32, #tpu.memory_space<vmem>>)
        tpu.yield
      }) : () -> ()
      %sub3A_1088 = arith.subi %squeeze3A, %multiple_of3A_1087 : i32
      %max3A = arith.constant 0 : i32
      %max3A_1089 = arith.maxsi %sub3A_1088, %max3A : i32
      %add3A_1090 = arith.addi %squeeze3A, %squeeze3A_42 : i32
      %sub3A_1091 = arith.subi %add3A_1090, %multiple_of3A_1087 : i32
      %min3A = arith.constant 128 : i32
      %min3A_1092 = arith.minsi %sub3A_1091, %min3A : i32
      %while3A_1093 = arith.subi %min3A_1092, %max3A_1089 : i32
      %while3A_1094 = arith.addi %max3A_1089, %while3A_1093 : i32
      %while3A_1095 = arith.constant 1 : i32
      %while3A_1096 = arith.divsi %while3A_1093, %while3A_1095 : i32
      %while3A_1097 = arith.muli %while3A_1096, %while3A_1095 : i32
      %while3A_1098 = arith.addi %max3A_1089, %while3A_1097 : i32
      %while3A_1099 = arith.constant 1 : i32
      %while3A_1100:16 = scf.for %while3A_1103 = %max3A_1089 to %while3A_1098 step %while3A_1099 iter_args(%while3A_1104 = %while3A_1068, %while3A_1105 = %while3A_1069, %while3A_1106 = %while3A_1070, %while3A_1107 = %while3A_1071, %while3A_1108 = %while3A_1072, %while3A_1109 = %while3A_1073, %while3A_1110 = %while3A_1074, %while3A_1111 = %while3A_1075, %while3A_1112 = %while3A_1076, %while3A_1113 = %while3A_1077, %while3A_1114 = %while3A_1078, %while3A_1115 = %while3A_1079, %while3A_1116 = %while3A_1080, %while3A_1117 = %while3A_1081, %while3A_1118 = %while3A_1082, %while3A_1119 = %while3A_1083) -> (vector<16xf32>, vector<16xf32>, vector<16xf32>, vector<16xf32>, vector<16xf32>, vector<16xf32>, vector<16xf32>, vector<16xf32>, vector<16xf32>, vector<16xf32>, vector<16xf32>, vector<16xf32>, vector<16xf32>, vector<16xf32>, vector<16xf32>, vector<16xf32>)  : i32 {
        %get3A_1120 = arith.index_cast %while3A_1103 : i32 to index
        %get3A_1121 = arith.constant 0 : index
        %get3A_1122 = tpu.vector_load %arg10[%get3A_1120, %get3A_1121] {strides = array<i32>} : memref<128x128xi32, #tpu.memory_space<vmem>>, vector<16xi32>,
        %shift_left3A = arith.constant 16 : i32
        %shift_left3A_1123 = vector.broadcast %shift_left3A : i32 to vector<16xi32>
        %shift_left3A_1124 = arith.shli %get3A_1122, %shift_left3A_1123 : vector<16xi32>
        %bitcast3A = vector.bitcast %shift_left3A_1124 : vector<16xi32> to vector<16xf32>
        %and3A_1125 = arith.constant -65536 : i32
        %and3A_1126 = vector.broadcast %and3A_1125 : i32 to vector<16xi32>
        %and3A_1127 = arith.andi %get3A_1122, %and3A_1126 : vector<16xi32>
        %bitcast3A_1128 = vector.bitcast %and3A_1127 : vector<16xi32> to vector<16xf32>
        %add3A_1129 = arith.addf %while3A_1104, %bitcast3A : vector<16xf32>
        %add3A_1130 = arith.addf %while3A_1112, %bitcast3A_1128 : vector<16xf32>
        %get3A_1131 = arith.index_cast %while3A_1103 : i32 to index
        %get3A_1132 = arith.constant 16 : index
        %get3A_1133 = tpu.vector_load %arg10[%get3A_1131, %get3A_1132] {strides = array<i32>} : memref<128x128xi32, #tpu.memory_space<vmem>>, vector<16xi32>,
        %shift_left3A_1134 = arith.constant 16 : i32
        %shift_left3A_1135 = vector.broadcast %shift_left3A_1134 : i32 to vector<16xi32>
        %shift_left3A_1136 = arith.shli %get3A_1133, %shift_left3A_1135 : vector<16xi32>
        %bitcast3A_1137 = vector.bitcast %shift_left3A_1136 : vector<16xi32> to vector<16xf32>
        %and3A_1138 = arith.constant -65536 : i32
        %and3A_1139 = vector.broadcast %and3A_1138 : i32 to vector<16xi32>
        %and3A_1140 = arith.andi %get3A_1133, %and3A_1139 : vector<16xi32>
        %bitcast3A_1141 = vector.bitcast %and3A_1140 : vector<16xi32> to vector<16xf32>
        %add3A_1142 = arith.addf %while3A_1105, %bitcast3A_1137 : vector<16xf32>
        %add3A_1143 = arith.addf %while3A_1113, %bitcast3A_1141 : vector<16xf32>
        %get3A_1144 = arith.index_cast %while3A_1103 : i32 to index
        %get3A_1145 = arith.constant 32 : index
        %get3A_1146 = tpu.vector_load %arg10[%get3A_1144, %get3A_1145] {strides = array<i32>} : memref<128x128xi32, #tpu.memory_space<vmem>>, vector<16xi32>,
        %shift_left3A_1147 = arith.constant 16 : i32
        %shift_left3A_1148 = vector.broadcast %shift_left3A_1147 : i32 to vector<16xi32>
        %shift_left3A_1149 = arith.shli %get3A_1146, %shift_left3A_1148 : vector<16xi32>
        %bitcast3A_1150 = vector.bitcast %shift_left3A_1149 : vector<16xi32> to vector<16xf32>
        %and3A_1151 = arith.constant -65536 : i32
        %and3A_1152 = vector.broadcast %and3A_1151 : i32 to vector<16xi32>
        %and3A_1153 = arith.andi %get3A_1146, %and3A_1152 : vector<16xi32>
        %bitcast3A_1154 = vector.bitcast %and3A_1153 : vector<16xi32> to vector<16xf32>
        %add3A_1155 = arith.addf %while3A_1106, %bitcast3A_1150 : vector<16xf32>
        %add3A_1156 = arith.addf %while3A_1114, %bitcast3A_1154 : vector<16xf32>
        %get3A_1157 = arith.index_cast %while3A_1103 : i32 to index
        %get3A_1158 = arith.constant 48 : index
        %get3A_1159 = tpu.vector_load %arg10[%get3A_1157, %get3A_1158] {strides = array<i32>} : memref<128x128xi32, #tpu.memory_space<vmem>>, vector<16xi32>,
        %shift_left3A_1160 = arith.constant 16 : i32
        %shift_left3A_1161 = vector.broadcast %shift_left3A_1160 : i32 to vector<16xi32>
        %shift_left3A_1162 = arith.shli %get3A_1159, %shift_left3A_1161 : vector<16xi32>
        %bitcast3A_1163 = vector.bitcast %shift_left3A_1162 : vector<16xi32> to vector<16xf32>
        %and3A_1164 = arith.constant -65536 : i32
        %and3A_1165 = vector.broadcast %and3A_1164 : i32 to vector<16xi32>
        %and3A_1166 = arith.andi %get3A_1159, %and3A_1165 : vector<16xi32>
        %bitcast3A_1167 = vector.bitcast %and3A_1166 : vector<16xi32> to vector<16xf32>
        %add3A_1168 = arith.addf %while3A_1107, %bitcast3A_1163 : vector<16xf32>
        %add3A_1169 = arith.addf %while3A_1115, %bitcast3A_1167 : vector<16xf32>
        %get3A_1170 = arith.index_cast %while3A_1103 : i32 to index
        %get3A_1171 = arith.constant 64 : index
        %get3A_1172 = tpu.vector_load %arg10[%get3A_1170, %get3A_1171] {strides = array<i32>} : memref<128x128xi32, #tpu.memory_space<vmem>>, vector<16xi32>,
        %shift_left3A_1173 = arith.constant 16 : i32
        %shift_left3A_1174 = vector.broadcast %shift_left3A_1173 : i32 to vector<16xi32>
        %shift_left3A_1175 = arith.shli %get3A_1172, %shift_left3A_1174 : vector<16xi32>
        %bitcast3A_1176 = vector.bitcast %shift_left3A_1175 : vector<16xi32> to vector<16xf32>
        %and3A_1177 = arith.constant -65536 : i32
        %and3A_1178 = vector.broadcast %and3A_1177 : i32 to vector<16xi32>
        %and3A_1179 = arith.andi %get3A_1172, %and3A_1178 : vector<16xi32>
        %bitcast3A_1180 = vector.bitcast %and3A_1179 : vector<16xi32> to vector<16xf32>
        %add3A_1181 = arith.addf %while3A_1108, %bitcast3A_1176 : vector<16xf32>
        %add3A_1182 = arith.addf %while3A_1116, %bitcast3A_1180 : vector<16xf32>
        %get3A_1183 = arith.index_cast %while3A_1103 : i32 to index
        %get3A_1184 = arith.constant 80 : index
        %get3A_1185 = tpu.vector_load %arg10[%get3A_1183, %get3A_1184] {strides = array<i32>} : memref<128x128xi32, #tpu.memory_space<vmem>>, vector<16xi32>,
        %shift_left3A_1186 = arith.constant 16 : i32
        %shift_left3A_1187 = vector.broadcast %shift_left3A_1186 : i32 to vector<16xi32>
        %shift_left3A_1188 = arith.shli %get3A_1185, %shift_left3A_1187 : vector<16xi32>
        %bitcast3A_1189 = vector.bitcast %shift_left3A_1188 : vector<16xi32> to vector<16xf32>
        %and3A_1190 = arith.constant -65536 : i32
        %and3A_1191 = vector.broadcast %and3A_1190 : i32 to vector<16xi32>
        %and3A_1192 = arith.andi %get3A_1185, %and3A_1191 : vector<16xi32>
        %bitcast3A_1193 = vector.bitcast %and3A_1192 : vector<16xi32> to vector<16xf32>
        %add3A_1194 = arith.addf %while3A_1109, %bitcast3A_1189 : vector<16xf32>
        %add3A_1195 = arith.addf %while3A_1117, %bitcast3A_1193 : vector<16xf32>
        %get3A_1196 = arith.index_cast %while3A_1103 : i32 to index
        %get3A_1197 = arith.constant 96 : index
        %get3A_1198 = tpu.vector_load %arg10[%get3A_1196, %get3A_1197] {strides = array<i32>} : memref<128x128xi32, #tpu.memory_space<vmem>>, vector<16xi32>,
        %shift_left3A_1199 = arith.constant 16 : i32
        %shift_left3A_1200 = vector.broadcast %shift_left3A_1199 : i32 to vector<16xi32>
        %shift_left3A_1201 = arith.shli %get3A_1198, %shift_left3A_1200 : vector<16xi32>
        %bitcast3A_1202 = vector.bitcast %shift_left3A_1201 : vector<16xi32> to vector<16xf32>
        %and3A_1203 = arith.constant -65536 : i32
        %and3A_1204 = vector.broadcast %and3A_1203 : i32 to vector<16xi32>
        %and3A_1205 = arith.andi %get3A_1198, %and3A_1204 : vector<16xi32>
        %bitcast3A_1206 = vector.bitcast %and3A_1205 : vector<16xi32> to vector<16xf32>
        %add3A_1207 = arith.addf %while3A_1110, %bitcast3A_1202 : vector<16xf32>
        %add3A_1208 = arith.addf %while3A_1118, %bitcast3A_1206 : vector<16xf32>
        %get3A_1209 = arith.index_cast %while3A_1103 : i32 to index
        %get3A_1210 = arith.constant 112 : index
        %get3A_1211 = tpu.vector_load %arg10[%get3A_1209, %get3A_1210] {strides = array<i32>} : memref<128x128xi32, #tpu.memory_space<vmem>>, vector<16xi32>,
        %shift_left3A_1212 = arith.constant 16 : i32
        %shift_left3A_1213 = vector.broadcast %shift_left3A_1212 : i32 to vector<16xi32>
        %shift_left3A_1214 = arith.shli %get3A_1211, %shift_left3A_1213 : vector<16xi32>
        %bitcast3A_1215 = vector.bitcast %shift_left3A_1214 : vector<16xi32> to vector<16xf32>
        %and3A_1216 = arith.constant -65536 : i32
        %and3A_1217 = vector.broadcast %and3A_1216 : i32 to vector<16xi32>
        %and3A_1218 = arith.andi %get3A_1211, %and3A_1217 : vector<16xi32>
        %bitcast3A_1219 = vector.bitcast %and3A_1218 : vector<16xi32> to vector<16xf32>
        %add3A_1220 = arith.addf %while3A_1111, %bitcast3A_1215 : vector<16xf32>
        %add3A_1221 = arith.addf %while3A_1119, %bitcast3A_1219 : vector<16xf32>
        scf.yield %add3A_1129, %add3A_1142, %add3A_1155, %add3A_1168, %add3A_1181, %add3A_1194, %add3A_1207, %add3A_1220, %add3A_1130, %add3A_1143, %add3A_1156, %add3A_1169, %add3A_1182, %add3A_1195, %add3A_1208, %add3A_1221 : vector<16xf32>, vector<16xf32>, vector<16xf32>, vector<16xf32>, vector<16xf32>, vector<16xf32>, vector<16xf32>, vector<16xf32>, vector<16xf32>, vector<16xf32>, vector<16xf32>, vector<16xf32>, vector<16xf32>, vector<16xf32>, vector<16xf32>, vector<16xf32>
      }
      %while3A_1101 = arith.constant 1 : i32
      %while3A_1102:16 = scf.for %while3A_1103 = %while3A_1098 to %while3A_1094 step %while3A_1101 iter_args(%while3A_1104 = %while3A_1100#0, %while3A_1105 = %while3A_1100#1, %while3A_1106 = %while3A_1100#2, %while3A_1107 = %while3A_1100#3, %while3A_1108 = %while3A_1100#4, %while3A_1109 = %while3A_1100#5, %while3A_1110 = %while3A_1100#6, %while3A_1111 = %while3A_1100#7, %while3A_1112 = %while3A_1100#8, %while3A_1113 = %while3A_1100#9, %while3A_1114 = %while3A_1100#10, %while3A_1115 = %while3A_1100#11, %while3A_1116 = %while3A_1100#12, %while3A_1117 = %while3A_1100#13, %while3A_1118 = %while3A_1100#14, %while3A_1119 = %while3A_1100#15) -> (vector<16xf32>, vector<16xf32>, vector<16xf32>, vector<16xf32>, vector<16xf32>, vector<16xf32>, vector<16xf32>, vector<16xf32>, vector<16xf32>, vector<16xf32>, vector<16xf32>, vector<16xf32>, vector<16xf32>, vector<16xf32>, vector<16xf32>, vector<16xf32>)  : i32 {
        %get3A_1120 = arith.index_cast %while3A_1103 : i32 to index
        %get3A_1121 = arith.constant 0 : index
        %get3A_1122 = tpu.vector_load %arg10[%get3A_1120, %get3A_1121] {strides = array<i32>} : memref<128x128xi32, #tpu.memory_space<vmem>>, vector<16xi32>,
        %shift_left3A = arith.constant 16 : i32
        %shift_left3A_1123 = vector.broadcast %shift_left3A : i32 to vector<16xi32>
        %shift_left3A_1124 = arith.shli %get3A_1122, %shift_left3A_1123 : vector<16xi32>
        %bitcast3A = vector.bitcast %shift_left3A_1124 : vector<16xi32> to vector<16xf32>
        %and3A_1125 = arith.constant -65536 : i32
        %and3A_1126 = vector.broadcast %and3A_1125 : i32 to vector<16xi32>
        %and3A_1127 = arith.andi %get3A_1122, %and3A_1126 : vector<16xi32>
        %bitcast3A_1128 = vector.bitcast %and3A_1127 : vector<16xi32> to vector<16xf32>
        %add3A_1129 = arith.addf %while3A_1104, %bitcast3A : vector<16xf32>
        %add3A_1130 = arith.addf %while3A_1112, %bitcast3A_1128 : vector<16xf32>
        %get3A_1131 = arith.index_cast %while3A_1103 : i32 to index
        %get3A_1132 = arith.constant 16 : index
        %get3A_1133 = tpu.vector_load %arg10[%get3A_1131, %get3A_1132] {strides = array<i32>} : memref<128x128xi32, #tpu.memory_space<vmem>>, vector<16xi32>,
        %shift_left3A_1134 = arith.constant 16 : i32
        %shift_left3A_1135 = vector.broadcast %shift_left3A_1134 : i32 to vector<16xi32>
        %shift_left3A_1136 = arith.shli %get3A_1133, %shift_left3A_1135 : vector<16xi32>
        %bitcast3A_1137 = vector.bitcast %shift_left3A_1136 : vector<16xi32> to vector<16xf32>
        %and3A_1138 = arith.constant -65536 : i32
        %and3A_1139 = vector.broadcast %and3A_1138 : i32 to vector<16xi32>
        %and3A_1140 = arith.andi %get3A_1133, %and3A_1139 : vector<16xi32>
        %bitcast3A_1141 = vector.bitcast %and3A_1140 : vector<16xi32> to vector<16xf32>
        %add3A_1142 = arith.addf %while3A_1105, %bitcast3A_1137 : vector<16xf32>
        %add3A_1143 = arith.addf %while3A_1113, %bitcast3A_1141 : vector<16xf32>
        %get3A_1144 = arith.index_cast %while3A_1103 : i32 to index
        %get3A_1145 = arith.constant 32 : index
        %get3A_1146 = tpu.vector_load %arg10[%get3A_1144, %get3A_1145] {strides = array<i32>} : memref<128x128xi32, #tpu.memory_space<vmem>>, vector<16xi32>,
        %shift_left3A_1147 = arith.constant 16 : i32
        %shift_left3A_1148 = vector.broadcast %shift_left3A_1147 : i32 to vector<16xi32>
        %shift_left3A_1149 = arith.shli %get3A_1146, %shift_left3A_1148 : vector<16xi32>
        %bitcast3A_1150 = vector.bitcast %shift_left3A_1149 : vector<16xi32> to vector<16xf32>
        %and3A_1151 = arith.constant -65536 : i32
        %and3A_1152 = vector.broadcast %and3A_1151 : i32 to vector<16xi32>
        %and3A_1153 = arith.andi %get3A_1146, %and3A_1152 : vector<16xi32>
        %bitcast3A_1154 = vector.bitcast %and3A_1153 : vector<16xi32> to vector<16xf32>
        %add3A_1155 = arith.addf %while3A_1106, %bitcast3A_1150 : vector<16xf32>
        %add3A_1156 = arith.addf %while3A_1114, %bitcast3A_1154 : vector<16xf32>
        %get3A_1157 = arith.index_cast %while3A_1103 : i32 to index
        %get3A_1158 = arith.constant 48 : index
        %get3A_1159 = tpu.vector_load %arg10[%get3A_1157, %get3A_1158] {strides = array<i32>} : memref<128x128xi32, #tpu.memory_space<vmem>>, vector<16xi32>,
        %shift_left3A_1160 = arith.constant 16 : i32
        %shift_left3A_1161 = vector.broadcast %shift_left3A_1160 : i32 to vector<16xi32>
        %shift_left3A_1162 = arith.shli %get3A_1159, %shift_left3A_1161 : vector<16xi32>
        %bitcast3A_1163 = vector.bitcast %shift_left3A_1162 : vector<16xi32> to vector<16xf32>
        %and3A_1164 = arith.constant -65536 : i32
        %and3A_1165 = vector.broadcast %and3A_1164 : i32 to vector<16xi32>
        %and3A_1166 = arith.andi %get3A_1159, %and3A_1165 : vector<16xi32>
        %bitcast3A_1167 = vector.bitcast %and3A_1166 : vector<16xi32> to vector<16xf32>
        %add3A_1168 = arith.addf %while3A_1107, %bitcast3A_1163 : vector<16xf32>
        %add3A_1169 = arith.addf %while3A_1115, %bitcast3A_1167 : vector<16xf32>
        %get3A_1170 = arith.index_cast %while3A_1103 : i32 to index
        %get3A_1171 = arith.constant 64 : index
        %get3A_1172 = tpu.vector_load %arg10[%get3A_1170, %get3A_1171] {strides = array<i32>} : memref<128x128xi32, #tpu.memory_space<vmem>>, vector<16xi32>,
        %shift_left3A_1173 = arith.constant 16 : i32
        %shift_left3A_1174 = vector.broadcast %shift_left3A_1173 : i32 to vector<16xi32>
        %shift_left3A_1175 = arith.shli %get3A_1172, %shift_left3A_1174 : vector<16xi32>
        %bitcast3A_1176 = vector.bitcast %shift_left3A_1175 : vector<16xi32> to vector<16xf32>
        %and3A_1177 = arith.constant -65536 : i32
        %and3A_1178 = vector.broadcast %and3A_1177 : i32 to vector<16xi32>
        %and3A_1179 = arith.andi %get3A_1172, %and3A_1178 : vector<16xi32>
        %bitcast3A_1180 = vector.bitcast %and3A_1179 : vector<16xi32> to vector<16xf32>
        %add3A_1181 = arith.addf %while3A_1108, %bitcast3A_1176 : vector<16xf32>
        %add3A_1182 = arith.addf %while3A_1116, %bitcast3A_1180 : vector<16xf32>
        %get3A_1183 = arith.index_cast %while3A_1103 : i32 to index
        %get3A_1184 = arith.constant 80 : index
        %get3A_1185 = tpu.vector_load %arg10[%get3A_1183, %get3A_1184] {strides = array<i32>} : memref<128x128xi32, #tpu.memory_space<vmem>>, vector<16xi32>,
        %shift_left3A_1186 = arith.constant 16 : i32
        %shift_left3A_1187 = vector.broadcast %shift_left3A_1186 : i32 to vector<16xi32>
        %shift_left3A_1188 = arith.shli %get3A_1185, %shift_left3A_1187 : vector<16xi32>
        %bitcast3A_1189 = vector.bitcast %shift_left3A_1188 : vector<16xi32> to vector<16xf32>
        %and3A_1190 = arith.constant -65536 : i32
        %and3A_1191 = vector.broadcast %and3A_1190 : i32 to vector<16xi32>
        %and3A_1192 = arith.andi %get3A_1185, %and3A_1191 : vector<16xi32>
        %bitcast3A_1193 = vector.bitcast %and3A_1192 : vector<16xi32> to vector<16xf32>
        %add3A_1194 = arith.addf %while3A_1109, %bitcast3A_1189 : vector<16xf32>
        %add3A_1195 = arith.addf %while3A_1117, %bitcast3A_1193 : vector<16xf32>
        %get3A_1196 = arith.index_cast %while3A_1103 : i32 to index
        %get3A_1197 = arith.constant 96 : index
        %get3A_1198 = tpu.vector_load %arg10[%get3A_1196, %get3A_1197] {strides = array<i32>} : memref<128x128xi32, #tpu.memory_space<vmem>>, vector<16xi32>,
        %shift_left3A_1199 = arith.constant 16 : i32
        %shift_left3A_1200 = vector.broadcast %shift_left3A_1199 : i32 to vector<16xi32>
        %shift_left3A_1201 = arith.shli %get3A_1198, %shift_left3A_1200 : vector<16xi32>
        %bitcast3A_1202 = vector.bitcast %shift_left3A_1201 : vector<16xi32> to vector<16xf32>
        %and3A_1203 = arith.constant -65536 : i32
        %and3A_1204 = vector.broadcast %and3A_1203 : i32 to vector<16xi32>
        %and3A_1205 = arith.andi %get3A_1198, %and3A_1204 : vector<16xi32>
        %bitcast3A_1206 = vector.bitcast %and3A_1205 : vector<16xi32> to vector<16xf32>
        %add3A_1207 = arith.addf %while3A_1110, %bitcast3A_1202 : vector<16xf32>
        %add3A_1208 = arith.addf %while3A_1118, %bitcast3A_1206 : vector<16xf32>
        %get3A_1209 = arith.index_cast %while3A_1103 : i32 to index
        %get3A_1210 = arith.constant 112 : index
        %get3A_1211 = tpu.vector_load %arg10[%get3A_1209, %get3A_1210] {strides = array<i32>} : memref<128x128xi32, #tpu.memory_space<vmem>>, vector<16xi32>,
        %shift_left3A_1212 = arith.constant 16 : i32
        %shift_left3A_1213 = vector.broadcast %shift_left3A_1212 : i32 to vector<16xi32>
        %shift_left3A_1214 = arith.shli %get3A_1211, %shift_left3A_1213 : vector<16xi32>
        %bitcast3A_1215 = vector.bitcast %shift_left3A_1214 : vector<16xi32> to vector<16xf32>
        %and3A_1216 = arith.constant -65536 : i32
        %and3A_1217 = vector.broadcast %and3A_1216 : i32 to vector<16xi32>
        %and3A_1218 = arith.andi %get3A_1211, %and3A_1217 : vector<16xi32>
        %bitcast3A_1219 = vector.bitcast %and3A_1218 : vector<16xi32> to vector<16xf32>
        %add3A_1220 = arith.addf %while3A_1111, %bitcast3A_1215 : vector<16xf32>
        %add3A_1221 = arith.addf %while3A_1119, %bitcast3A_1219 : vector<16xf32>
        scf.yield %add3A_1129, %add3A_1142, %add3A_1155, %add3A_1168, %add3A_1181, %add3A_1194, %add3A_1207, %add3A_1220, %add3A_1130, %add3A_1143, %add3A_1156, %add3A_1169, %add3A_1182, %add3A_1195, %add3A_1208, %add3A_1221 : vector<16xf32>, vector<16xf32>, vector<16xf32>, vector<16xf32>, vector<16xf32>, vector<16xf32>, vector<16xf32>, vector<16xf32>, vector<16xf32>, vector<16xf32>, vector<16xf32>, vector<16xf32>, vector<16xf32>, vector<16xf32>, vector<16xf32>, vector<16xf32>
      }
      scf.yield %while3A_1102#0, %while3A_1102#1, %while3A_1102#2, %while3A_1102#3, %while3A_1102#4, %while3A_1102#5, %while3A_1102#6, %while3A_1102#7, %while3A_1102#8, %while3A_1102#9, %while3A_1102#10, %while3A_1102#11, %while3A_1102#12, %while3A_1102#13, %while3A_1102#14, %while3A_1102#15 : vector<16xf32>, vector<16xf32>, vector<16xf32>, vector<16xf32>, vector<16xf32>, vector<16xf32>, vector<16xf32>, vector<16xf32>, vector<16xf32>, vector<16xf32>, vector<16xf32>, vector<16xf32>, vector<16xf32>, vector<16xf32>, vector<16xf32>, vector<16xf32>
    }
    %while3A_108 = arith.constant 1 : i32
    %while3A_109:16 = scf.for %while3A_1067 = %while3A_105 to %while3A_101 step %while3A_108 iter_args(%while3A_1068 = %while3A_107#0, %while3A_1069 = %while3A_107#1, %while3A_1070 = %while3A_107#2, %while3A_1071 = %while3A_107#3, %while3A_1072 = %while3A_107#4, %while3A_1073 = %while3A_107#5, %while3A_1074 = %while3A_107#6, %while3A_1075 = %while3A_107#7, %while3A_1076 = %while3A_107#8, %while3A_1077 = %while3A_107#9, %while3A_1078 = %while3A_107#10, %while3A_1079 = %while3A_107#11, %while3A_1080 = %while3A_107#12, %while3A_1081 = %while3A_107#13, %while3A_1082 = %while3A_107#14, %while3A_1083 = %while3A_107#15) -> (vector<16xf32>, vector<16xf32>, vector<16xf32>, vector<16xf32>, vector<16xf32>, vector<16xf32>, vector<16xf32>, vector<16xf32>, vector<16xf32>, vector<16xf32>, vector<16xf32>, vector<16xf32>, vector<16xf32>, vector<16xf32>, vector<16xf32>, vector<16xf32>)  : i32 {
      %mul3A_1084 = arith.constant 128 : i32
      %mul3A_1085 = arith.muli %while3A_1067, %mul3A_1084 : i32
      %add3A_1086 = arith.addi %mul3A_68, %mul3A_1085 : i32
      %multiple_of3A_1087 = tpu.assume_multiple %add3A_1086, 8 : i32
      "tpu.region"() ({
        %run_scoped3A = tpu.sem_alloc : memref<!tpu.dma_semaphore, #tpu.memory_space<semaphore_mem>>
        %dma_start3A = arith.constant 0 : i32
        %dma_start3A_1103 = tpu.memref_slice %arg2[%multiple_of3A_1087, %dma_start3A] : memref<50176x128xi32, #tpu.memory_space<hbm>> -> memref<128x128xi32, #tpu.memory_space<hbm>>
        %dma_start3A_1104 = arith.constant 0 : i32
        %dma_start3A_1105 = tpu.memref_slice %arg2[%multiple_of3A_1087, %dma_start3A_1104] : memref<50176x128xi32, #tpu.memory_space<hbm>> -> memref<128x128xi32, #tpu.memory_space<hbm>>
        tpu.enqueue_dma source(%dma_start3A_1105 : memref<128x128xi32, #tpu.memory_space<hbm>>) target(%arg10 : memref<128x128xi32, #tpu.memory_space<vmem>>) target_semaphore(%run_scoped3A : memref<!tpu.dma_semaphore, #tpu.memory_space<semaphore_mem>>)
        %dma_wait3A = arith.constant 0 : i32
        %dma_wait3A_1106 = tpu.memref_slice %arg2[%multiple_of3A_1087, %dma_wait3A] : memref<50176x128xi32, #tpu.memory_space<hbm>> -> memref<128x128xi32, #tpu.memory_space<hbm>>
        %dma_wait3A_1107 = arith.constant 0 : i32
        %dma_wait3A_1108 = tpu.memref_slice %arg2[%multiple_of3A_1087, %dma_wait3A_1107] : memref<50176x128xi32, #tpu.memory_space<hbm>> -> memref<128x128xi32, #tpu.memory_space<hbm>>
        tpu.wait_dma2 semaphore(%run_scoped3A : memref<!tpu.dma_semaphore, #tpu.memory_space<semaphore_mem>>) src(%dma_wait3A_1108 : memref<128x128xi32, #tpu.memory_space<hbm>>) dst(%arg10 : memref<128x128xi32, #tpu.memory_space<vmem>>)
        tpu.yield
      }) : () -> ()
      %sub3A_1088 = arith.subi %squeeze3A, %multiple_of3A_1087 : i32
      %max3A = arith.constant 0 : i32
      %max3A_1089 = arith.maxsi %sub3A_1088, %max3A : i32
      %add3A_1090 = arith.addi %squeeze3A, %squeeze3A_42 : i32
      %sub3A_1091 = arith.subi %add3A_1090, %multiple_of3A_1087 : i32
      %min3A = arith.constant 128 : i32
      %min3A_1092 = arith.minsi %sub3A_1091, %min3A : i32
      %while3A_1093 = arith.subi %min3A_1092, %max3A_1089 : i32
      %while3A_1094 = arith.addi %max3A_1089, %while3A_1093 : i32
      %while3A_1095 = arith.constant 1 : i32
      %while3A_1096 = arith.divsi %while3A_1093, %while3A_1095 : i32
      %while3A_1097 = arith.muli %while3A_1096, %while3A_1095 : i32
      %while3A_1098 = arith.addi %max3A_1089, %while3A_1097 : i32
      %while3A_1099 = arith.constant 1 : i32
      %while3A_1100:16 = scf.for %while3A_1103 = %max3A_1089 to %while3A_1098 step %while3A_1099 iter_args(%while3A_1104 = %while3A_1068, %while3A_1105 = %while3A_1069, %while3A_1106 = %while3A_1070, %while3A_1107 = %while3A_1071, %while3A_1108 = %while3A_1072, %while3A_1109 = %while3A_1073, %while3A_1110 = %while3A_1074, %while3A_1111 = %while3A_1075, %while3A_1112 = %while3A_1076, %while3A_1113 = %while3A_1077, %while3A_1114 = %while3A_1078, %while3A_1115 = %while3A_1079, %while3A_1116 = %while3A_1080, %while3A_1117 = %while3A_1081, %while3A_1118 = %while3A_1082, %while3A_1119 = %while3A_1083) -> (vector<16xf32>, vector<16xf32>, vector<16xf32>, vector<16xf32>, vector<16xf32>, vector<16xf32>, vector<16xf32>, vector<16xf32>, vector<16xf32>, vector<16xf32>, vector<16xf32>, vector<16xf32>, vector<16xf32>, vector<16xf32>, vector<16xf32>, vector<16xf32>)  : i32 {
        %get3A_1120 = arith.index_cast %while3A_1103 : i32 to index
        %get3A_1121 = arith.constant 0 : index
        %get3A_1122 = tpu.vector_load %arg10[%get3A_1120, %get3A_1121] {strides = array<i32>} : memref<128x128xi32, #tpu.memory_space<vmem>>, vector<16xi32>,
        %shift_left3A = arith.constant 16 : i32
        %shift_left3A_1123 = vector.broadcast %shift_left3A : i32 to vector<16xi32>
        %shift_left3A_1124 = arith.shli %get3A_1122, %shift_left3A_1123 : vector<16xi32>
        %bitcast3A = vector.bitcast %shift_left3A_1124 : vector<16xi32> to vector<16xf32>
        %and3A_1125 = arith.constant -65536 : i32
        %and3A_1126 = vector.broadcast %and3A_1125 : i32 to vector<16xi32>
        %and3A_1127 = arith.andi %get3A_1122, %and3A_1126 : vector<16xi32>
        %bitcast3A_1128 = vector.bitcast %and3A_1127 : vector<16xi32> to vector<16xf32>
        %add3A_1129 = arith.addf %while3A_1104, %bitcast3A : vector<16xf32>
        %add3A_1130 = arith.addf %while3A_1112, %bitcast3A_1128 : vector<16xf32>
        %get3A_1131 = arith.index_cast %while3A_1103 : i32 to index
        %get3A_1132 = arith.constant 16 : index
        %get3A_1133 = tpu.vector_load %arg10[%get3A_1131, %get3A_1132] {strides = array<i32>} : memref<128x128xi32, #tpu.memory_space<vmem>>, vector<16xi32>,
        %shift_left3A_1134 = arith.constant 16 : i32
        %shift_left3A_1135 = vector.broadcast %shift_left3A_1134 : i32 to vector<16xi32>
        %shift_left3A_1136 = arith.shli %get3A_1133, %shift_left3A_1135 : vector<16xi32>
        %bitcast3A_1137 = vector.bitcast %shift_left3A_1136 : vector<16xi32> to vector<16xf32>
        %and3A_1138 = arith.constant -65536 : i32
        %and3A_1139 = vector.broadcast %and3A_1138 : i32 to vector<16xi32>
        %and3A_1140 = arith.andi %get3A_1133, %and3A_1139 : vector<16xi32>
        %bitcast3A_1141 = vector.bitcast %and3A_1140 : vector<16xi32> to vector<16xf32>
        %add3A_1142 = arith.addf %while3A_1105, %bitcast3A_1137 : vector<16xf32>
        %add3A_1143 = arith.addf %while3A_1113, %bitcast3A_1141 : vector<16xf32>
        %get3A_1144 = arith.index_cast %while3A_1103 : i32 to index
        %get3A_1145 = arith.constant 32 : index
        %get3A_1146 = tpu.vector_load %arg10[%get3A_1144, %get3A_1145] {strides = array<i32>} : memref<128x128xi32, #tpu.memory_space<vmem>>, vector<16xi32>,
        %shift_left3A_1147 = arith.constant 16 : i32
        %shift_left3A_1148 = vector.broadcast %shift_left3A_1147 : i32 to vector<16xi32>
        %shift_left3A_1149 = arith.shli %get3A_1146, %shift_left3A_1148 : vector<16xi32>
        %bitcast3A_1150 = vector.bitcast %shift_left3A_1149 : vector<16xi32> to vector<16xf32>
        %and3A_1151 = arith.constant -65536 : i32
        %and3A_1152 = vector.broadcast %and3A_1151 : i32 to vector<16xi32>
        %and3A_1153 = arith.andi %get3A_1146, %and3A_1152 : vector<16xi32>
        %bitcast3A_1154 = vector.bitcast %and3A_1153 : vector<16xi32> to vector<16xf32>
        %add3A_1155 = arith.addf %while3A_1106, %bitcast3A_1150 : vector<16xf32>
        %add3A_1156 = arith.addf %while3A_1114, %bitcast3A_1154 : vector<16xf32>
        %get3A_1157 = arith.index_cast %while3A_1103 : i32 to index
        %get3A_1158 = arith.constant 48 : index
        %get3A_1159 = tpu.vector_load %arg10[%get3A_1157, %get3A_1158] {strides = array<i32>} : memref<128x128xi32, #tpu.memory_space<vmem>>, vector<16xi32>,
        %shift_left3A_1160 = arith.constant 16 : i32
        %shift_left3A_1161 = vector.broadcast %shift_left3A_1160 : i32 to vector<16xi32>
        %shift_left3A_1162 = arith.shli %get3A_1159, %shift_left3A_1161 : vector<16xi32>
        %bitcast3A_1163 = vector.bitcast %shift_left3A_1162 : vector<16xi32> to vector<16xf32>
        %and3A_1164 = arith.constant -65536 : i32
        %and3A_1165 = vector.broadcast %and3A_1164 : i32 to vector<16xi32>
        %and3A_1166 = arith.andi %get3A_1159, %and3A_1165 : vector<16xi32>
        %bitcast3A_1167 = vector.bitcast %and3A_1166 : vector<16xi32> to vector<16xf32>
        %add3A_1168 = arith.addf %while3A_1107, %bitcast3A_1163 : vector<16xf32>
        %add3A_1169 = arith.addf %while3A_1115, %bitcast3A_1167 : vector<16xf32>
        %get3A_1170 = arith.index_cast %while3A_1103 : i32 to index
        %get3A_1171 = arith.constant 64 : index
        %get3A_1172 = tpu.vector_load %arg10[%get3A_1170, %get3A_1171] {strides = array<i32>} : memref<128x128xi32, #tpu.memory_space<vmem>>, vector<16xi32>,
        %shift_left3A_1173 = arith.constant 16 : i32
        %shift_left3A_1174 = vector.broadcast %shift_left3A_1173 : i32 to vector<16xi32>
        %shift_left3A_1175 = arith.shli %get3A_1172, %shift_left3A_1174 : vector<16xi32>
        %bitcast3A_1176 = vector.bitcast %shift_left3A_1175 : vector<16xi32> to vector<16xf32>
        %and3A_1177 = arith.constant -65536 : i32
        %and3A_1178 = vector.broadcast %and3A_1177 : i32 to vector<16xi32>
        %and3A_1179 = arith.andi %get3A_1172, %and3A_1178 : vector<16xi32>
        %bitcast3A_1180 = vector.bitcast %and3A_1179 : vector<16xi32> to vector<16xf32>
        %add3A_1181 = arith.addf %while3A_1108, %bitcast3A_1176 : vector<16xf32>
        %add3A_1182 = arith.addf %while3A_1116, %bitcast3A_1180 : vector<16xf32>
        %get3A_1183 = arith.index_cast %while3A_1103 : i32 to index
        %get3A_1184 = arith.constant 80 : index
        %get3A_1185 = tpu.vector_load %arg10[%get3A_1183, %get3A_1184] {strides = array<i32>} : memref<128x128xi32, #tpu.memory_space<vmem>>, vector<16xi32>,
        %shift_left3A_1186 = arith.constant 16 : i32
        %shift_left3A_1187 = vector.broadcast %shift_left3A_1186 : i32 to vector<16xi32>
        %shift_left3A_1188 = arith.shli %get3A_1185, %shift_left3A_1187 : vector<16xi32>
        %bitcast3A_1189 = vector.bitcast %shift_left3A_1188 : vector<16xi32> to vector<16xf32>
        %and3A_1190 = arith.constant -65536 : i32
        %and3A_1191 = vector.broadcast %and3A_1190 : i32 to vector<16xi32>
        %and3A_1192 = arith.andi %get3A_1185, %and3A_1191 : vector<16xi32>
        %bitcast3A_1193 = vector.bitcast %and3A_1192 : vector<16xi32> to vector<16xf32>
        %add3A_1194 = arith.addf %while3A_1109, %bitcast3A_1189 : vector<16xf32>
        %add3A_1195 = arith.addf %while3A_1117, %bitcast3A_1193 : vector<16xf32>
        %get3A_1196 = arith.index_cast %while3A_1103 : i32 to index
        %get3A_1197 = arith.constant 96 : index
        %get3A_1198 = tpu.vector_load %arg10[%get3A_1196, %get3A_1197] {strides = array<i32>} : memref<128x128xi32, #tpu.memory_space<vmem>>, vector<16xi32>,
        %shift_left3A_1199 = arith.constant 16 : i32
        %shift_left3A_1200 = vector.broadcast %shift_left3A_1199 : i32 to vector<16xi32>
        %shift_left3A_1201 = arith.shli %get3A_1198, %shift_left3A_1200 : vector<16xi32>
        %bitcast3A_1202 = vector.bitcast %shift_left3A_1201 : vector<16xi32> to vector<16xf32>
        %and3A_1203 = arith.constant -65536 : i32
        %and3A_1204 = vector.broadcast %and3A_1203 : i32 to vector<16xi32>
        %and3A_1205 = arith.andi %get3A_1198, %and3A_1204 : vector<16xi32>
        %bitcast3A_1206 = vector.bitcast %and3A_1205 : vector<16xi32> to vector<16xf32>
        %add3A_1207 = arith.addf %while3A_1110, %bitcast3A_1202 : vector<16xf32>
        %add3A_1208 = arith.addf %while3A_1118, %bitcast3A_1206 : vector<16xf32>
        %get3A_1209 = arith.index_cast %while3A_1103 : i32 to index
        %get3A_1210 = arith.constant 112 : index
        %get3A_1211 = tpu.vector_load %arg10[%get3A_1209, %get3A_1210] {strides = array<i32>} : memref<128x128xi32, #tpu.memory_space<vmem>>, vector<16xi32>,
        %shift_left3A_1212 = arith.constant 16 : i32
        %shift_left3A_1213 = vector.broadcast %shift_left3A_1212 : i32 to vector<16xi32>
        %shift_left3A_1214 = arith.shli %get3A_1211, %shift_left3A_1213 : vector<16xi32>
        %bitcast3A_1215 = vector.bitcast %shift_left3A_1214 : vector<16xi32> to vector<16xf32>
        %and3A_1216 = arith.constant -65536 : i32
        %and3A_1217 = vector.broadcast %and3A_1216 : i32 to vector<16xi32>
        %and3A_1218 = arith.andi %get3A_1211, %and3A_1217 : vector<16xi32>
        %bitcast3A_1219 = vector.bitcast %and3A_1218 : vector<16xi32> to vector<16xf32>
        %add3A_1220 = arith.addf %while3A_1111, %bitcast3A_1215 : vector<16xf32>
        %add3A_1221 = arith.addf %while3A_1119, %bitcast3A_1219 : vector<16xf32>
        scf.yield %add3A_1129, %add3A_1142, %add3A_1155, %add3A_1168, %add3A_1181, %add3A_1194, %add3A_1207, %add3A_1220, %add3A_1130, %add3A_1143, %add3A_1156, %add3A_1169, %add3A_1182, %add3A_1195, %add3A_1208, %add3A_1221 : vector<16xf32>, vector<16xf32>, vector<16xf32>, vector<16xf32>, vector<16xf32>, vector<16xf32>, vector<16xf32>, vector<16xf32>, vector<16xf32>, vector<16xf32>, vector<16xf32>, vector<16xf32>, vector<16xf32>, vector<16xf32>, vector<16xf32>, vector<16xf32>
      }
      %while3A_1101 = arith.constant 1 : i32
      %while3A_1102:16 = scf.for %while3A_1103 = %while3A_1098 to %while3A_1094 step %while3A_1101 iter_args(%while3A_1104 = %while3A_1100#0, %while3A_1105 = %while3A_1100#1, %while3A_1106 = %while3A_1100#2, %while3A_1107 = %while3A_1100#3, %while3A_1108 = %while3A_1100#4, %while3A_1109 = %while3A_1100#5, %while3A_1110 = %while3A_1100#6, %while3A_1111 = %while3A_1100#7, %while3A_1112 = %while3A_1100#8, %while3A_1113 = %while3A_1100#9, %while3A_1114 = %while3A_1100#10, %while3A_1115 = %while3A_1100#11, %while3A_1116 = %while3A_1100#12, %while3A_1117 = %while3A_1100#13, %while3A_1118 = %while3A_1100#14, %while3A_1119 = %while3A_1100#15) -> (vector<16xf32>, vector<16xf32>, vector<16xf32>, vector<16xf32>, vector<16xf32>, vector<16xf32>, vector<16xf32>, vector<16xf32>, vector<16xf32>, vector<16xf32>, vector<16xf32>, vector<16xf32>, vector<16xf32>, vector<16xf32>, vector<16xf32>, vector<16xf32>)  : i32 {
        %get3A_1120 = arith.index_cast %while3A_1103 : i32 to index
        %get3A_1121 = arith.constant 0 : index
        %get3A_1122 = tpu.vector_load %arg10[%get3A_1120, %get3A_1121] {strides = array<i32>} : memref<128x128xi32, #tpu.memory_space<vmem>>, vector<16xi32>,
        %shift_left3A = arith.constant 16 : i32
        %shift_left3A_1123 = vector.broadcast %shift_left3A : i32 to vector<16xi32>
        %shift_left3A_1124 = arith.shli %get3A_1122, %shift_left3A_1123 : vector<16xi32>
        %bitcast3A = vector.bitcast %shift_left3A_1124 : vector<16xi32> to vector<16xf32>
        %and3A_1125 = arith.constant -65536 : i32
        %and3A_1126 = vector.broadcast %and3A_1125 : i32 to vector<16xi32>
        %and3A_1127 = arith.andi %get3A_1122, %and3A_1126 : vector<16xi32>
        %bitcast3A_1128 = vector.bitcast %and3A_1127 : vector<16xi32> to vector<16xf32>
        %add3A_1129 = arith.addf %while3A_1104, %bitcast3A : vector<16xf32>
        %add3A_1130 = arith.addf %while3A_1112, %bitcast3A_1128 : vector<16xf32>
        %get3A_1131 = arith.index_cast %while3A_1103 : i32 to index
        %get3A_1132 = arith.constant 16 : index
        %get3A_1133 = tpu.vector_load %arg10[%get3A_1131, %get3A_1132] {strides = array<i32>} : memref<128x128xi32, #tpu.memory_space<vmem>>, vector<16xi32>,
        %shift_left3A_1134 = arith.constant 16 : i32
        %shift_left3A_1135 = vector.broadcast %shift_left3A_1134 : i32 to vector<16xi32>
        %shift_left3A_1136 = arith.shli %get3A_1133, %shift_left3A_1135 : vector<16xi32>
        %bitcast3A_1137 = vector.bitcast %shift_left3A_1136 : vector<16xi32> to vector<16xf32>
        %and3A_1138 = arith.constant -65536 : i32
        %and3A_1139 = vector.broadcast %and3A_1138 : i32 to vector<16xi32>
        %and3A_1140 = arith.andi %get3A_1133, %and3A_1139 : vector<16xi32>
        %bitcast3A_1141 = vector.bitcast %and3A_1140 : vector<16xi32> to vector<16xf32>
        %add3A_1142 = arith.addf %while3A_1105, %bitcast3A_1137 : vector<16xf32>
        %add3A_1143 = arith.addf %while3A_1113, %bitcast3A_1141 : vector<16xf32>
        %get3A_1144 = arith.index_cast %while3A_1103 : i32 to index
        %get3A_1145 = arith.constant 32 : index
        %get3A_1146 = tpu.vector_load %arg10[%get3A_1144, %get3A_1145] {strides = array<i32>} : memref<128x128xi32, #tpu.memory_space<vmem>>, vector<16xi32>,
        %shift_left3A_1147 = arith.constant 16 : i32
        %shift_left3A_1148 = vector.broadcast %shift_left3A_1147 : i32 to vector<16xi32>
        %shift_left3A_1149 = arith.shli %get3A_1146, %shift_left3A_1148 : vector<16xi32>
        %bitcast3A_1150 = vector.bitcast %shift_left3A_1149 : vector<16xi32> to vector<16xf32>
        %and3A_1151 = arith.constant -65536 : i32
        %and3A_1152 = vector.broadcast %and3A_1151 : i32 to vector<16xi32>
        %and3A_1153 = arith.andi %get3A_1146, %and3A_1152 : vector<16xi32>
        %bitcast3A_1154 = vector.bitcast %and3A_1153 : vector<16xi32> to vector<16xf32>
        %add3A_1155 = arith.addf %while3A_1106, %bitcast3A_1150 : vector<16xf32>
        %add3A_1156 = arith.addf %while3A_1114, %bitcast3A_1154 : vector<16xf32>
        %get3A_1157 = arith.index_cast %while3A_1103 : i32 to index
        %get3A_1158 = arith.constant 48 : index
        %get3A_1159 = tpu.vector_load %arg10[%get3A_1157, %get3A_1158] {strides = array<i32>} : memref<128x128xi32, #tpu.memory_space<vmem>>, vector<16xi32>,
        %shift_left3A_1160 = arith.constant 16 : i32
        %shift_left3A_1161 = vector.broadcast %shift_left3A_1160 : i32 to vector<16xi32>
        %shift_left3A_1162 = arith.shli %get3A_1159, %shift_left3A_1161 : vector<16xi32>
        %bitcast3A_1163 = vector.bitcast %shift_left3A_1162 : vector<16xi32> to vector<16xf32>
        %and3A_1164 = arith.constant -65536 : i32
        %and3A_1165 = vector.broadcast %and3A_1164 : i32 to vector<16xi32>
        %and3A_1166 = arith.andi %get3A_1159, %and3A_1165 : vector<16xi32>
        %bitcast3A_1167 = vector.bitcast %and3A_1166 : vector<16xi32> to vector<16xf32>
        %add3A_1168 = arith.addf %while3A_1107, %bitcast3A_1163 : vector<16xf32>
        %add3A_1169 = arith.addf %while3A_1115, %bitcast3A_1167 : vector<16xf32>
        %get3A_1170 = arith.index_cast %while3A_1103 : i32 to index
        %get3A_1171 = arith.constant 64 : index
        %get3A_1172 = tpu.vector_load %arg10[%get3A_1170, %get3A_1171] {strides = array<i32>} : memref<128x128xi32, #tpu.memory_space<vmem>>, vector<16xi32>,
        %shift_left3A_1173 = arith.constant 16 : i32
        %shift_left3A_1174 = vector.broadcast %shift_left3A_1173 : i32 to vector<16xi32>
        %shift_left3A_1175 = arith.shli %get3A_1172, %shift_left3A_1174 : vector<16xi32>
        %bitcast3A_1176 = vector.bitcast %shift_left3A_1175 : vector<16xi32> to vector<16xf32>
        %and3A_1177 = arith.constant -65536 : i32
        %and3A_1178 = vector.broadcast %and3A_1177 : i32 to vector<16xi32>
        %and3A_1179 = arith.andi %get3A_1172, %and3A_1178 : vector<16xi32>
        %bitcast3A_1180 = vector.bitcast %and3A_1179 : vector<16xi32> to vector<16xf32>
        %add3A_1181 = arith.addf %while3A_1108, %bitcast3A_1176 : vector<16xf32>
        %add3A_1182 = arith.addf %while3A_1116, %bitcast3A_1180 : vector<16xf32>
        %get3A_1183 = arith.index_cast %while3A_1103 : i32 to index
        %get3A_1184 = arith.constant 80 : index
        %get3A_1185 = tpu.vector_load %arg10[%get3A_1183, %get3A_1184] {strides = array<i32>} : memref<128x128xi32, #tpu.memory_space<vmem>>, vector<16xi32>,
        %shift_left3A_1186 = arith.constant 16 : i32
        %shift_left3A_1187 = vector.broadcast %shift_left3A_1186 : i32 to vector<16xi32>
        %shift_left3A_1188 = arith.shli %get3A_1185, %shift_left3A_1187 : vector<16xi32>
        %bitcast3A_1189 = vector.bitcast %shift_left3A_1188 : vector<16xi32> to vector<16xf32>
        %and3A_1190 = arith.constant -65536 : i32
        %and3A_1191 = vector.broadcast %and3A_1190 : i32 to vector<16xi32>
        %and3A_1192 = arith.andi %get3A_1185, %and3A_1191 : vector<16xi32>
        %bitcast3A_1193 = vector.bitcast %and3A_1192 : vector<16xi32> to vector<16xf32>
        %add3A_1194 = arith.addf %while3A_1109, %bitcast3A_1189 : vector<16xf32>
        %add3A_1195 = arith.addf %while3A_1117, %bitcast3A_1193 : vector<16xf32>
        %get3A_1196 = arith.index_cast %while3A_1103 : i32 to index
        %get3A_1197 = arith.constant 96 : index
        %get3A_1198 = tpu.vector_load %arg10[%get3A_1196, %get3A_1197] {strides = array<i32>} : memref<128x128xi32, #tpu.memory_space<vmem>>, vector<16xi32>,
        %shift_left3A_1199 = arith.constant 16 : i32
        %shift_left3A_1200 = vector.broadcast %shift_left3A_1199 : i32 to vector<16xi32>
        %shift_left3A_1201 = arith.shli %get3A_1198, %shift_left3A_1200 : vector<16xi32>
        %bitcast3A_1202 = vector.bitcast %shift_left3A_1201 : vector<16xi32> to vector<16xf32>
        %and3A_1203 = arith.constant -65536 : i32
        %and3A_1204 = vector.broadcast %and3A_1203 : i32 to vector<16xi32>
        %and3A_1205 = arith.andi %get3A_1198, %and3A_1204 : vector<16xi32>
        %bitcast3A_1206 = vector.bitcast %and3A_1205 : vector<16xi32> to vector<16xf32>
        %add3A_1207 = arith.addf %while3A_1110, %bitcast3A_1202 : vector<16xf32>
        %add3A_1208 = arith.addf %while3A_1118, %bitcast3A_1206 : vector<16xf32>
        %get3A_1209 = arith.index_cast %while3A_1103 : i32 to index
        %get3A_1210 = arith.constant 112 : index
        %get3A_1211 = tpu.vector_load %arg10[%get3A_1209, %get3A_1210] {strides = array<i32>} : memref<128x128xi32, #tpu.memory_space<vmem>>, vector<16xi32>,
        %shift_left3A_1212 = arith.constant 16 : i32
        %shift_left3A_1213 = vector.broadcast %shift_left3A_1212 : i32 to vector<16xi32>
        %shift_left3A_1214 = arith.shli %get3A_1211, %shift_left3A_1213 : vector<16xi32>
        %bitcast3A_1215 = vector.bitcast %shift_left3A_1214 : vector<16xi32> to vector<16xf32>
        %and3A_1216 = arith.constant -65536 : i32
        %and3A_1217 = vector.broadcast %and3A_1216 : i32 to vector<16xi32>
        %and3A_1218 = arith.andi %get3A_1211, %and3A_1217 : vector<16xi32>
        %bitcast3A_1219 = vector.bitcast %and3A_1218 : vector<16xi32> to vector<16xf32>
        %add3A_1220 = arith.addf %while3A_1111, %bitcast3A_1215 : vector<16xf32>
        %add3A_1221 = arith.addf %while3A_1119, %bitcast3A_1219 : vector<16xf32>
        scf.yield %add3A_1129, %add3A_1142, %add3A_1155, %add3A_1168, %add3A_1181, %add3A_1194, %add3A_1207, %add3A_1220, %add3A_1130, %add3A_1143, %add3A_1156, %add3A_1169, %add3A_1182, %add3A_1195, %add3A_1208, %add3A_1221 : vector<16xf32>, vector<16xf32>, vector<16xf32>, vector<16xf32>, vector<16xf32>, vector<16xf32>, vector<16xf32>, vector<16xf32>, vector<16xf32>, vector<16xf32>, vector<16xf32>, vector<16xf32>, vector<16xf32>, vector<16xf32>, vector<16xf32>, vector<16xf32>
      }
      scf.yield %while3A_1102#0, %while3A_1102#1, %while3A_1102#2, %while3A_1102#3, %while3A_1102#4, %while3A_1102#5, %while3A_1102#6, %while3A_1102#7, %while3A_1102#8, %while3A_1102#9, %while3A_1102#10, %while3A_1102#11, %while3A_1102#12, %while3A_1102#13, %while3A_1102#14, %while3A_1102#15 : vector<16xf32>, vector<16xf32>, vector<16xf32>, vector<16xf32>, vector<16xf32>, vector<16xf32>, vector<16xf32>, vector<16xf32>, vector<16xf32>, vector<16xf32>, vector<16xf32>, vector<16xf32>, vector<16xf32>, vector<16xf32>, vector<16xf32>, vector<16xf32>
    }
    %add3A_110 = arith.constant 0 : i32
    %add3A_111 = arith.addi %mul3A_36, %add3A_110 : i32
    %get3A_112 = arith.index_cast %add3A_111 : i32 to index
    %get3A_113 = arith.constant 0 : index
    %get3A_114 = tpu.vector_load %arg8[%get3A_112, %get3A_113] {strides = array<i32>} : memref<8x256xf32, #tpu.memory_space<vmem>>, vector<16xf32>,
    %mul3A_115 = arith.mulf %while3A_109#0, %get3A_114 : vector<16xf32>
    %get3A_116 = arith.constant 0 : index
    %get3A_117 = tpu.vector_load %arg9[%get3A_116] {strides = array<i32>} : memref<256xf32, #tpu.memory_space<vmem>>, vector<16xf32>,
    %add3A_118 = arith.addf %mul3A_115, %get3A_117 : vector<16xf32>
    %swap3A = arith.constant 0 : index
    %swap3A_119 = tpu.vector_load %arg11[%swap3A] {strides = array<i32>} : memref<256xf32, #tpu.memory_space<vmem>>, vector<16xf32>,
    tpu.vector_store %arg11[%swap3A], %add3A_118 {strides = array<i32>} : memref<256xf32, #tpu.memory_space<vmem>>, vector<16xf32>,
    %add3A_120 = arith.constant 0 : i32
    %add3A_121 = arith.addi %mul3A_36, %add3A_120 : i32
    %get3A_122 = arith.index_cast %add3A_121 : i32 to index
    %get3A_123 = arith.constant 16 : index
    %get3A_124 = tpu.vector_load %arg8[%get3A_122, %get3A_123] {strides = array<i32>} : memref<8x256xf32, #tpu.memory_space<vmem>>, vector<16xf32>,
    %mul3A_125 = arith.mulf %while3A_109#1, %get3A_124 : vector<16xf32>
    %get3A_126 = arith.constant 16 : index
    %get3A_127 = tpu.vector_load %arg9[%get3A_126] {strides = array<i32>} : memref<256xf32, #tpu.memory_space<vmem>>, vector<16xf32>,
    %add3A_128 = arith.addf %mul3A_125, %get3A_127 : vector<16xf32>
    %swap3A_129 = arith.constant 16 : index
    %swap3A_130 = tpu.vector_load %arg11[%swap3A_129] {strides = array<i32>} : memref<256xf32, #tpu.memory_space<vmem>>, vector<16xf32>,
    tpu.vector_store %arg11[%swap3A_129], %add3A_128 {strides = array<i32>} : memref<256xf32, #tpu.memory_space<vmem>>, vector<16xf32>,
    %add3A_131 = arith.constant 0 : i32
    %add3A_132 = arith.addi %mul3A_36, %add3A_131 : i32
    %get3A_133 = arith.index_cast %add3A_132 : i32 to index
    %get3A_134 = arith.constant 32 : index
    %get3A_135 = tpu.vector_load %arg8[%get3A_133, %get3A_134] {strides = array<i32>} : memref<8x256xf32, #tpu.memory_space<vmem>>, vector<16xf32>,
    %mul3A_136 = arith.mulf %while3A_109#2, %get3A_135 : vector<16xf32>
    %get3A_137 = arith.constant 32 : index
    %get3A_138 = tpu.vector_load %arg9[%get3A_137] {strides = array<i32>} : memref<256xf32, #tpu.memory_space<vmem>>, vector<16xf32>,
    %add3A_139 = arith.addf %mul3A_136, %get3A_138 : vector<16xf32>
    %swap3A_140 = arith.constant 32 : index
    %swap3A_141 = tpu.vector_load %arg11[%swap3A_140] {strides = array<i32>} : memref<256xf32, #tpu.memory_space<vmem>>, vector<16xf32>,
    tpu.vector_store %arg11[%swap3A_140], %add3A_139 {strides = array<i32>} : memref<256xf32, #tpu.memory_space<vmem>>, vector<16xf32>,
    %add3A_142 = arith.constant 0 : i32
    %add3A_143 = arith.addi %mul3A_36, %add3A_142 : i32
    %get3A_144 = arith.index_cast %add3A_143 : i32 to index
    %get3A_145 = arith.constant 48 : index
    %get3A_146 = tpu.vector_load %arg8[%get3A_144, %get3A_145] {strides = array<i32>} : memref<8x256xf32, #tpu.memory_space<vmem>>, vector<16xf32>,
    %mul3A_147 = arith.mulf %while3A_109#3, %get3A_146 : vector<16xf32>
    %get3A_148 = arith.constant 48 : index
    %get3A_149 = tpu.vector_load %arg9[%get3A_148] {strides = array<i32>} : memref<256xf32, #tpu.memory_space<vmem>>, vector<16xf32>,
    %add3A_150 = arith.addf %mul3A_147, %get3A_149 : vector<16xf32>
    %swap3A_151 = arith.constant 48 : index
    %swap3A_152 = tpu.vector_load %arg11[%swap3A_151] {strides = array<i32>} : memref<256xf32, #tpu.memory_space<vmem>>, vector<16xf32>,
    tpu.vector_store %arg11[%swap3A_151], %add3A_150 {strides = array<i32>} : memref<256xf32, #tpu.memory_space<vmem>>, vector<16xf32>,
    %add3A_153 = arith.constant 0 : i32
    %add3A_154 = arith.addi %mul3A_36, %add3A_153 : i32
    %get3A_155 = arith.index_cast %add3A_154 : i32 to index
    %get3A_156 = arith.constant 64 : index
    %get3A_157 = tpu.vector_load %arg8[%get3A_155, %get3A_156] {strides = array<i32>} : memref<8x256xf32, #tpu.memory_space<vmem>>, vector<16xf32>,
    %mul3A_158 = arith.mulf %while3A_109#4, %get3A_157 : vector<16xf32>
    %get3A_159 = arith.constant 64 : index
    %get3A_160 = tpu.vector_load %arg9[%get3A_159] {strides = array<i32>} : memref<256xf32, #tpu.memory_space<vmem>>, vector<16xf32>,
    %add3A_161 = arith.addf %mul3A_158, %get3A_160 : vector<16xf32>
    %swap3A_162 = arith.constant 64 : index
    %swap3A_163 = tpu.vector_load %arg11[%swap3A_162] {strides = array<i32>} : memref<256xf32, #tpu.memory_space<vmem>>, vector<16xf32>,
    tpu.vector_store %arg11[%swap3A_162], %add3A_161 {strides = array<i32>} : memref<256xf32, #tpu.memory_space<vmem>>, vector<16xf32>,
    %add3A_164 = arith.constant 0 : i32
    %add3A_165 = arith.addi %mul3A_36, %add3A_164 : i32
    %get3A_166 = arith.index_cast %add3A_165 : i32 to index
    %get3A_167 = arith.constant 80 : index
    %get3A_168 = tpu.vector_load %arg8[%get3A_166, %get3A_167] {strides = array<i32>} : memref<8x256xf32, #tpu.memory_space<vmem>>, vector<16xf32>,
    %mul3A_169 = arith.mulf %while3A_109#5, %get3A_168 : vector<16xf32>
    %get3A_170 = arith.constant 80 : index
    %get3A_171 = tpu.vector_load %arg9[%get3A_170] {strides = array<i32>} : memref<256xf32, #tpu.memory_space<vmem>>, vector<16xf32>,
    %add3A_172 = arith.addf %mul3A_169, %get3A_171 : vector<16xf32>
    %swap3A_173 = arith.constant 80 : index
    %swap3A_174 = tpu.vector_load %arg11[%swap3A_173] {strides = array<i32>} : memref<256xf32, #tpu.memory_space<vmem>>, vector<16xf32>,
    tpu.vector_store %arg11[%swap3A_173], %add3A_172 {strides = array<i32>} : memref<256xf32, #tpu.memory_space<vmem>>, vector<16xf32>,
    %add3A_175 = arith.constant 0 : i32
    %add3A_176 = arith.addi %mul3A_36, %add3A_175 : i32
    %get3A_177 = arith.index_cast %add3A_176 : i32 to index
    %get3A_178 = arith.constant 96 : index
    %get3A_179 = tpu.vector_load %arg8[%get3A_177, %get3A_178] {strides = array<i32>} : memref<8x256xf32, #tpu.memory_space<vmem>>, vector<16xf32>,
    %mul3A_180 = arith.mulf %while3A_109#6, %get3A_179 : vector<16xf32>
    %get3A_181 = arith.constant 96 : index
    %get3A_182 = tpu.vector_load %arg9[%get3A_181] {strides = array<i32>} : memref<256xf32, #tpu.memory_space<vmem>>, vector<16xf32>,
    %add3A_183 = arith.addf %mul3A_180, %get3A_182 : vector<16xf32>
    %swap3A_184 = arith.constant 96 : index
    %swap3A_185 = tpu.vector_load %arg11[%swap3A_184] {strides = array<i32>} : memref<256xf32, #tpu.memory_space<vmem>>, vector<16xf32>,
    tpu.vector_store %arg11[%swap3A_184], %add3A_183 {strides = array<i32>} : memref<256xf32, #tpu.memory_space<vmem>>, vector<16xf32>,
    %add3A_186 = arith.constant 0 : i32
    %add3A_187 = arith.addi %mul3A_36, %add3A_186 : i32
    %get3A_188 = arith.index_cast %add3A_187 : i32 to index
    %get3A_189 = arith.constant 112 : index
    %get3A_190 = tpu.vector_load %arg8[%get3A_188, %get3A_189] {strides = array<i32>} : memref<8x256xf32, #tpu.memory_space<vmem>>, vector<16xf32>,
    %mul3A_191 = arith.mulf %while3A_109#7, %get3A_190 : vector<16xf32>
    %get3A_192 = arith.constant 112 : index
    %get3A_193 = tpu.vector_load %arg9[%get3A_192] {strides = array<i32>} : memref<256xf32, #tpu.memory_space<vmem>>, vector<16xf32>,
    %add3A_194 = arith.addf %mul3A_191, %get3A_193 : vector<16xf32>
    %swap3A_195 = arith.constant 112 : index
    %swap3A_196 = tpu.vector_load %arg11[%swap3A_195] {strides = array<i32>} : memref<256xf32, #tpu.memory_space<vmem>>, vector<16xf32>,
    tpu.vector_store %arg11[%swap3A_195], %add3A_194 {strides = array<i32>} : memref<256xf32, #tpu.memory_space<vmem>>, vector<16xf32>,
    %add3A_197 = arith.constant 0 : i32
    %add3A_198 = arith.addi %mul3A_36, %add3A_197 : i32
    %get3A_199 = arith.index_cast %add3A_198 : i32 to index
    %get3A_200 = arith.constant 128 : index
    %get3A_201 = tpu.vector_load %arg8[%get3A_199, %get3A_200] {strides = array<i32>} : memref<8x256xf32, #tpu.memory_space<vmem>>, vector<16xf32>,
    %mul3A_202 = arith.mulf %while3A_109#8, %get3A_201 : vector<16xf32>
    %get3A_203 = arith.constant 128 : index
    %get3A_204 = tpu.vector_load %arg9[%get3A_203] {strides = array<i32>} : memref<256xf32, #tpu.memory_space<vmem>>, vector<16xf32>,
    %add3A_205 = arith.addf %mul3A_202, %get3A_204 : vector<16xf32>
    %swap3A_206 = arith.constant 128 : index
    %swap3A_207 = tpu.vector_load %arg11[%swap3A_206] {strides = array<i32>} : memref<256xf32, #tpu.memory_space<vmem>>, vector<16xf32>,
    tpu.vector_store %arg11[%swap3A_206], %add3A_205 {strides = array<i32>} : memref<256xf32, #tpu.memory_space<vmem>>, vector<16xf32>,
    %add3A_208 = arith.constant 0 : i32
    %add3A_209 = arith.addi %mul3A_36, %add3A_208 : i32
    %get3A_210 = arith.index_cast %add3A_209 : i32 to index
    %get3A_211 = arith.constant 144 : index
    %get3A_212 = tpu.vector_load %arg8[%get3A_210, %get3A_211] {strides = array<i32>} : memref<8x256xf32, #tpu.memory_space<vmem>>, vector<16xf32>,
    %mul3A_213 = arith.mulf %while3A_109#9, %get3A_212 : vector<16xf32>
    %get3A_214 = arith.constant 144 : index
    %get3A_215 = tpu.vector_load %arg9[%get3A_214] {strides = array<i32>} : memref<256xf32, #tpu.memory_space<vmem>>, vector<16xf32>,
    %add3A_216 = arith.addf %mul3A_213, %get3A_215 : vector<16xf32>
    %swap3A_217 = arith.constant 144 : index
    %swap3A_218 = tpu.vector_load %arg11[%swap3A_217] {strides = array<i32>} : memref<256xf32, #tpu.memory_space<vmem>>, vector<16xf32>,
    tpu.vector_store %arg11[%swap3A_217], %add3A_216 {strides = array<i32>} : memref<256xf32, #tpu.memory_space<vmem>>, vector<16xf32>,
    %add3A_219 = arith.constant 0 : i32
    %add3A_220 = arith.addi %mul3A_36, %add3A_219 : i32
    %get3A_221 = arith.index_cast %add3A_220 : i32 to index
    %get3A_222 = arith.constant 160 : index
    %get3A_223 = tpu.vector_load %arg8[%get3A_221, %get3A_222] {strides = array<i32>} : memref<8x256xf32, #tpu.memory_space<vmem>>, vector<16xf32>,
    %mul3A_224 = arith.mulf %while3A_109#10, %get3A_223 : vector<16xf32>
    %get3A_225 = arith.constant 160 : index
    %get3A_226 = tpu.vector_load %arg9[%get3A_225] {strides = array<i32>} : memref<256xf32, #tpu.memory_space<vmem>>, vector<16xf32>,
    %add3A_227 = arith.addf %mul3A_224, %get3A_226 : vector<16xf32>
    %swap3A_228 = arith.constant 160 : index
    %swap3A_229 = tpu.vector_load %arg11[%swap3A_228] {strides = array<i32>} : memref<256xf32, #tpu.memory_space<vmem>>, vector<16xf32>,
    tpu.vector_store %arg11[%swap3A_228], %add3A_227 {strides = array<i32>} : memref<256xf32, #tpu.memory_space<vmem>>, vector<16xf32>,
    %add3A_230 = arith.constant 0 : i32
    %add3A_231 = arith.addi %mul3A_36, %add3A_230 : i32
    %get3A_232 = arith.index_cast %add3A_231 : i32 to index
    %get3A_233 = arith.constant 176 : index
    %get3A_234 = tpu.vector_load %arg8[%get3A_232, %get3A_233] {strides = array<i32>} : memref<8x256xf32, #tpu.memory_space<vmem>>, vector<16xf32>,
    %mul3A_235 = arith.mulf %while3A_109#11, %get3A_234 : vector<16xf32>
    %get3A_236 = arith.constant 176 : index
    %get3A_237 = tpu.vector_load %arg9[%get3A_236] {strides = array<i32>} : memref<256xf32, #tpu.memory_space<vmem>>, vector<16xf32>,
    %add3A_238 = arith.addf %mul3A_235, %get3A_237 : vector<16xf32>
    %swap3A_239 = arith.constant 176 : index
    %swap3A_240 = tpu.vector_load %arg11[%swap3A_239] {strides = array<i32>} : memref<256xf32, #tpu.memory_space<vmem>>, vector<16xf32>,
    tpu.vector_store %arg11[%swap3A_239], %add3A_238 {strides = array<i32>} : memref<256xf32, #tpu.memory_space<vmem>>, vector<16xf32>,
    %add3A_241 = arith.constant 0 : i32
    %add3A_242 = arith.addi %mul3A_36, %add3A_241 : i32
    %get3A_243 = arith.index_cast %add3A_242 : i32 to index
    %get3A_244 = arith.constant 192 : index
    %get3A_245 = tpu.vector_load %arg8[%get3A_243, %get3A_244] {strides = array<i32>} : memref<8x256xf32, #tpu.memory_space<vmem>>, vector<16xf32>,
    %mul3A_246 = arith.mulf %while3A_109#12, %get3A_245 : vector<16xf32>
    %get3A_247 = arith.constant 192 : index
    %get3A_248 = tpu.vector_load %arg9[%get3A_247] {strides = array<i32>} : memref<256xf32, #tpu.memory_space<vmem>>, vector<16xf32>,
    %add3A_249 = arith.addf %mul3A_246, %get3A_248 : vector<16xf32>
    %swap3A_250 = arith.constant 192 : index
    %swap3A_251 = tpu.vector_load %arg11[%swap3A_250] {strides = array<i32>} : memref<256xf32, #tpu.memory_space<vmem>>, vector<16xf32>,
    tpu.vector_store %arg11[%swap3A_250], %add3A_249 {strides = array<i32>} : memref<256xf32, #tpu.memory_space<vmem>>, vector<16xf32>,
    %add3A_252 = arith.constant 0 : i32
    %add3A_253 = arith.addi %mul3A_36, %add3A_252 : i32
    %get3A_254 = arith.index_cast %add3A_253 : i32 to index
    %get3A_255 = arith.constant 208 : index
    %get3A_256 = tpu.vector_load %arg8[%get3A_254, %get3A_255] {strides = array<i32>} : memref<8x256xf32, #tpu.memory_space<vmem>>, vector<16xf32>,
    %mul3A_257 = arith.mulf %while3A_109#13, %get3A_256 : vector<16xf32>
    %get3A_258 = arith.constant 208 : index
    %get3A_259 = tpu.vector_load %arg9[%get3A_258] {strides = array<i32>} : memref<256xf32, #tpu.memory_space<vmem>>, vector<16xf32>,
    %add3A_260 = arith.addf %mul3A_257, %get3A_259 : vector<16xf32>
    %swap3A_261 = arith.constant 208 : index
    %swap3A_262 = tpu.vector_load %arg11[%swap3A_261] {strides = array<i32>} : memref<256xf32, #tpu.memory_space<vmem>>, vector<16xf32>,
    tpu.vector_store %arg11[%swap3A_261], %add3A_260 {strides = array<i32>} : memref<256xf32, #tpu.memory_space<vmem>>, vector<16xf32>,
    %add3A_263 = arith.constant 0 : i32
    %add3A_264 = arith.addi %mul3A_36, %add3A_263 : i32
    %get3A_265 = arith.index_cast %add3A_264 : i32 to index
    %get3A_266 = arith.constant 224 : index
    %get3A_267 = tpu.vector_load %arg8[%get3A_265, %get3A_266] {strides = array<i32>} : memref<8x256xf32, #tpu.memory_space<vmem>>, vector<16xf32>,
    %mul3A_268 = arith.mulf %while3A_109#14, %get3A_267 : vector<16xf32>
    %get3A_269 = arith.constant 224 : index
    %get3A_270 = tpu.vector_load %arg9[%get3A_269] {strides = array<i32>} : memref<256xf32, #tpu.memory_space<vmem>>, vector<16xf32>,
    %add3A_271 = arith.addf %mul3A_268, %get3A_270 : vector<16xf32>
    %swap3A_272 = arith.constant 224 : index
    %swap3A_273 = tpu.vector_load %arg11[%swap3A_272] {strides = array<i32>} : memref<256xf32, #tpu.memory_space<vmem>>, vector<16xf32>,
    tpu.vector_store %arg11[%swap3A_272], %add3A_271 {strides = array<i32>} : memref<256xf32, #tpu.memory_space<vmem>>, vector<16xf32>,
    %add3A_274 = arith.constant 0 : i32
    %add3A_275 = arith.addi %mul3A_36, %add3A_274 : i32
    %get3A_276 = arith.index_cast %add3A_275 : i32 to index
    %get3A_277 = arith.constant 240 : index
    %get3A_278 = tpu.vector_load %arg8[%get3A_276, %get3A_277] {strides = array<i32>} : memref<8x256xf32, #tpu.memory_space<vmem>>, vector<16xf32>,
    %mul3A_279 = arith.mulf %while3A_109#15, %get3A_278 : vector<16xf32>
    %get3A_280 = arith.constant 240 : index
    %get3A_281 = tpu.vector_load %arg9[%get3A_280] {strides = array<i32>} : memref<256xf32, #tpu.memory_space<vmem>>, vector<16xf32>,
    %add3A_282 = arith.addf %mul3A_279, %get3A_281 : vector<16xf32>
    %swap3A_283 = arith.constant 240 : index
    %swap3A_284 = tpu.vector_load %arg11[%swap3A_283] {strides = array<i32>} : memref<256xf32, #tpu.memory_space<vmem>>, vector<16xf32>,
    tpu.vector_store %arg11[%swap3A_283], %add3A_282 {strides = array<i32>} : memref<256xf32, #tpu.memory_space<vmem>>, vector<16xf32>,
    %add3A_285 = arith.constant 0 : i32
    %add3A_286 = arith.addi %mul3A_2, %add3A_285 : i32
    %mul3A_287 = arith.constant 256 : i32
    %mul3A_288 = arith.muli %add3A_286, %mul3A_287 : i32
    %multiple_of3A_289 = tpu.assume_multiple %mul3A_288, 8 : i32
    "tpu.region"() ({
      %run_scoped3A = tpu.sem_alloc : memref<!tpu.dma_semaphore, #tpu.memory_space<semaphore_mem>>
      %dma_start3A = tpu.memref_slice %arg6[%multiple_of3A_289] : memref<32768xf32, #tpu.memory_space<hbm>> -> memref<256xf32, #tpu.memory_space<hbm>>
      %dma_start3A_1067 = tpu.memref_slice %arg6[%multiple_of3A_289] : memref<32768xf32, #tpu.memory_space<hbm>> -> memref<256xf32, #tpu.memory_space<hbm>>
      tpu.enqueue_dma source(%arg11 : memref<256xf32, #tpu.memory_space<vmem>>) target(%dma_start3A_1067 : memref<256xf32, #tpu.memory_space<hbm>>) target_semaphore(%run_scoped3A : memref<!tpu.dma_semaphore, #tpu.memory_space<semaphore_mem>>)
      %dma_wait3A = tpu.memref_slice %arg6[%multiple_of3A_289] : memref<32768xf32, #tpu.memory_space<hbm>> -> memref<256xf32, #tpu.memory_space<hbm>>
      %dma_wait3A_1068 = tpu.memref_slice %arg6[%multiple_of3A_289] : memref<32768xf32, #tpu.memory_space<hbm>> -> memref<256xf32, #tpu.memory_space<hbm>>
      tpu.wait_dma2 semaphore(%run_scoped3A : memref<!tpu.dma_semaphore, #tpu.memory_space<semaphore_mem>>) src(%arg11 : memref<256xf32, #tpu.memory_space<vmem>>) dst(%dma_wait3A_1068 : memref<256xf32, #tpu.memory_space<hbm>>)
      tpu.yield
    }) : () -> ()
    %add3A_290 = arith.constant 1 : i32
    %add3A_291 = arith.addi %mul3A_36, %add3A_290 : i32
    %get3A_292 = arith.index_cast %add3A_291 : i32 to index
    %get3A_293 = arith.constant 0 : index
    %get3A_294 = tpu.vector_load %arg7[%get3A_292, %get3A_293] {strides = array<i32>} : memref<8x16xi32, #tpu.memory_space<vmem>>, vector<16xi32>,
    %slice3A_295 = vector.extract_strided_slice %get3A_294 {offsets = [0], sizes = [1], strides = [1]} : vector<16xi32> to vector<1xi32>
    %squeeze3A_296 = vector.extract %slice3A_295[0] : i32 from vector<1xi32>
    %slice3A_297 = vector.extract_strided_slice %get3A_294 {offsets = [1], sizes = [1], strides = [1]} : vector<16xi32> to vector<1xi32>
    %squeeze3A_298 = vector.extract %slice3A_297[0] : i32 from vector<1xi32>
    %jit3A_299 = arith.constant 8 : i32
    %div3A_300 = arith.divsi %squeeze3A_296, %jit3A_299 : i32
    %sign3A_301 = arith.constant 0 : i32
    %sign3A_302 = arith.cmpi sgt, %squeeze3A_296, %sign3A_301 : i32
    %sign3A_303 = arith.extui %sign3A_302 : i1 to i32
    %sign3A_304 = arith.constant 0 : i32
    %sign3A_305 = arith.cmpi slt, %squeeze3A_296, %sign3A_304 : i32
    %sign3A_306 = arith.extui %sign3A_305 : i1 to i32
    %sign3A_307 = arith.subi %sign3A_303, %sign3A_306 : i32
    %sign3A_308 = arith.constant 0 : i32
    %sign3A_309 = arith.cmpi sgt, %jit3A_299, %sign3A_308 : i32
    %sign3A_310 = arith.extui %sign3A_309 : i1 to i32
    %sign3A_311 = arith.constant 0 : i32
    %sign3A_312 = arith.cmpi slt, %jit3A_299, %sign3A_311 : i32
    %sign3A_313 = arith.extui %sign3A_312 : i1 to i32
    %sign3A_314 = arith.subi %sign3A_310, %sign3A_313 : i32
    %ne3A_315 = arith.cmpi ne, %sign3A_307, %sign3A_314 : i32
    %rem3A_316 = arith.remsi %squeeze3A_296, %jit3A_299 : i32
    %ne3A_317 = arith.constant 0 : i32
    %ne3A_318 = arith.cmpi ne, %rem3A_316, %ne3A_317 : i32
    %and3A_319 = arith.andi %ne3A_315, %ne3A_318 : i1
    %sub3A_320 = arith.constant 1 : i32
    %sub3A_321 = arith.subi %div3A_300, %sub3A_320 : i32
    %select_n3A_322 = arith.select %and3A_319, %sub3A_321, %div3A_300 : i32
    %mul3A_323 = arith.constant 8 : i32
    %mul3A_324 = arith.muli %select_n3A_322, %mul3A_323 : i32
    %sub3A_325 = arith.subi %squeeze3A_296, %mul3A_324 : i32
    %add3A_326 = arith.addi %squeeze3A_298, %sub3A_325 : i32
    %add3A_327 = arith.constant 128 : i32
    %add3A_328 = arith.addi %add3A_326, %add3A_327 : i32
    %sub3A_329 = arith.constant 1 : i32
    %sub3A_330 = arith.subi %add3A_328, %sub3A_329 : i32
    %jit3A_331 = arith.constant 128 : i32
    %div3A_332 = arith.divsi %sub3A_330, %jit3A_331 : i32
    %sign3A_333 = arith.constant 0 : i32
    %sign3A_334 = arith.cmpi sgt, %sub3A_330, %sign3A_333 : i32
    %sign3A_335 = arith.extui %sign3A_334 : i1 to i32
    %sign3A_336 = arith.constant 0 : i32
    %sign3A_337 = arith.cmpi slt, %sub3A_330, %sign3A_336 : i32
    %sign3A_338 = arith.extui %sign3A_337 : i1 to i32
    %sign3A_339 = arith.subi %sign3A_335, %sign3A_338 : i32
    %sign3A_340 = arith.constant 0 : i32
    %sign3A_341 = arith.cmpi sgt, %jit3A_331, %sign3A_340 : i32
    %sign3A_342 = arith.extui %sign3A_341 : i1 to i32
    %sign3A_343 = arith.constant 0 : i32
    %sign3A_344 = arith.cmpi slt, %jit3A_331, %sign3A_343 : i32
    %sign3A_345 = arith.extui %sign3A_344 : i1 to i32
    %sign3A_346 = arith.subi %sign3A_342, %sign3A_345 : i32
    %ne3A_347 = arith.cmpi ne, %sign3A_339, %sign3A_346 : i32
    %rem3A_348 = arith.remsi %sub3A_330, %jit3A_331 : i32
    %ne3A_349 = arith.constant 0 : i32
    %ne3A_350 = arith.cmpi ne, %rem3A_348, %ne3A_349 : i32
    %and3A_351 = arith.andi %ne3A_347, %ne3A_350 : i1
    %sub3A_352 = arith.constant 1 : i32
    %sub3A_353 = arith.subi %div3A_332, %sub3A_352 : i32
    %select_n3A_354 = arith.select %and3A_351, %sub3A_353, %div3A_332 : i32
    %broadcast_in_dim3A_355 = arith.constant 0.000000e+00 : f32
    %broadcast_in_dim3A_356 = vector.broadcast %broadcast_in_dim3A_355 : f32 to vector<16xf32>
    %while3A_357 = arith.constant 0 : i32
    %while3A_358 = arith.subi %select_n3A_354, %while3A_357 : i32
    %while3A_359 = arith.addi %while3A_357, %while3A_358 : i32
    %while3A_360 = arith.constant 1 : i32
    %while3A_361 = arith.divsi %while3A_358, %while3A_360 : i32
    %while3A_362 = arith.muli %while3A_361, %while3A_360 : i32
    %while3A_363 = arith.addi %while3A_357, %while3A_362 : i32
    %while3A_364 = arith.constant 1 : i32
    %while3A_365:16 = scf.for %while3A_1067 = %while3A_357 to %while3A_363 step %while3A_364 iter_args(%while3A_1068 = %broadcast_in_dim3A_356, %while3A_1069 = %broadcast_in_dim3A_356, %while3A_1070 = %broadcast_in_dim3A_356, %while3A_1071 = %broadcast_in_dim3A_356, %while3A_1072 = %broadcast_in_dim3A_356, %while3A_1073 = %broadcast_in_dim3A_356, %while3A_1074 = %broadcast_in_dim3A_356, %while3A_1075 = %broadcast_in_dim3A_356, %while3A_1076 = %broadcast_in_dim3A_356, %while3A_1077 = %broadcast_in_dim3A_356, %while3A_1078 = %broadcast_in_dim3A_356, %while3A_1079 = %broadcast_in_dim3A_356, %while3A_1080 = %broadcast_in_dim3A_356, %while3A_1081 = %broadcast_in_dim3A_356, %while3A_1082 = %broadcast_in_dim3A_356, %while3A_1083 = %broadcast_in_dim3A_356) -> (vector<16xf32>, vector<16xf32>, vector<16xf32>, vector<16xf32>, vector<16xf32>, vector<16xf32>, vector<16xf32>, vector<16xf32>, vector<16xf32>, vector<16xf32>, vector<16xf32>, vector<16xf32>, vector<16xf32>, vector<16xf32>, vector<16xf32>, vector<16xf32>)  : i32 {
      %mul3A_1084 = arith.constant 128 : i32
      %mul3A_1085 = arith.muli %while3A_1067, %mul3A_1084 : i32
      %add3A_1086 = arith.addi %mul3A_324, %mul3A_1085 : i32
      %multiple_of3A_1087 = tpu.assume_multiple %add3A_1086, 8 : i32
      "tpu.region"() ({
        %run_scoped3A = tpu.sem_alloc : memref<!tpu.dma_semaphore, #tpu.memory_space<semaphore_mem>>
        %dma_start3A = arith.constant 0 : i32
        %dma_start3A_1103 = tpu.memref_slice %arg2[%multiple_of3A_1087, %dma_start3A] : memref<50176x128xi32, #tpu.memory_space<hbm>> -> memref<128x128xi32, #tpu.memory_space<hbm>>
        %dma_start3A_1104 = arith.constant 0 : i32
        %dma_start3A_1105 = tpu.memref_slice %arg2[%multiple_of3A_1087, %dma_start3A_1104] : memref<50176x128xi32, #tpu.memory_space<hbm>> -> memref<128x128xi32, #tpu.memory_space<hbm>>
        tpu.enqueue_dma source(%dma_start3A_1105 : memref<128x128xi32, #tpu.memory_space<hbm>>) target(%arg10 : memref<128x128xi32, #tpu.memory_space<vmem>>) target_semaphore(%run_scoped3A : memref<!tpu.dma_semaphore, #tpu.memory_space<semaphore_mem>>)
        %dma_wait3A = arith.constant 0 : i32
        %dma_wait3A_1106 = tpu.memref_slice %arg2[%multiple_of3A_1087, %dma_wait3A] : memref<50176x128xi32, #tpu.memory_space<hbm>> -> memref<128x128xi32, #tpu.memory_space<hbm>>
        %dma_wait3A_1107 = arith.constant 0 : i32
        %dma_wait3A_1108 = tpu.memref_slice %arg2[%multiple_of3A_1087, %dma_wait3A_1107] : memref<50176x128xi32, #tpu.memory_space<hbm>> -> memref<128x128xi32, #tpu.memory_space<hbm>>
        tpu.wait_dma2 semaphore(%run_scoped3A : memref<!tpu.dma_semaphore, #tpu.memory_space<semaphore_mem>>) src(%dma_wait3A_1108 : memref<128x128xi32, #tpu.memory_space<hbm>>) dst(%arg10 : memref<128x128xi32, #tpu.memory_space<vmem>>)
        tpu.yield
      }) : () -> ()
      %sub3A_1088 = arith.subi %squeeze3A_296, %multiple_of3A_1087 : i32
      %max3A = arith.constant 0 : i32
      %max3A_1089 = arith.maxsi %sub3A_1088, %max3A : i32
      %add3A_1090 = arith.addi %squeeze3A_296, %squeeze3A_298 : i32
      %sub3A_1091 = arith.subi %add3A_1090, %multiple_of3A_1087 : i32
      %min3A = arith.constant 128 : i32
      %min3A_1092 = arith.minsi %sub3A_1091, %min3A : i32
      %while3A_1093 = arith.subi %min3A_1092, %max3A_1089 : i32
      %while3A_1094 = arith.addi %max3A_1089, %while3A_1093 : i32
      %while3A_1095 = arith.constant 1 : i32
      %while3A_1096 = arith.divsi %while3A_1093, %while3A_1095 : i32
      %while3A_1097 = arith.muli %while3A_1096, %while3A_1095 : i32
      %while3A_1098 = arith.addi %max3A_1089, %while3A_1097 : i32
      %while3A_1099 = arith.constant 1 : i32
      %while3A_1100:16 = scf.for %while3A_1103 = %max3A_1089 to %while3A_1098 step %while3A_1099 iter_args(%while3A_1104 = %while3A_1068, %while3A_1105 = %while3A_1069, %while3A_1106 = %while3A_1070, %while3A_1107 = %while3A_1071, %while3A_1108 = %while3A_1072, %while3A_1109 = %while3A_1073, %while3A_1110 = %while3A_1074, %while3A_1111 = %while3A_1075, %while3A_1112 = %while3A_1076, %while3A_1113 = %while3A_1077, %while3A_1114 = %while3A_1078, %while3A_1115 = %while3A_1079, %while3A_1116 = %while3A_1080, %while3A_1117 = %while3A_1081, %while3A_1118 = %while3A_1082, %while3A_1119 = %while3A_1083) -> (vector<16xf32>, vector<16xf32>, vector<16xf32>, vector<16xf32>, vector<16xf32>, vector<16xf32>, vector<16xf32>, vector<16xf32>, vector<16xf32>, vector<16xf32>, vector<16xf32>, vector<16xf32>, vector<16xf32>, vector<16xf32>, vector<16xf32>, vector<16xf32>)  : i32 {
        %get3A_1120 = arith.index_cast %while3A_1103 : i32 to index
        %get3A_1121 = arith.constant 0 : index
        %get3A_1122 = tpu.vector_load %arg10[%get3A_1120, %get3A_1121] {strides = array<i32>} : memref<128x128xi32, #tpu.memory_space<vmem>>, vector<16xi32>,
        %shift_left3A = arith.constant 16 : i32
        %shift_left3A_1123 = vector.broadcast %shift_left3A : i32 to vector<16xi32>
        %shift_left3A_1124 = arith.shli %get3A_1122, %shift_left3A_1123 : vector<16xi32>
        %bitcast3A = vector.bitcast %shift_left3A_1124 : vector<16xi32> to vector<16xf32>
        %and3A_1125 = arith.constant -65536 : i32
        %and3A_1126 = vector.broadcast %and3A_1125 : i32 to vector<16xi32>
        %and3A_1127 = arith.andi %get3A_1122, %and3A_1126 : vector<16xi32>
        %bitcast3A_1128 = vector.bitcast %and3A_1127 : vector<16xi32> to vector<16xf32>
        %add3A_1129 = arith.addf %while3A_1104, %bitcast3A : vector<16xf32>
        %add3A_1130 = arith.addf %while3A_1112, %bitcast3A_1128 : vector<16xf32>
        %get3A_1131 = arith.index_cast %while3A_1103 : i32 to index
        %get3A_1132 = arith.constant 16 : index
        %get3A_1133 = tpu.vector_load %arg10[%get3A_1131, %get3A_1132] {strides = array<i32>} : memref<128x128xi32, #tpu.memory_space<vmem>>, vector<16xi32>,
        %shift_left3A_1134 = arith.constant 16 : i32
        %shift_left3A_1135 = vector.broadcast %shift_left3A_1134 : i32 to vector<16xi32>
        %shift_left3A_1136 = arith.shli %get3A_1133, %shift_left3A_1135 : vector<16xi32>
        %bitcast3A_1137 = vector.bitcast %shift_left3A_1136 : vector<16xi32> to vector<16xf32>
        %and3A_1138 = arith.constant -65536 : i32
        %and3A_1139 = vector.broadcast %and3A_1138 : i32 to vector<16xi32>
        %and3A_1140 = arith.andi %get3A_1133, %and3A_1139 : vector<16xi32>
        %bitcast3A_1141 = vector.bitcast %and3A_1140 : vector<16xi32> to vector<16xf32>
        %add3A_1142 = arith.addf %while3A_1105, %bitcast3A_1137 : vector<16xf32>
        %add3A_1143 = arith.addf %while3A_1113, %bitcast3A_1141 : vector<16xf32>
        %get3A_1144 = arith.index_cast %while3A_1103 : i32 to index
        %get3A_1145 = arith.constant 32 : index
        %get3A_1146 = tpu.vector_load %arg10[%get3A_1144, %get3A_1145] {strides = array<i32>} : memref<128x128xi32, #tpu.memory_space<vmem>>, vector<16xi32>,
        %shift_left3A_1147 = arith.constant 16 : i32
        %shift_left3A_1148 = vector.broadcast %shift_left3A_1147 : i32 to vector<16xi32>
        %shift_left3A_1149 = arith.shli %get3A_1146, %shift_left3A_1148 : vector<16xi32>
        %bitcast3A_1150 = vector.bitcast %shift_left3A_1149 : vector<16xi32> to vector<16xf32>
        %and3A_1151 = arith.constant -65536 : i32
        %and3A_1152 = vector.broadcast %and3A_1151 : i32 to vector<16xi32>
        %and3A_1153 = arith.andi %get3A_1146, %and3A_1152 : vector<16xi32>
        %bitcast3A_1154 = vector.bitcast %and3A_1153 : vector<16xi32> to vector<16xf32>
        %add3A_1155 = arith.addf %while3A_1106, %bitcast3A_1150 : vector<16xf32>
        %add3A_1156 = arith.addf %while3A_1114, %bitcast3A_1154 : vector<16xf32>
        %get3A_1157 = arith.index_cast %while3A_1103 : i32 to index
        %get3A_1158 = arith.constant 48 : index
        %get3A_1159 = tpu.vector_load %arg10[%get3A_1157, %get3A_1158] {strides = array<i32>} : memref<128x128xi32, #tpu.memory_space<vmem>>, vector<16xi32>,
        %shift_left3A_1160 = arith.constant 16 : i32
        %shift_left3A_1161 = vector.broadcast %shift_left3A_1160 : i32 to vector<16xi32>
        %shift_left3A_1162 = arith.shli %get3A_1159, %shift_left3A_1161 : vector<16xi32>
        %bitcast3A_1163 = vector.bitcast %shift_left3A_1162 : vector<16xi32> to vector<16xf32>
        %and3A_1164 = arith.constant -65536 : i32
        %and3A_1165 = vector.broadcast %and3A_1164 : i32 to vector<16xi32>
        %and3A_1166 = arith.andi %get3A_1159, %and3A_1165 : vector<16xi32>
        %bitcast3A_1167 = vector.bitcast %and3A_1166 : vector<16xi32> to vector<16xf32>
        %add3A_1168 = arith.addf %while3A_1107, %bitcast3A_1163 : vector<16xf32>
        %add3A_1169 = arith.addf %while3A_1115, %bitcast3A_1167 : vector<16xf32>
        %get3A_1170 = arith.index_cast %while3A_1103 : i32 to index
        %get3A_1171 = arith.constant 64 : index
        %get3A_1172 = tpu.vector_load %arg10[%get3A_1170, %get3A_1171] {strides = array<i32>} : memref<128x128xi32, #tpu.memory_space<vmem>>, vector<16xi32>,
        %shift_left3A_1173 = arith.constant 16 : i32
        %shift_left3A_1174 = vector.broadcast %shift_left3A_1173 : i32 to vector<16xi32>
        %shift_left3A_1175 = arith.shli %get3A_1172, %shift_left3A_1174 : vector<16xi32>
        %bitcast3A_1176 = vector.bitcast %shift_left3A_1175 : vector<16xi32> to vector<16xf32>
        %and3A_1177 = arith.constant -65536 : i32
        %and3A_1178 = vector.broadcast %and3A_1177 : i32 to vector<16xi32>
        %and3A_1179 = arith.andi %get3A_1172, %and3A_1178 : vector<16xi32>
        %bitcast3A_1180 = vector.bitcast %and3A_1179 : vector<16xi32> to vector<16xf32>
        %add3A_1181 = arith.addf %while3A_1108, %bitcast3A_1176 : vector<16xf32>
        %add3A_1182 = arith.addf %while3A_1116, %bitcast3A_1180 : vector<16xf32>
        %get3A_1183 = arith.index_cast %while3A_1103 : i32 to index
        %get3A_1184 = arith.constant 80 : index
        %get3A_1185 = tpu.vector_load %arg10[%get3A_1183, %get3A_1184] {strides = array<i32>} : memref<128x128xi32, #tpu.memory_space<vmem>>, vector<16xi32>,
        %shift_left3A_1186 = arith.constant 16 : i32
        %shift_left3A_1187 = vector.broadcast %shift_left3A_1186 : i32 to vector<16xi32>
        %shift_left3A_1188 = arith.shli %get3A_1185, %shift_left3A_1187 : vector<16xi32>
        %bitcast3A_1189 = vector.bitcast %shift_left3A_1188 : vector<16xi32> to vector<16xf32>
        %and3A_1190 = arith.constant -65536 : i32
        %and3A_1191 = vector.broadcast %and3A_1190 : i32 to vector<16xi32>
        %and3A_1192 = arith.andi %get3A_1185, %and3A_1191 : vector<16xi32>
        %bitcast3A_1193 = vector.bitcast %and3A_1192 : vector<16xi32> to vector<16xf32>
        %add3A_1194 = arith.addf %while3A_1109, %bitcast3A_1189 : vector<16xf32>
        %add3A_1195 = arith.addf %while3A_1117, %bitcast3A_1193 : vector<16xf32>
        %get3A_1196 = arith.index_cast %while3A_1103 : i32 to index
        %get3A_1197 = arith.constant 96 : index
        %get3A_1198 = tpu.vector_load %arg10[%get3A_1196, %get3A_1197] {strides = array<i32>} : memref<128x128xi32, #tpu.memory_space<vmem>>, vector<16xi32>,
        %shift_left3A_1199 = arith.constant 16 : i32
        %shift_left3A_1200 = vector.broadcast %shift_left3A_1199 : i32 to vector<16xi32>
        %shift_left3A_1201 = arith.shli %get3A_1198, %shift_left3A_1200 : vector<16xi32>
        %bitcast3A_1202 = vector.bitcast %shift_left3A_1201 : vector<16xi32> to vector<16xf32>
        %and3A_1203 = arith.constant -65536 : i32
        %and3A_1204 = vector.broadcast %and3A_1203 : i32 to vector<16xi32>
        %and3A_1205 = arith.andi %get3A_1198, %and3A_1204 : vector<16xi32>
        %bitcast3A_1206 = vector.bitcast %and3A_1205 : vector<16xi32> to vector<16xf32>
        %add3A_1207 = arith.addf %while3A_1110, %bitcast3A_1202 : vector<16xf32>
        %add3A_1208 = arith.addf %while3A_1118, %bitcast3A_1206 : vector<16xf32>
        %get3A_1209 = arith.index_cast %while3A_1103 : i32 to index
        %get3A_1210 = arith.constant 112 : index
        %get3A_1211 = tpu.vector_load %arg10[%get3A_1209, %get3A_1210] {strides = array<i32>} : memref<128x128xi32, #tpu.memory_space<vmem>>, vector<16xi32>,
        %shift_left3A_1212 = arith.constant 16 : i32
        %shift_left3A_1213 = vector.broadcast %shift_left3A_1212 : i32 to vector<16xi32>
        %shift_left3A_1214 = arith.shli %get3A_1211, %shift_left3A_1213 : vector<16xi32>
        %bitcast3A_1215 = vector.bitcast %shift_left3A_1214 : vector<16xi32> to vector<16xf32>
        %and3A_1216 = arith.constant -65536 : i32
        %and3A_1217 = vector.broadcast %and3A_1216 : i32 to vector<16xi32>
        %and3A_1218 = arith.andi %get3A_1211, %and3A_1217 : vector<16xi32>
        %bitcast3A_1219 = vector.bitcast %and3A_1218 : vector<16xi32> to vector<16xf32>
        %add3A_1220 = arith.addf %while3A_1111, %bitcast3A_1215 : vector<16xf32>
        %add3A_1221 = arith.addf %while3A_1119, %bitcast3A_1219 : vector<16xf32>
        scf.yield %add3A_1129, %add3A_1142, %add3A_1155, %add3A_1168, %add3A_1181, %add3A_1194, %add3A_1207, %add3A_1220, %add3A_1130, %add3A_1143, %add3A_1156, %add3A_1169, %add3A_1182, %add3A_1195, %add3A_1208, %add3A_1221 : vector<16xf32>, vector<16xf32>, vector<16xf32>, vector<16xf32>, vector<16xf32>, vector<16xf32>, vector<16xf32>, vector<16xf32>, vector<16xf32>, vector<16xf32>, vector<16xf32>, vector<16xf32>, vector<16xf32>, vector<16xf32>, vector<16xf32>, vector<16xf32>
      }
      %while3A_1101 = arith.constant 1 : i32
      %while3A_1102:16 = scf.for %while3A_1103 = %while3A_1098 to %while3A_1094 step %while3A_1101 iter_args(%while3A_1104 = %while3A_1100#0, %while3A_1105 = %while3A_1100#1, %while3A_1106 = %while3A_1100#2, %while3A_1107 = %while3A_1100#3, %while3A_1108 = %while3A_1100#4, %while3A_1109 = %while3A_1100#5, %while3A_1110 = %while3A_1100#6, %while3A_1111 = %while3A_1100#7, %while3A_1112 = %while3A_1100#8, %while3A_1113 = %while3A_1100#9, %while3A_1114 = %while3A_1100#10, %while3A_1115 = %while3A_1100#11, %while3A_1116 = %while3A_1100#12, %while3A_1117 = %while3A_1100#13, %while3A_1118 = %while3A_1100#14, %while3A_1119 = %while3A_1100#15) -> (vector<16xf32>, vector<16xf32>, vector<16xf32>, vector<16xf32>, vector<16xf32>, vector<16xf32>, vector<16xf32>, vector<16xf32>, vector<16xf32>, vector<16xf32>, vector<16xf32>, vector<16xf32>, vector<16xf32>, vector<16xf32>, vector<16xf32>, vector<16xf32>)  : i32 {
        %get3A_1120 = arith.index_cast %while3A_1103 : i32 to index
        %get3A_1121 = arith.constant 0 : index
        %get3A_1122 = tpu.vector_load %arg10[%get3A_1120, %get3A_1121] {strides = array<i32>} : memref<128x128xi32, #tpu.memory_space<vmem>>, vector<16xi32>,
        %shift_left3A = arith.constant 16 : i32
        %shift_left3A_1123 = vector.broadcast %shift_left3A : i32 to vector<16xi32>
        %shift_left3A_1124 = arith.shli %get3A_1122, %shift_left3A_1123 : vector<16xi32>
        %bitcast3A = vector.bitcast %shift_left3A_1124 : vector<16xi32> to vector<16xf32>
        %and3A_1125 = arith.constant -65536 : i32
        %and3A_1126 = vector.broadcast %and3A_1125 : i32 to vector<16xi32>
        %and3A_1127 = arith.andi %get3A_1122, %and3A_1126 : vector<16xi32>
        %bitcast3A_1128 = vector.bitcast %and3A_1127 : vector<16xi32> to vector<16xf32>
        %add3A_1129 = arith.addf %while3A_1104, %bitcast3A : vector<16xf32>
        %add3A_1130 = arith.addf %while3A_1112, %bitcast3A_1128 : vector<16xf32>
        %get3A_1131 = arith.index_cast %while3A_1103 : i32 to index
        %get3A_1132 = arith.constant 16 : index
        %get3A_1133 = tpu.vector_load %arg10[%get3A_1131, %get3A_1132] {strides = array<i32>} : memref<128x128xi32, #tpu.memory_space<vmem>>, vector<16xi32>,
        %shift_left3A_1134 = arith.constant 16 : i32
        %shift_left3A_1135 = vector.broadcast %shift_left3A_1134 : i32 to vector<16xi32>
        %shift_left3A_1136 = arith.shli %get3A_1133, %shift_left3A_1135 : vector<16xi32>
        %bitcast3A_1137 = vector.bitcast %shift_left3A_1136 : vector<16xi32> to vector<16xf32>
        %and3A_1138 = arith.constant -65536 : i32
        %and3A_1139 = vector.broadcast %and3A_1138 : i32 to vector<16xi32>
        %and3A_1140 = arith.andi %get3A_1133, %and3A_1139 : vector<16xi32>
        %bitcast3A_1141 = vector.bitcast %and3A_1140 : vector<16xi32> to vector<16xf32>
        %add3A_1142 = arith.addf %while3A_1105, %bitcast3A_1137 : vector<16xf32>
        %add3A_1143 = arith.addf %while3A_1113, %bitcast3A_1141 : vector<16xf32>
        %get3A_1144 = arith.index_cast %while3A_1103 : i32 to index
        %get3A_1145 = arith.constant 32 : index
        %get3A_1146 = tpu.vector_load %arg10[%get3A_1144, %get3A_1145] {strides = array<i32>} : memref<128x128xi32, #tpu.memory_space<vmem>>, vector<16xi32>,
        %shift_left3A_1147 = arith.constant 16 : i32
        %shift_left3A_1148 = vector.broadcast %shift_left3A_1147 : i32 to vector<16xi32>
        %shift_left3A_1149 = arith.shli %get3A_1146, %shift_left3A_1148 : vector<16xi32>
        %bitcast3A_1150 = vector.bitcast %shift_left3A_1149 : vector<16xi32> to vector<16xf32>
        %and3A_1151 = arith.constant -65536 : i32
        %and3A_1152 = vector.broadcast %and3A_1151 : i32 to vector<16xi32>
        %and3A_1153 = arith.andi %get3A_1146, %and3A_1152 : vector<16xi32>
        %bitcast3A_1154 = vector.bitcast %and3A_1153 : vector<16xi32> to vector<16xf32>
        %add3A_1155 = arith.addf %while3A_1106, %bitcast3A_1150 : vector<16xf32>
        %add3A_1156 = arith.addf %while3A_1114, %bitcast3A_1154 : vector<16xf32>
        %get3A_1157 = arith.index_cast %while3A_1103 : i32 to index
        %get3A_1158 = arith.constant 48 : index
        %get3A_1159 = tpu.vector_load %arg10[%get3A_1157, %get3A_1158] {strides = array<i32>} : memref<128x128xi32, #tpu.memory_space<vmem>>, vector<16xi32>,
        %shift_left3A_1160 = arith.constant 16 : i32
        %shift_left3A_1161 = vector.broadcast %shift_left3A_1160 : i32 to vector<16xi32>
        %shift_left3A_1162 = arith.shli %get3A_1159, %shift_left3A_1161 : vector<16xi32>
        %bitcast3A_1163 = vector.bitcast %shift_left3A_1162 : vector<16xi32> to vector<16xf32>
        %and3A_1164 = arith.constant -65536 : i32
        %and3A_1165 = vector.broadcast %and3A_1164 : i32 to vector<16xi32>
        %and3A_1166 = arith.andi %get3A_1159, %and3A_1165 : vector<16xi32>
        %bitcast3A_1167 = vector.bitcast %and3A_1166 : vector<16xi32> to vector<16xf32>
        %add3A_1168 = arith.addf %while3A_1107, %bitcast3A_1163 : vector<16xf32>
        %add3A_1169 = arith.addf %while3A_1115, %bitcast3A_1167 : vector<16xf32>
        %get3A_1170 = arith.index_cast %while3A_1103 : i32 to index
        %get3A_1171 = arith.constant 64 : index
        %get3A_1172 = tpu.vector_load %arg10[%get3A_1170, %get3A_1171] {strides = array<i32>} : memref<128x128xi32, #tpu.memory_space<vmem>>, vector<16xi32>,
        %shift_left3A_1173 = arith.constant 16 : i32
        %shift_left3A_1174 = vector.broadcast %shift_left3A_1173 : i32 to vector<16xi32>
        %shift_left3A_1175 = arith.shli %get3A_1172, %shift_left3A_1174 : vector<16xi32>
        %bitcast3A_1176 = vector.bitcast %shift_left3A_1175 : vector<16xi32> to vector<16xf32>
        %and3A_1177 = arith.constant -65536 : i32
        %and3A_1178 = vector.broadcast %and3A_1177 : i32 to vector<16xi32>
        %and3A_1179 = arith.andi %get3A_1172, %and3A_1178 : vector<16xi32>
        %bitcast3A_1180 = vector.bitcast %and3A_1179 : vector<16xi32> to vector<16xf32>
        %add3A_1181 = arith.addf %while3A_1108, %bitcast3A_1176 : vector<16xf32>
        %add3A_1182 = arith.addf %while3A_1116, %bitcast3A_1180 : vector<16xf32>
        %get3A_1183 = arith.index_cast %while3A_1103 : i32 to index
        %get3A_1184 = arith.constant 80 : index
        %get3A_1185 = tpu.vector_load %arg10[%get3A_1183, %get3A_1184] {strides = array<i32>} : memref<128x128xi32, #tpu.memory_space<vmem>>, vector<16xi32>,
        %shift_left3A_1186 = arith.constant 16 : i32
        %shift_left3A_1187 = vector.broadcast %shift_left3A_1186 : i32 to vector<16xi32>
        %shift_left3A_1188 = arith.shli %get3A_1185, %shift_left3A_1187 : vector<16xi32>
        %bitcast3A_1189 = vector.bitcast %shift_left3A_1188 : vector<16xi32> to vector<16xf32>
        %and3A_1190 = arith.constant -65536 : i32
        %and3A_1191 = vector.broadcast %and3A_1190 : i32 to vector<16xi32>
        %and3A_1192 = arith.andi %get3A_1185, %and3A_1191 : vector<16xi32>
        %bitcast3A_1193 = vector.bitcast %and3A_1192 : vector<16xi32> to vector<16xf32>
        %add3A_1194 = arith.addf %while3A_1109, %bitcast3A_1189 : vector<16xf32>
        %add3A_1195 = arith.addf %while3A_1117, %bitcast3A_1193 : vector<16xf32>
        %get3A_1196 = arith.index_cast %while3A_1103 : i32 to index
        %get3A_1197 = arith.constant 96 : index
        %get3A_1198 = tpu.vector_load %arg10[%get3A_1196, %get3A_1197] {strides = array<i32>} : memref<128x128xi32, #tpu.memory_space<vmem>>, vector<16xi32>,
        %shift_left3A_1199 = arith.constant 16 : i32
        %shift_left3A_1200 = vector.broadcast %shift_left3A_1199 : i32 to vector<16xi32>
        %shift_left3A_1201 = arith.shli %get3A_1198, %shift_left3A_1200 : vector<16xi32>
        %bitcast3A_1202 = vector.bitcast %shift_left3A_1201 : vector<16xi32> to vector<16xf32>
        %and3A_1203 = arith.constant -65536 : i32
        %and3A_1204 = vector.broadcast %and3A_1203 : i32 to vector<16xi32>
        %and3A_1205 = arith.andi %get3A_1198, %and3A_1204 : vector<16xi32>
        %bitcast3A_1206 = vector.bitcast %and3A_1205 : vector<16xi32> to vector<16xf32>
        %add3A_1207 = arith.addf %while3A_1110, %bitcast3A_1202 : vector<16xf32>
        %add3A_1208 = arith.addf %while3A_1118, %bitcast3A_1206 : vector<16xf32>
        %get3A_1209 = arith.index_cast %while3A_1103 : i32 to index
        %get3A_1210 = arith.constant 112 : index
        %get3A_1211 = tpu.vector_load %arg10[%get3A_1209, %get3A_1210] {strides = array<i32>} : memref<128x128xi32, #tpu.memory_space<vmem>>, vector<16xi32>,
        %shift_left3A_1212 = arith.constant 16 : i32
        %shift_left3A_1213 = vector.broadcast %shift_left3A_1212 : i32 to vector<16xi32>
        %shift_left3A_1214 = arith.shli %get3A_1211, %shift_left3A_1213 : vector<16xi32>
        %bitcast3A_1215 = vector.bitcast %shift_left3A_1214 : vector<16xi32> to vector<16xf32>
        %and3A_1216 = arith.constant -65536 : i32
        %and3A_1217 = vector.broadcast %and3A_1216 : i32 to vector<16xi32>
        %and3A_1218 = arith.andi %get3A_1211, %and3A_1217 : vector<16xi32>
        %bitcast3A_1219 = vector.bitcast %and3A_1218 : vector<16xi32> to vector<16xf32>
        %add3A_1220 = arith.addf %while3A_1111, %bitcast3A_1215 : vector<16xf32>
        %add3A_1221 = arith.addf %while3A_1119, %bitcast3A_1219 : vector<16xf32>
        scf.yield %add3A_1129, %add3A_1142, %add3A_1155, %add3A_1168, %add3A_1181, %add3A_1194, %add3A_1207, %add3A_1220, %add3A_1130, %add3A_1143, %add3A_1156, %add3A_1169, %add3A_1182, %add3A_1195, %add3A_1208, %add3A_1221 : vector<16xf32>, vector<16xf32>, vector<16xf32>, vector<16xf32>, vector<16xf32>, vector<16xf32>, vector<16xf32>, vector<16xf32>, vector<16xf32>, vector<16xf32>, vector<16xf32>, vector<16xf32>, vector<16xf32>, vector<16xf32>, vector<16xf32>, vector<16xf32>
      }
      scf.yield %while3A_1102#0, %while3A_1102#1, %while3A_1102#2, %while3A_1102#3, %while3A_1102#4, %while3A_1102#5, %while3A_1102#6, %while3A_1102#7, %while3A_1102#8, %while3A_1102#9, %while3A_1102#10, %while3A_1102#11, %while3A_1102#12, %while3A_1102#13, %while3A_1102#14, %while3A_1102#15 : vector<16xf32>, vector<16xf32>, vector<16xf32>, vector<16xf32>, vector<16xf32>, vector<16xf32>, vector<16xf32>, vector<16xf32>, vector<16xf32>, vector<16xf32>, vector<16xf32>, vector<16xf32>, vector<16xf32>, vector<16xf32>, vector<16xf32>, vector<16xf32>
    }
    %while3A_366 = arith.constant 1 : i32
    %while3A_367:16 = scf.for %while3A_1067 = %while3A_363 to %while3A_359 step %while3A_366 iter_args(%while3A_1068 = %while3A_365#0, %while3A_1069 = %while3A_365#1, %while3A_1070 = %while3A_365#2, %while3A_1071 = %while3A_365#3, %while3A_1072 = %while3A_365#4, %while3A_1073 = %while3A_365#5, %while3A_1074 = %while3A_365#6, %while3A_1075 = %while3A_365#7, %while3A_1076 = %while3A_365#8, %while3A_1077 = %while3A_365#9, %while3A_1078 = %while3A_365#10, %while3A_1079 = %while3A_365#11, %while3A_1080 = %while3A_365#12, %while3A_1081 = %while3A_365#13, %while3A_1082 = %while3A_365#14, %while3A_1083 = %while3A_365#15) -> (vector<16xf32>, vector<16xf32>, vector<16xf32>, vector<16xf32>, vector<16xf32>, vector<16xf32>, vector<16xf32>, vector<16xf32>, vector<16xf32>, vector<16xf32>, vector<16xf32>, vector<16xf32>, vector<16xf32>, vector<16xf32>, vector<16xf32>, vector<16xf32>)  : i32 {
      %mul3A_1084 = arith.constant 128 : i32
      %mul3A_1085 = arith.muli %while3A_1067, %mul3A_1084 : i32
      %add3A_1086 = arith.addi %mul3A_324, %mul3A_1085 : i32
      %multiple_of3A_1087 = tpu.assume_multiple %add3A_1086, 8 : i32
      "tpu.region"() ({
        %run_scoped3A = tpu.sem_alloc : memref<!tpu.dma_semaphore, #tpu.memory_space<semaphore_mem>>
        %dma_start3A = arith.constant 0 : i32
        %dma_start3A_1103 = tpu.memref_slice %arg2[%multiple_of3A_1087, %dma_start3A] : memref<50176x128xi32, #tpu.memory_space<hbm>> -> memref<128x128xi32, #tpu.memory_space<hbm>>
        %dma_start3A_1104 = arith.constant 0 : i32
        %dma_start3A_1105 = tpu.memref_slice %arg2[%multiple_of3A_1087, %dma_start3A_1104] : memref<50176x128xi32, #tpu.memory_space<hbm>> -> memref<128x128xi32, #tpu.memory_space<hbm>>
        tpu.enqueue_dma source(%dma_start3A_1105 : memref<128x128xi32, #tpu.memory_space<hbm>>) target(%arg10 : memref<128x128xi32, #tpu.memory_space<vmem>>) target_semaphore(%run_scoped3A : memref<!tpu.dma_semaphore, #tpu.memory_space<semaphore_mem>>)
        %dma_wait3A = arith.constant 0 : i32
        %dma_wait3A_1106 = tpu.memref_slice %arg2[%multiple_of3A_1087, %dma_wait3A] : memref<50176x128xi32, #tpu.memory_space<hbm>> -> memref<128x128xi32, #tpu.memory_space<hbm>>
        %dma_wait3A_1107 = arith.constant 0 : i32
        %dma_wait3A_1108 = tpu.memref_slice %arg2[%multiple_of3A_1087, %dma_wait3A_1107] : memref<50176x128xi32, #tpu.memory_space<hbm>> -> memref<128x128xi32, #tpu.memory_space<hbm>>
        tpu.wait_dma2 semaphore(%run_scoped3A : memref<!tpu.dma_semaphore, #tpu.memory_space<semaphore_mem>>) src(%dma_wait3A_1108 : memref<128x128xi32, #tpu.memory_space<hbm>>) dst(%arg10 : memref<128x128xi32, #tpu.memory_space<vmem>>)
        tpu.yield
      }) : () -> ()
      %sub3A_1088 = arith.subi %squeeze3A_296, %multiple_of3A_1087 : i32
      %max3A = arith.constant 0 : i32
      %max3A_1089 = arith.maxsi %sub3A_1088, %max3A : i32
      %add3A_1090 = arith.addi %squeeze3A_296, %squeeze3A_298 : i32
      %sub3A_1091 = arith.subi %add3A_1090, %multiple_of3A_1087 : i32
      %min3A = arith.constant 128 : i32
      %min3A_1092 = arith.minsi %sub3A_1091, %min3A : i32
      %while3A_1093 = arith.subi %min3A_1092, %max3A_1089 : i32
      %while3A_1094 = arith.addi %max3A_1089, %while3A_1093 : i32
      %while3A_1095 = arith.constant 1 : i32
      %while3A_1096 = arith.divsi %while3A_1093, %while3A_1095 : i32
      %while3A_1097 = arith.muli %while3A_1096, %while3A_1095 : i32
      %while3A_1098 = arith.addi %max3A_1089, %while3A_1097 : i32
      %while3A_1099 = arith.constant 1 : i32
      %while3A_1100:16 = scf.for %while3A_1103 = %max3A_1089 to %while3A_1098 step %while3A_1099 iter_args(%while3A_1104 = %while3A_1068, %while3A_1105 = %while3A_1069, %while3A_1106 = %while3A_1070, %while3A_1107 = %while3A_1071, %while3A_1108 = %while3A_1072, %while3A_1109 = %while3A_1073, %while3A_1110 = %while3A_1074, %while3A_1111 = %while3A_1075, %while3A_1112 = %while3A_1076, %while3A_1113 = %while3A_1077, %while3A_1114 = %while3A_1078, %while3A_1115 = %while3A_1079, %while3A_1116 = %while3A_1080, %while3A_1117 = %while3A_1081, %while3A_1118 = %while3A_1082, %while3A_1119 = %while3A_1083) -> (vector<16xf32>, vector<16xf32>, vector<16xf32>, vector<16xf32>, vector<16xf32>, vector<16xf32>, vector<16xf32>, vector<16xf32>, vector<16xf32>, vector<16xf32>, vector<16xf32>, vector<16xf32>, vector<16xf32>, vector<16xf32>, vector<16xf32>, vector<16xf32>)  : i32 {
        %get3A_1120 = arith.index_cast %while3A_1103 : i32 to index
        %get3A_1121 = arith.constant 0 : index
        %get3A_1122 = tpu.vector_load %arg10[%get3A_1120, %get3A_1121] {strides = array<i32>} : memref<128x128xi32, #tpu.memory_space<vmem>>, vector<16xi32>,
        %shift_left3A = arith.constant 16 : i32
        %shift_left3A_1123 = vector.broadcast %shift_left3A : i32 to vector<16xi32>
        %shift_left3A_1124 = arith.shli %get3A_1122, %shift_left3A_1123 : vector<16xi32>
        %bitcast3A = vector.bitcast %shift_left3A_1124 : vector<16xi32> to vector<16xf32>
        %and3A_1125 = arith.constant -65536 : i32
        %and3A_1126 = vector.broadcast %and3A_1125 : i32 to vector<16xi32>
        %and3A_1127 = arith.andi %get3A_1122, %and3A_1126 : vector<16xi32>
        %bitcast3A_1128 = vector.bitcast %and3A_1127 : vector<16xi32> to vector<16xf32>
        %add3A_1129 = arith.addf %while3A_1104, %bitcast3A : vector<16xf32>
        %add3A_1130 = arith.addf %while3A_1112, %bitcast3A_1128 : vector<16xf32>
        %get3A_1131 = arith.index_cast %while3A_1103 : i32 to index
        %get3A_1132 = arith.constant 16 : index
        %get3A_1133 = tpu.vector_load %arg10[%get3A_1131, %get3A_1132] {strides = array<i32>} : memref<128x128xi32, #tpu.memory_space<vmem>>, vector<16xi32>,
        %shift_left3A_1134 = arith.constant 16 : i32
        %shift_left3A_1135 = vector.broadcast %shift_left3A_1134 : i32 to vector<16xi32>
        %shift_left3A_1136 = arith.shli %get3A_1133, %shift_left3A_1135 : vector<16xi32>
        %bitcast3A_1137 = vector.bitcast %shift_left3A_1136 : vector<16xi32> to vector<16xf32>
        %and3A_1138 = arith.constant -65536 : i32
        %and3A_1139 = vector.broadcast %and3A_1138 : i32 to vector<16xi32>
        %and3A_1140 = arith.andi %get3A_1133, %and3A_1139 : vector<16xi32>
        %bitcast3A_1141 = vector.bitcast %and3A_1140 : vector<16xi32> to vector<16xf32>
        %add3A_1142 = arith.addf %while3A_1105, %bitcast3A_1137 : vector<16xf32>
        %add3A_1143 = arith.addf %while3A_1113, %bitcast3A_1141 : vector<16xf32>
        %get3A_1144 = arith.index_cast %while3A_1103 : i32 to index
        %get3A_1145 = arith.constant 32 : index
        %get3A_1146 = tpu.vector_load %arg10[%get3A_1144, %get3A_1145] {strides = array<i32>} : memref<128x128xi32, #tpu.memory_space<vmem>>, vector<16xi32>,
        %shift_left3A_1147 = arith.constant 16 : i32
        %shift_left3A_1148 = vector.broadcast %shift_left3A_1147 : i32 to vector<16xi32>
        %shift_left3A_1149 = arith.shli %get3A_1146, %shift_left3A_1148 : vector<16xi32>
        %bitcast3A_1150 = vector.bitcast %shift_left3A_1149 : vector<16xi32> to vector<16xf32>
        %and3A_1151 = arith.constant -65536 : i32
        %and3A_1152 = vector.broadcast %and3A_1151 : i32 to vector<16xi32>
        %and3A_1153 = arith.andi %get3A_1146, %and3A_1152 : vector<16xi32>
        %bitcast3A_1154 = vector.bitcast %and3A_1153 : vector<16xi32> to vector<16xf32>
        %add3A_1155 = arith.addf %while3A_1106, %bitcast3A_1150 : vector<16xf32>
        %add3A_1156 = arith.addf %while3A_1114, %bitcast3A_1154 : vector<16xf32>
        %get3A_1157 = arith.index_cast %while3A_1103 : i32 to index
        %get3A_1158 = arith.constant 48 : index
        %get3A_1159 = tpu.vector_load %arg10[%get3A_1157, %get3A_1158] {strides = array<i32>} : memref<128x128xi32, #tpu.memory_space<vmem>>, vector<16xi32>,
        %shift_left3A_1160 = arith.constant 16 : i32
        %shift_left3A_1161 = vector.broadcast %shift_left3A_1160 : i32 to vector<16xi32>
        %shift_left3A_1162 = arith.shli %get3A_1159, %shift_left3A_1161 : vector<16xi32>
        %bitcast3A_1163 = vector.bitcast %shift_left3A_1162 : vector<16xi32> to vector<16xf32>
        %and3A_1164 = arith.constant -65536 : i32
        %and3A_1165 = vector.broadcast %and3A_1164 : i32 to vector<16xi32>
        %and3A_1166 = arith.andi %get3A_1159, %and3A_1165 : vector<16xi32>
        %bitcast3A_1167 = vector.bitcast %and3A_1166 : vector<16xi32> to vector<16xf32>
        %add3A_1168 = arith.addf %while3A_1107, %bitcast3A_1163 : vector<16xf32>
        %add3A_1169 = arith.addf %while3A_1115, %bitcast3A_1167 : vector<16xf32>
        %get3A_1170 = arith.index_cast %while3A_1103 : i32 to index
        %get3A_1171 = arith.constant 64 : index
        %get3A_1172 = tpu.vector_load %arg10[%get3A_1170, %get3A_1171] {strides = array<i32>} : memref<128x128xi32, #tpu.memory_space<vmem>>, vector<16xi32>,
        %shift_left3A_1173 = arith.constant 16 : i32
        %shift_left3A_1174 = vector.broadcast %shift_left3A_1173 : i32 to vector<16xi32>
        %shift_left3A_1175 = arith.shli %get3A_1172, %shift_left3A_1174 : vector<16xi32>
        %bitcast3A_1176 = vector.bitcast %shift_left3A_1175 : vector<16xi32> to vector<16xf32>
        %and3A_1177 = arith.constant -65536 : i32
        %and3A_1178 = vector.broadcast %and3A_1177 : i32 to vector<16xi32>
        %and3A_1179 = arith.andi %get3A_1172, %and3A_1178 : vector<16xi32>
        %bitcast3A_1180 = vector.bitcast %and3A_1179 : vector<16xi32> to vector<16xf32>
        %add3A_1181 = arith.addf %while3A_1108, %bitcast3A_1176 : vector<16xf32>
        %add3A_1182 = arith.addf %while3A_1116, %bitcast3A_1180 : vector<16xf32>
        %get3A_1183 = arith.index_cast %while3A_1103 : i32 to index
        %get3A_1184 = arith.constant 80 : index
        %get3A_1185 = tpu.vector_load %arg10[%get3A_1183, %get3A_1184] {strides = array<i32>} : memref<128x128xi32, #tpu.memory_space<vmem>>, vector<16xi32>,
        %shift_left3A_1186 = arith.constant 16 : i32
        %shift_left3A_1187 = vector.broadcast %shift_left3A_1186 : i32 to vector<16xi32>
        %shift_left3A_1188 = arith.shli %get3A_1185, %shift_left3A_1187 : vector<16xi32>
        %bitcast3A_1189 = vector.bitcast %shift_left3A_1188 : vector<16xi32> to vector<16xf32>
        %and3A_1190 = arith.constant -65536 : i32
        %and3A_1191 = vector.broadcast %and3A_1190 : i32 to vector<16xi32>
        %and3A_1192 = arith.andi %get3A_1185, %and3A_1191 : vector<16xi32>
        %bitcast3A_1193 = vector.bitcast %and3A_1192 : vector<16xi32> to vector<16xf32>
        %add3A_1194 = arith.addf %while3A_1109, %bitcast3A_1189 : vector<16xf32>
        %add3A_1195 = arith.addf %while3A_1117, %bitcast3A_1193 : vector<16xf32>
        %get3A_1196 = arith.index_cast %while3A_1103 : i32 to index
        %get3A_1197 = arith.constant 96 : index
        %get3A_1198 = tpu.vector_load %arg10[%get3A_1196, %get3A_1197] {strides = array<i32>} : memref<128x128xi32, #tpu.memory_space<vmem>>, vector<16xi32>,
        %shift_left3A_1199 = arith.constant 16 : i32
        %shift_left3A_1200 = vector.broadcast %shift_left3A_1199 : i32 to vector<16xi32>
        %shift_left3A_1201 = arith.shli %get3A_1198, %shift_left3A_1200 : vector<16xi32>
        %bitcast3A_1202 = vector.bitcast %shift_left3A_1201 : vector<16xi32> to vector<16xf32>
        %and3A_1203 = arith.constant -65536 : i32
        %and3A_1204 = vector.broadcast %and3A_1203 : i32 to vector<16xi32>
        %and3A_1205 = arith.andi %get3A_1198, %and3A_1204 : vector<16xi32>
        %bitcast3A_1206 = vector.bitcast %and3A_1205 : vector<16xi32> to vector<16xf32>
        %add3A_1207 = arith.addf %while3A_1110, %bitcast3A_1202 : vector<16xf32>
        %add3A_1208 = arith.addf %while3A_1118, %bitcast3A_1206 : vector<16xf32>
        %get3A_1209 = arith.index_cast %while3A_1103 : i32 to index
        %get3A_1210 = arith.constant 112 : index
        %get3A_1211 = tpu.vector_load %arg10[%get3A_1209, %get3A_1210] {strides = array<i32>} : memref<128x128xi32, #tpu.memory_space<vmem>>, vector<16xi32>,
        %shift_left3A_1212 = arith.constant 16 : i32
        %shift_left3A_1213 = vector.broadcast %shift_left3A_1212 : i32 to vector<16xi32>
        %shift_left3A_1214 = arith.shli %get3A_1211, %shift_left3A_1213 : vector<16xi32>
        %bitcast3A_1215 = vector.bitcast %shift_left3A_1214 : vector<16xi32> to vector<16xf32>
        %and3A_1216 = arith.constant -65536 : i32
        %and3A_1217 = vector.broadcast %and3A_1216 : i32 to vector<16xi32>
        %and3A_1218 = arith.andi %get3A_1211, %and3A_1217 : vector<16xi32>
        %bitcast3A_1219 = vector.bitcast %and3A_1218 : vector<16xi32> to vector<16xf32>
        %add3A_1220 = arith.addf %while3A_1111, %bitcast3A_1215 : vector<16xf32>
        %add3A_1221 = arith.addf %while3A_1119, %bitcast3A_1219 : vector<16xf32>
        scf.yield %add3A_1129, %add3A_1142, %add3A_1155, %add3A_1168, %add3A_1181, %add3A_1194, %add3A_1207, %add3A_1220, %add3A_1130, %add3A_1143, %add3A_1156, %add3A_1169, %add3A_1182, %add3A_1195, %add3A_1208, %add3A_1221 : vector<16xf32>, vector<16xf32>, vector<16xf32>, vector<16xf32>, vector<16xf32>, vector<16xf32>, vector<16xf32>, vector<16xf32>, vector<16xf32>, vector<16xf32>, vector<16xf32>, vector<16xf32>, vector<16xf32>, vector<16xf32>, vector<16xf32>, vector<16xf32>
      }
      %while3A_1101 = arith.constant 1 : i32
      %while3A_1102:16 = scf.for %while3A_1103 = %while3A_1098 to %while3A_1094 step %while3A_1101 iter_args(%while3A_1104 = %while3A_1100#0, %while3A_1105 = %while3A_1100#1, %while3A_1106 = %while3A_1100#2, %while3A_1107 = %while3A_1100#3, %while3A_1108 = %while3A_1100#4, %while3A_1109 = %while3A_1100#5, %while3A_1110 = %while3A_1100#6, %while3A_1111 = %while3A_1100#7, %while3A_1112 = %while3A_1100#8, %while3A_1113 = %while3A_1100#9, %while3A_1114 = %while3A_1100#10, %while3A_1115 = %while3A_1100#11, %while3A_1116 = %while3A_1100#12, %while3A_1117 = %while3A_1100#13, %while3A_1118 = %while3A_1100#14, %while3A_1119 = %while3A_1100#15) -> (vector<16xf32>, vector<16xf32>, vector<16xf32>, vector<16xf32>, vector<16xf32>, vector<16xf32>, vector<16xf32>, vector<16xf32>, vector<16xf32>, vector<16xf32>, vector<16xf32>, vector<16xf32>, vector<16xf32>, vector<16xf32>, vector<16xf32>, vector<16xf32>)  : i32 {
        %get3A_1120 = arith.index_cast %while3A_1103 : i32 to index
        %get3A_1121 = arith.constant 0 : index
        %get3A_1122 = tpu.vector_load %arg10[%get3A_1120, %get3A_1121] {strides = array<i32>} : memref<128x128xi32, #tpu.memory_space<vmem>>, vector<16xi32>,
        %shift_left3A = arith.constant 16 : i32
        %shift_left3A_1123 = vector.broadcast %shift_left3A : i32 to vector<16xi32>
        %shift_left3A_1124 = arith.shli %get3A_1122, %shift_left3A_1123 : vector<16xi32>
        %bitcast3A = vector.bitcast %shift_left3A_1124 : vector<16xi32> to vector<16xf32>
        %and3A_1125 = arith.constant -65536 : i32
        %and3A_1126 = vector.broadcast %and3A_1125 : i32 to vector<16xi32>
        %and3A_1127 = arith.andi %get3A_1122, %and3A_1126 : vector<16xi32>
        %bitcast3A_1128 = vector.bitcast %and3A_1127 : vector<16xi32> to vector<16xf32>
        %add3A_1129 = arith.addf %while3A_1104, %bitcast3A : vector<16xf32>
        %add3A_1130 = arith.addf %while3A_1112, %bitcast3A_1128 : vector<16xf32>
        %get3A_1131 = arith.index_cast %while3A_1103 : i32 to index
        %get3A_1132 = arith.constant 16 : index
        %get3A_1133 = tpu.vector_load %arg10[%get3A_1131, %get3A_1132] {strides = array<i32>} : memref<128x128xi32, #tpu.memory_space<vmem>>, vector<16xi32>,
        %shift_left3A_1134 = arith.constant 16 : i32
        %shift_left3A_1135 = vector.broadcast %shift_left3A_1134 : i32 to vector<16xi32>
        %shift_left3A_1136 = arith.shli %get3A_1133, %shift_left3A_1135 : vector<16xi32>
        %bitcast3A_1137 = vector.bitcast %shift_left3A_1136 : vector<16xi32> to vector<16xf32>
        %and3A_1138 = arith.constant -65536 : i32
        %and3A_1139 = vector.broadcast %and3A_1138 : i32 to vector<16xi32>
        %and3A_1140 = arith.andi %get3A_1133, %and3A_1139 : vector<16xi32>
        %bitcast3A_1141 = vector.bitcast %and3A_1140 : vector<16xi32> to vector<16xf32>
        %add3A_1142 = arith.addf %while3A_1105, %bitcast3A_1137 : vector<16xf32>
        %add3A_1143 = arith.addf %while3A_1113, %bitcast3A_1141 : vector<16xf32>
        %get3A_1144 = arith.index_cast %while3A_1103 : i32 to index
        %get3A_1145 = arith.constant 32 : index
        %get3A_1146 = tpu.vector_load %arg10[%get3A_1144, %get3A_1145] {strides = array<i32>} : memref<128x128xi32, #tpu.memory_space<vmem>>, vector<16xi32>,
        %shift_left3A_1147 = arith.constant 16 : i32
        %shift_left3A_1148 = vector.broadcast %shift_left3A_1147 : i32 to vector<16xi32>
        %shift_left3A_1149 = arith.shli %get3A_1146, %shift_left3A_1148 : vector<16xi32>
        %bitcast3A_1150 = vector.bitcast %shift_left3A_1149 : vector<16xi32> to vector<16xf32>
        %and3A_1151 = arith.constant -65536 : i32
        %and3A_1152 = vector.broadcast %and3A_1151 : i32 to vector<16xi32>
        %and3A_1153 = arith.andi %get3A_1146, %and3A_1152 : vector<16xi32>
        %bitcast3A_1154 = vector.bitcast %and3A_1153 : vector<16xi32> to vector<16xf32>
        %add3A_1155 = arith.addf %while3A_1106, %bitcast3A_1150 : vector<16xf32>
        %add3A_1156 = arith.addf %while3A_1114, %bitcast3A_1154 : vector<16xf32>
        %get3A_1157 = arith.index_cast %while3A_1103 : i32 to index
        %get3A_1158 = arith.constant 48 : index
        %get3A_1159 = tpu.vector_load %arg10[%get3A_1157, %get3A_1158] {strides = array<i32>} : memref<128x128xi32, #tpu.memory_space<vmem>>, vector<16xi32>,
        %shift_left3A_1160 = arith.constant 16 : i32
        %shift_left3A_1161 = vector.broadcast %shift_left3A_1160 : i32 to vector<16xi32>
        %shift_left3A_1162 = arith.shli %get3A_1159, %shift_left3A_1161 : vector<16xi32>
        %bitcast3A_1163 = vector.bitcast %shift_left3A_1162 : vector<16xi32> to vector<16xf32>
        %and3A_1164 = arith.constant -65536 : i32
        %and3A_1165 = vector.broadcast %and3A_1164 : i32 to vector<16xi32>
        %and3A_1166 = arith.andi %get3A_1159, %and3A_1165 : vector<16xi32>
        %bitcast3A_1167 = vector.bitcast %and3A_1166 : vector<16xi32> to vector<16xf32>
        %add3A_1168 = arith.addf %while3A_1107, %bitcast3A_1163 : vector<16xf32>
        %add3A_1169 = arith.addf %while3A_1115, %bitcast3A_1167 : vector<16xf32>
        %get3A_1170 = arith.index_cast %while3A_1103 : i32 to index
        %get3A_1171 = arith.constant 64 : index
        %get3A_1172 = tpu.vector_load %arg10[%get3A_1170, %get3A_1171] {strides = array<i32>} : memref<128x128xi32, #tpu.memory_space<vmem>>, vector<16xi32>,
        %shift_left3A_1173 = arith.constant 16 : i32
        %shift_left3A_1174 = vector.broadcast %shift_left3A_1173 : i32 to vector<16xi32>
        %shift_left3A_1175 = arith.shli %get3A_1172, %shift_left3A_1174 : vector<16xi32>
        %bitcast3A_1176 = vector.bitcast %shift_left3A_1175 : vector<16xi32> to vector<16xf32>
        %and3A_1177 = arith.constant -65536 : i32
        %and3A_1178 = vector.broadcast %and3A_1177 : i32 to vector<16xi32>
        %and3A_1179 = arith.andi %get3A_1172, %and3A_1178 : vector<16xi32>
        %bitcast3A_1180 = vector.bitcast %and3A_1179 : vector<16xi32> to vector<16xf32>
        %add3A_1181 = arith.addf %while3A_1108, %bitcast3A_1176 : vector<16xf32>
        %add3A_1182 = arith.addf %while3A_1116, %bitcast3A_1180 : vector<16xf32>
        %get3A_1183 = arith.index_cast %while3A_1103 : i32 to index
        %get3A_1184 = arith.constant 80 : index
        %get3A_1185 = tpu.vector_load %arg10[%get3A_1183, %get3A_1184] {strides = array<i32>} : memref<128x128xi32, #tpu.memory_space<vmem>>, vector<16xi32>,
        %shift_left3A_1186 = arith.constant 16 : i32
        %shift_left3A_1187 = vector.broadcast %shift_left3A_1186 : i32 to vector<16xi32>
        %shift_left3A_1188 = arith.shli %get3A_1185, %shift_left3A_1187 : vector<16xi32>
        %bitcast3A_1189 = vector.bitcast %shift_left3A_1188 : vector<16xi32> to vector<16xf32>
        %and3A_1190 = arith.constant -65536 : i32
        %and3A_1191 = vector.broadcast %and3A_1190 : i32 to vector<16xi32>
        %and3A_1192 = arith.andi %get3A_1185, %and3A_1191 : vector<16xi32>
        %bitcast3A_1193 = vector.bitcast %and3A_1192 : vector<16xi32> to vector<16xf32>
        %add3A_1194 = arith.addf %while3A_1109, %bitcast3A_1189 : vector<16xf32>
        %add3A_1195 = arith.addf %while3A_1117, %bitcast3A_1193 : vector<16xf32>
        %get3A_1196 = arith.index_cast %while3A_1103 : i32 to index
        %get3A_1197 = arith.constant 96 : index
        %get3A_1198 = tpu.vector_load %arg10[%get3A_1196, %get3A_1197] {strides = array<i32>} : memref<128x128xi32, #tpu.memory_space<vmem>>, vector<16xi32>,
        %shift_left3A_1199 = arith.constant 16 : i32
        %shift_left3A_1200 = vector.broadcast %shift_left3A_1199 : i32 to vector<16xi32>
        %shift_left3A_1201 = arith.shli %get3A_1198, %shift_left3A_1200 : vector<16xi32>
        %bitcast3A_1202 = vector.bitcast %shift_left3A_1201 : vector<16xi32> to vector<16xf32>
        %and3A_1203 = arith.constant -65536 : i32
        %and3A_1204 = vector.broadcast %and3A_1203 : i32 to vector<16xi32>
        %and3A_1205 = arith.andi %get3A_1198, %and3A_1204 : vector<16xi32>
        %bitcast3A_1206 = vector.bitcast %and3A_1205 : vector<16xi32> to vector<16xf32>
        %add3A_1207 = arith.addf %while3A_1110, %bitcast3A_1202 : vector<16xf32>
        %add3A_1208 = arith.addf %while3A_1118, %bitcast3A_1206 : vector<16xf32>
        %get3A_1209 = arith.index_cast %while3A_1103 : i32 to index
        %get3A_1210 = arith.constant 112 : index
        %get3A_1211 = tpu.vector_load %arg10[%get3A_1209, %get3A_1210] {strides = array<i32>} : memref<128x128xi32, #tpu.memory_space<vmem>>, vector<16xi32>,
        %shift_left3A_1212 = arith.constant 16 : i32
        %shift_left3A_1213 = vector.broadcast %shift_left3A_1212 : i32 to vector<16xi32>
        %shift_left3A_1214 = arith.shli %get3A_1211, %shift_left3A_1213 : vector<16xi32>
        %bitcast3A_1215 = vector.bitcast %shift_left3A_1214 : vector<16xi32> to vector<16xf32>
        %and3A_1216 = arith.constant -65536 : i32
        %and3A_1217 = vector.broadcast %and3A_1216 : i32 to vector<16xi32>
        %and3A_1218 = arith.andi %get3A_1211, %and3A_1217 : vector<16xi32>
        %bitcast3A_1219 = vector.bitcast %and3A_1218 : vector<16xi32> to vector<16xf32>
        %add3A_1220 = arith.addf %while3A_1111, %bitcast3A_1215 : vector<16xf32>
        %add3A_1221 = arith.addf %while3A_1119, %bitcast3A_1219 : vector<16xf32>
        scf.yield %add3A_1129, %add3A_1142, %add3A_1155, %add3A_1168, %add3A_1181, %add3A_1194, %add3A_1207, %add3A_1220, %add3A_1130, %add3A_1143, %add3A_1156, %add3A_1169, %add3A_1182, %add3A_1195, %add3A_1208, %add3A_1221 : vector<16xf32>, vector<16xf32>, vector<16xf32>, vector<16xf32>, vector<16xf32>, vector<16xf32>, vector<16xf32>, vector<16xf32>, vector<16xf32>, vector<16xf32>, vector<16xf32>, vector<16xf32>, vector<16xf32>, vector<16xf32>, vector<16xf32>, vector<16xf32>
      }
      scf.yield %while3A_1102#0, %while3A_1102#1, %while3A_1102#2, %while3A_1102#3, %while3A_1102#4, %while3A_1102#5, %while3A_1102#6, %while3A_1102#7, %while3A_1102#8, %while3A_1102#9, %while3A_1102#10, %while3A_1102#11, %while3A_1102#12, %while3A_1102#13, %while3A_1102#14, %while3A_1102#15 : vector<16xf32>, vector<16xf32>, vector<16xf32>, vector<16xf32>, vector<16xf32>, vector<16xf32>, vector<16xf32>, vector<16xf32>, vector<16xf32>, vector<16xf32>, vector<16xf32>, vector<16xf32>, vector<16xf32>, vector<16xf32>, vector<16xf32>, vector<16xf32>
    }
    %add3A_368 = arith.constant 1 : i32
    %add3A_369 = arith.addi %mul3A_36, %add3A_368 : i32
    %get3A_370 = arith.index_cast %add3A_369 : i32 to index
    %get3A_371 = arith.constant 0 : index
    %get3A_372 = tpu.vector_load %arg8[%get3A_370, %get3A_371] {strides = array<i32>} : memref<8x256xf32, #tpu.memory_space<vmem>>, vector<16xf32>,
    %mul3A_373 = arith.mulf %while3A_367#0, %get3A_372 : vector<16xf32>
    %get3A_374 = arith.constant 0 : index
    %get3A_375 = tpu.vector_load %arg9[%get3A_374] {strides = array<i32>} : memref<256xf32, #tpu.memory_space<vmem>>, vector<16xf32>,
    %add3A_376 = arith.addf %mul3A_373, %get3A_375 : vector<16xf32>
    %swap3A_377 = arith.constant 0 : index
    %swap3A_378 = tpu.vector_load %arg11[%swap3A_377] {strides = array<i32>} : memref<256xf32, #tpu.memory_space<vmem>>, vector<16xf32>,
    tpu.vector_store %arg11[%swap3A_377], %add3A_376 {strides = array<i32>} : memref<256xf32, #tpu.memory_space<vmem>>, vector<16xf32>,
    %add3A_379 = arith.constant 1 : i32
    %add3A_380 = arith.addi %mul3A_36, %add3A_379 : i32
    %get3A_381 = arith.index_cast %add3A_380 : i32 to index
    %get3A_382 = arith.constant 16 : index
    %get3A_383 = tpu.vector_load %arg8[%get3A_381, %get3A_382] {strides = array<i32>} : memref<8x256xf32, #tpu.memory_space<vmem>>, vector<16xf32>,
    %mul3A_384 = arith.mulf %while3A_367#1, %get3A_383 : vector<16xf32>
    %get3A_385 = arith.constant 16 : index
    %get3A_386 = tpu.vector_load %arg9[%get3A_385] {strides = array<i32>} : memref<256xf32, #tpu.memory_space<vmem>>, vector<16xf32>,
    %add3A_387 = arith.addf %mul3A_384, %get3A_386 : vector<16xf32>
    %swap3A_388 = arith.constant 16 : index
    %swap3A_389 = tpu.vector_load %arg11[%swap3A_388] {strides = array<i32>} : memref<256xf32, #tpu.memory_space<vmem>>, vector<16xf32>,
    tpu.vector_store %arg11[%swap3A_388], %add3A_387 {strides = array<i32>} : memref<256xf32, #tpu.memory_space<vmem>>, vector<16xf32>,
    %add3A_390 = arith.constant 1 : i32
    %add3A_391 = arith.addi %mul3A_36, %add3A_390 : i32
    %get3A_392 = arith.index_cast %add3A_391 : i32 to index
    %get3A_393 = arith.constant 32 : index
    %get3A_394 = tpu.vector_load %arg8[%get3A_392, %get3A_393] {strides = array<i32>} : memref<8x256xf32, #tpu.memory_space<vmem>>, vector<16xf32>,
    %mul3A_395 = arith.mulf %while3A_367#2, %get3A_394 : vector<16xf32>
    %get3A_396 = arith.constant 32 : index
    %get3A_397 = tpu.vector_load %arg9[%get3A_396] {strides = array<i32>} : memref<256xf32, #tpu.memory_space<vmem>>, vector<16xf32>,
    %add3A_398 = arith.addf %mul3A_395, %get3A_397 : vector<16xf32>
    %swap3A_399 = arith.constant 32 : index
    %swap3A_400 = tpu.vector_load %arg11[%swap3A_399] {strides = array<i32>} : memref<256xf32, #tpu.memory_space<vmem>>, vector<16xf32>,
    tpu.vector_store %arg11[%swap3A_399], %add3A_398 {strides = array<i32>} : memref<256xf32, #tpu.memory_space<vmem>>, vector<16xf32>,
    %add3A_401 = arith.constant 1 : i32
    %add3A_402 = arith.addi %mul3A_36, %add3A_401 : i32
    %get3A_403 = arith.index_cast %add3A_402 : i32 to index
    %get3A_404 = arith.constant 48 : index
    %get3A_405 = tpu.vector_load %arg8[%get3A_403, %get3A_404] {strides = array<i32>} : memref<8x256xf32, #tpu.memory_space<vmem>>, vector<16xf32>,
    %mul3A_406 = arith.mulf %while3A_367#3, %get3A_405 : vector<16xf32>
    %get3A_407 = arith.constant 48 : index
    %get3A_408 = tpu.vector_load %arg9[%get3A_407] {strides = array<i32>} : memref<256xf32, #tpu.memory_space<vmem>>, vector<16xf32>,
    %add3A_409 = arith.addf %mul3A_406, %get3A_408 : vector<16xf32>
    %swap3A_410 = arith.constant 48 : index
    %swap3A_411 = tpu.vector_load %arg11[%swap3A_410] {strides = array<i32>} : memref<256xf32, #tpu.memory_space<vmem>>, vector<16xf32>,
    tpu.vector_store %arg11[%swap3A_410], %add3A_409 {strides = array<i32>} : memref<256xf32, #tpu.memory_space<vmem>>, vector<16xf32>,
    %add3A_412 = arith.constant 1 : i32
    %add3A_413 = arith.addi %mul3A_36, %add3A_412 : i32
    %get3A_414 = arith.index_cast %add3A_413 : i32 to index
    %get3A_415 = arith.constant 64 : index
    %get3A_416 = tpu.vector_load %arg8[%get3A_414, %get3A_415] {strides = array<i32>} : memref<8x256xf32, #tpu.memory_space<vmem>>, vector<16xf32>,
    %mul3A_417 = arith.mulf %while3A_367#4, %get3A_416 : vector<16xf32>
    %get3A_418 = arith.constant 64 : index
    %get3A_419 = tpu.vector_load %arg9[%get3A_418] {strides = array<i32>} : memref<256xf32, #tpu.memory_space<vmem>>, vector<16xf32>,
    %add3A_420 = arith.addf %mul3A_417, %get3A_419 : vector<16xf32>
    %swap3A_421 = arith.constant 64 : index
    %swap3A_422 = tpu.vector_load %arg11[%swap3A_421] {strides = array<i32>} : memref<256xf32, #tpu.memory_space<vmem>>, vector<16xf32>,
    tpu.vector_store %arg11[%swap3A_421], %add3A_420 {strides = array<i32>} : memref<256xf32, #tpu.memory_space<vmem>>, vector<16xf32>,
    %add3A_423 = arith.constant 1 : i32
    %add3A_424 = arith.addi %mul3A_36, %add3A_423 : i32
    %get3A_425 = arith.index_cast %add3A_424 : i32 to index
    %get3A_426 = arith.constant 80 : index
    %get3A_427 = tpu.vector_load %arg8[%get3A_425, %get3A_426] {strides = array<i32>} : memref<8x256xf32, #tpu.memory_space<vmem>>, vector<16xf32>,
    %mul3A_428 = arith.mulf %while3A_367#5, %get3A_427 : vector<16xf32>
    %get3A_429 = arith.constant 80 : index
    %get3A_430 = tpu.vector_load %arg9[%get3A_429] {strides = array<i32>} : memref<256xf32, #tpu.memory_space<vmem>>, vector<16xf32>,
    %add3A_431 = arith.addf %mul3A_428, %get3A_430 : vector<16xf32>
    %swap3A_432 = arith.constant 80 : index
    %swap3A_433 = tpu.vector_load %arg11[%swap3A_432] {strides = array<i32>} : memref<256xf32, #tpu.memory_space<vmem>>, vector<16xf32>,
    tpu.vector_store %arg11[%swap3A_432], %add3A_431 {strides = array<i32>} : memref<256xf32, #tpu.memory_space<vmem>>, vector<16xf32>,
    %add3A_434 = arith.constant 1 : i32
    %add3A_435 = arith.addi %mul3A_36, %add3A_434 : i32
    %get3A_436 = arith.index_cast %add3A_435 : i32 to index
    %get3A_437 = arith.constant 96 : index
    %get3A_438 = tpu.vector_load %arg8[%get3A_436, %get3A_437] {strides = array<i32>} : memref<8x256xf32, #tpu.memory_space<vmem>>, vector<16xf32>,
    %mul3A_439 = arith.mulf %while3A_367#6, %get3A_438 : vector<16xf32>
    %get3A_440 = arith.constant 96 : index
    %get3A_441 = tpu.vector_load %arg9[%get3A_440] {strides = array<i32>} : memref<256xf32, #tpu.memory_space<vmem>>, vector<16xf32>,
    %add3A_442 = arith.addf %mul3A_439, %get3A_441 : vector<16xf32>
    %swap3A_443 = arith.constant 96 : index
    %swap3A_444 = tpu.vector_load %arg11[%swap3A_443] {strides = array<i32>} : memref<256xf32, #tpu.memory_space<vmem>>, vector<16xf32>,
    tpu.vector_store %arg11[%swap3A_443], %add3A_442 {strides = array<i32>} : memref<256xf32, #tpu.memory_space<vmem>>, vector<16xf32>,
    %add3A_445 = arith.constant 1 : i32
    %add3A_446 = arith.addi %mul3A_36, %add3A_445 : i32
    %get3A_447 = arith.index_cast %add3A_446 : i32 to index
    %get3A_448 = arith.constant 112 : index
    %get3A_449 = tpu.vector_load %arg8[%get3A_447, %get3A_448] {strides = array<i32>} : memref<8x256xf32, #tpu.memory_space<vmem>>, vector<16xf32>,
    %mul3A_450 = arith.mulf %while3A_367#7, %get3A_449 : vector<16xf32>
    %get3A_451 = arith.constant 112 : index
    %get3A_452 = tpu.vector_load %arg9[%get3A_451] {strides = array<i32>} : memref<256xf32, #tpu.memory_space<vmem>>, vector<16xf32>,
    %add3A_453 = arith.addf %mul3A_450, %get3A_452 : vector<16xf32>
    %swap3A_454 = arith.constant 112 : index
    %swap3A_455 = tpu.vector_load %arg11[%swap3A_454] {strides = array<i32>} : memref<256xf32, #tpu.memory_space<vmem>>, vector<16xf32>,
    tpu.vector_store %arg11[%swap3A_454], %add3A_453 {strides = array<i32>} : memref<256xf32, #tpu.memory_space<vmem>>, vector<16xf32>,
    %add3A_456 = arith.constant 1 : i32
    %add3A_457 = arith.addi %mul3A_36, %add3A_456 : i32
    %get3A_458 = arith.index_cast %add3A_457 : i32 to index
    %get3A_459 = arith.constant 128 : index
    %get3A_460 = tpu.vector_load %arg8[%get3A_458, %get3A_459] {strides = array<i32>} : memref<8x256xf32, #tpu.memory_space<vmem>>, vector<16xf32>,
    %mul3A_461 = arith.mulf %while3A_367#8, %get3A_460 : vector<16xf32>
    %get3A_462 = arith.constant 128 : index
    %get3A_463 = tpu.vector_load %arg9[%get3A_462] {strides = array<i32>} : memref<256xf32, #tpu.memory_space<vmem>>, vector<16xf32>,
    %add3A_464 = arith.addf %mul3A_461, %get3A_463 : vector<16xf32>
    %swap3A_465 = arith.constant 128 : index
    %swap3A_466 = tpu.vector_load %arg11[%swap3A_465] {strides = array<i32>} : memref<256xf32, #tpu.memory_space<vmem>>, vector<16xf32>,
    tpu.vector_store %arg11[%swap3A_465], %add3A_464 {strides = array<i32>} : memref<256xf32, #tpu.memory_space<vmem>>, vector<16xf32>,
    %add3A_467 = arith.constant 1 : i32
    %add3A_468 = arith.addi %mul3A_36, %add3A_467 : i32
    %get3A_469 = arith.index_cast %add3A_468 : i32 to index
    %get3A_470 = arith.constant 144 : index
    %get3A_471 = tpu.vector_load %arg8[%get3A_469, %get3A_470] {strides = array<i32>} : memref<8x256xf32, #tpu.memory_space<vmem>>, vector<16xf32>,
    %mul3A_472 = arith.mulf %while3A_367#9, %get3A_471 : vector<16xf32>
    %get3A_473 = arith.constant 144 : index
    %get3A_474 = tpu.vector_load %arg9[%get3A_473] {strides = array<i32>} : memref<256xf32, #tpu.memory_space<vmem>>, vector<16xf32>,
    %add3A_475 = arith.addf %mul3A_472, %get3A_474 : vector<16xf32>
    %swap3A_476 = arith.constant 144 : index
    %swap3A_477 = tpu.vector_load %arg11[%swap3A_476] {strides = array<i32>} : memref<256xf32, #tpu.memory_space<vmem>>, vector<16xf32>,
    tpu.vector_store %arg11[%swap3A_476], %add3A_475 {strides = array<i32>} : memref<256xf32, #tpu.memory_space<vmem>>, vector<16xf32>,
    %add3A_478 = arith.constant 1 : i32
    %add3A_479 = arith.addi %mul3A_36, %add3A_478 : i32
    %get3A_480 = arith.index_cast %add3A_479 : i32 to index
    %get3A_481 = arith.constant 160 : index
    %get3A_482 = tpu.vector_load %arg8[%get3A_480, %get3A_481] {strides = array<i32>} : memref<8x256xf32, #tpu.memory_space<vmem>>, vector<16xf32>,
    %mul3A_483 = arith.mulf %while3A_367#10, %get3A_482 : vector<16xf32>
    %get3A_484 = arith.constant 160 : index
    %get3A_485 = tpu.vector_load %arg9[%get3A_484] {strides = array<i32>} : memref<256xf32, #tpu.memory_space<vmem>>, vector<16xf32>,
    %add3A_486 = arith.addf %mul3A_483, %get3A_485 : vector<16xf32>
    %swap3A_487 = arith.constant 160 : index
    %swap3A_488 = tpu.vector_load %arg11[%swap3A_487] {strides = array<i32>} : memref<256xf32, #tpu.memory_space<vmem>>, vector<16xf32>,
    tpu.vector_store %arg11[%swap3A_487], %add3A_486 {strides = array<i32>} : memref<256xf32, #tpu.memory_space<vmem>>, vector<16xf32>,
    %add3A_489 = arith.constant 1 : i32
    %add3A_490 = arith.addi %mul3A_36, %add3A_489 : i32
    %get3A_491 = arith.index_cast %add3A_490 : i32 to index
    %get3A_492 = arith.constant 176 : index
    %get3A_493 = tpu.vector_load %arg8[%get3A_491, %get3A_492] {strides = array<i32>} : memref<8x256xf32, #tpu.memory_space<vmem>>, vector<16xf32>,
    %mul3A_494 = arith.mulf %while3A_367#11, %get3A_493 : vector<16xf32>
    %get3A_495 = arith.constant 176 : index
    %get3A_496 = tpu.vector_load %arg9[%get3A_495] {strides = array<i32>} : memref<256xf32, #tpu.memory_space<vmem>>, vector<16xf32>,
    %add3A_497 = arith.addf %mul3A_494, %get3A_496 : vector<16xf32>
    %swap3A_498 = arith.constant 176 : index
    %swap3A_499 = tpu.vector_load %arg11[%swap3A_498] {strides = array<i32>} : memref<256xf32, #tpu.memory_space<vmem>>, vector<16xf32>,
    tpu.vector_store %arg11[%swap3A_498], %add3A_497 {strides = array<i32>} : memref<256xf32, #tpu.memory_space<vmem>>, vector<16xf32>,
    %add3A_500 = arith.constant 1 : i32
    %add3A_501 = arith.addi %mul3A_36, %add3A_500 : i32
    %get3A_502 = arith.index_cast %add3A_501 : i32 to index
    %get3A_503 = arith.constant 192 : index
    %get3A_504 = tpu.vector_load %arg8[%get3A_502, %get3A_503] {strides = array<i32>} : memref<8x256xf32, #tpu.memory_space<vmem>>, vector<16xf32>,
    %mul3A_505 = arith.mulf %while3A_367#12, %get3A_504 : vector<16xf32>
    %get3A_506 = arith.constant 192 : index
    %get3A_507 = tpu.vector_load %arg9[%get3A_506] {strides = array<i32>} : memref<256xf32, #tpu.memory_space<vmem>>, vector<16xf32>,
    %add3A_508 = arith.addf %mul3A_505, %get3A_507 : vector<16xf32>
    %swap3A_509 = arith.constant 192 : index
    %swap3A_510 = tpu.vector_load %arg11[%swap3A_509] {strides = array<i32>} : memref<256xf32, #tpu.memory_space<vmem>>, vector<16xf32>,
    tpu.vector_store %arg11[%swap3A_509], %add3A_508 {strides = array<i32>} : memref<256xf32, #tpu.memory_space<vmem>>, vector<16xf32>,
    %add3A_511 = arith.constant 1 : i32
    %add3A_512 = arith.addi %mul3A_36, %add3A_511 : i32
    %get3A_513 = arith.index_cast %add3A_512 : i32 to index
    %get3A_514 = arith.constant 208 : index
    %get3A_515 = tpu.vector_load %arg8[%get3A_513, %get3A_514] {strides = array<i32>} : memref<8x256xf32, #tpu.memory_space<vmem>>, vector<16xf32>,
    %mul3A_516 = arith.mulf %while3A_367#13, %get3A_515 : vector<16xf32>
    %get3A_517 = arith.constant 208 : index
    %get3A_518 = tpu.vector_load %arg9[%get3A_517] {strides = array<i32>} : memref<256xf32, #tpu.memory_space<vmem>>, vector<16xf32>,
    %add3A_519 = arith.addf %mul3A_516, %get3A_518 : vector<16xf32>
    %swap3A_520 = arith.constant 208 : index
    %swap3A_521 = tpu.vector_load %arg11[%swap3A_520] {strides = array<i32>} : memref<256xf32, #tpu.memory_space<vmem>>, vector<16xf32>,
    tpu.vector_store %arg11[%swap3A_520], %add3A_519 {strides = array<i32>} : memref<256xf32, #tpu.memory_space<vmem>>, vector<16xf32>,
    %add3A_522 = arith.constant 1 : i32
    %add3A_523 = arith.addi %mul3A_36, %add3A_522 : i32
    %get3A_524 = arith.index_cast %add3A_523 : i32 to index
    %get3A_525 = arith.constant 224 : index
    %get3A_526 = tpu.vector_load %arg8[%get3A_524, %get3A_525] {strides = array<i32>} : memref<8x256xf32, #tpu.memory_space<vmem>>, vector<16xf32>,
    %mul3A_527 = arith.mulf %while3A_367#14, %get3A_526 : vector<16xf32>
    %get3A_528 = arith.constant 224 : index
    %get3A_529 = tpu.vector_load %arg9[%get3A_528] {strides = array<i32>} : memref<256xf32, #tpu.memory_space<vmem>>, vector<16xf32>,
    %add3A_530 = arith.addf %mul3A_527, %get3A_529 : vector<16xf32>
    %swap3A_531 = arith.constant 224 : index
    %swap3A_532 = tpu.vector_load %arg11[%swap3A_531] {strides = array<i32>} : memref<256xf32, #tpu.memory_space<vmem>>, vector<16xf32>,
    tpu.vector_store %arg11[%swap3A_531], %add3A_530 {strides = array<i32>} : memref<256xf32, #tpu.memory_space<vmem>>, vector<16xf32>,
    %add3A_533 = arith.constant 1 : i32
    %add3A_534 = arith.addi %mul3A_36, %add3A_533 : i32
    %get3A_535 = arith.index_cast %add3A_534 : i32 to index
    %get3A_536 = arith.constant 240 : index
    %get3A_537 = tpu.vector_load %arg8[%get3A_535, %get3A_536] {strides = array<i32>} : memref<8x256xf32, #tpu.memory_space<vmem>>, vector<16xf32>,
    %mul3A_538 = arith.mulf %while3A_367#15, %get3A_537 : vector<16xf32>
    %get3A_539 = arith.constant 240 : index
    %get3A_540 = tpu.vector_load %arg9[%get3A_539] {strides = array<i32>} : memref<256xf32, #tpu.memory_space<vmem>>, vector<16xf32>,
    %add3A_541 = arith.addf %mul3A_538, %get3A_540 : vector<16xf32>
    %swap3A_542 = arith.constant 240 : index
    %swap3A_543 = tpu.vector_load %arg11[%swap3A_542] {strides = array<i32>} : memref<256xf32, #tpu.memory_space<vmem>>, vector<16xf32>,
    tpu.vector_store %arg11[%swap3A_542], %add3A_541 {strides = array<i32>} : memref<256xf32, #tpu.memory_space<vmem>>, vector<16xf32>,
    %add3A_544 = arith.constant 1 : i32
    %add3A_545 = arith.addi %mul3A_2, %add3A_544 : i32
    %mul3A_546 = arith.constant 256 : i32
    %mul3A_547 = arith.muli %add3A_545, %mul3A_546 : i32
    %multiple_of3A_548 = tpu.assume_multiple %mul3A_547, 8 : i32
    "tpu.region"() ({
      %run_scoped3A = tpu.sem_alloc : memref<!tpu.dma_semaphore, #tpu.memory_space<semaphore_mem>>
      %dma_start3A = tpu.memref_slice %arg6[%multiple_of3A_548] : memref<32768xf32, #tpu.memory_space<hbm>> -> memref<256xf32, #tpu.memory_space<hbm>>
      %dma_start3A_1067 = tpu.memref_slice %arg6[%multiple_of3A_548] : memref<32768xf32, #tpu.memory_space<hbm>> -> memref<256xf32, #tpu.memory_space<hbm>>
      tpu.enqueue_dma source(%arg11 : memref<256xf32, #tpu.memory_space<vmem>>) target(%dma_start3A_1067 : memref<256xf32, #tpu.memory_space<hbm>>) target_semaphore(%run_scoped3A : memref<!tpu.dma_semaphore, #tpu.memory_space<semaphore_mem>>)
      %dma_wait3A = tpu.memref_slice %arg6[%multiple_of3A_548] : memref<32768xf32, #tpu.memory_space<hbm>> -> memref<256xf32, #tpu.memory_space<hbm>>
      %dma_wait3A_1068 = tpu.memref_slice %arg6[%multiple_of3A_548] : memref<32768xf32, #tpu.memory_space<hbm>> -> memref<256xf32, #tpu.memory_space<hbm>>
      tpu.wait_dma2 semaphore(%run_scoped3A : memref<!tpu.dma_semaphore, #tpu.memory_space<semaphore_mem>>) src(%arg11 : memref<256xf32, #tpu.memory_space<vmem>>) dst(%dma_wait3A_1068 : memref<256xf32, #tpu.memory_space<hbm>>)
      tpu.yield
    }) : () -> ()
    %add3A_549 = arith.constant 2 : i32
    %add3A_550 = arith.addi %mul3A_36, %add3A_549 : i32
    %get3A_551 = arith.index_cast %add3A_550 : i32 to index
    %get3A_552 = arith.constant 0 : index
    %get3A_553 = tpu.vector_load %arg7[%get3A_551, %get3A_552] {strides = array<i32>} : memref<8x16xi32, #tpu.memory_space<vmem>>, vector<16xi32>,
    %slice3A_554 = vector.extract_strided_slice %get3A_553 {offsets = [0], sizes = [1], strides = [1]} : vector<16xi32> to vector<1xi32>
    %squeeze3A_555 = vector.extract %slice3A_554[0] : i32 from vector<1xi32>
    %slice3A_556 = vector.extract_strided_slice %get3A_553 {offsets = [1], sizes = [1], strides = [1]} : vector<16xi32> to vector<1xi32>
    %squeeze3A_557 = vector.extract %slice3A_556[0] : i32 from vector<1xi32>
    %jit3A_558 = arith.constant 8 : i32
    %div3A_559 = arith.divsi %squeeze3A_555, %jit3A_558 : i32
    %sign3A_560 = arith.constant 0 : i32
    %sign3A_561 = arith.cmpi sgt, %squeeze3A_555, %sign3A_560 : i32
    %sign3A_562 = arith.extui %sign3A_561 : i1 to i32
    %sign3A_563 = arith.constant 0 : i32
    %sign3A_564 = arith.cmpi slt, %squeeze3A_555, %sign3A_563 : i32
    %sign3A_565 = arith.extui %sign3A_564 : i1 to i32
    %sign3A_566 = arith.subi %sign3A_562, %sign3A_565 : i32
    %sign3A_567 = arith.constant 0 : i32
    %sign3A_568 = arith.cmpi sgt, %jit3A_558, %sign3A_567 : i32
    %sign3A_569 = arith.extui %sign3A_568 : i1 to i32
    %sign3A_570 = arith.constant 0 : i32
    %sign3A_571 = arith.cmpi slt, %jit3A_558, %sign3A_570 : i32
    %sign3A_572 = arith.extui %sign3A_571 : i1 to i32
    %sign3A_573 = arith.subi %sign3A_569, %sign3A_572 : i32
    %ne3A_574 = arith.cmpi ne, %sign3A_566, %sign3A_573 : i32
    %rem3A_575 = arith.remsi %squeeze3A_555, %jit3A_558 : i32
    %ne3A_576 = arith.constant 0 : i32
    %ne3A_577 = arith.cmpi ne, %rem3A_575, %ne3A_576 : i32
    %and3A_578 = arith.andi %ne3A_574, %ne3A_577 : i1
    %sub3A_579 = arith.constant 1 : i32
    %sub3A_580 = arith.subi %div3A_559, %sub3A_579 : i32
    %select_n3A_581 = arith.select %and3A_578, %sub3A_580, %div3A_559 : i32
    %mul3A_582 = arith.constant 8 : i32
    %mul3A_583 = arith.muli %select_n3A_581, %mul3A_582 : i32
    %sub3A_584 = arith.subi %squeeze3A_555, %mul3A_583 : i32
    %add3A_585 = arith.addi %squeeze3A_557, %sub3A_584 : i32
    %add3A_586 = arith.constant 128 : i32
    %add3A_587 = arith.addi %add3A_585, %add3A_586 : i32
    %sub3A_588 = arith.constant 1 : i32
    %sub3A_589 = arith.subi %add3A_587, %sub3A_588 : i32
    %jit3A_590 = arith.constant 128 : i32
    %div3A_591 = arith.divsi %sub3A_589, %jit3A_590 : i32
    %sign3A_592 = arith.constant 0 : i32
    %sign3A_593 = arith.cmpi sgt, %sub3A_589, %sign3A_592 : i32
    %sign3A_594 = arith.extui %sign3A_593 : i1 to i32
    %sign3A_595 = arith.constant 0 : i32
    %sign3A_596 = arith.cmpi slt, %sub3A_589, %sign3A_595 : i32
    %sign3A_597 = arith.extui %sign3A_596 : i1 to i32
    %sign3A_598 = arith.subi %sign3A_594, %sign3A_597 : i32
    %sign3A_599 = arith.constant 0 : i32
    %sign3A_600 = arith.cmpi sgt, %jit3A_590, %sign3A_599 : i32
    %sign3A_601 = arith.extui %sign3A_600 : i1 to i32
    %sign3A_602 = arith.constant 0 : i32
    %sign3A_603 = arith.cmpi slt, %jit3A_590, %sign3A_602 : i32
    %sign3A_604 = arith.extui %sign3A_603 : i1 to i32
    %sign3A_605 = arith.subi %sign3A_601, %sign3A_604 : i32
    %ne3A_606 = arith.cmpi ne, %sign3A_598, %sign3A_605 : i32
    %rem3A_607 = arith.remsi %sub3A_589, %jit3A_590 : i32
    %ne3A_608 = arith.constant 0 : i32
    %ne3A_609 = arith.cmpi ne, %rem3A_607, %ne3A_608 : i32
    %and3A_610 = arith.andi %ne3A_606, %ne3A_609 : i1
    %sub3A_611 = arith.constant 1 : i32
    %sub3A_612 = arith.subi %div3A_591, %sub3A_611 : i32
    %select_n3A_613 = arith.select %and3A_610, %sub3A_612, %div3A_591 : i32
    %broadcast_in_dim3A_614 = arith.constant 0.000000e+00 : f32
    %broadcast_in_dim3A_615 = vector.broadcast %broadcast_in_dim3A_614 : f32 to vector<16xf32>
    %while3A_616 = arith.constant 0 : i32
    %while3A_617 = arith.subi %select_n3A_613, %while3A_616 : i32
    %while3A_618 = arith.addi %while3A_616, %while3A_617 : i32
    %while3A_619 = arith.constant 1 : i32
    %while3A_620 = arith.divsi %while3A_617, %while3A_619 : i32
    %while3A_621 = arith.muli %while3A_620, %while3A_619 : i32
    %while3A_622 = arith.addi %while3A_616, %while3A_621 : i32
    %while3A_623 = arith.constant 1 : i32
    %while3A_624:16 = scf.for %while3A_1067 = %while3A_616 to %while3A_622 step %while3A_623 iter_args(%while3A_1068 = %broadcast_in_dim3A_615, %while3A_1069 = %broadcast_in_dim3A_615, %while3A_1070 = %broadcast_in_dim3A_615, %while3A_1071 = %broadcast_in_dim3A_615, %while3A_1072 = %broadcast_in_dim3A_615, %while3A_1073 = %broadcast_in_dim3A_615, %while3A_1074 = %broadcast_in_dim3A_615, %while3A_1075 = %broadcast_in_dim3A_615, %while3A_1076 = %broadcast_in_dim3A_615, %while3A_1077 = %broadcast_in_dim3A_615, %while3A_1078 = %broadcast_in_dim3A_615, %while3A_1079 = %broadcast_in_dim3A_615, %while3A_1080 = %broadcast_in_dim3A_615, %while3A_1081 = %broadcast_in_dim3A_615, %while3A_1082 = %broadcast_in_dim3A_615, %while3A_1083 = %broadcast_in_dim3A_615) -> (vector<16xf32>, vector<16xf32>, vector<16xf32>, vector<16xf32>, vector<16xf32>, vector<16xf32>, vector<16xf32>, vector<16xf32>, vector<16xf32>, vector<16xf32>, vector<16xf32>, vector<16xf32>, vector<16xf32>, vector<16xf32>, vector<16xf32>, vector<16xf32>)  : i32 {
      %mul3A_1084 = arith.constant 128 : i32
      %mul3A_1085 = arith.muli %while3A_1067, %mul3A_1084 : i32
      %add3A_1086 = arith.addi %mul3A_583, %mul3A_1085 : i32
      %multiple_of3A_1087 = tpu.assume_multiple %add3A_1086, 8 : i32
      "tpu.region"() ({
        %run_scoped3A = tpu.sem_alloc : memref<!tpu.dma_semaphore, #tpu.memory_space<semaphore_mem>>
        %dma_start3A = arith.constant 0 : i32
        %dma_start3A_1103 = tpu.memref_slice %arg2[%multiple_of3A_1087, %dma_start3A] : memref<50176x128xi32, #tpu.memory_space<hbm>> -> memref<128x128xi32, #tpu.memory_space<hbm>>
        %dma_start3A_1104 = arith.constant 0 : i32
        %dma_start3A_1105 = tpu.memref_slice %arg2[%multiple_of3A_1087, %dma_start3A_1104] : memref<50176x128xi32, #tpu.memory_space<hbm>> -> memref<128x128xi32, #tpu.memory_space<hbm>>
        tpu.enqueue_dma source(%dma_start3A_1105 : memref<128x128xi32, #tpu.memory_space<hbm>>) target(%arg10 : memref<128x128xi32, #tpu.memory_space<vmem>>) target_semaphore(%run_scoped3A : memref<!tpu.dma_semaphore, #tpu.memory_space<semaphore_mem>>)
        %dma_wait3A = arith.constant 0 : i32
        %dma_wait3A_1106 = tpu.memref_slice %arg2[%multiple_of3A_1087, %dma_wait3A] : memref<50176x128xi32, #tpu.memory_space<hbm>> -> memref<128x128xi32, #tpu.memory_space<hbm>>
        %dma_wait3A_1107 = arith.constant 0 : i32
        %dma_wait3A_1108 = tpu.memref_slice %arg2[%multiple_of3A_1087, %dma_wait3A_1107] : memref<50176x128xi32, #tpu.memory_space<hbm>> -> memref<128x128xi32, #tpu.memory_space<hbm>>
        tpu.wait_dma2 semaphore(%run_scoped3A : memref<!tpu.dma_semaphore, #tpu.memory_space<semaphore_mem>>) src(%dma_wait3A_1108 : memref<128x128xi32, #tpu.memory_space<hbm>>) dst(%arg10 : memref<128x128xi32, #tpu.memory_space<vmem>>)
        tpu.yield
      }) : () -> ()
      %sub3A_1088 = arith.subi %squeeze3A_555, %multiple_of3A_1087 : i32
      %max3A = arith.constant 0 : i32
      %max3A_1089 = arith.maxsi %sub3A_1088, %max3A : i32
      %add3A_1090 = arith.addi %squeeze3A_555, %squeeze3A_557 : i32
      %sub3A_1091 = arith.subi %add3A_1090, %multiple_of3A_1087 : i32
      %min3A = arith.constant 128 : i32
      %min3A_1092 = arith.minsi %sub3A_1091, %min3A : i32
      %while3A_1093 = arith.subi %min3A_1092, %max3A_1089 : i32
      %while3A_1094 = arith.addi %max3A_1089, %while3A_1093 : i32
      %while3A_1095 = arith.constant 1 : i32
      %while3A_1096 = arith.divsi %while3A_1093, %while3A_1095 : i32
      %while3A_1097 = arith.muli %while3A_1096, %while3A_1095 : i32
      %while3A_1098 = arith.addi %max3A_1089, %while3A_1097 : i32
      %while3A_1099 = arith.constant 1 : i32
      %while3A_1100:16 = scf.for %while3A_1103 = %max3A_1089 to %while3A_1098 step %while3A_1099 iter_args(%while3A_1104 = %while3A_1068, %while3A_1105 = %while3A_1069, %while3A_1106 = %while3A_1070, %while3A_1107 = %while3A_1071, %while3A_1108 = %while3A_1072, %while3A_1109 = %while3A_1073, %while3A_1110 = %while3A_1074, %while3A_1111 = %while3A_1075, %while3A_1112 = %while3A_1076, %while3A_1113 = %while3A_1077, %while3A_1114 = %while3A_1078, %while3A_1115 = %while3A_1079, %while3A_1116 = %while3A_1080, %while3A_1117 = %while3A_1081, %while3A_1118 = %while3A_1082, %while3A_1119 = %while3A_1083) -> (vector<16xf32>, vector<16xf32>, vector<16xf32>, vector<16xf32>, vector<16xf32>, vector<16xf32>, vector<16xf32>, vector<16xf32>, vector<16xf32>, vector<16xf32>, vector<16xf32>, vector<16xf32>, vector<16xf32>, vector<16xf32>, vector<16xf32>, vector<16xf32>)  : i32 {
        %get3A_1120 = arith.index_cast %while3A_1103 : i32 to index
        %get3A_1121 = arith.constant 0 : index
        %get3A_1122 = tpu.vector_load %arg10[%get3A_1120, %get3A_1121] {strides = array<i32>} : memref<128x128xi32, #tpu.memory_space<vmem>>, vector<16xi32>,
        %shift_left3A = arith.constant 16 : i32
        %shift_left3A_1123 = vector.broadcast %shift_left3A : i32 to vector<16xi32>
        %shift_left3A_1124 = arith.shli %get3A_1122, %shift_left3A_1123 : vector<16xi32>
        %bitcast3A = vector.bitcast %shift_left3A_1124 : vector<16xi32> to vector<16xf32>
        %and3A_1125 = arith.constant -65536 : i32
        %and3A_1126 = vector.broadcast %and3A_1125 : i32 to vector<16xi32>
        %and3A_1127 = arith.andi %get3A_1122, %and3A_1126 : vector<16xi32>
        %bitcast3A_1128 = vector.bitcast %and3A_1127 : vector<16xi32> to vector<16xf32>
        %add3A_1129 = arith.addf %while3A_1104, %bitcast3A : vector<16xf32>
        %add3A_1130 = arith.addf %while3A_1112, %bitcast3A_1128 : vector<16xf32>
        %get3A_1131 = arith.index_cast %while3A_1103 : i32 to index
        %get3A_1132 = arith.constant 16 : index
        %get3A_1133 = tpu.vector_load %arg10[%get3A_1131, %get3A_1132] {strides = array<i32>} : memref<128x128xi32, #tpu.memory_space<vmem>>, vector<16xi32>,
        %shift_left3A_1134 = arith.constant 16 : i32
        %shift_left3A_1135 = vector.broadcast %shift_left3A_1134 : i32 to vector<16xi32>
        %shift_left3A_1136 = arith.shli %get3A_1133, %shift_left3A_1135 : vector<16xi32>
        %bitcast3A_1137 = vector.bitcast %shift_left3A_1136 : vector<16xi32> to vector<16xf32>
        %and3A_1138 = arith.constant -65536 : i32
        %and3A_1139 = vector.broadcast %and3A_1138 : i32 to vector<16xi32>
        %and3A_1140 = arith.andi %get3A_1133, %and3A_1139 : vector<16xi32>
        %bitcast3A_1141 = vector.bitcast %and3A_1140 : vector<16xi32> to vector<16xf32>
        %add3A_1142 = arith.addf %while3A_1105, %bitcast3A_1137 : vector<16xf32>
        %add3A_1143 = arith.addf %while3A_1113, %bitcast3A_1141 : vector<16xf32>
        %get3A_1144 = arith.index_cast %while3A_1103 : i32 to index
        %get3A_1145 = arith.constant 32 : index
        %get3A_1146 = tpu.vector_load %arg10[%get3A_1144, %get3A_1145] {strides = array<i32>} : memref<128x128xi32, #tpu.memory_space<vmem>>, vector<16xi32>,
        %shift_left3A_1147 = arith.constant 16 : i32
        %shift_left3A_1148 = vector.broadcast %shift_left3A_1147 : i32 to vector<16xi32>
        %shift_left3A_1149 = arith.shli %get3A_1146, %shift_left3A_1148 : vector<16xi32>
        %bitcast3A_1150 = vector.bitcast %shift_left3A_1149 : vector<16xi32> to vector<16xf32>
        %and3A_1151 = arith.constant -65536 : i32
        %and3A_1152 = vector.broadcast %and3A_1151 : i32 to vector<16xi32>
        %and3A_1153 = arith.andi %get3A_1146, %and3A_1152 : vector<16xi32>
        %bitcast3A_1154 = vector.bitcast %and3A_1153 : vector<16xi32> to vector<16xf32>
        %add3A_1155 = arith.addf %while3A_1106, %bitcast3A_1150 : vector<16xf32>
        %add3A_1156 = arith.addf %while3A_1114, %bitcast3A_1154 : vector<16xf32>
        %get3A_1157 = arith.index_cast %while3A_1103 : i32 to index
        %get3A_1158 = arith.constant 48 : index
        %get3A_1159 = tpu.vector_load %arg10[%get3A_1157, %get3A_1158] {strides = array<i32>} : memref<128x128xi32, #tpu.memory_space<vmem>>, vector<16xi32>,
        %shift_left3A_1160 = arith.constant 16 : i32
        %shift_left3A_1161 = vector.broadcast %shift_left3A_1160 : i32 to vector<16xi32>
        %shift_left3A_1162 = arith.shli %get3A_1159, %shift_left3A_1161 : vector<16xi32>
        %bitcast3A_1163 = vector.bitcast %shift_left3A_1162 : vector<16xi32> to vector<16xf32>
        %and3A_1164 = arith.constant -65536 : i32
        %and3A_1165 = vector.broadcast %and3A_1164 : i32 to vector<16xi32>
        %and3A_1166 = arith.andi %get3A_1159, %and3A_1165 : vector<16xi32>
        %bitcast3A_1167 = vector.bitcast %and3A_1166 : vector<16xi32> to vector<16xf32>
        %add3A_1168 = arith.addf %while3A_1107, %bitcast3A_1163 : vector<16xf32>
        %add3A_1169 = arith.addf %while3A_1115, %bitcast3A_1167 : vector<16xf32>
        %get3A_1170 = arith.index_cast %while3A_1103 : i32 to index
        %get3A_1171 = arith.constant 64 : index
        %get3A_1172 = tpu.vector_load %arg10[%get3A_1170, %get3A_1171] {strides = array<i32>} : memref<128x128xi32, #tpu.memory_space<vmem>>, vector<16xi32>,
        %shift_left3A_1173 = arith.constant 16 : i32
        %shift_left3A_1174 = vector.broadcast %shift_left3A_1173 : i32 to vector<16xi32>
        %shift_left3A_1175 = arith.shli %get3A_1172, %shift_left3A_1174 : vector<16xi32>
        %bitcast3A_1176 = vector.bitcast %shift_left3A_1175 : vector<16xi32> to vector<16xf32>
        %and3A_1177 = arith.constant -65536 : i32
        %and3A_1178 = vector.broadcast %and3A_1177 : i32 to vector<16xi32>
        %and3A_1179 = arith.andi %get3A_1172, %and3A_1178 : vector<16xi32>
        %bitcast3A_1180 = vector.bitcast %and3A_1179 : vector<16xi32> to vector<16xf32>
        %add3A_1181 = arith.addf %while3A_1108, %bitcast3A_1176 : vector<16xf32>
        %add3A_1182 = arith.addf %while3A_1116, %bitcast3A_1180 : vector<16xf32>
        %get3A_1183 = arith.index_cast %while3A_1103 : i32 to index
        %get3A_1184 = arith.constant 80 : index
        %get3A_1185 = tpu.vector_load %arg10[%get3A_1183, %get3A_1184] {strides = array<i32>} : memref<128x128xi32, #tpu.memory_space<vmem>>, vector<16xi32>,
        %shift_left3A_1186 = arith.constant 16 : i32
        %shift_left3A_1187 = vector.broadcast %shift_left3A_1186 : i32 to vector<16xi32>
        %shift_left3A_1188 = arith.shli %get3A_1185, %shift_left3A_1187 : vector<16xi32>
        %bitcast3A_1189 = vector.bitcast %shift_left3A_1188 : vector<16xi32> to vector<16xf32>
        %and3A_1190 = arith.constant -65536 : i32
        %and3A_1191 = vector.broadcast %and3A_1190 : i32 to vector<16xi32>
        %and3A_1192 = arith.andi %get3A_1185, %and3A_1191 : vector<16xi32>
        %bitcast3A_1193 = vector.bitcast %and3A_1192 : vector<16xi32> to vector<16xf32>
        %add3A_1194 = arith.addf %while3A_1109, %bitcast3A_1189 : vector<16xf32>
        %add3A_1195 = arith.addf %while3A_1117, %bitcast3A_1193 : vector<16xf32>
        %get3A_1196 = arith.index_cast %while3A_1103 : i32 to index
        %get3A_1197 = arith.constant 96 : index
        %get3A_1198 = tpu.vector_load %arg10[%get3A_1196, %get3A_1197] {strides = array<i32>} : memref<128x128xi32, #tpu.memory_space<vmem>>, vector<16xi32>,
        %shift_left3A_1199 = arith.constant 16 : i32
        %shift_left3A_1200 = vector.broadcast %shift_left3A_1199 : i32 to vector<16xi32>
        %shift_left3A_1201 = arith.shli %get3A_1198, %shift_left3A_1200 : vector<16xi32>
        %bitcast3A_1202 = vector.bitcast %shift_left3A_1201 : vector<16xi32> to vector<16xf32>
        %and3A_1203 = arith.constant -65536 : i32
        %and3A_1204 = vector.broadcast %and3A_1203 : i32 to vector<16xi32>
        %and3A_1205 = arith.andi %get3A_1198, %and3A_1204 : vector<16xi32>
        %bitcast3A_1206 = vector.bitcast %and3A_1205 : vector<16xi32> to vector<16xf32>
        %add3A_1207 = arith.addf %while3A_1110, %bitcast3A_1202 : vector<16xf32>
        %add3A_1208 = arith.addf %while3A_1118, %bitcast3A_1206 : vector<16xf32>
        %get3A_1209 = arith.index_cast %while3A_1103 : i32 to index
        %get3A_1210 = arith.constant 112 : index
        %get3A_1211 = tpu.vector_load %arg10[%get3A_1209, %get3A_1210] {strides = array<i32>} : memref<128x128xi32, #tpu.memory_space<vmem>>, vector<16xi32>,
        %shift_left3A_1212 = arith.constant 16 : i32
        %shift_left3A_1213 = vector.broadcast %shift_left3A_1212 : i32 to vector<16xi32>
        %shift_left3A_1214 = arith.shli %get3A_1211, %shift_left3A_1213 : vector<16xi32>
        %bitcast3A_1215 = vector.bitcast %shift_left3A_1214 : vector<16xi32> to vector<16xf32>
        %and3A_1216 = arith.constant -65536 : i32
        %and3A_1217 = vector.broadcast %and3A_1216 : i32 to vector<16xi32>
        %and3A_1218 = arith.andi %get3A_1211, %and3A_1217 : vector<16xi32>
        %bitcast3A_1219 = vector.bitcast %and3A_1218 : vector<16xi32> to vector<16xf32>
        %add3A_1220 = arith.addf %while3A_1111, %bitcast3A_1215 : vector<16xf32>
        %add3A_1221 = arith.addf %while3A_1119, %bitcast3A_1219 : vector<16xf32>
        scf.yield %add3A_1129, %add3A_1142, %add3A_1155, %add3A_1168, %add3A_1181, %add3A_1194, %add3A_1207, %add3A_1220, %add3A_1130, %add3A_1143, %add3A_1156, %add3A_1169, %add3A_1182, %add3A_1195, %add3A_1208, %add3A_1221 : vector<16xf32>, vector<16xf32>, vector<16xf32>, vector<16xf32>, vector<16xf32>, vector<16xf32>, vector<16xf32>, vector<16xf32>, vector<16xf32>, vector<16xf32>, vector<16xf32>, vector<16xf32>, vector<16xf32>, vector<16xf32>, vector<16xf32>, vector<16xf32>
      }
      %while3A_1101 = arith.constant 1 : i32
      %while3A_1102:16 = scf.for %while3A_1103 = %while3A_1098 to %while3A_1094 step %while3A_1101 iter_args(%while3A_1104 = %while3A_1100#0, %while3A_1105 = %while3A_1100#1, %while3A_1106 = %while3A_1100#2, %while3A_1107 = %while3A_1100#3, %while3A_1108 = %while3A_1100#4, %while3A_1109 = %while3A_1100#5, %while3A_1110 = %while3A_1100#6, %while3A_1111 = %while3A_1100#7, %while3A_1112 = %while3A_1100#8, %while3A_1113 = %while3A_1100#9, %while3A_1114 = %while3A_1100#10, %while3A_1115 = %while3A_1100#11, %while3A_1116 = %while3A_1100#12, %while3A_1117 = %while3A_1100#13, %while3A_1118 = %while3A_1100#14, %while3A_1119 = %while3A_1100#15) -> (vector<16xf32>, vector<16xf32>, vector<16xf32>, vector<16xf32>, vector<16xf32>, vector<16xf32>, vector<16xf32>, vector<16xf32>, vector<16xf32>, vector<16xf32>, vector<16xf32>, vector<16xf32>, vector<16xf32>, vector<16xf32>, vector<16xf32>, vector<16xf32>)  : i32 {
        %get3A_1120 = arith.index_cast %while3A_1103 : i32 to index
        %get3A_1121 = arith.constant 0 : index
        %get3A_1122 = tpu.vector_load %arg10[%get3A_1120, %get3A_1121] {strides = array<i32>} : memref<128x128xi32, #tpu.memory_space<vmem>>, vector<16xi32>,
        %shift_left3A = arith.constant 16 : i32
        %shift_left3A_1123 = vector.broadcast %shift_left3A : i32 to vector<16xi32>
        %shift_left3A_1124 = arith.shli %get3A_1122, %shift_left3A_1123 : vector<16xi32>
        %bitcast3A = vector.bitcast %shift_left3A_1124 : vector<16xi32> to vector<16xf32>
        %and3A_1125 = arith.constant -65536 : i32
        %and3A_1126 = vector.broadcast %and3A_1125 : i32 to vector<16xi32>
        %and3A_1127 = arith.andi %get3A_1122, %and3A_1126 : vector<16xi32>
        %bitcast3A_1128 = vector.bitcast %and3A_1127 : vector<16xi32> to vector<16xf32>
        %add3A_1129 = arith.addf %while3A_1104, %bitcast3A : vector<16xf32>
        %add3A_1130 = arith.addf %while3A_1112, %bitcast3A_1128 : vector<16xf32>
        %get3A_1131 = arith.index_cast %while3A_1103 : i32 to index
        %get3A_1132 = arith.constant 16 : index
        %get3A_1133 = tpu.vector_load %arg10[%get3A_1131, %get3A_1132] {strides = array<i32>} : memref<128x128xi32, #tpu.memory_space<vmem>>, vector<16xi32>,
        %shift_left3A_1134 = arith.constant 16 : i32
        %shift_left3A_1135 = vector.broadcast %shift_left3A_1134 : i32 to vector<16xi32>
        %shift_left3A_1136 = arith.shli %get3A_1133, %shift_left3A_1135 : vector<16xi32>
        %bitcast3A_1137 = vector.bitcast %shift_left3A_1136 : vector<16xi32> to vector<16xf32>
        %and3A_1138 = arith.constant -65536 : i32
        %and3A_1139 = vector.broadcast %and3A_1138 : i32 to vector<16xi32>
        %and3A_1140 = arith.andi %get3A_1133, %and3A_1139 : vector<16xi32>
        %bitcast3A_1141 = vector.bitcast %and3A_1140 : vector<16xi32> to vector<16xf32>
        %add3A_1142 = arith.addf %while3A_1105, %bitcast3A_1137 : vector<16xf32>
        %add3A_1143 = arith.addf %while3A_1113, %bitcast3A_1141 : vector<16xf32>
        %get3A_1144 = arith.index_cast %while3A_1103 : i32 to index
        %get3A_1145 = arith.constant 32 : index
        %get3A_1146 = tpu.vector_load %arg10[%get3A_1144, %get3A_1145] {strides = array<i32>} : memref<128x128xi32, #tpu.memory_space<vmem>>, vector<16xi32>,
        %shift_left3A_1147 = arith.constant 16 : i32
        %shift_left3A_1148 = vector.broadcast %shift_left3A_1147 : i32 to vector<16xi32>
        %shift_left3A_1149 = arith.shli %get3A_1146, %shift_left3A_1148 : vector<16xi32>
        %bitcast3A_1150 = vector.bitcast %shift_left3A_1149 : vector<16xi32> to vector<16xf32>
        %and3A_1151 = arith.constant -65536 : i32
        %and3A_1152 = vector.broadcast %and3A_1151 : i32 to vector<16xi32>
        %and3A_1153 = arith.andi %get3A_1146, %and3A_1152 : vector<16xi32>
        %bitcast3A_1154 = vector.bitcast %and3A_1153 : vector<16xi32> to vector<16xf32>
        %add3A_1155 = arith.addf %while3A_1106, %bitcast3A_1150 : vector<16xf32>
        %add3A_1156 = arith.addf %while3A_1114, %bitcast3A_1154 : vector<16xf32>
        %get3A_1157 = arith.index_cast %while3A_1103 : i32 to index
        %get3A_1158 = arith.constant 48 : index
        %get3A_1159 = tpu.vector_load %arg10[%get3A_1157, %get3A_1158] {strides = array<i32>} : memref<128x128xi32, #tpu.memory_space<vmem>>, vector<16xi32>,
        %shift_left3A_1160 = arith.constant 16 : i32
        %shift_left3A_1161 = vector.broadcast %shift_left3A_1160 : i32 to vector<16xi32>
        %shift_left3A_1162 = arith.shli %get3A_1159, %shift_left3A_1161 : vector<16xi32>
        %bitcast3A_1163 = vector.bitcast %shift_left3A_1162 : vector<16xi32> to vector<16xf32>
        %and3A_1164 = arith.constant -65536 : i32
        %and3A_1165 = vector.broadcast %and3A_1164 : i32 to vector<16xi32>
        %and3A_1166 = arith.andi %get3A_1159, %and3A_1165 : vector<16xi32>
        %bitcast3A_1167 = vector.bitcast %and3A_1166 : vector<16xi32> to vector<16xf32>
        %add3A_1168 = arith.addf %while3A_1107, %bitcast3A_1163 : vector<16xf32>
        %add3A_1169 = arith.addf %while3A_1115, %bitcast3A_1167 : vector<16xf32>
        %get3A_1170 = arith.index_cast %while3A_1103 : i32 to index
        %get3A_1171 = arith.constant 64 : index
        %get3A_1172 = tpu.vector_load %arg10[%get3A_1170, %get3A_1171] {strides = array<i32>} : memref<128x128xi32, #tpu.memory_space<vmem>>, vector<16xi32>,
        %shift_left3A_1173 = arith.constant 16 : i32
        %shift_left3A_1174 = vector.broadcast %shift_left3A_1173 : i32 to vector<16xi32>
        %shift_left3A_1175 = arith.shli %get3A_1172, %shift_left3A_1174 : vector<16xi32>
        %bitcast3A_1176 = vector.bitcast %shift_left3A_1175 : vector<16xi32> to vector<16xf32>
        %and3A_1177 = arith.constant -65536 : i32
        %and3A_1178 = vector.broadcast %and3A_1177 : i32 to vector<16xi32>
        %and3A_1179 = arith.andi %get3A_1172, %and3A_1178 : vector<16xi32>
        %bitcast3A_1180 = vector.bitcast %and3A_1179 : vector<16xi32> to vector<16xf32>
        %add3A_1181 = arith.addf %while3A_1108, %bitcast3A_1176 : vector<16xf32>
        %add3A_1182 = arith.addf %while3A_1116, %bitcast3A_1180 : vector<16xf32>
        %get3A_1183 = arith.index_cast %while3A_1103 : i32 to index
        %get3A_1184 = arith.constant 80 : index
        %get3A_1185 = tpu.vector_load %arg10[%get3A_1183, %get3A_1184] {strides = array<i32>} : memref<128x128xi32, #tpu.memory_space<vmem>>, vector<16xi32>,
        %shift_left3A_1186 = arith.constant 16 : i32
        %shift_left3A_1187 = vector.broadcast %shift_left3A_1186 : i32 to vector<16xi32>
        %shift_left3A_1188 = arith.shli %get3A_1185, %shift_left3A_1187 : vector<16xi32>
        %bitcast3A_1189 = vector.bitcast %shift_left3A_1188 : vector<16xi32> to vector<16xf32>
        %and3A_1190 = arith.constant -65536 : i32
        %and3A_1191 = vector.broadcast %and3A_1190 : i32 to vector<16xi32>
        %and3A_1192 = arith.andi %get3A_1185, %and3A_1191 : vector<16xi32>
        %bitcast3A_1193 = vector.bitcast %and3A_1192 : vector<16xi32> to vector<16xf32>
        %add3A_1194 = arith.addf %while3A_1109, %bitcast3A_1189 : vector<16xf32>
        %add3A_1195 = arith.addf %while3A_1117, %bitcast3A_1193 : vector<16xf32>
        %get3A_1196 = arith.index_cast %while3A_1103 : i32 to index
        %get3A_1197 = arith.constant 96 : index
        %get3A_1198 = tpu.vector_load %arg10[%get3A_1196, %get3A_1197] {strides = array<i32>} : memref<128x128xi32, #tpu.memory_space<vmem>>, vector<16xi32>,
        %shift_left3A_1199 = arith.constant 16 : i32
        %shift_left3A_1200 = vector.broadcast %shift_left3A_1199 : i32 to vector<16xi32>
        %shift_left3A_1201 = arith.shli %get3A_1198, %shift_left3A_1200 : vector<16xi32>
        %bitcast3A_1202 = vector.bitcast %shift_left3A_1201 : vector<16xi32> to vector<16xf32>
        %and3A_1203 = arith.constant -65536 : i32
        %and3A_1204 = vector.broadcast %and3A_1203 : i32 to vector<16xi32>
        %and3A_1205 = arith.andi %get3A_1198, %and3A_1204 : vector<16xi32>
        %bitcast3A_1206 = vector.bitcast %and3A_1205 : vector<16xi32> to vector<16xf32>
        %add3A_1207 = arith.addf %while3A_1110, %bitcast3A_1202 : vector<16xf32>
        %add3A_1208 = arith.addf %while3A_1118, %bitcast3A_1206 : vector<16xf32>
        %get3A_1209 = arith.index_cast %while3A_1103 : i32 to index
        %get3A_1210 = arith.constant 112 : index
        %get3A_1211 = tpu.vector_load %arg10[%get3A_1209, %get3A_1210] {strides = array<i32>} : memref<128x128xi32, #tpu.memory_space<vmem>>, vector<16xi32>,
        %shift_left3A_1212 = arith.constant 16 : i32
        %shift_left3A_1213 = vector.broadcast %shift_left3A_1212 : i32 to vector<16xi32>
        %shift_left3A_1214 = arith.shli %get3A_1211, %shift_left3A_1213 : vector<16xi32>
        %bitcast3A_1215 = vector.bitcast %shift_left3A_1214 : vector<16xi32> to vector<16xf32>
        %and3A_1216 = arith.constant -65536 : i32
        %and3A_1217 = vector.broadcast %and3A_1216 : i32 to vector<16xi32>
        %and3A_1218 = arith.andi %get3A_1211, %and3A_1217 : vector<16xi32>
        %bitcast3A_1219 = vector.bitcast %and3A_1218 : vector<16xi32> to vector<16xf32>
        %add3A_1220 = arith.addf %while3A_1111, %bitcast3A_1215 : vector<16xf32>
        %add3A_1221 = arith.addf %while3A_1119, %bitcast3A_1219 : vector<16xf32>
        scf.yield %add3A_1129, %add3A_1142, %add3A_1155, %add3A_1168, %add3A_1181, %add3A_1194, %add3A_1207, %add3A_1220, %add3A_1130, %add3A_1143, %add3A_1156, %add3A_1169, %add3A_1182, %add3A_1195, %add3A_1208, %add3A_1221 : vector<16xf32>, vector<16xf32>, vector<16xf32>, vector<16xf32>, vector<16xf32>, vector<16xf32>, vector<16xf32>, vector<16xf32>, vector<16xf32>, vector<16xf32>, vector<16xf32>, vector<16xf32>, vector<16xf32>, vector<16xf32>, vector<16xf32>, vector<16xf32>
      }
      scf.yield %while3A_1102#0, %while3A_1102#1, %while3A_1102#2, %while3A_1102#3, %while3A_1102#4, %while3A_1102#5, %while3A_1102#6, %while3A_1102#7, %while3A_1102#8, %while3A_1102#9, %while3A_1102#10, %while3A_1102#11, %while3A_1102#12, %while3A_1102#13, %while3A_1102#14, %while3A_1102#15 : vector<16xf32>, vector<16xf32>, vector<16xf32>, vector<16xf32>, vector<16xf32>, vector<16xf32>, vector<16xf32>, vector<16xf32>, vector<16xf32>, vector<16xf32>, vector<16xf32>, vector<16xf32>, vector<16xf32>, vector<16xf32>, vector<16xf32>, vector<16xf32>
    }
    %while3A_625 = arith.constant 1 : i32
    %while3A_626:16 = scf.for %while3A_1067 = %while3A_622 to %while3A_618 step %while3A_625 iter_args(%while3A_1068 = %while3A_624#0, %while3A_1069 = %while3A_624#1, %while3A_1070 = %while3A_624#2, %while3A_1071 = %while3A_624#3, %while3A_1072 = %while3A_624#4, %while3A_1073 = %while3A_624#5, %while3A_1074 = %while3A_624#6, %while3A_1075 = %while3A_624#7, %while3A_1076 = %while3A_624#8, %while3A_1077 = %while3A_624#9, %while3A_1078 = %while3A_624#10, %while3A_1079 = %while3A_624#11, %while3A_1080 = %while3A_624#12, %while3A_1081 = %while3A_624#13, %while3A_1082 = %while3A_624#14, %while3A_1083 = %while3A_624#15) -> (vector<16xf32>, vector<16xf32>, vector<16xf32>, vector<16xf32>, vector<16xf32>, vector<16xf32>, vector<16xf32>, vector<16xf32>, vector<16xf32>, vector<16xf32>, vector<16xf32>, vector<16xf32>, vector<16xf32>, vector<16xf32>, vector<16xf32>, vector<16xf32>)  : i32 {
      %mul3A_1084 = arith.constant 128 : i32
      %mul3A_1085 = arith.muli %while3A_1067, %mul3A_1084 : i32
      %add3A_1086 = arith.addi %mul3A_583, %mul3A_1085 : i32
      %multiple_of3A_1087 = tpu.assume_multiple %add3A_1086, 8 : i32
      "tpu.region"() ({
        %run_scoped3A = tpu.sem_alloc : memref<!tpu.dma_semaphore, #tpu.memory_space<semaphore_mem>>
        %dma_start3A = arith.constant 0 : i32
        %dma_start3A_1103 = tpu.memref_slice %arg2[%multiple_of3A_1087, %dma_start3A] : memref<50176x128xi32, #tpu.memory_space<hbm>> -> memref<128x128xi32, #tpu.memory_space<hbm>>
        %dma_start3A_1104 = arith.constant 0 : i32
        %dma_start3A_1105 = tpu.memref_slice %arg2[%multiple_of3A_1087, %dma_start3A_1104] : memref<50176x128xi32, #tpu.memory_space<hbm>> -> memref<128x128xi32, #tpu.memory_space<hbm>>
        tpu.enqueue_dma source(%dma_start3A_1105 : memref<128x128xi32, #tpu.memory_space<hbm>>) target(%arg10 : memref<128x128xi32, #tpu.memory_space<vmem>>) target_semaphore(%run_scoped3A : memref<!tpu.dma_semaphore, #tpu.memory_space<semaphore_mem>>)
        %dma_wait3A = arith.constant 0 : i32
        %dma_wait3A_1106 = tpu.memref_slice %arg2[%multiple_of3A_1087, %dma_wait3A] : memref<50176x128xi32, #tpu.memory_space<hbm>> -> memref<128x128xi32, #tpu.memory_space<hbm>>
        %dma_wait3A_1107 = arith.constant 0 : i32
        %dma_wait3A_1108 = tpu.memref_slice %arg2[%multiple_of3A_1087, %dma_wait3A_1107] : memref<50176x128xi32, #tpu.memory_space<hbm>> -> memref<128x128xi32, #tpu.memory_space<hbm>>
        tpu.wait_dma2 semaphore(%run_scoped3A : memref<!tpu.dma_semaphore, #tpu.memory_space<semaphore_mem>>) src(%dma_wait3A_1108 : memref<128x128xi32, #tpu.memory_space<hbm>>) dst(%arg10 : memref<128x128xi32, #tpu.memory_space<vmem>>)
        tpu.yield
      }) : () -> ()
      %sub3A_1088 = arith.subi %squeeze3A_555, %multiple_of3A_1087 : i32
      %max3A = arith.constant 0 : i32
      %max3A_1089 = arith.maxsi %sub3A_1088, %max3A : i32
      %add3A_1090 = arith.addi %squeeze3A_555, %squeeze3A_557 : i32
      %sub3A_1091 = arith.subi %add3A_1090, %multiple_of3A_1087 : i32
      %min3A = arith.constant 128 : i32
      %min3A_1092 = arith.minsi %sub3A_1091, %min3A : i32
      %while3A_1093 = arith.subi %min3A_1092, %max3A_1089 : i32
      %while3A_1094 = arith.addi %max3A_1089, %while3A_1093 : i32
      %while3A_1095 = arith.constant 1 : i32
      %while3A_1096 = arith.divsi %while3A_1093, %while3A_1095 : i32
      %while3A_1097 = arith.muli %while3A_1096, %while3A_1095 : i32
      %while3A_1098 = arith.addi %max3A_1089, %while3A_1097 : i32
      %while3A_1099 = arith.constant 1 : i32
      %while3A_1100:16 = scf.for %while3A_1103 = %max3A_1089 to %while3A_1098 step %while3A_1099 iter_args(%while3A_1104 = %while3A_1068, %while3A_1105 = %while3A_1069, %while3A_1106 = %while3A_1070, %while3A_1107 = %while3A_1071, %while3A_1108 = %while3A_1072, %while3A_1109 = %while3A_1073, %while3A_1110 = %while3A_1074, %while3A_1111 = %while3A_1075, %while3A_1112 = %while3A_1076, %while3A_1113 = %while3A_1077, %while3A_1114 = %while3A_1078, %while3A_1115 = %while3A_1079, %while3A_1116 = %while3A_1080, %while3A_1117 = %while3A_1081, %while3A_1118 = %while3A_1082, %while3A_1119 = %while3A_1083) -> (vector<16xf32>, vector<16xf32>, vector<16xf32>, vector<16xf32>, vector<16xf32>, vector<16xf32>, vector<16xf32>, vector<16xf32>, vector<16xf32>, vector<16xf32>, vector<16xf32>, vector<16xf32>, vector<16xf32>, vector<16xf32>, vector<16xf32>, vector<16xf32>)  : i32 {
        %get3A_1120 = arith.index_cast %while3A_1103 : i32 to index
        %get3A_1121 = arith.constant 0 : index
        %get3A_1122 = tpu.vector_load %arg10[%get3A_1120, %get3A_1121] {strides = array<i32>} : memref<128x128xi32, #tpu.memory_space<vmem>>, vector<16xi32>,
        %shift_left3A = arith.constant 16 : i32
        %shift_left3A_1123 = vector.broadcast %shift_left3A : i32 to vector<16xi32>
        %shift_left3A_1124 = arith.shli %get3A_1122, %shift_left3A_1123 : vector<16xi32>
        %bitcast3A = vector.bitcast %shift_left3A_1124 : vector<16xi32> to vector<16xf32>
        %and3A_1125 = arith.constant -65536 : i32
        %and3A_1126 = vector.broadcast %and3A_1125 : i32 to vector<16xi32>
        %and3A_1127 = arith.andi %get3A_1122, %and3A_1126 : vector<16xi32>
        %bitcast3A_1128 = vector.bitcast %and3A_1127 : vector<16xi32> to vector<16xf32>
        %add3A_1129 = arith.addf %while3A_1104, %bitcast3A : vector<16xf32>
        %add3A_1130 = arith.addf %while3A_1112, %bitcast3A_1128 : vector<16xf32>
        %get3A_1131 = arith.index_cast %while3A_1103 : i32 to index
        %get3A_1132 = arith.constant 16 : index
        %get3A_1133 = tpu.vector_load %arg10[%get3A_1131, %get3A_1132] {strides = array<i32>} : memref<128x128xi32, #tpu.memory_space<vmem>>, vector<16xi32>,
        %shift_left3A_1134 = arith.constant 16 : i32
        %shift_left3A_1135 = vector.broadcast %shift_left3A_1134 : i32 to vector<16xi32>
        %shift_left3A_1136 = arith.shli %get3A_1133, %shift_left3A_1135 : vector<16xi32>
        %bitcast3A_1137 = vector.bitcast %shift_left3A_1136 : vector<16xi32> to vector<16xf32>
        %and3A_1138 = arith.constant -65536 : i32
        %and3A_1139 = vector.broadcast %and3A_1138 : i32 to vector<16xi32>
        %and3A_1140 = arith.andi %get3A_1133, %and3A_1139 : vector<16xi32>
        %bitcast3A_1141 = vector.bitcast %and3A_1140 : vector<16xi32> to vector<16xf32>
        %add3A_1142 = arith.addf %while3A_1105, %bitcast3A_1137 : vector<16xf32>
        %add3A_1143 = arith.addf %while3A_1113, %bitcast3A_1141 : vector<16xf32>
        %get3A_1144 = arith.index_cast %while3A_1103 : i32 to index
        %get3A_1145 = arith.constant 32 : index
        %get3A_1146 = tpu.vector_load %arg10[%get3A_1144, %get3A_1145] {strides = array<i32>} : memref<128x128xi32, #tpu.memory_space<vmem>>, vector<16xi32>,
        %shift_left3A_1147 = arith.constant 16 : i32
        %shift_left3A_1148 = vector.broadcast %shift_left3A_1147 : i32 to vector<16xi32>
        %shift_left3A_1149 = arith.shli %get3A_1146, %shift_left3A_1148 : vector<16xi32>
        %bitcast3A_1150 = vector.bitcast %shift_left3A_1149 : vector<16xi32> to vector<16xf32>
        %and3A_1151 = arith.constant -65536 : i32
        %and3A_1152 = vector.broadcast %and3A_1151 : i32 to vector<16xi32>
        %and3A_1153 = arith.andi %get3A_1146, %and3A_1152 : vector<16xi32>
        %bitcast3A_1154 = vector.bitcast %and3A_1153 : vector<16xi32> to vector<16xf32>
        %add3A_1155 = arith.addf %while3A_1106, %bitcast3A_1150 : vector<16xf32>
        %add3A_1156 = arith.addf %while3A_1114, %bitcast3A_1154 : vector<16xf32>
        %get3A_1157 = arith.index_cast %while3A_1103 : i32 to index
        %get3A_1158 = arith.constant 48 : index
        %get3A_1159 = tpu.vector_load %arg10[%get3A_1157, %get3A_1158] {strides = array<i32>} : memref<128x128xi32, #tpu.memory_space<vmem>>, vector<16xi32>,
        %shift_left3A_1160 = arith.constant 16 : i32
        %shift_left3A_1161 = vector.broadcast %shift_left3A_1160 : i32 to vector<16xi32>
        %shift_left3A_1162 = arith.shli %get3A_1159, %shift_left3A_1161 : vector<16xi32>
        %bitcast3A_1163 = vector.bitcast %shift_left3A_1162 : vector<16xi32> to vector<16xf32>
        %and3A_1164 = arith.constant -65536 : i32
        %and3A_1165 = vector.broadcast %and3A_1164 : i32 to vector<16xi32>
        %and3A_1166 = arith.andi %get3A_1159, %and3A_1165 : vector<16xi32>
        %bitcast3A_1167 = vector.bitcast %and3A_1166 : vector<16xi32> to vector<16xf32>
        %add3A_1168 = arith.addf %while3A_1107, %bitcast3A_1163 : vector<16xf32>
        %add3A_1169 = arith.addf %while3A_1115, %bitcast3A_1167 : vector<16xf32>
        %get3A_1170 = arith.index_cast %while3A_1103 : i32 to index
        %get3A_1171 = arith.constant 64 : index
        %get3A_1172 = tpu.vector_load %arg10[%get3A_1170, %get3A_1171] {strides = array<i32>} : memref<128x128xi32, #tpu.memory_space<vmem>>, vector<16xi32>,
        %shift_left3A_1173 = arith.constant 16 : i32
        %shift_left3A_1174 = vector.broadcast %shift_left3A_1173 : i32 to vector<16xi32>
        %shift_left3A_1175 = arith.shli %get3A_1172, %shift_left3A_1174 : vector<16xi32>
        %bitcast3A_1176 = vector.bitcast %shift_left3A_1175 : vector<16xi32> to vector<16xf32>
        %and3A_1177 = arith.constant -65536 : i32
        %and3A_1178 = vector.broadcast %and3A_1177 : i32 to vector<16xi32>
        %and3A_1179 = arith.andi %get3A_1172, %and3A_1178 : vector<16xi32>
        %bitcast3A_1180 = vector.bitcast %and3A_1179 : vector<16xi32> to vector<16xf32>
        %add3A_1181 = arith.addf %while3A_1108, %bitcast3A_1176 : vector<16xf32>
        %add3A_1182 = arith.addf %while3A_1116, %bitcast3A_1180 : vector<16xf32>
        %get3A_1183 = arith.index_cast %while3A_1103 : i32 to index
        %get3A_1184 = arith.constant 80 : index
        %get3A_1185 = tpu.vector_load %arg10[%get3A_1183, %get3A_1184] {strides = array<i32>} : memref<128x128xi32, #tpu.memory_space<vmem>>, vector<16xi32>,
        %shift_left3A_1186 = arith.constant 16 : i32
        %shift_left3A_1187 = vector.broadcast %shift_left3A_1186 : i32 to vector<16xi32>
        %shift_left3A_1188 = arith.shli %get3A_1185, %shift_left3A_1187 : vector<16xi32>
        %bitcast3A_1189 = vector.bitcast %shift_left3A_1188 : vector<16xi32> to vector<16xf32>
        %and3A_1190 = arith.constant -65536 : i32
        %and3A_1191 = vector.broadcast %and3A_1190 : i32 to vector<16xi32>
        %and3A_1192 = arith.andi %get3A_1185, %and3A_1191 : vector<16xi32>
        %bitcast3A_1193 = vector.bitcast %and3A_1192 : vector<16xi32> to vector<16xf32>
        %add3A_1194 = arith.addf %while3A_1109, %bitcast3A_1189 : vector<16xf32>
        %add3A_1195 = arith.addf %while3A_1117, %bitcast3A_1193 : vector<16xf32>
        %get3A_1196 = arith.index_cast %while3A_1103 : i32 to index
        %get3A_1197 = arith.constant 96 : index
        %get3A_1198 = tpu.vector_load %arg10[%get3A_1196, %get3A_1197] {strides = array<i32>} : memref<128x128xi32, #tpu.memory_space<vmem>>, vector<16xi32>,
        %shift_left3A_1199 = arith.constant 16 : i32
        %shift_left3A_1200 = vector.broadcast %shift_left3A_1199 : i32 to vector<16xi32>
        %shift_left3A_1201 = arith.shli %get3A_1198, %shift_left3A_1200 : vector<16xi32>
        %bitcast3A_1202 = vector.bitcast %shift_left3A_1201 : vector<16xi32> to vector<16xf32>
        %and3A_1203 = arith.constant -65536 : i32
        %and3A_1204 = vector.broadcast %and3A_1203 : i32 to vector<16xi32>
        %and3A_1205 = arith.andi %get3A_1198, %and3A_1204 : vector<16xi32>
        %bitcast3A_1206 = vector.bitcast %and3A_1205 : vector<16xi32> to vector<16xf32>
        %add3A_1207 = arith.addf %while3A_1110, %bitcast3A_1202 : vector<16xf32>
        %add3A_1208 = arith.addf %while3A_1118, %bitcast3A_1206 : vector<16xf32>
        %get3A_1209 = arith.index_cast %while3A_1103 : i32 to index
        %get3A_1210 = arith.constant 112 : index
        %get3A_1211 = tpu.vector_load %arg10[%get3A_1209, %get3A_1210] {strides = array<i32>} : memref<128x128xi32, #tpu.memory_space<vmem>>, vector<16xi32>,
        %shift_left3A_1212 = arith.constant 16 : i32
        %shift_left3A_1213 = vector.broadcast %shift_left3A_1212 : i32 to vector<16xi32>
        %shift_left3A_1214 = arith.shli %get3A_1211, %shift_left3A_1213 : vector<16xi32>
        %bitcast3A_1215 = vector.bitcast %shift_left3A_1214 : vector<16xi32> to vector<16xf32>
        %and3A_1216 = arith.constant -65536 : i32
        %and3A_1217 = vector.broadcast %and3A_1216 : i32 to vector<16xi32>
        %and3A_1218 = arith.andi %get3A_1211, %and3A_1217 : vector<16xi32>
        %bitcast3A_1219 = vector.bitcast %and3A_1218 : vector<16xi32> to vector<16xf32>
        %add3A_1220 = arith.addf %while3A_1111, %bitcast3A_1215 : vector<16xf32>
        %add3A_1221 = arith.addf %while3A_1119, %bitcast3A_1219 : vector<16xf32>
        scf.yield %add3A_1129, %add3A_1142, %add3A_1155, %add3A_1168, %add3A_1181, %add3A_1194, %add3A_1207, %add3A_1220, %add3A_1130, %add3A_1143, %add3A_1156, %add3A_1169, %add3A_1182, %add3A_1195, %add3A_1208, %add3A_1221 : vector<16xf32>, vector<16xf32>, vector<16xf32>, vector<16xf32>, vector<16xf32>, vector<16xf32>, vector<16xf32>, vector<16xf32>, vector<16xf32>, vector<16xf32>, vector<16xf32>, vector<16xf32>, vector<16xf32>, vector<16xf32>, vector<16xf32>, vector<16xf32>
      }
      %while3A_1101 = arith.constant 1 : i32
      %while3A_1102:16 = scf.for %while3A_1103 = %while3A_1098 to %while3A_1094 step %while3A_1101 iter_args(%while3A_1104 = %while3A_1100#0, %while3A_1105 = %while3A_1100#1, %while3A_1106 = %while3A_1100#2, %while3A_1107 = %while3A_1100#3, %while3A_1108 = %while3A_1100#4, %while3A_1109 = %while3A_1100#5, %while3A_1110 = %while3A_1100#6, %while3A_1111 = %while3A_1100#7, %while3A_1112 = %while3A_1100#8, %while3A_1113 = %while3A_1100#9, %while3A_1114 = %while3A_1100#10, %while3A_1115 = %while3A_1100#11, %while3A_1116 = %while3A_1100#12, %while3A_1117 = %while3A_1100#13, %while3A_1118 = %while3A_1100#14, %while3A_1119 = %while3A_1100#15) -> (vector<16xf32>, vector<16xf32>, vector<16xf32>, vector<16xf32>, vector<16xf32>, vector<16xf32>, vector<16xf32>, vector<16xf32>, vector<16xf32>, vector<16xf32>, vector<16xf32>, vector<16xf32>, vector<16xf32>, vector<16xf32>, vector<16xf32>, vector<16xf32>)  : i32 {
        %get3A_1120 = arith.index_cast %while3A_1103 : i32 to index
        %get3A_1121 = arith.constant 0 : index
        %get3A_1122 = tpu.vector_load %arg10[%get3A_1120, %get3A_1121] {strides = array<i32>} : memref<128x128xi32, #tpu.memory_space<vmem>>, vector<16xi32>,
        %shift_left3A = arith.constant 16 : i32
        %shift_left3A_1123 = vector.broadcast %shift_left3A : i32 to vector<16xi32>
        %shift_left3A_1124 = arith.shli %get3A_1122, %shift_left3A_1123 : vector<16xi32>
        %bitcast3A = vector.bitcast %shift_left3A_1124 : vector<16xi32> to vector<16xf32>
        %and3A_1125 = arith.constant -65536 : i32
        %and3A_1126 = vector.broadcast %and3A_1125 : i32 to vector<16xi32>
        %and3A_1127 = arith.andi %get3A_1122, %and3A_1126 : vector<16xi32>
        %bitcast3A_1128 = vector.bitcast %and3A_1127 : vector<16xi32> to vector<16xf32>
        %add3A_1129 = arith.addf %while3A_1104, %bitcast3A : vector<16xf32>
        %add3A_1130 = arith.addf %while3A_1112, %bitcast3A_1128 : vector<16xf32>
        %get3A_1131 = arith.index_cast %while3A_1103 : i32 to index
        %get3A_1132 = arith.constant 16 : index
        %get3A_1133 = tpu.vector_load %arg10[%get3A_1131, %get3A_1132] {strides = array<i32>} : memref<128x128xi32, #tpu.memory_space<vmem>>, vector<16xi32>,
        %shift_left3A_1134 = arith.constant 16 : i32
        %shift_left3A_1135 = vector.broadcast %shift_left3A_1134 : i32 to vector<16xi32>
        %shift_left3A_1136 = arith.shli %get3A_1133, %shift_left3A_1135 : vector<16xi32>
        %bitcast3A_1137 = vector.bitcast %shift_left3A_1136 : vector<16xi32> to vector<16xf32>
        %and3A_1138 = arith.constant -65536 : i32
        %and3A_1139 = vector.broadcast %and3A_1138 : i32 to vector<16xi32>
        %and3A_1140 = arith.andi %get3A_1133, %and3A_1139 : vector<16xi32>
        %bitcast3A_1141 = vector.bitcast %and3A_1140 : vector<16xi32> to vector<16xf32>
        %add3A_1142 = arith.addf %while3A_1105, %bitcast3A_1137 : vector<16xf32>
        %add3A_1143 = arith.addf %while3A_1113, %bitcast3A_1141 : vector<16xf32>
        %get3A_1144 = arith.index_cast %while3A_1103 : i32 to index
        %get3A_1145 = arith.constant 32 : index
        %get3A_1146 = tpu.vector_load %arg10[%get3A_1144, %get3A_1145] {strides = array<i32>} : memref<128x128xi32, #tpu.memory_space<vmem>>, vector<16xi32>,
        %shift_left3A_1147 = arith.constant 16 : i32
        %shift_left3A_1148 = vector.broadcast %shift_left3A_1147 : i32 to vector<16xi32>
        %shift_left3A_1149 = arith.shli %get3A_1146, %shift_left3A_1148 : vector<16xi32>
        %bitcast3A_1150 = vector.bitcast %shift_left3A_1149 : vector<16xi32> to vector<16xf32>
        %and3A_1151 = arith.constant -65536 : i32
        %and3A_1152 = vector.broadcast %and3A_1151 : i32 to vector<16xi32>
        %and3A_1153 = arith.andi %get3A_1146, %and3A_1152 : vector<16xi32>
        %bitcast3A_1154 = vector.bitcast %and3A_1153 : vector<16xi32> to vector<16xf32>
        %add3A_1155 = arith.addf %while3A_1106, %bitcast3A_1150 : vector<16xf32>
        %add3A_1156 = arith.addf %while3A_1114, %bitcast3A_1154 : vector<16xf32>
        %get3A_1157 = arith.index_cast %while3A_1103 : i32 to index
        %get3A_1158 = arith.constant 48 : index
        %get3A_1159 = tpu.vector_load %arg10[%get3A_1157, %get3A_1158] {strides = array<i32>} : memref<128x128xi32, #tpu.memory_space<vmem>>, vector<16xi32>,
        %shift_left3A_1160 = arith.constant 16 : i32
        %shift_left3A_1161 = vector.broadcast %shift_left3A_1160 : i32 to vector<16xi32>
        %shift_left3A_1162 = arith.shli %get3A_1159, %shift_left3A_1161 : vector<16xi32>
        %bitcast3A_1163 = vector.bitcast %shift_left3A_1162 : vector<16xi32> to vector<16xf32>
        %and3A_1164 = arith.constant -65536 : i32
        %and3A_1165 = vector.broadcast %and3A_1164 : i32 to vector<16xi32>
        %and3A_1166 = arith.andi %get3A_1159, %and3A_1165 : vector<16xi32>
        %bitcast3A_1167 = vector.bitcast %and3A_1166 : vector<16xi32> to vector<16xf32>
        %add3A_1168 = arith.addf %while3A_1107, %bitcast3A_1163 : vector<16xf32>
        %add3A_1169 = arith.addf %while3A_1115, %bitcast3A_1167 : vector<16xf32>
        %get3A_1170 = arith.index_cast %while3A_1103 : i32 to index
        %get3A_1171 = arith.constant 64 : index
        %get3A_1172 = tpu.vector_load %arg10[%get3A_1170, %get3A_1171] {strides = array<i32>} : memref<128x128xi32, #tpu.memory_space<vmem>>, vector<16xi32>,
        %shift_left3A_1173 = arith.constant 16 : i32
        %shift_left3A_1174 = vector.broadcast %shift_left3A_1173 : i32 to vector<16xi32>
        %shift_left3A_1175 = arith.shli %get3A_1172, %shift_left3A_1174 : vector<16xi32>
        %bitcast3A_1176 = vector.bitcast %shift_left3A_1175 : vector<16xi32> to vector<16xf32>
        %and3A_1177 = arith.constant -65536 : i32
        %and3A_1178 = vector.broadcast %and3A_1177 : i32 to vector<16xi32>
        %and3A_1179 = arith.andi %get3A_1172, %and3A_1178 : vector<16xi32>
        %bitcast3A_1180 = vector.bitcast %and3A_1179 : vector<16xi32> to vector<16xf32>
        %add3A_1181 = arith.addf %while3A_1108, %bitcast3A_1176 : vector<16xf32>
        %add3A_1182 = arith.addf %while3A_1116, %bitcast3A_1180 : vector<16xf32>
        %get3A_1183 = arith.index_cast %while3A_1103 : i32 to index
        %get3A_1184 = arith.constant 80 : index
        %get3A_1185 = tpu.vector_load %arg10[%get3A_1183, %get3A_1184] {strides = array<i32>} : memref<128x128xi32, #tpu.memory_space<vmem>>, vector<16xi32>,
        %shift_left3A_1186 = arith.constant 16 : i32
        %shift_left3A_1187 = vector.broadcast %shift_left3A_1186 : i32 to vector<16xi32>
        %shift_left3A_1188 = arith.shli %get3A_1185, %shift_left3A_1187 : vector<16xi32>
        %bitcast3A_1189 = vector.bitcast %shift_left3A_1188 : vector<16xi32> to vector<16xf32>
        %and3A_1190 = arith.constant -65536 : i32
        %and3A_1191 = vector.broadcast %and3A_1190 : i32 to vector<16xi32>
        %and3A_1192 = arith.andi %get3A_1185, %and3A_1191 : vector<16xi32>
        %bitcast3A_1193 = vector.bitcast %and3A_1192 : vector<16xi32> to vector<16xf32>
        %add3A_1194 = arith.addf %while3A_1109, %bitcast3A_1189 : vector<16xf32>
        %add3A_1195 = arith.addf %while3A_1117, %bitcast3A_1193 : vector<16xf32>
        %get3A_1196 = arith.index_cast %while3A_1103 : i32 to index
        %get3A_1197 = arith.constant 96 : index
        %get3A_1198 = tpu.vector_load %arg10[%get3A_1196, %get3A_1197] {strides = array<i32>} : memref<128x128xi32, #tpu.memory_space<vmem>>, vector<16xi32>,
        %shift_left3A_1199 = arith.constant 16 : i32
        %shift_left3A_1200 = vector.broadcast %shift_left3A_1199 : i32 to vector<16xi32>
        %shift_left3A_1201 = arith.shli %get3A_1198, %shift_left3A_1200 : vector<16xi32>
        %bitcast3A_1202 = vector.bitcast %shift_left3A_1201 : vector<16xi32> to vector<16xf32>
        %and3A_1203 = arith.constant -65536 : i32
        %and3A_1204 = vector.broadcast %and3A_1203 : i32 to vector<16xi32>
        %and3A_1205 = arith.andi %get3A_1198, %and3A_1204 : vector<16xi32>
        %bitcast3A_1206 = vector.bitcast %and3A_1205 : vector<16xi32> to vector<16xf32>
        %add3A_1207 = arith.addf %while3A_1110, %bitcast3A_1202 : vector<16xf32>
        %add3A_1208 = arith.addf %while3A_1118, %bitcast3A_1206 : vector<16xf32>
        %get3A_1209 = arith.index_cast %while3A_1103 : i32 to index
        %get3A_1210 = arith.constant 112 : index
        %get3A_1211 = tpu.vector_load %arg10[%get3A_1209, %get3A_1210] {strides = array<i32>} : memref<128x128xi32, #tpu.memory_space<vmem>>, vector<16xi32>,
        %shift_left3A_1212 = arith.constant 16 : i32
        %shift_left3A_1213 = vector.broadcast %shift_left3A_1212 : i32 to vector<16xi32>
        %shift_left3A_1214 = arith.shli %get3A_1211, %shift_left3A_1213 : vector<16xi32>
        %bitcast3A_1215 = vector.bitcast %shift_left3A_1214 : vector<16xi32> to vector<16xf32>
        %and3A_1216 = arith.constant -65536 : i32
        %and3A_1217 = vector.broadcast %and3A_1216 : i32 to vector<16xi32>
        %and3A_1218 = arith.andi %get3A_1211, %and3A_1217 : vector<16xi32>
        %bitcast3A_1219 = vector.bitcast %and3A_1218 : vector<16xi32> to vector<16xf32>
        %add3A_1220 = arith.addf %while3A_1111, %bitcast3A_1215 : vector<16xf32>
        %add3A_1221 = arith.addf %while3A_1119, %bitcast3A_1219 : vector<16xf32>
        scf.yield %add3A_1129, %add3A_1142, %add3A_1155, %add3A_1168, %add3A_1181, %add3A_1194, %add3A_1207, %add3A_1220, %add3A_1130, %add3A_1143, %add3A_1156, %add3A_1169, %add3A_1182, %add3A_1195, %add3A_1208, %add3A_1221 : vector<16xf32>, vector<16xf32>, vector<16xf32>, vector<16xf32>, vector<16xf32>, vector<16xf32>, vector<16xf32>, vector<16xf32>, vector<16xf32>, vector<16xf32>, vector<16xf32>, vector<16xf32>, vector<16xf32>, vector<16xf32>, vector<16xf32>, vector<16xf32>
      }
      scf.yield %while3A_1102#0, %while3A_1102#1, %while3A_1102#2, %while3A_1102#3, %while3A_1102#4, %while3A_1102#5, %while3A_1102#6, %while3A_1102#7, %while3A_1102#8, %while3A_1102#9, %while3A_1102#10, %while3A_1102#11, %while3A_1102#12, %while3A_1102#13, %while3A_1102#14, %while3A_1102#15 : vector<16xf32>, vector<16xf32>, vector<16xf32>, vector<16xf32>, vector<16xf32>, vector<16xf32>, vector<16xf32>, vector<16xf32>, vector<16xf32>, vector<16xf32>, vector<16xf32>, vector<16xf32>, vector<16xf32>, vector<16xf32>, vector<16xf32>, vector<16xf32>
    }
    %add3A_627 = arith.constant 2 : i32
    %add3A_628 = arith.addi %mul3A_36, %add3A_627 : i32
    %get3A_629 = arith.index_cast %add3A_628 : i32 to index
    %get3A_630 = arith.constant 0 : index
    %get3A_631 = tpu.vector_load %arg8[%get3A_629, %get3A_630] {strides = array<i32>} : memref<8x256xf32, #tpu.memory_space<vmem>>, vector<16xf32>,
    %mul3A_632 = arith.mulf %while3A_626#0, %get3A_631 : vector<16xf32>
    %get3A_633 = arith.constant 0 : index
    %get3A_634 = tpu.vector_load %arg9[%get3A_633] {strides = array<i32>} : memref<256xf32, #tpu.memory_space<vmem>>, vector<16xf32>,
    %add3A_635 = arith.addf %mul3A_632, %get3A_634 : vector<16xf32>
    %swap3A_636 = arith.constant 0 : index
    %swap3A_637 = tpu.vector_load %arg11[%swap3A_636] {strides = array<i32>} : memref<256xf32, #tpu.memory_space<vmem>>, vector<16xf32>,
    tpu.vector_store %arg11[%swap3A_636], %add3A_635 {strides = array<i32>} : memref<256xf32, #tpu.memory_space<vmem>>, vector<16xf32>,
    %add3A_638 = arith.constant 2 : i32
    %add3A_639 = arith.addi %mul3A_36, %add3A_638 : i32
    %get3A_640 = arith.index_cast %add3A_639 : i32 to index
    %get3A_641 = arith.constant 16 : index
    %get3A_642 = tpu.vector_load %arg8[%get3A_640, %get3A_641] {strides = array<i32>} : memref<8x256xf32, #tpu.memory_space<vmem>>, vector<16xf32>,
    %mul3A_643 = arith.mulf %while3A_626#1, %get3A_642 : vector<16xf32>
    %get3A_644 = arith.constant 16 : index
    %get3A_645 = tpu.vector_load %arg9[%get3A_644] {strides = array<i32>} : memref<256xf32, #tpu.memory_space<vmem>>, vector<16xf32>,
    %add3A_646 = arith.addf %mul3A_643, %get3A_645 : vector<16xf32>
    %swap3A_647 = arith.constant 16 : index
    %swap3A_648 = tpu.vector_load %arg11[%swap3A_647] {strides = array<i32>} : memref<256xf32, #tpu.memory_space<vmem>>, vector<16xf32>,
    tpu.vector_store %arg11[%swap3A_647], %add3A_646 {strides = array<i32>} : memref<256xf32, #tpu.memory_space<vmem>>, vector<16xf32>,
    %add3A_649 = arith.constant 2 : i32
    %add3A_650 = arith.addi %mul3A_36, %add3A_649 : i32
    %get3A_651 = arith.index_cast %add3A_650 : i32 to index
    %get3A_652 = arith.constant 32 : index
    %get3A_653 = tpu.vector_load %arg8[%get3A_651, %get3A_652] {strides = array<i32>} : memref<8x256xf32, #tpu.memory_space<vmem>>, vector<16xf32>,
    %mul3A_654 = arith.mulf %while3A_626#2, %get3A_653 : vector<16xf32>
    %get3A_655 = arith.constant 32 : index
    %get3A_656 = tpu.vector_load %arg9[%get3A_655] {strides = array<i32>} : memref<256xf32, #tpu.memory_space<vmem>>, vector<16xf32>,
    %add3A_657 = arith.addf %mul3A_654, %get3A_656 : vector<16xf32>
    %swap3A_658 = arith.constant 32 : index
    %swap3A_659 = tpu.vector_load %arg11[%swap3A_658] {strides = array<i32>} : memref<256xf32, #tpu.memory_space<vmem>>, vector<16xf32>,
    tpu.vector_store %arg11[%swap3A_658], %add3A_657 {strides = array<i32>} : memref<256xf32, #tpu.memory_space<vmem>>, vector<16xf32>,
    %add3A_660 = arith.constant 2 : i32
    %add3A_661 = arith.addi %mul3A_36, %add3A_660 : i32
    %get3A_662 = arith.index_cast %add3A_661 : i32 to index
    %get3A_663 = arith.constant 48 : index
    %get3A_664 = tpu.vector_load %arg8[%get3A_662, %get3A_663] {strides = array<i32>} : memref<8x256xf32, #tpu.memory_space<vmem>>, vector<16xf32>,
    %mul3A_665 = arith.mulf %while3A_626#3, %get3A_664 : vector<16xf32>
    %get3A_666 = arith.constant 48 : index
    %get3A_667 = tpu.vector_load %arg9[%get3A_666] {strides = array<i32>} : memref<256xf32, #tpu.memory_space<vmem>>, vector<16xf32>,
    %add3A_668 = arith.addf %mul3A_665, %get3A_667 : vector<16xf32>
    %swap3A_669 = arith.constant 48 : index
    %swap3A_670 = tpu.vector_load %arg11[%swap3A_669] {strides = array<i32>} : memref<256xf32, #tpu.memory_space<vmem>>, vector<16xf32>,
    tpu.vector_store %arg11[%swap3A_669], %add3A_668 {strides = array<i32>} : memref<256xf32, #tpu.memory_space<vmem>>, vector<16xf32>,
    %add3A_671 = arith.constant 2 : i32
    %add3A_672 = arith.addi %mul3A_36, %add3A_671 : i32
    %get3A_673 = arith.index_cast %add3A_672 : i32 to index
    %get3A_674 = arith.constant 64 : index
    %get3A_675 = tpu.vector_load %arg8[%get3A_673, %get3A_674] {strides = array<i32>} : memref<8x256xf32, #tpu.memory_space<vmem>>, vector<16xf32>,
    %mul3A_676 = arith.mulf %while3A_626#4, %get3A_675 : vector<16xf32>
    %get3A_677 = arith.constant 64 : index
    %get3A_678 = tpu.vector_load %arg9[%get3A_677] {strides = array<i32>} : memref<256xf32, #tpu.memory_space<vmem>>, vector<16xf32>,
    %add3A_679 = arith.addf %mul3A_676, %get3A_678 : vector<16xf32>
    %swap3A_680 = arith.constant 64 : index
    %swap3A_681 = tpu.vector_load %arg11[%swap3A_680] {strides = array<i32>} : memref<256xf32, #tpu.memory_space<vmem>>, vector<16xf32>,
    tpu.vector_store %arg11[%swap3A_680], %add3A_679 {strides = array<i32>} : memref<256xf32, #tpu.memory_space<vmem>>, vector<16xf32>,
    %add3A_682 = arith.constant 2 : i32
    %add3A_683 = arith.addi %mul3A_36, %add3A_682 : i32
    %get3A_684 = arith.index_cast %add3A_683 : i32 to index
    %get3A_685 = arith.constant 80 : index
    %get3A_686 = tpu.vector_load %arg8[%get3A_684, %get3A_685] {strides = array<i32>} : memref<8x256xf32, #tpu.memory_space<vmem>>, vector<16xf32>,
    %mul3A_687 = arith.mulf %while3A_626#5, %get3A_686 : vector<16xf32>
    %get3A_688 = arith.constant 80 : index
    %get3A_689 = tpu.vector_load %arg9[%get3A_688] {strides = array<i32>} : memref<256xf32, #tpu.memory_space<vmem>>, vector<16xf32>,
    %add3A_690 = arith.addf %mul3A_687, %get3A_689 : vector<16xf32>
    %swap3A_691 = arith.constant 80 : index
    %swap3A_692 = tpu.vector_load %arg11[%swap3A_691] {strides = array<i32>} : memref<256xf32, #tpu.memory_space<vmem>>, vector<16xf32>,
    tpu.vector_store %arg11[%swap3A_691], %add3A_690 {strides = array<i32>} : memref<256xf32, #tpu.memory_space<vmem>>, vector<16xf32>,
    %add3A_693 = arith.constant 2 : i32
    %add3A_694 = arith.addi %mul3A_36, %add3A_693 : i32
    %get3A_695 = arith.index_cast %add3A_694 : i32 to index
    %get3A_696 = arith.constant 96 : index
    %get3A_697 = tpu.vector_load %arg8[%get3A_695, %get3A_696] {strides = array<i32>} : memref<8x256xf32, #tpu.memory_space<vmem>>, vector<16xf32>,
    %mul3A_698 = arith.mulf %while3A_626#6, %get3A_697 : vector<16xf32>
    %get3A_699 = arith.constant 96 : index
    %get3A_700 = tpu.vector_load %arg9[%get3A_699] {strides = array<i32>} : memref<256xf32, #tpu.memory_space<vmem>>, vector<16xf32>,
    %add3A_701 = arith.addf %mul3A_698, %get3A_700 : vector<16xf32>
    %swap3A_702 = arith.constant 96 : index
    %swap3A_703 = tpu.vector_load %arg11[%swap3A_702] {strides = array<i32>} : memref<256xf32, #tpu.memory_space<vmem>>, vector<16xf32>,
    tpu.vector_store %arg11[%swap3A_702], %add3A_701 {strides = array<i32>} : memref<256xf32, #tpu.memory_space<vmem>>, vector<16xf32>,
    %add3A_704 = arith.constant 2 : i32
    %add3A_705 = arith.addi %mul3A_36, %add3A_704 : i32
    %get3A_706 = arith.index_cast %add3A_705 : i32 to index
    %get3A_707 = arith.constant 112 : index
    %get3A_708 = tpu.vector_load %arg8[%get3A_706, %get3A_707] {strides = array<i32>} : memref<8x256xf32, #tpu.memory_space<vmem>>, vector<16xf32>,
    %mul3A_709 = arith.mulf %while3A_626#7, %get3A_708 : vector<16xf32>
    %get3A_710 = arith.constant 112 : index
    %get3A_711 = tpu.vector_load %arg9[%get3A_710] {strides = array<i32>} : memref<256xf32, #tpu.memory_space<vmem>>, vector<16xf32>,
    %add3A_712 = arith.addf %mul3A_709, %get3A_711 : vector<16xf32>
    %swap3A_713 = arith.constant 112 : index
    %swap3A_714 = tpu.vector_load %arg11[%swap3A_713] {strides = array<i32>} : memref<256xf32, #tpu.memory_space<vmem>>, vector<16xf32>,
    tpu.vector_store %arg11[%swap3A_713], %add3A_712 {strides = array<i32>} : memref<256xf32, #tpu.memory_space<vmem>>, vector<16xf32>,
    %add3A_715 = arith.constant 2 : i32
    %add3A_716 = arith.addi %mul3A_36, %add3A_715 : i32
    %get3A_717 = arith.index_cast %add3A_716 : i32 to index
    %get3A_718 = arith.constant 128 : index
    %get3A_719 = tpu.vector_load %arg8[%get3A_717, %get3A_718] {strides = array<i32>} : memref<8x256xf32, #tpu.memory_space<vmem>>, vector<16xf32>,
    %mul3A_720 = arith.mulf %while3A_626#8, %get3A_719 : vector<16xf32>
    %get3A_721 = arith.constant 128 : index
    %get3A_722 = tpu.vector_load %arg9[%get3A_721] {strides = array<i32>} : memref<256xf32, #tpu.memory_space<vmem>>, vector<16xf32>,
    %add3A_723 = arith.addf %mul3A_720, %get3A_722 : vector<16xf32>
    %swap3A_724 = arith.constant 128 : index
    %swap3A_725 = tpu.vector_load %arg11[%swap3A_724] {strides = array<i32>} : memref<256xf32, #tpu.memory_space<vmem>>, vector<16xf32>,
    tpu.vector_store %arg11[%swap3A_724], %add3A_723 {strides = array<i32>} : memref<256xf32, #tpu.memory_space<vmem>>, vector<16xf32>,
    %add3A_726 = arith.constant 2 : i32
    %add3A_727 = arith.addi %mul3A_36, %add3A_726 : i32
    %get3A_728 = arith.index_cast %add3A_727 : i32 to index
    %get3A_729 = arith.constant 144 : index
    %get3A_730 = tpu.vector_load %arg8[%get3A_728, %get3A_729] {strides = array<i32>} : memref<8x256xf32, #tpu.memory_space<vmem>>, vector<16xf32>,
    %mul3A_731 = arith.mulf %while3A_626#9, %get3A_730 : vector<16xf32>
    %get3A_732 = arith.constant 144 : index
    %get3A_733 = tpu.vector_load %arg9[%get3A_732] {strides = array<i32>} : memref<256xf32, #tpu.memory_space<vmem>>, vector<16xf32>,
    %add3A_734 = arith.addf %mul3A_731, %get3A_733 : vector<16xf32>
    %swap3A_735 = arith.constant 144 : index
    %swap3A_736 = tpu.vector_load %arg11[%swap3A_735] {strides = array<i32>} : memref<256xf32, #tpu.memory_space<vmem>>, vector<16xf32>,
    tpu.vector_store %arg11[%swap3A_735], %add3A_734 {strides = array<i32>} : memref<256xf32, #tpu.memory_space<vmem>>, vector<16xf32>,
    %add3A_737 = arith.constant 2 : i32
    %add3A_738 = arith.addi %mul3A_36, %add3A_737 : i32
    %get3A_739 = arith.index_cast %add3A_738 : i32 to index
    %get3A_740 = arith.constant 160 : index
    %get3A_741 = tpu.vector_load %arg8[%get3A_739, %get3A_740] {strides = array<i32>} : memref<8x256xf32, #tpu.memory_space<vmem>>, vector<16xf32>,
    %mul3A_742 = arith.mulf %while3A_626#10, %get3A_741 : vector<16xf32>
    %get3A_743 = arith.constant 160 : index
    %get3A_744 = tpu.vector_load %arg9[%get3A_743] {strides = array<i32>} : memref<256xf32, #tpu.memory_space<vmem>>, vector<16xf32>,
    %add3A_745 = arith.addf %mul3A_742, %get3A_744 : vector<16xf32>
    %swap3A_746 = arith.constant 160 : index
    %swap3A_747 = tpu.vector_load %arg11[%swap3A_746] {strides = array<i32>} : memref<256xf32, #tpu.memory_space<vmem>>, vector<16xf32>,
    tpu.vector_store %arg11[%swap3A_746], %add3A_745 {strides = array<i32>} : memref<256xf32, #tpu.memory_space<vmem>>, vector<16xf32>,
    %add3A_748 = arith.constant 2 : i32
    %add3A_749 = arith.addi %mul3A_36, %add3A_748 : i32
    %get3A_750 = arith.index_cast %add3A_749 : i32 to index
    %get3A_751 = arith.constant 176 : index
    %get3A_752 = tpu.vector_load %arg8[%get3A_750, %get3A_751] {strides = array<i32>} : memref<8x256xf32, #tpu.memory_space<vmem>>, vector<16xf32>,
    %mul3A_753 = arith.mulf %while3A_626#11, %get3A_752 : vector<16xf32>
    %get3A_754 = arith.constant 176 : index
    %get3A_755 = tpu.vector_load %arg9[%get3A_754] {strides = array<i32>} : memref<256xf32, #tpu.memory_space<vmem>>, vector<16xf32>,
    %add3A_756 = arith.addf %mul3A_753, %get3A_755 : vector<16xf32>
    %swap3A_757 = arith.constant 176 : index
    %swap3A_758 = tpu.vector_load %arg11[%swap3A_757] {strides = array<i32>} : memref<256xf32, #tpu.memory_space<vmem>>, vector<16xf32>,
    tpu.vector_store %arg11[%swap3A_757], %add3A_756 {strides = array<i32>} : memref<256xf32, #tpu.memory_space<vmem>>, vector<16xf32>,
    %add3A_759 = arith.constant 2 : i32
    %add3A_760 = arith.addi %mul3A_36, %add3A_759 : i32
    %get3A_761 = arith.index_cast %add3A_760 : i32 to index
    %get3A_762 = arith.constant 192 : index
    %get3A_763 = tpu.vector_load %arg8[%get3A_761, %get3A_762] {strides = array<i32>} : memref<8x256xf32, #tpu.memory_space<vmem>>, vector<16xf32>,
    %mul3A_764 = arith.mulf %while3A_626#12, %get3A_763 : vector<16xf32>
    %get3A_765 = arith.constant 192 : index
    %get3A_766 = tpu.vector_load %arg9[%get3A_765] {strides = array<i32>} : memref<256xf32, #tpu.memory_space<vmem>>, vector<16xf32>,
    %add3A_767 = arith.addf %mul3A_764, %get3A_766 : vector<16xf32>
    %swap3A_768 = arith.constant 192 : index
    %swap3A_769 = tpu.vector_load %arg11[%swap3A_768] {strides = array<i32>} : memref<256xf32, #tpu.memory_space<vmem>>, vector<16xf32>,
    tpu.vector_store %arg11[%swap3A_768], %add3A_767 {strides = array<i32>} : memref<256xf32, #tpu.memory_space<vmem>>, vector<16xf32>,
    %add3A_770 = arith.constant 2 : i32
    %add3A_771 = arith.addi %mul3A_36, %add3A_770 : i32
    %get3A_772 = arith.index_cast %add3A_771 : i32 to index
    %get3A_773 = arith.constant 208 : index
    %get3A_774 = tpu.vector_load %arg8[%get3A_772, %get3A_773] {strides = array<i32>} : memref<8x256xf32, #tpu.memory_space<vmem>>, vector<16xf32>,
    %mul3A_775 = arith.mulf %while3A_626#13, %get3A_774 : vector<16xf32>
    %get3A_776 = arith.constant 208 : index
    %get3A_777 = tpu.vector_load %arg9[%get3A_776] {strides = array<i32>} : memref<256xf32, #tpu.memory_space<vmem>>, vector<16xf32>,
    %add3A_778 = arith.addf %mul3A_775, %get3A_777 : vector<16xf32>
    %swap3A_779 = arith.constant 208 : index
    %swap3A_780 = tpu.vector_load %arg11[%swap3A_779] {strides = array<i32>} : memref<256xf32, #tpu.memory_space<vmem>>, vector<16xf32>,
    tpu.vector_store %arg11[%swap3A_779], %add3A_778 {strides = array<i32>} : memref<256xf32, #tpu.memory_space<vmem>>, vector<16xf32>,
    %add3A_781 = arith.constant 2 : i32
    %add3A_782 = arith.addi %mul3A_36, %add3A_781 : i32
    %get3A_783 = arith.index_cast %add3A_782 : i32 to index
    %get3A_784 = arith.constant 224 : index
    %get3A_785 = tpu.vector_load %arg8[%get3A_783, %get3A_784] {strides = array<i32>} : memref<8x256xf32, #tpu.memory_space<vmem>>, vector<16xf32>,
    %mul3A_786 = arith.mulf %while3A_626#14, %get3A_785 : vector<16xf32>
    %get3A_787 = arith.constant 224 : index
    %get3A_788 = tpu.vector_load %arg9[%get3A_787] {strides = array<i32>} : memref<256xf32, #tpu.memory_space<vmem>>, vector<16xf32>,
    %add3A_789 = arith.addf %mul3A_786, %get3A_788 : vector<16xf32>
    %swap3A_790 = arith.constant 224 : index
    %swap3A_791 = tpu.vector_load %arg11[%swap3A_790] {strides = array<i32>} : memref<256xf32, #tpu.memory_space<vmem>>, vector<16xf32>,
    tpu.vector_store %arg11[%swap3A_790], %add3A_789 {strides = array<i32>} : memref<256xf32, #tpu.memory_space<vmem>>, vector<16xf32>,
    %add3A_792 = arith.constant 2 : i32
    %add3A_793 = arith.addi %mul3A_36, %add3A_792 : i32
    %get3A_794 = arith.index_cast %add3A_793 : i32 to index
    %get3A_795 = arith.constant 240 : index
    %get3A_796 = tpu.vector_load %arg8[%get3A_794, %get3A_795] {strides = array<i32>} : memref<8x256xf32, #tpu.memory_space<vmem>>, vector<16xf32>,
    %mul3A_797 = arith.mulf %while3A_626#15, %get3A_796 : vector<16xf32>
    %get3A_798 = arith.constant 240 : index
    %get3A_799 = tpu.vector_load %arg9[%get3A_798] {strides = array<i32>} : memref<256xf32, #tpu.memory_space<vmem>>, vector<16xf32>,
    %add3A_800 = arith.addf %mul3A_797, %get3A_799 : vector<16xf32>
    %swap3A_801 = arith.constant 240 : index
    %swap3A_802 = tpu.vector_load %arg11[%swap3A_801] {strides = array<i32>} : memref<256xf32, #tpu.memory_space<vmem>>, vector<16xf32>,
    tpu.vector_store %arg11[%swap3A_801], %add3A_800 {strides = array<i32>} : memref<256xf32, #tpu.memory_space<vmem>>, vector<16xf32>,
    %add3A_803 = arith.constant 2 : i32
    %add3A_804 = arith.addi %mul3A_2, %add3A_803 : i32
    %mul3A_805 = arith.constant 256 : i32
    %mul3A_806 = arith.muli %add3A_804, %mul3A_805 : i32
    %multiple_of3A_807 = tpu.assume_multiple %mul3A_806, 8 : i32
    "tpu.region"() ({
      %run_scoped3A = tpu.sem_alloc : memref<!tpu.dma_semaphore, #tpu.memory_space<semaphore_mem>>
      %dma_start3A = tpu.memref_slice %arg6[%multiple_of3A_807] : memref<32768xf32, #tpu.memory_space<hbm>> -> memref<256xf32, #tpu.memory_space<hbm>>
      %dma_start3A_1067 = tpu.memref_slice %arg6[%multiple_of3A_807] : memref<32768xf32, #tpu.memory_space<hbm>> -> memref<256xf32, #tpu.memory_space<hbm>>
      tpu.enqueue_dma source(%arg11 : memref<256xf32, #tpu.memory_space<vmem>>) target(%dma_start3A_1067 : memref<256xf32, #tpu.memory_space<hbm>>) target_semaphore(%run_scoped3A : memref<!tpu.dma_semaphore, #tpu.memory_space<semaphore_mem>>)
      %dma_wait3A = tpu.memref_slice %arg6[%multiple_of3A_807] : memref<32768xf32, #tpu.memory_space<hbm>> -> memref<256xf32, #tpu.memory_space<hbm>>
      %dma_wait3A_1068 = tpu.memref_slice %arg6[%multiple_of3A_807] : memref<32768xf32, #tpu.memory_space<hbm>> -> memref<256xf32, #tpu.memory_space<hbm>>
      tpu.wait_dma2 semaphore(%run_scoped3A : memref<!tpu.dma_semaphore, #tpu.memory_space<semaphore_mem>>) src(%arg11 : memref<256xf32, #tpu.memory_space<vmem>>) dst(%dma_wait3A_1068 : memref<256xf32, #tpu.memory_space<hbm>>)
      tpu.yield
    }) : () -> ()
    %add3A_808 = arith.constant 3 : i32
    %add3A_809 = arith.addi %mul3A_36, %add3A_808 : i32
    %get3A_810 = arith.index_cast %add3A_809 : i32 to index
    %get3A_811 = arith.constant 0 : index
    %get3A_812 = tpu.vector_load %arg7[%get3A_810, %get3A_811] {strides = array<i32>} : memref<8x16xi32, #tpu.memory_space<vmem>>, vector<16xi32>,
    %slice3A_813 = vector.extract_strided_slice %get3A_812 {offsets = [0], sizes = [1], strides = [1]} : vector<16xi32> to vector<1xi32>
    %squeeze3A_814 = vector.extract %slice3A_813[0] : i32 from vector<1xi32>
    %slice3A_815 = vector.extract_strided_slice %get3A_812 {offsets = [1], sizes = [1], strides = [1]} : vector<16xi32> to vector<1xi32>
    %squeeze3A_816 = vector.extract %slice3A_815[0] : i32 from vector<1xi32>
    %jit3A_817 = arith.constant 8 : i32
    %div3A_818 = arith.divsi %squeeze3A_814, %jit3A_817 : i32
    %sign3A_819 = arith.constant 0 : i32
    %sign3A_820 = arith.cmpi sgt, %squeeze3A_814, %sign3A_819 : i32
    %sign3A_821 = arith.extui %sign3A_820 : i1 to i32
    %sign3A_822 = arith.constant 0 : i32
    %sign3A_823 = arith.cmpi slt, %squeeze3A_814, %sign3A_822 : i32
    %sign3A_824 = arith.extui %sign3A_823 : i1 to i32
    %sign3A_825 = arith.subi %sign3A_821, %sign3A_824 : i32
    %sign3A_826 = arith.constant 0 : i32
    %sign3A_827 = arith.cmpi sgt, %jit3A_817, %sign3A_826 : i32
    %sign3A_828 = arith.extui %sign3A_827 : i1 to i32
    %sign3A_829 = arith.constant 0 : i32
    %sign3A_830 = arith.cmpi slt, %jit3A_817, %sign3A_829 : i32
    %sign3A_831 = arith.extui %sign3A_830 : i1 to i32
    %sign3A_832 = arith.subi %sign3A_828, %sign3A_831 : i32
    %ne3A_833 = arith.cmpi ne, %sign3A_825, %sign3A_832 : i32
    %rem3A_834 = arith.remsi %squeeze3A_814, %jit3A_817 : i32
    %ne3A_835 = arith.constant 0 : i32
    %ne3A_836 = arith.cmpi ne, %rem3A_834, %ne3A_835 : i32
    %and3A_837 = arith.andi %ne3A_833, %ne3A_836 : i1
    %sub3A_838 = arith.constant 1 : i32
    %sub3A_839 = arith.subi %div3A_818, %sub3A_838 : i32
    %select_n3A_840 = arith.select %and3A_837, %sub3A_839, %div3A_818 : i32
    %mul3A_841 = arith.constant 8 : i32
    %mul3A_842 = arith.muli %select_n3A_840, %mul3A_841 : i32
    %sub3A_843 = arith.subi %squeeze3A_814, %mul3A_842 : i32
    %add3A_844 = arith.addi %squeeze3A_816, %sub3A_843 : i32
    %add3A_845 = arith.constant 128 : i32
    %add3A_846 = arith.addi %add3A_844, %add3A_845 : i32
    %sub3A_847 = arith.constant 1 : i32
    %sub3A_848 = arith.subi %add3A_846, %sub3A_847 : i32
    %jit3A_849 = arith.constant 128 : i32
    %div3A_850 = arith.divsi %sub3A_848, %jit3A_849 : i32
    %sign3A_851 = arith.constant 0 : i32
    %sign3A_852 = arith.cmpi sgt, %sub3A_848, %sign3A_851 : i32
    %sign3A_853 = arith.extui %sign3A_852 : i1 to i32
    %sign3A_854 = arith.constant 0 : i32
    %sign3A_855 = arith.cmpi slt, %sub3A_848, %sign3A_854 : i32
    %sign3A_856 = arith.extui %sign3A_855 : i1 to i32
    %sign3A_857 = arith.subi %sign3A_853, %sign3A_856 : i32
    %sign3A_858 = arith.constant 0 : i32
    %sign3A_859 = arith.cmpi sgt, %jit3A_849, %sign3A_858 : i32
    %sign3A_860 = arith.extui %sign3A_859 : i1 to i32
    %sign3A_861 = arith.constant 0 : i32
    %sign3A_862 = arith.cmpi slt, %jit3A_849, %sign3A_861 : i32
    %sign3A_863 = arith.extui %sign3A_862 : i1 to i32
    %sign3A_864 = arith.subi %sign3A_860, %sign3A_863 : i32
    %ne3A_865 = arith.cmpi ne, %sign3A_857, %sign3A_864 : i32
    %rem3A_866 = arith.remsi %sub3A_848, %jit3A_849 : i32
    %ne3A_867 = arith.constant 0 : i32
    %ne3A_868 = arith.cmpi ne, %rem3A_866, %ne3A_867 : i32
    %and3A_869 = arith.andi %ne3A_865, %ne3A_868 : i1
    %sub3A_870 = arith.constant 1 : i32
    %sub3A_871 = arith.subi %div3A_850, %sub3A_870 : i32
    %select_n3A_872 = arith.select %and3A_869, %sub3A_871, %div3A_850 : i32
    %broadcast_in_dim3A_873 = arith.constant 0.000000e+00 : f32
    %broadcast_in_dim3A_874 = vector.broadcast %broadcast_in_dim3A_873 : f32 to vector<16xf32>
    %while3A_875 = arith.constant 0 : i32
    %while3A_876 = arith.subi %select_n3A_872, %while3A_875 : i32
    %while3A_877 = arith.addi %while3A_875, %while3A_876 : i32
    %while3A_878 = arith.constant 1 : i32
    %while3A_879 = arith.divsi %while3A_876, %while3A_878 : i32
    %while3A_880 = arith.muli %while3A_879, %while3A_878 : i32
    %while3A_881 = arith.addi %while3A_875, %while3A_880 : i32
    %while3A_882 = arith.constant 1 : i32
    %while3A_883:16 = scf.for %while3A_1067 = %while3A_875 to %while3A_881 step %while3A_882 iter_args(%while3A_1068 = %broadcast_in_dim3A_874, %while3A_1069 = %broadcast_in_dim3A_874, %while3A_1070 = %broadcast_in_dim3A_874, %while3A_1071 = %broadcast_in_dim3A_874, %while3A_1072 = %broadcast_in_dim3A_874, %while3A_1073 = %broadcast_in_dim3A_874, %while3A_1074 = %broadcast_in_dim3A_874, %while3A_1075 = %broadcast_in_dim3A_874, %while3A_1076 = %broadcast_in_dim3A_874, %while3A_1077 = %broadcast_in_dim3A_874, %while3A_1078 = %broadcast_in_dim3A_874, %while3A_1079 = %broadcast_in_dim3A_874, %while3A_1080 = %broadcast_in_dim3A_874, %while3A_1081 = %broadcast_in_dim3A_874, %while3A_1082 = %broadcast_in_dim3A_874, %while3A_1083 = %broadcast_in_dim3A_874) -> (vector<16xf32>, vector<16xf32>, vector<16xf32>, vector<16xf32>, vector<16xf32>, vector<16xf32>, vector<16xf32>, vector<16xf32>, vector<16xf32>, vector<16xf32>, vector<16xf32>, vector<16xf32>, vector<16xf32>, vector<16xf32>, vector<16xf32>, vector<16xf32>)  : i32 {
      %mul3A_1084 = arith.constant 128 : i32
      %mul3A_1085 = arith.muli %while3A_1067, %mul3A_1084 : i32
      %add3A_1086 = arith.addi %mul3A_842, %mul3A_1085 : i32
      %multiple_of3A_1087 = tpu.assume_multiple %add3A_1086, 8 : i32
      "tpu.region"() ({
        %run_scoped3A = tpu.sem_alloc : memref<!tpu.dma_semaphore, #tpu.memory_space<semaphore_mem>>
        %dma_start3A = arith.constant 0 : i32
        %dma_start3A_1103 = tpu.memref_slice %arg2[%multiple_of3A_1087, %dma_start3A] : memref<50176x128xi32, #tpu.memory_space<hbm>> -> memref<128x128xi32, #tpu.memory_space<hbm>>
        %dma_start3A_1104 = arith.constant 0 : i32
        %dma_start3A_1105 = tpu.memref_slice %arg2[%multiple_of3A_1087, %dma_start3A_1104] : memref<50176x128xi32, #tpu.memory_space<hbm>> -> memref<128x128xi32, #tpu.memory_space<hbm>>
        tpu.enqueue_dma source(%dma_start3A_1105 : memref<128x128xi32, #tpu.memory_space<hbm>>) target(%arg10 : memref<128x128xi32, #tpu.memory_space<vmem>>) target_semaphore(%run_scoped3A : memref<!tpu.dma_semaphore, #tpu.memory_space<semaphore_mem>>)
        %dma_wait3A = arith.constant 0 : i32
        %dma_wait3A_1106 = tpu.memref_slice %arg2[%multiple_of3A_1087, %dma_wait3A] : memref<50176x128xi32, #tpu.memory_space<hbm>> -> memref<128x128xi32, #tpu.memory_space<hbm>>
        %dma_wait3A_1107 = arith.constant 0 : i32
        %dma_wait3A_1108 = tpu.memref_slice %arg2[%multiple_of3A_1087, %dma_wait3A_1107] : memref<50176x128xi32, #tpu.memory_space<hbm>> -> memref<128x128xi32, #tpu.memory_space<hbm>>
        tpu.wait_dma2 semaphore(%run_scoped3A : memref<!tpu.dma_semaphore, #tpu.memory_space<semaphore_mem>>) src(%dma_wait3A_1108 : memref<128x128xi32, #tpu.memory_space<hbm>>) dst(%arg10 : memref<128x128xi32, #tpu.memory_space<vmem>>)
        tpu.yield
      }) : () -> ()
      %sub3A_1088 = arith.subi %squeeze3A_814, %multiple_of3A_1087 : i32
      %max3A = arith.constant 0 : i32
      %max3A_1089 = arith.maxsi %sub3A_1088, %max3A : i32
      %add3A_1090 = arith.addi %squeeze3A_814, %squeeze3A_816 : i32
      %sub3A_1091 = arith.subi %add3A_1090, %multiple_of3A_1087 : i32
      %min3A = arith.constant 128 : i32
      %min3A_1092 = arith.minsi %sub3A_1091, %min3A : i32
      %while3A_1093 = arith.subi %min3A_1092, %max3A_1089 : i32
      %while3A_1094 = arith.addi %max3A_1089, %while3A_1093 : i32
      %while3A_1095 = arith.constant 1 : i32
      %while3A_1096 = arith.divsi %while3A_1093, %while3A_1095 : i32
      %while3A_1097 = arith.muli %while3A_1096, %while3A_1095 : i32
      %while3A_1098 = arith.addi %max3A_1089, %while3A_1097 : i32
      %while3A_1099 = arith.constant 1 : i32
      %while3A_1100:16 = scf.for %while3A_1103 = %max3A_1089 to %while3A_1098 step %while3A_1099 iter_args(%while3A_1104 = %while3A_1068, %while3A_1105 = %while3A_1069, %while3A_1106 = %while3A_1070, %while3A_1107 = %while3A_1071, %while3A_1108 = %while3A_1072, %while3A_1109 = %while3A_1073, %while3A_1110 = %while3A_1074, %while3A_1111 = %while3A_1075, %while3A_1112 = %while3A_1076, %while3A_1113 = %while3A_1077, %while3A_1114 = %while3A_1078, %while3A_1115 = %while3A_1079, %while3A_1116 = %while3A_1080, %while3A_1117 = %while3A_1081, %while3A_1118 = %while3A_1082, %while3A_1119 = %while3A_1083) -> (vector<16xf32>, vector<16xf32>, vector<16xf32>, vector<16xf32>, vector<16xf32>, vector<16xf32>, vector<16xf32>, vector<16xf32>, vector<16xf32>, vector<16xf32>, vector<16xf32>, vector<16xf32>, vector<16xf32>, vector<16xf32>, vector<16xf32>, vector<16xf32>)  : i32 {
        %get3A_1120 = arith.index_cast %while3A_1103 : i32 to index
        %get3A_1121 = arith.constant 0 : index
        %get3A_1122 = tpu.vector_load %arg10[%get3A_1120, %get3A_1121] {strides = array<i32>} : memref<128x128xi32, #tpu.memory_space<vmem>>, vector<16xi32>,
        %shift_left3A = arith.constant 16 : i32
        %shift_left3A_1123 = vector.broadcast %shift_left3A : i32 to vector<16xi32>
        %shift_left3A_1124 = arith.shli %get3A_1122, %shift_left3A_1123 : vector<16xi32>
        %bitcast3A = vector.bitcast %shift_left3A_1124 : vector<16xi32> to vector<16xf32>
        %and3A_1125 = arith.constant -65536 : i32
        %and3A_1126 = vector.broadcast %and3A_1125 : i32 to vector<16xi32>
        %and3A_1127 = arith.andi %get3A_1122, %and3A_1126 : vector<16xi32>
        %bitcast3A_1128 = vector.bitcast %and3A_1127 : vector<16xi32> to vector<16xf32>
        %add3A_1129 = arith.addf %while3A_1104, %bitcast3A : vector<16xf32>
        %add3A_1130 = arith.addf %while3A_1112, %bitcast3A_1128 : vector<16xf32>
        %get3A_1131 = arith.index_cast %while3A_1103 : i32 to index
        %get3A_1132 = arith.constant 16 : index
        %get3A_1133 = tpu.vector_load %arg10[%get3A_1131, %get3A_1132] {strides = array<i32>} : memref<128x128xi32, #tpu.memory_space<vmem>>, vector<16xi32>,
        %shift_left3A_1134 = arith.constant 16 : i32
        %shift_left3A_1135 = vector.broadcast %shift_left3A_1134 : i32 to vector<16xi32>
        %shift_left3A_1136 = arith.shli %get3A_1133, %shift_left3A_1135 : vector<16xi32>
        %bitcast3A_1137 = vector.bitcast %shift_left3A_1136 : vector<16xi32> to vector<16xf32>
        %and3A_1138 = arith.constant -65536 : i32
        %and3A_1139 = vector.broadcast %and3A_1138 : i32 to vector<16xi32>
        %and3A_1140 = arith.andi %get3A_1133, %and3A_1139 : vector<16xi32>
        %bitcast3A_1141 = vector.bitcast %and3A_1140 : vector<16xi32> to vector<16xf32>
        %add3A_1142 = arith.addf %while3A_1105, %bitcast3A_1137 : vector<16xf32>
        %add3A_1143 = arith.addf %while3A_1113, %bitcast3A_1141 : vector<16xf32>
        %get3A_1144 = arith.index_cast %while3A_1103 : i32 to index
        %get3A_1145 = arith.constant 32 : index
        %get3A_1146 = tpu.vector_load %arg10[%get3A_1144, %get3A_1145] {strides = array<i32>} : memref<128x128xi32, #tpu.memory_space<vmem>>, vector<16xi32>,
        %shift_left3A_1147 = arith.constant 16 : i32
        %shift_left3A_1148 = vector.broadcast %shift_left3A_1147 : i32 to vector<16xi32>
        %shift_left3A_1149 = arith.shli %get3A_1146, %shift_left3A_1148 : vector<16xi32>
        %bitcast3A_1150 = vector.bitcast %shift_left3A_1149 : vector<16xi32> to vector<16xf32>
        %and3A_1151 = arith.constant -65536 : i32
        %and3A_1152 = vector.broadcast %and3A_1151 : i32 to vector<16xi32>
        %and3A_1153 = arith.andi %get3A_1146, %and3A_1152 : vector<16xi32>
        %bitcast3A_1154 = vector.bitcast %and3A_1153 : vector<16xi32> to vector<16xf32>
        %add3A_1155 = arith.addf %while3A_1106, %bitcast3A_1150 : vector<16xf32>
        %add3A_1156 = arith.addf %while3A_1114, %bitcast3A_1154 : vector<16xf32>
        %get3A_1157 = arith.index_cast %while3A_1103 : i32 to index
        %get3A_1158 = arith.constant 48 : index
        %get3A_1159 = tpu.vector_load %arg10[%get3A_1157, %get3A_1158] {strides = array<i32>} : memref<128x128xi32, #tpu.memory_space<vmem>>, vector<16xi32>,
        %shift_left3A_1160 = arith.constant 16 : i32
        %shift_left3A_1161 = vector.broadcast %shift_left3A_1160 : i32 to vector<16xi32>
        %shift_left3A_1162 = arith.shli %get3A_1159, %shift_left3A_1161 : vector<16xi32>
        %bitcast3A_1163 = vector.bitcast %shift_left3A_1162 : vector<16xi32> to vector<16xf32>
        %and3A_1164 = arith.constant -65536 : i32
        %and3A_1165 = vector.broadcast %and3A_1164 : i32 to vector<16xi32>
        %and3A_1166 = arith.andi %get3A_1159, %and3A_1165 : vector<16xi32>
        %bitcast3A_1167 = vector.bitcast %and3A_1166 : vector<16xi32> to vector<16xf32>
        %add3A_1168 = arith.addf %while3A_1107, %bitcast3A_1163 : vector<16xf32>
        %add3A_1169 = arith.addf %while3A_1115, %bitcast3A_1167 : vector<16xf32>
        %get3A_1170 = arith.index_cast %while3A_1103 : i32 to index
        %get3A_1171 = arith.constant 64 : index
        %get3A_1172 = tpu.vector_load %arg10[%get3A_1170, %get3A_1171] {strides = array<i32>} : memref<128x128xi32, #tpu.memory_space<vmem>>, vector<16xi32>,
        %shift_left3A_1173 = arith.constant 16 : i32
        %shift_left3A_1174 = vector.broadcast %shift_left3A_1173 : i32 to vector<16xi32>
        %shift_left3A_1175 = arith.shli %get3A_1172, %shift_left3A_1174 : vector<16xi32>
        %bitcast3A_1176 = vector.bitcast %shift_left3A_1175 : vector<16xi32> to vector<16xf32>
        %and3A_1177 = arith.constant -65536 : i32
        %and3A_1178 = vector.broadcast %and3A_1177 : i32 to vector<16xi32>
        %and3A_1179 = arith.andi %get3A_1172, %and3A_1178 : vector<16xi32>
        %bitcast3A_1180 = vector.bitcast %and3A_1179 : vector<16xi32> to vector<16xf32>
        %add3A_1181 = arith.addf %while3A_1108, %bitcast3A_1176 : vector<16xf32>
        %add3A_1182 = arith.addf %while3A_1116, %bitcast3A_1180 : vector<16xf32>
        %get3A_1183 = arith.index_cast %while3A_1103 : i32 to index
        %get3A_1184 = arith.constant 80 : index
        %get3A_1185 = tpu.vector_load %arg10[%get3A_1183, %get3A_1184] {strides = array<i32>} : memref<128x128xi32, #tpu.memory_space<vmem>>, vector<16xi32>,
        %shift_left3A_1186 = arith.constant 16 : i32
        %shift_left3A_1187 = vector.broadcast %shift_left3A_1186 : i32 to vector<16xi32>
        %shift_left3A_1188 = arith.shli %get3A_1185, %shift_left3A_1187 : vector<16xi32>
        %bitcast3A_1189 = vector.bitcast %shift_left3A_1188 : vector<16xi32> to vector<16xf32>
        %and3A_1190 = arith.constant -65536 : i32
        %and3A_1191 = vector.broadcast %and3A_1190 : i32 to vector<16xi32>
        %and3A_1192 = arith.andi %get3A_1185, %and3A_1191 : vector<16xi32>
        %bitcast3A_1193 = vector.bitcast %and3A_1192 : vector<16xi32> to vector<16xf32>
        %add3A_1194 = arith.addf %while3A_1109, %bitcast3A_1189 : vector<16xf32>
        %add3A_1195 = arith.addf %while3A_1117, %bitcast3A_1193 : vector<16xf32>
        %get3A_1196 = arith.index_cast %while3A_1103 : i32 to index
        %get3A_1197 = arith.constant 96 : index
        %get3A_1198 = tpu.vector_load %arg10[%get3A_1196, %get3A_1197] {strides = array<i32>} : memref<128x128xi32, #tpu.memory_space<vmem>>, vector<16xi32>,
        %shift_left3A_1199 = arith.constant 16 : i32
        %shift_left3A_1200 = vector.broadcast %shift_left3A_1199 : i32 to vector<16xi32>
        %shift_left3A_1201 = arith.shli %get3A_1198, %shift_left3A_1200 : vector<16xi32>
        %bitcast3A_1202 = vector.bitcast %shift_left3A_1201 : vector<16xi32> to vector<16xf32>
        %and3A_1203 = arith.constant -65536 : i32
        %and3A_1204 = vector.broadcast %and3A_1203 : i32 to vector<16xi32>
        %and3A_1205 = arith.andi %get3A_1198, %and3A_1204 : vector<16xi32>
        %bitcast3A_1206 = vector.bitcast %and3A_1205 : vector<16xi32> to vector<16xf32>
        %add3A_1207 = arith.addf %while3A_1110, %bitcast3A_1202 : vector<16xf32>
        %add3A_1208 = arith.addf %while3A_1118, %bitcast3A_1206 : vector<16xf32>
        %get3A_1209 = arith.index_cast %while3A_1103 : i32 to index
        %get3A_1210 = arith.constant 112 : index
        %get3A_1211 = tpu.vector_load %arg10[%get3A_1209, %get3A_1210] {strides = array<i32>} : memref<128x128xi32, #tpu.memory_space<vmem>>, vector<16xi32>,
        %shift_left3A_1212 = arith.constant 16 : i32
        %shift_left3A_1213 = vector.broadcast %shift_left3A_1212 : i32 to vector<16xi32>
        %shift_left3A_1214 = arith.shli %get3A_1211, %shift_left3A_1213 : vector<16xi32>
        %bitcast3A_1215 = vector.bitcast %shift_left3A_1214 : vector<16xi32> to vector<16xf32>
        %and3A_1216 = arith.constant -65536 : i32
        %and3A_1217 = vector.broadcast %and3A_1216 : i32 to vector<16xi32>
        %and3A_1218 = arith.andi %get3A_1211, %and3A_1217 : vector<16xi32>
        %bitcast3A_1219 = vector.bitcast %and3A_1218 : vector<16xi32> to vector<16xf32>
        %add3A_1220 = arith.addf %while3A_1111, %bitcast3A_1215 : vector<16xf32>
        %add3A_1221 = arith.addf %while3A_1119, %bitcast3A_1219 : vector<16xf32>
        scf.yield %add3A_1129, %add3A_1142, %add3A_1155, %add3A_1168, %add3A_1181, %add3A_1194, %add3A_1207, %add3A_1220, %add3A_1130, %add3A_1143, %add3A_1156, %add3A_1169, %add3A_1182, %add3A_1195, %add3A_1208, %add3A_1221 : vector<16xf32>, vector<16xf32>, vector<16xf32>, vector<16xf32>, vector<16xf32>, vector<16xf32>, vector<16xf32>, vector<16xf32>, vector<16xf32>, vector<16xf32>, vector<16xf32>, vector<16xf32>, vector<16xf32>, vector<16xf32>, vector<16xf32>, vector<16xf32>
      }
      %while3A_1101 = arith.constant 1 : i32
      %while3A_1102:16 = scf.for %while3A_1103 = %while3A_1098 to %while3A_1094 step %while3A_1101 iter_args(%while3A_1104 = %while3A_1100#0, %while3A_1105 = %while3A_1100#1, %while3A_1106 = %while3A_1100#2, %while3A_1107 = %while3A_1100#3, %while3A_1108 = %while3A_1100#4, %while3A_1109 = %while3A_1100#5, %while3A_1110 = %while3A_1100#6, %while3A_1111 = %while3A_1100#7, %while3A_1112 = %while3A_1100#8, %while3A_1113 = %while3A_1100#9, %while3A_1114 = %while3A_1100#10, %while3A_1115 = %while3A_1100#11, %while3A_1116 = %while3A_1100#12, %while3A_1117 = %while3A_1100#13, %while3A_1118 = %while3A_1100#14, %while3A_1119 = %while3A_1100#15) -> (vector<16xf32>, vector<16xf32>, vector<16xf32>, vector<16xf32>, vector<16xf32>, vector<16xf32>, vector<16xf32>, vector<16xf32>, vector<16xf32>, vector<16xf32>, vector<16xf32>, vector<16xf32>, vector<16xf32>, vector<16xf32>, vector<16xf32>, vector<16xf32>)  : i32 {
        %get3A_1120 = arith.index_cast %while3A_1103 : i32 to index
        %get3A_1121 = arith.constant 0 : index
        %get3A_1122 = tpu.vector_load %arg10[%get3A_1120, %get3A_1121] {strides = array<i32>} : memref<128x128xi32, #tpu.memory_space<vmem>>, vector<16xi32>,
        %shift_left3A = arith.constant 16 : i32
        %shift_left3A_1123 = vector.broadcast %shift_left3A : i32 to vector<16xi32>
        %shift_left3A_1124 = arith.shli %get3A_1122, %shift_left3A_1123 : vector<16xi32>
        %bitcast3A = vector.bitcast %shift_left3A_1124 : vector<16xi32> to vector<16xf32>
        %and3A_1125 = arith.constant -65536 : i32
        %and3A_1126 = vector.broadcast %and3A_1125 : i32 to vector<16xi32>
        %and3A_1127 = arith.andi %get3A_1122, %and3A_1126 : vector<16xi32>
        %bitcast3A_1128 = vector.bitcast %and3A_1127 : vector<16xi32> to vector<16xf32>
        %add3A_1129 = arith.addf %while3A_1104, %bitcast3A : vector<16xf32>
        %add3A_1130 = arith.addf %while3A_1112, %bitcast3A_1128 : vector<16xf32>
        %get3A_1131 = arith.index_cast %while3A_1103 : i32 to index
        %get3A_1132 = arith.constant 16 : index
        %get3A_1133 = tpu.vector_load %arg10[%get3A_1131, %get3A_1132] {strides = array<i32>} : memref<128x128xi32, #tpu.memory_space<vmem>>, vector<16xi32>,
        %shift_left3A_1134 = arith.constant 16 : i32
        %shift_left3A_1135 = vector.broadcast %shift_left3A_1134 : i32 to vector<16xi32>
        %shift_left3A_1136 = arith.shli %get3A_1133, %shift_left3A_1135 : vector<16xi32>
        %bitcast3A_1137 = vector.bitcast %shift_left3A_1136 : vector<16xi32> to vector<16xf32>
        %and3A_1138 = arith.constant -65536 : i32
        %and3A_1139 = vector.broadcast %and3A_1138 : i32 to vector<16xi32>
        %and3A_1140 = arith.andi %get3A_1133, %and3A_1139 : vector<16xi32>
        %bitcast3A_1141 = vector.bitcast %and3A_1140 : vector<16xi32> to vector<16xf32>
        %add3A_1142 = arith.addf %while3A_1105, %bitcast3A_1137 : vector<16xf32>
        %add3A_1143 = arith.addf %while3A_1113, %bitcast3A_1141 : vector<16xf32>
        %get3A_1144 = arith.index_cast %while3A_1103 : i32 to index
        %get3A_1145 = arith.constant 32 : index
        %get3A_1146 = tpu.vector_load %arg10[%get3A_1144, %get3A_1145] {strides = array<i32>} : memref<128x128xi32, #tpu.memory_space<vmem>>, vector<16xi32>,
        %shift_left3A_1147 = arith.constant 16 : i32
        %shift_left3A_1148 = vector.broadcast %shift_left3A_1147 : i32 to vector<16xi32>
        %shift_left3A_1149 = arith.shli %get3A_1146, %shift_left3A_1148 : vector<16xi32>
        %bitcast3A_1150 = vector.bitcast %shift_left3A_1149 : vector<16xi32> to vector<16xf32>
        %and3A_1151 = arith.constant -65536 : i32
        %and3A_1152 = vector.broadcast %and3A_1151 : i32 to vector<16xi32>
        %and3A_1153 = arith.andi %get3A_1146, %and3A_1152 : vector<16xi32>
        %bitcast3A_1154 = vector.bitcast %and3A_1153 : vector<16xi32> to vector<16xf32>
        %add3A_1155 = arith.addf %while3A_1106, %bitcast3A_1150 : vector<16xf32>
        %add3A_1156 = arith.addf %while3A_1114, %bitcast3A_1154 : vector<16xf32>
        %get3A_1157 = arith.index_cast %while3A_1103 : i32 to index
        %get3A_1158 = arith.constant 48 : index
        %get3A_1159 = tpu.vector_load %arg10[%get3A_1157, %get3A_1158] {strides = array<i32>} : memref<128x128xi32, #tpu.memory_space<vmem>>, vector<16xi32>,
        %shift_left3A_1160 = arith.constant 16 : i32
        %shift_left3A_1161 = vector.broadcast %shift_left3A_1160 : i32 to vector<16xi32>
        %shift_left3A_1162 = arith.shli %get3A_1159, %shift_left3A_1161 : vector<16xi32>
        %bitcast3A_1163 = vector.bitcast %shift_left3A_1162 : vector<16xi32> to vector<16xf32>
        %and3A_1164 = arith.constant -65536 : i32
        %and3A_1165 = vector.broadcast %and3A_1164 : i32 to vector<16xi32>
        %and3A_1166 = arith.andi %get3A_1159, %and3A_1165 : vector<16xi32>
        %bitcast3A_1167 = vector.bitcast %and3A_1166 : vector<16xi32> to vector<16xf32>
        %add3A_1168 = arith.addf %while3A_1107, %bitcast3A_1163 : vector<16xf32>
        %add3A_1169 = arith.addf %while3A_1115, %bitcast3A_1167 : vector<16xf32>
        %get3A_1170 = arith.index_cast %while3A_1103 : i32 to index
        %get3A_1171 = arith.constant 64 : index
        %get3A_1172 = tpu.vector_load %arg10[%get3A_1170, %get3A_1171] {strides = array<i32>} : memref<128x128xi32, #tpu.memory_space<vmem>>, vector<16xi32>,
        %shift_left3A_1173 = arith.constant 16 : i32
        %shift_left3A_1174 = vector.broadcast %shift_left3A_1173 : i32 to vector<16xi32>
        %shift_left3A_1175 = arith.shli %get3A_1172, %shift_left3A_1174 : vector<16xi32>
        %bitcast3A_1176 = vector.bitcast %shift_left3A_1175 : vector<16xi32> to vector<16xf32>
        %and3A_1177 = arith.constant -65536 : i32
        %and3A_1178 = vector.broadcast %and3A_1177 : i32 to vector<16xi32>
        %and3A_1179 = arith.andi %get3A_1172, %and3A_1178 : vector<16xi32>
        %bitcast3A_1180 = vector.bitcast %and3A_1179 : vector<16xi32> to vector<16xf32>
        %add3A_1181 = arith.addf %while3A_1108, %bitcast3A_1176 : vector<16xf32>
        %add3A_1182 = arith.addf %while3A_1116, %bitcast3A_1180 : vector<16xf32>
        %get3A_1183 = arith.index_cast %while3A_1103 : i32 to index
        %get3A_1184 = arith.constant 80 : index
        %get3A_1185 = tpu.vector_load %arg10[%get3A_1183, %get3A_1184] {strides = array<i32>} : memref<128x128xi32, #tpu.memory_space<vmem>>, vector<16xi32>,
        %shift_left3A_1186 = arith.constant 16 : i32
        %shift_left3A_1187 = vector.broadcast %shift_left3A_1186 : i32 to vector<16xi32>
        %shift_left3A_1188 = arith.shli %get3A_1185, %shift_left3A_1187 : vector<16xi32>
        %bitcast3A_1189 = vector.bitcast %shift_left3A_1188 : vector<16xi32> to vector<16xf32>
        %and3A_1190 = arith.constant -65536 : i32
        %and3A_1191 = vector.broadcast %and3A_1190 : i32 to vector<16xi32>
        %and3A_1192 = arith.andi %get3A_1185, %and3A_1191 : vector<16xi32>
        %bitcast3A_1193 = vector.bitcast %and3A_1192 : vector<16xi32> to vector<16xf32>
        %add3A_1194 = arith.addf %while3A_1109, %bitcast3A_1189 : vector<16xf32>
        %add3A_1195 = arith.addf %while3A_1117, %bitcast3A_1193 : vector<16xf32>
        %get3A_1196 = arith.index_cast %while3A_1103 : i32 to index
        %get3A_1197 = arith.constant 96 : index
        %get3A_1198 = tpu.vector_load %arg10[%get3A_1196, %get3A_1197] {strides = array<i32>} : memref<128x128xi32, #tpu.memory_space<vmem>>, vector<16xi32>,
        %shift_left3A_1199 = arith.constant 16 : i32
        %shift_left3A_1200 = vector.broadcast %shift_left3A_1199 : i32 to vector<16xi32>
        %shift_left3A_1201 = arith.shli %get3A_1198, %shift_left3A_1200 : vector<16xi32>
        %bitcast3A_1202 = vector.bitcast %shift_left3A_1201 : vector<16xi32> to vector<16xf32>
        %and3A_1203 = arith.constant -65536 : i32
        %and3A_1204 = vector.broadcast %and3A_1203 : i32 to vector<16xi32>
        %and3A_1205 = arith.andi %get3A_1198, %and3A_1204 : vector<16xi32>
        %bitcast3A_1206 = vector.bitcast %and3A_1205 : vector<16xi32> to vector<16xf32>
        %add3A_1207 = arith.addf %while3A_1110, %bitcast3A_1202 : vector<16xf32>
        %add3A_1208 = arith.addf %while3A_1118, %bitcast3A_1206 : vector<16xf32>
        %get3A_1209 = arith.index_cast %while3A_1103 : i32 to index
        %get3A_1210 = arith.constant 112 : index
        %get3A_1211 = tpu.vector_load %arg10[%get3A_1209, %get3A_1210] {strides = array<i32>} : memref<128x128xi32, #tpu.memory_space<vmem>>, vector<16xi32>,
        %shift_left3A_1212 = arith.constant 16 : i32
        %shift_left3A_1213 = vector.broadcast %shift_left3A_1212 : i32 to vector<16xi32>
        %shift_left3A_1214 = arith.shli %get3A_1211, %shift_left3A_1213 : vector<16xi32>
        %bitcast3A_1215 = vector.bitcast %shift_left3A_1214 : vector<16xi32> to vector<16xf32>
        %and3A_1216 = arith.constant -65536 : i32
        %and3A_1217 = vector.broadcast %and3A_1216 : i32 to vector<16xi32>
        %and3A_1218 = arith.andi %get3A_1211, %and3A_1217 : vector<16xi32>
        %bitcast3A_1219 = vector.bitcast %and3A_1218 : vector<16xi32> to vector<16xf32>
        %add3A_1220 = arith.addf %while3A_1111, %bitcast3A_1215 : vector<16xf32>
        %add3A_1221 = arith.addf %while3A_1119, %bitcast3A_1219 : vector<16xf32>
        scf.yield %add3A_1129, %add3A_1142, %add3A_1155, %add3A_1168, %add3A_1181, %add3A_1194, %add3A_1207, %add3A_1220, %add3A_1130, %add3A_1143, %add3A_1156, %add3A_1169, %add3A_1182, %add3A_1195, %add3A_1208, %add3A_1221 : vector<16xf32>, vector<16xf32>, vector<16xf32>, vector<16xf32>, vector<16xf32>, vector<16xf32>, vector<16xf32>, vector<16xf32>, vector<16xf32>, vector<16xf32>, vector<16xf32>, vector<16xf32>, vector<16xf32>, vector<16xf32>, vector<16xf32>, vector<16xf32>
      }
      scf.yield %while3A_1102#0, %while3A_1102#1, %while3A_1102#2, %while3A_1102#3, %while3A_1102#4, %while3A_1102#5, %while3A_1102#6, %while3A_1102#7, %while3A_1102#8, %while3A_1102#9, %while3A_1102#10, %while3A_1102#11, %while3A_1102#12, %while3A_1102#13, %while3A_1102#14, %while3A_1102#15 : vector<16xf32>, vector<16xf32>, vector<16xf32>, vector<16xf32>, vector<16xf32>, vector<16xf32>, vector<16xf32>, vector<16xf32>, vector<16xf32>, vector<16xf32>, vector<16xf32>, vector<16xf32>, vector<16xf32>, vector<16xf32>, vector<16xf32>, vector<16xf32>
    }
    %while3A_884 = arith.constant 1 : i32
    %while3A_885:16 = scf.for %while3A_1067 = %while3A_881 to %while3A_877 step %while3A_884 iter_args(%while3A_1068 = %while3A_883#0, %while3A_1069 = %while3A_883#1, %while3A_1070 = %while3A_883#2, %while3A_1071 = %while3A_883#3, %while3A_1072 = %while3A_883#4, %while3A_1073 = %while3A_883#5, %while3A_1074 = %while3A_883#6, %while3A_1075 = %while3A_883#7, %while3A_1076 = %while3A_883#8, %while3A_1077 = %while3A_883#9, %while3A_1078 = %while3A_883#10, %while3A_1079 = %while3A_883#11, %while3A_1080 = %while3A_883#12, %while3A_1081 = %while3A_883#13, %while3A_1082 = %while3A_883#14, %while3A_1083 = %while3A_883#15) -> (vector<16xf32>, vector<16xf32>, vector<16xf32>, vector<16xf32>, vector<16xf32>, vector<16xf32>, vector<16xf32>, vector<16xf32>, vector<16xf32>, vector<16xf32>, vector<16xf32>, vector<16xf32>, vector<16xf32>, vector<16xf32>, vector<16xf32>, vector<16xf32>)  : i32 {
      %mul3A_1084 = arith.constant 128 : i32
      %mul3A_1085 = arith.muli %while3A_1067, %mul3A_1084 : i32
      %add3A_1086 = arith.addi %mul3A_842, %mul3A_1085 : i32
      %multiple_of3A_1087 = tpu.assume_multiple %add3A_1086, 8 : i32
      "tpu.region"() ({
        %run_scoped3A = tpu.sem_alloc : memref<!tpu.dma_semaphore, #tpu.memory_space<semaphore_mem>>
        %dma_start3A = arith.constant 0 : i32
        %dma_start3A_1103 = tpu.memref_slice %arg2[%multiple_of3A_1087, %dma_start3A] : memref<50176x128xi32, #tpu.memory_space<hbm>> -> memref<128x128xi32, #tpu.memory_space<hbm>>
        %dma_start3A_1104 = arith.constant 0 : i32
        %dma_start3A_1105 = tpu.memref_slice %arg2[%multiple_of3A_1087, %dma_start3A_1104] : memref<50176x128xi32, #tpu.memory_space<hbm>> -> memref<128x128xi32, #tpu.memory_space<hbm>>
        tpu.enqueue_dma source(%dma_start3A_1105 : memref<128x128xi32, #tpu.memory_space<hbm>>) target(%arg10 : memref<128x128xi32, #tpu.memory_space<vmem>>) target_semaphore(%run_scoped3A : memref<!tpu.dma_semaphore, #tpu.memory_space<semaphore_mem>>)
        %dma_wait3A = arith.constant 0 : i32
        %dma_wait3A_1106 = tpu.memref_slice %arg2[%multiple_of3A_1087, %dma_wait3A] : memref<50176x128xi32, #tpu.memory_space<hbm>> -> memref<128x128xi32, #tpu.memory_space<hbm>>
        %dma_wait3A_1107 = arith.constant 0 : i32
        %dma_wait3A_1108 = tpu.memref_slice %arg2[%multiple_of3A_1087, %dma_wait3A_1107] : memref<50176x128xi32, #tpu.memory_space<hbm>> -> memref<128x128xi32, #tpu.memory_space<hbm>>
        tpu.wait_dma2 semaphore(%run_scoped3A : memref<!tpu.dma_semaphore, #tpu.memory_space<semaphore_mem>>) src(%dma_wait3A_1108 : memref<128x128xi32, #tpu.memory_space<hbm>>) dst(%arg10 : memref<128x128xi32, #tpu.memory_space<vmem>>)
        tpu.yield
      }) : () -> ()
      %sub3A_1088 = arith.subi %squeeze3A_814, %multiple_of3A_1087 : i32
      %max3A = arith.constant 0 : i32
      %max3A_1089 = arith.maxsi %sub3A_1088, %max3A : i32
      %add3A_1090 = arith.addi %squeeze3A_814, %squeeze3A_816 : i32
      %sub3A_1091 = arith.subi %add3A_1090, %multiple_of3A_1087 : i32
      %min3A = arith.constant 128 : i32
      %min3A_1092 = arith.minsi %sub3A_1091, %min3A : i32
      %while3A_1093 = arith.subi %min3A_1092, %max3A_1089 : i32
      %while3A_1094 = arith.addi %max3A_1089, %while3A_1093 : i32
      %while3A_1095 = arith.constant 1 : i32
      %while3A_1096 = arith.divsi %while3A_1093, %while3A_1095 : i32
      %while3A_1097 = arith.muli %while3A_1096, %while3A_1095 : i32
      %while3A_1098 = arith.addi %max3A_1089, %while3A_1097 : i32
      %while3A_1099 = arith.constant 1 : i32
      %while3A_1100:16 = scf.for %while3A_1103 = %max3A_1089 to %while3A_1098 step %while3A_1099 iter_args(%while3A_1104 = %while3A_1068, %while3A_1105 = %while3A_1069, %while3A_1106 = %while3A_1070, %while3A_1107 = %while3A_1071, %while3A_1108 = %while3A_1072, %while3A_1109 = %while3A_1073, %while3A_1110 = %while3A_1074, %while3A_1111 = %while3A_1075, %while3A_1112 = %while3A_1076, %while3A_1113 = %while3A_1077, %while3A_1114 = %while3A_1078, %while3A_1115 = %while3A_1079, %while3A_1116 = %while3A_1080, %while3A_1117 = %while3A_1081, %while3A_1118 = %while3A_1082, %while3A_1119 = %while3A_1083) -> (vector<16xf32>, vector<16xf32>, vector<16xf32>, vector<16xf32>, vector<16xf32>, vector<16xf32>, vector<16xf32>, vector<16xf32>, vector<16xf32>, vector<16xf32>, vector<16xf32>, vector<16xf32>, vector<16xf32>, vector<16xf32>, vector<16xf32>, vector<16xf32>)  : i32 {
        %get3A_1120 = arith.index_cast %while3A_1103 : i32 to index
        %get3A_1121 = arith.constant 0 : index
        %get3A_1122 = tpu.vector_load %arg10[%get3A_1120, %get3A_1121] {strides = array<i32>} : memref<128x128xi32, #tpu.memory_space<vmem>>, vector<16xi32>,
        %shift_left3A = arith.constant 16 : i32
        %shift_left3A_1123 = vector.broadcast %shift_left3A : i32 to vector<16xi32>
        %shift_left3A_1124 = arith.shli %get3A_1122, %shift_left3A_1123 : vector<16xi32>
        %bitcast3A = vector.bitcast %shift_left3A_1124 : vector<16xi32> to vector<16xf32>
        %and3A_1125 = arith.constant -65536 : i32
        %and3A_1126 = vector.broadcast %and3A_1125 : i32 to vector<16xi32>
        %and3A_1127 = arith.andi %get3A_1122, %and3A_1126 : vector<16xi32>
        %bitcast3A_1128 = vector.bitcast %and3A_1127 : vector<16xi32> to vector<16xf32>
        %add3A_1129 = arith.addf %while3A_1104, %bitcast3A : vector<16xf32>
        %add3A_1130 = arith.addf %while3A_1112, %bitcast3A_1128 : vector<16xf32>
        %get3A_1131 = arith.index_cast %while3A_1103 : i32 to index
        %get3A_1132 = arith.constant 16 : index
        %get3A_1133 = tpu.vector_load %arg10[%get3A_1131, %get3A_1132] {strides = array<i32>} : memref<128x128xi32, #tpu.memory_space<vmem>>, vector<16xi32>,
        %shift_left3A_1134 = arith.constant 16 : i32
        %shift_left3A_1135 = vector.broadcast %shift_left3A_1134 : i32 to vector<16xi32>
        %shift_left3A_1136 = arith.shli %get3A_1133, %shift_left3A_1135 : vector<16xi32>
        %bitcast3A_1137 = vector.bitcast %shift_left3A_1136 : vector<16xi32> to vector<16xf32>
        %and3A_1138 = arith.constant -65536 : i32
        %and3A_1139 = vector.broadcast %and3A_1138 : i32 to vector<16xi32>
        %and3A_1140 = arith.andi %get3A_1133, %and3A_1139 : vector<16xi32>
        %bitcast3A_1141 = vector.bitcast %and3A_1140 : vector<16xi32> to vector<16xf32>
        %add3A_1142 = arith.addf %while3A_1105, %bitcast3A_1137 : vector<16xf32>
        %add3A_1143 = arith.addf %while3A_1113, %bitcast3A_1141 : vector<16xf32>
        %get3A_1144 = arith.index_cast %while3A_1103 : i32 to index
        %get3A_1145 = arith.constant 32 : index
        %get3A_1146 = tpu.vector_load %arg10[%get3A_1144, %get3A_1145] {strides = array<i32>} : memref<128x128xi32, #tpu.memory_space<vmem>>, vector<16xi32>,
        %shift_left3A_1147 = arith.constant 16 : i32
        %shift_left3A_1148 = vector.broadcast %shift_left3A_1147 : i32 to vector<16xi32>
        %shift_left3A_1149 = arith.shli %get3A_1146, %shift_left3A_1148 : vector<16xi32>
        %bitcast3A_1150 = vector.bitcast %shift_left3A_1149 : vector<16xi32> to vector<16xf32>
        %and3A_1151 = arith.constant -65536 : i32
        %and3A_1152 = vector.broadcast %and3A_1151 : i32 to vector<16xi32>
        %and3A_1153 = arith.andi %get3A_1146, %and3A_1152 : vector<16xi32>
        %bitcast3A_1154 = vector.bitcast %and3A_1153 : vector<16xi32> to vector<16xf32>
        %add3A_1155 = arith.addf %while3A_1106, %bitcast3A_1150 : vector<16xf32>
        %add3A_1156 = arith.addf %while3A_1114, %bitcast3A_1154 : vector<16xf32>
        %get3A_1157 = arith.index_cast %while3A_1103 : i32 to index
        %get3A_1158 = arith.constant 48 : index
        %get3A_1159 = tpu.vector_load %arg10[%get3A_1157, %get3A_1158] {strides = array<i32>} : memref<128x128xi32, #tpu.memory_space<vmem>>, vector<16xi32>,
        %shift_left3A_1160 = arith.constant 16 : i32
        %shift_left3A_1161 = vector.broadcast %shift_left3A_1160 : i32 to vector<16xi32>
        %shift_left3A_1162 = arith.shli %get3A_1159, %shift_left3A_1161 : vector<16xi32>
        %bitcast3A_1163 = vector.bitcast %shift_left3A_1162 : vector<16xi32> to vector<16xf32>
        %and3A_1164 = arith.constant -65536 : i32
        %and3A_1165 = vector.broadcast %and3A_1164 : i32 to vector<16xi32>
        %and3A_1166 = arith.andi %get3A_1159, %and3A_1165 : vector<16xi32>
        %bitcast3A_1167 = vector.bitcast %and3A_1166 : vector<16xi32> to vector<16xf32>
        %add3A_1168 = arith.addf %while3A_1107, %bitcast3A_1163 : vector<16xf32>
        %add3A_1169 = arith.addf %while3A_1115, %bitcast3A_1167 : vector<16xf32>
        %get3A_1170 = arith.index_cast %while3A_1103 : i32 to index
        %get3A_1171 = arith.constant 64 : index
        %get3A_1172 = tpu.vector_load %arg10[%get3A_1170, %get3A_1171] {strides = array<i32>} : memref<128x128xi32, #tpu.memory_space<vmem>>, vector<16xi32>,
        %shift_left3A_1173 = arith.constant 16 : i32
        %shift_left3A_1174 = vector.broadcast %shift_left3A_1173 : i32 to vector<16xi32>
        %shift_left3A_1175 = arith.shli %get3A_1172, %shift_left3A_1174 : vector<16xi32>
        %bitcast3A_1176 = vector.bitcast %shift_left3A_1175 : vector<16xi32> to vector<16xf32>
        %and3A_1177 = arith.constant -65536 : i32
        %and3A_1178 = vector.broadcast %and3A_1177 : i32 to vector<16xi32>
        %and3A_1179 = arith.andi %get3A_1172, %and3A_1178 : vector<16xi32>
        %bitcast3A_1180 = vector.bitcast %and3A_1179 : vector<16xi32> to vector<16xf32>
        %add3A_1181 = arith.addf %while3A_1108, %bitcast3A_1176 : vector<16xf32>
        %add3A_1182 = arith.addf %while3A_1116, %bitcast3A_1180 : vector<16xf32>
        %get3A_1183 = arith.index_cast %while3A_1103 : i32 to index
        %get3A_1184 = arith.constant 80 : index
        %get3A_1185 = tpu.vector_load %arg10[%get3A_1183, %get3A_1184] {strides = array<i32>} : memref<128x128xi32, #tpu.memory_space<vmem>>, vector<16xi32>,
        %shift_left3A_1186 = arith.constant 16 : i32
        %shift_left3A_1187 = vector.broadcast %shift_left3A_1186 : i32 to vector<16xi32>
        %shift_left3A_1188 = arith.shli %get3A_1185, %shift_left3A_1187 : vector<16xi32>
        %bitcast3A_1189 = vector.bitcast %shift_left3A_1188 : vector<16xi32> to vector<16xf32>
        %and3A_1190 = arith.constant -65536 : i32
        %and3A_1191 = vector.broadcast %and3A_1190 : i32 to vector<16xi32>
        %and3A_1192 = arith.andi %get3A_1185, %and3A_1191 : vector<16xi32>
        %bitcast3A_1193 = vector.bitcast %and3A_1192 : vector<16xi32> to vector<16xf32>
        %add3A_1194 = arith.addf %while3A_1109, %bitcast3A_1189 : vector<16xf32>
        %add3A_1195 = arith.addf %while3A_1117, %bitcast3A_1193 : vector<16xf32>
        %get3A_1196 = arith.index_cast %while3A_1103 : i32 to index
        %get3A_1197 = arith.constant 96 : index
        %get3A_1198 = tpu.vector_load %arg10[%get3A_1196, %get3A_1197] {strides = array<i32>} : memref<128x128xi32, #tpu.memory_space<vmem>>, vector<16xi32>,
        %shift_left3A_1199 = arith.constant 16 : i32
        %shift_left3A_1200 = vector.broadcast %shift_left3A_1199 : i32 to vector<16xi32>
        %shift_left3A_1201 = arith.shli %get3A_1198, %shift_left3A_1200 : vector<16xi32>
        %bitcast3A_1202 = vector.bitcast %shift_left3A_1201 : vector<16xi32> to vector<16xf32>
        %and3A_1203 = arith.constant -65536 : i32
        %and3A_1204 = vector.broadcast %and3A_1203 : i32 to vector<16xi32>
        %and3A_1205 = arith.andi %get3A_1198, %and3A_1204 : vector<16xi32>
        %bitcast3A_1206 = vector.bitcast %and3A_1205 : vector<16xi32> to vector<16xf32>
        %add3A_1207 = arith.addf %while3A_1110, %bitcast3A_1202 : vector<16xf32>
        %add3A_1208 = arith.addf %while3A_1118, %bitcast3A_1206 : vector<16xf32>
        %get3A_1209 = arith.index_cast %while3A_1103 : i32 to index
        %get3A_1210 = arith.constant 112 : index
        %get3A_1211 = tpu.vector_load %arg10[%get3A_1209, %get3A_1210] {strides = array<i32>} : memref<128x128xi32, #tpu.memory_space<vmem>>, vector<16xi32>,
        %shift_left3A_1212 = arith.constant 16 : i32
        %shift_left3A_1213 = vector.broadcast %shift_left3A_1212 : i32 to vector<16xi32>
        %shift_left3A_1214 = arith.shli %get3A_1211, %shift_left3A_1213 : vector<16xi32>
        %bitcast3A_1215 = vector.bitcast %shift_left3A_1214 : vector<16xi32> to vector<16xf32>
        %and3A_1216 = arith.constant -65536 : i32
        %and3A_1217 = vector.broadcast %and3A_1216 : i32 to vector<16xi32>
        %and3A_1218 = arith.andi %get3A_1211, %and3A_1217 : vector<16xi32>
        %bitcast3A_1219 = vector.bitcast %and3A_1218 : vector<16xi32> to vector<16xf32>
        %add3A_1220 = arith.addf %while3A_1111, %bitcast3A_1215 : vector<16xf32>
        %add3A_1221 = arith.addf %while3A_1119, %bitcast3A_1219 : vector<16xf32>
        scf.yield %add3A_1129, %add3A_1142, %add3A_1155, %add3A_1168, %add3A_1181, %add3A_1194, %add3A_1207, %add3A_1220, %add3A_1130, %add3A_1143, %add3A_1156, %add3A_1169, %add3A_1182, %add3A_1195, %add3A_1208, %add3A_1221 : vector<16xf32>, vector<16xf32>, vector<16xf32>, vector<16xf32>, vector<16xf32>, vector<16xf32>, vector<16xf32>, vector<16xf32>, vector<16xf32>, vector<16xf32>, vector<16xf32>, vector<16xf32>, vector<16xf32>, vector<16xf32>, vector<16xf32>, vector<16xf32>
      }
      %while3A_1101 = arith.constant 1 : i32
      %while3A_1102:16 = scf.for %while3A_1103 = %while3A_1098 to %while3A_1094 step %while3A_1101 iter_args(%while3A_1104 = %while3A_1100#0, %while3A_1105 = %while3A_1100#1, %while3A_1106 = %while3A_1100#2, %while3A_1107 = %while3A_1100#3, %while3A_1108 = %while3A_1100#4, %while3A_1109 = %while3A_1100#5, %while3A_1110 = %while3A_1100#6, %while3A_1111 = %while3A_1100#7, %while3A_1112 = %while3A_1100#8, %while3A_1113 = %while3A_1100#9, %while3A_1114 = %while3A_1100#10, %while3A_1115 = %while3A_1100#11, %while3A_1116 = %while3A_1100#12, %while3A_1117 = %while3A_1100#13, %while3A_1118 = %while3A_1100#14, %while3A_1119 = %while3A_1100#15) -> (vector<16xf32>, vector<16xf32>, vector<16xf32>, vector<16xf32>, vector<16xf32>, vector<16xf32>, vector<16xf32>, vector<16xf32>, vector<16xf32>, vector<16xf32>, vector<16xf32>, vector<16xf32>, vector<16xf32>, vector<16xf32>, vector<16xf32>, vector<16xf32>)  : i32 {
        %get3A_1120 = arith.index_cast %while3A_1103 : i32 to index
        %get3A_1121 = arith.constant 0 : index
        %get3A_1122 = tpu.vector_load %arg10[%get3A_1120, %get3A_1121] {strides = array<i32>} : memref<128x128xi32, #tpu.memory_space<vmem>>, vector<16xi32>,
        %shift_left3A = arith.constant 16 : i32
        %shift_left3A_1123 = vector.broadcast %shift_left3A : i32 to vector<16xi32>
        %shift_left3A_1124 = arith.shli %get3A_1122, %shift_left3A_1123 : vector<16xi32>
        %bitcast3A = vector.bitcast %shift_left3A_1124 : vector<16xi32> to vector<16xf32>
        %and3A_1125 = arith.constant -65536 : i32
        %and3A_1126 = vector.broadcast %and3A_1125 : i32 to vector<16xi32>
        %and3A_1127 = arith.andi %get3A_1122, %and3A_1126 : vector<16xi32>
        %bitcast3A_1128 = vector.bitcast %and3A_1127 : vector<16xi32> to vector<16xf32>
        %add3A_1129 = arith.addf %while3A_1104, %bitcast3A : vector<16xf32>
        %add3A_1130 = arith.addf %while3A_1112, %bitcast3A_1128 : vector<16xf32>
        %get3A_1131 = arith.index_cast %while3A_1103 : i32 to index
        %get3A_1132 = arith.constant 16 : index
        %get3A_1133 = tpu.vector_load %arg10[%get3A_1131, %get3A_1132] {strides = array<i32>} : memref<128x128xi32, #tpu.memory_space<vmem>>, vector<16xi32>,
        %shift_left3A_1134 = arith.constant 16 : i32
        %shift_left3A_1135 = vector.broadcast %shift_left3A_1134 : i32 to vector<16xi32>
        %shift_left3A_1136 = arith.shli %get3A_1133, %shift_left3A_1135 : vector<16xi32>
        %bitcast3A_1137 = vector.bitcast %shift_left3A_1136 : vector<16xi32> to vector<16xf32>
        %and3A_1138 = arith.constant -65536 : i32
        %and3A_1139 = vector.broadcast %and3A_1138 : i32 to vector<16xi32>
        %and3A_1140 = arith.andi %get3A_1133, %and3A_1139 : vector<16xi32>
        %bitcast3A_1141 = vector.bitcast %and3A_1140 : vector<16xi32> to vector<16xf32>
        %add3A_1142 = arith.addf %while3A_1105, %bitcast3A_1137 : vector<16xf32>
        %add3A_1143 = arith.addf %while3A_1113, %bitcast3A_1141 : vector<16xf32>
        %get3A_1144 = arith.index_cast %while3A_1103 : i32 to index
        %get3A_1145 = arith.constant 32 : index
        %get3A_1146 = tpu.vector_load %arg10[%get3A_1144, %get3A_1145] {strides = array<i32>} : memref<128x128xi32, #tpu.memory_space<vmem>>, vector<16xi32>,
        %shift_left3A_1147 = arith.constant 16 : i32
        %shift_left3A_1148 = vector.broadcast %shift_left3A_1147 : i32 to vector<16xi32>
        %shift_left3A_1149 = arith.shli %get3A_1146, %shift_left3A_1148 : vector<16xi32>
        %bitcast3A_1150 = vector.bitcast %shift_left3A_1149 : vector<16xi32> to vector<16xf32>
        %and3A_1151 = arith.constant -65536 : i32
        %and3A_1152 = vector.broadcast %and3A_1151 : i32 to vector<16xi32>
        %and3A_1153 = arith.andi %get3A_1146, %and3A_1152 : vector<16xi32>
        %bitcast3A_1154 = vector.bitcast %and3A_1153 : vector<16xi32> to vector<16xf32>
        %add3A_1155 = arith.addf %while3A_1106, %bitcast3A_1150 : vector<16xf32>
        %add3A_1156 = arith.addf %while3A_1114, %bitcast3A_1154 : vector<16xf32>
        %get3A_1157 = arith.index_cast %while3A_1103 : i32 to index
        %get3A_1158 = arith.constant 48 : index
        %get3A_1159 = tpu.vector_load %arg10[%get3A_1157, %get3A_1158] {strides = array<i32>} : memref<128x128xi32, #tpu.memory_space<vmem>>, vector<16xi32>,
        %shift_left3A_1160 = arith.constant 16 : i32
        %shift_left3A_1161 = vector.broadcast %shift_left3A_1160 : i32 to vector<16xi32>
        %shift_left3A_1162 = arith.shli %get3A_1159, %shift_left3A_1161 : vector<16xi32>
        %bitcast3A_1163 = vector.bitcast %shift_left3A_1162 : vector<16xi32> to vector<16xf32>
        %and3A_1164 = arith.constant -65536 : i32
        %and3A_1165 = vector.broadcast %and3A_1164 : i32 to vector<16xi32>
        %and3A_1166 = arith.andi %get3A_1159, %and3A_1165 : vector<16xi32>
        %bitcast3A_1167 = vector.bitcast %and3A_1166 : vector<16xi32> to vector<16xf32>
        %add3A_1168 = arith.addf %while3A_1107, %bitcast3A_1163 : vector<16xf32>
        %add3A_1169 = arith.addf %while3A_1115, %bitcast3A_1167 : vector<16xf32>
        %get3A_1170 = arith.index_cast %while3A_1103 : i32 to index
        %get3A_1171 = arith.constant 64 : index
        %get3A_1172 = tpu.vector_load %arg10[%get3A_1170, %get3A_1171] {strides = array<i32>} : memref<128x128xi32, #tpu.memory_space<vmem>>, vector<16xi32>,
        %shift_left3A_1173 = arith.constant 16 : i32
        %shift_left3A_1174 = vector.broadcast %shift_left3A_1173 : i32 to vector<16xi32>
        %shift_left3A_1175 = arith.shli %get3A_1172, %shift_left3A_1174 : vector<16xi32>
        %bitcast3A_1176 = vector.bitcast %shift_left3A_1175 : vector<16xi32> to vector<16xf32>
        %and3A_1177 = arith.constant -65536 : i32
        %and3A_1178 = vector.broadcast %and3A_1177 : i32 to vector<16xi32>
        %and3A_1179 = arith.andi %get3A_1172, %and3A_1178 : vector<16xi32>
        %bitcast3A_1180 = vector.bitcast %and3A_1179 : vector<16xi32> to vector<16xf32>
        %add3A_1181 = arith.addf %while3A_1108, %bitcast3A_1176 : vector<16xf32>
        %add3A_1182 = arith.addf %while3A_1116, %bitcast3A_1180 : vector<16xf32>
        %get3A_1183 = arith.index_cast %while3A_1103 : i32 to index
        %get3A_1184 = arith.constant 80 : index
        %get3A_1185 = tpu.vector_load %arg10[%get3A_1183, %get3A_1184] {strides = array<i32>} : memref<128x128xi32, #tpu.memory_space<vmem>>, vector<16xi32>,
        %shift_left3A_1186 = arith.constant 16 : i32
        %shift_left3A_1187 = vector.broadcast %shift_left3A_1186 : i32 to vector<16xi32>
        %shift_left3A_1188 = arith.shli %get3A_1185, %shift_left3A_1187 : vector<16xi32>
        %bitcast3A_1189 = vector.bitcast %shift_left3A_1188 : vector<16xi32> to vector<16xf32>
        %and3A_1190 = arith.constant -65536 : i32
        %and3A_1191 = vector.broadcast %and3A_1190 : i32 to vector<16xi32>
        %and3A_1192 = arith.andi %get3A_1185, %and3A_1191 : vector<16xi32>
        %bitcast3A_1193 = vector.bitcast %and3A_1192 : vector<16xi32> to vector<16xf32>
        %add3A_1194 = arith.addf %while3A_1109, %bitcast3A_1189 : vector<16xf32>
        %add3A_1195 = arith.addf %while3A_1117, %bitcast3A_1193 : vector<16xf32>
        %get3A_1196 = arith.index_cast %while3A_1103 : i32 to index
        %get3A_1197 = arith.constant 96 : index
        %get3A_1198 = tpu.vector_load %arg10[%get3A_1196, %get3A_1197] {strides = array<i32>} : memref<128x128xi32, #tpu.memory_space<vmem>>, vector<16xi32>,
        %shift_left3A_1199 = arith.constant 16 : i32
        %shift_left3A_1200 = vector.broadcast %shift_left3A_1199 : i32 to vector<16xi32>
        %shift_left3A_1201 = arith.shli %get3A_1198, %shift_left3A_1200 : vector<16xi32>
        %bitcast3A_1202 = vector.bitcast %shift_left3A_1201 : vector<16xi32> to vector<16xf32>
        %and3A_1203 = arith.constant -65536 : i32
        %and3A_1204 = vector.broadcast %and3A_1203 : i32 to vector<16xi32>
        %and3A_1205 = arith.andi %get3A_1198, %and3A_1204 : vector<16xi32>
        %bitcast3A_1206 = vector.bitcast %and3A_1205 : vector<16xi32> to vector<16xf32>
        %add3A_1207 = arith.addf %while3A_1110, %bitcast3A_1202 : vector<16xf32>
        %add3A_1208 = arith.addf %while3A_1118, %bitcast3A_1206 : vector<16xf32>
        %get3A_1209 = arith.index_cast %while3A_1103 : i32 to index
        %get3A_1210 = arith.constant 112 : index
        %get3A_1211 = tpu.vector_load %arg10[%get3A_1209, %get3A_1210] {strides = array<i32>} : memref<128x128xi32, #tpu.memory_space<vmem>>, vector<16xi32>,
        %shift_left3A_1212 = arith.constant 16 : i32
        %shift_left3A_1213 = vector.broadcast %shift_left3A_1212 : i32 to vector<16xi32>
        %shift_left3A_1214 = arith.shli %get3A_1211, %shift_left3A_1213 : vector<16xi32>
        %bitcast3A_1215 = vector.bitcast %shift_left3A_1214 : vector<16xi32> to vector<16xf32>
        %and3A_1216 = arith.constant -65536 : i32
        %and3A_1217 = vector.broadcast %and3A_1216 : i32 to vector<16xi32>
        %and3A_1218 = arith.andi %get3A_1211, %and3A_1217 : vector<16xi32>
        %bitcast3A_1219 = vector.bitcast %and3A_1218 : vector<16xi32> to vector<16xf32>
        %add3A_1220 = arith.addf %while3A_1111, %bitcast3A_1215 : vector<16xf32>
        %add3A_1221 = arith.addf %while3A_1119, %bitcast3A_1219 : vector<16xf32>
        scf.yield %add3A_1129, %add3A_1142, %add3A_1155, %add3A_1168, %add3A_1181, %add3A_1194, %add3A_1207, %add3A_1220, %add3A_1130, %add3A_1143, %add3A_1156, %add3A_1169, %add3A_1182, %add3A_1195, %add3A_1208, %add3A_1221 : vector<16xf32>, vector<16xf32>, vector<16xf32>, vector<16xf32>, vector<16xf32>, vector<16xf32>, vector<16xf32>, vector<16xf32>, vector<16xf32>, vector<16xf32>, vector<16xf32>, vector<16xf32>, vector<16xf32>, vector<16xf32>, vector<16xf32>, vector<16xf32>
      }
      scf.yield %while3A_1102#0, %while3A_1102#1, %while3A_1102#2, %while3A_1102#3, %while3A_1102#4, %while3A_1102#5, %while3A_1102#6, %while3A_1102#7, %while3A_1102#8, %while3A_1102#9, %while3A_1102#10, %while3A_1102#11, %while3A_1102#12, %while3A_1102#13, %while3A_1102#14, %while3A_1102#15 : vector<16xf32>, vector<16xf32>, vector<16xf32>, vector<16xf32>, vector<16xf32>, vector<16xf32>, vector<16xf32>, vector<16xf32>, vector<16xf32>, vector<16xf32>, vector<16xf32>, vector<16xf32>, vector<16xf32>, vector<16xf32>, vector<16xf32>, vector<16xf32>
    }
    %add3A_886 = arith.constant 3 : i32
    %add3A_887 = arith.addi %mul3A_36, %add3A_886 : i32
    %get3A_888 = arith.index_cast %add3A_887 : i32 to index
    %get3A_889 = arith.constant 0 : index
    %get3A_890 = tpu.vector_load %arg8[%get3A_888, %get3A_889] {strides = array<i32>} : memref<8x256xf32, #tpu.memory_space<vmem>>, vector<16xf32>,
    %mul3A_891 = arith.mulf %while3A_885#0, %get3A_890 : vector<16xf32>
    %get3A_892 = arith.constant 0 : index
    %get3A_893 = tpu.vector_load %arg9[%get3A_892] {strides = array<i32>} : memref<256xf32, #tpu.memory_space<vmem>>, vector<16xf32>,
    %add3A_894 = arith.addf %mul3A_891, %get3A_893 : vector<16xf32>
    %swap3A_895 = arith.constant 0 : index
    %swap3A_896 = tpu.vector_load %arg11[%swap3A_895] {strides = array<i32>} : memref<256xf32, #tpu.memory_space<vmem>>, vector<16xf32>,
    tpu.vector_store %arg11[%swap3A_895], %add3A_894 {strides = array<i32>} : memref<256xf32, #tpu.memory_space<vmem>>, vector<16xf32>,
    %add3A_897 = arith.constant 3 : i32
    %add3A_898 = arith.addi %mul3A_36, %add3A_897 : i32
    %get3A_899 = arith.index_cast %add3A_898 : i32 to index
    %get3A_900 = arith.constant 16 : index
    %get3A_901 = tpu.vector_load %arg8[%get3A_899, %get3A_900] {strides = array<i32>} : memref<8x256xf32, #tpu.memory_space<vmem>>, vector<16xf32>,
    %mul3A_902 = arith.mulf %while3A_885#1, %get3A_901 : vector<16xf32>
    %get3A_903 = arith.constant 16 : index
    %get3A_904 = tpu.vector_load %arg9[%get3A_903] {strides = array<i32>} : memref<256xf32, #tpu.memory_space<vmem>>, vector<16xf32>,
    %add3A_905 = arith.addf %mul3A_902, %get3A_904 : vector<16xf32>
    %swap3A_906 = arith.constant 16 : index
    %swap3A_907 = tpu.vector_load %arg11[%swap3A_906] {strides = array<i32>} : memref<256xf32, #tpu.memory_space<vmem>>, vector<16xf32>,
    tpu.vector_store %arg11[%swap3A_906], %add3A_905 {strides = array<i32>} : memref<256xf32, #tpu.memory_space<vmem>>, vector<16xf32>,
    %add3A_908 = arith.constant 3 : i32
    %add3A_909 = arith.addi %mul3A_36, %add3A_908 : i32
    %get3A_910 = arith.index_cast %add3A_909 : i32 to index
    %get3A_911 = arith.constant 32 : index
    %get3A_912 = tpu.vector_load %arg8[%get3A_910, %get3A_911] {strides = array<i32>} : memref<8x256xf32, #tpu.memory_space<vmem>>, vector<16xf32>,
    %mul3A_913 = arith.mulf %while3A_885#2, %get3A_912 : vector<16xf32>
    %get3A_914 = arith.constant 32 : index
    %get3A_915 = tpu.vector_load %arg9[%get3A_914] {strides = array<i32>} : memref<256xf32, #tpu.memory_space<vmem>>, vector<16xf32>,
    %add3A_916 = arith.addf %mul3A_913, %get3A_915 : vector<16xf32>
    %swap3A_917 = arith.constant 32 : index
    %swap3A_918 = tpu.vector_load %arg11[%swap3A_917] {strides = array<i32>} : memref<256xf32, #tpu.memory_space<vmem>>, vector<16xf32>,
    tpu.vector_store %arg11[%swap3A_917], %add3A_916 {strides = array<i32>} : memref<256xf32, #tpu.memory_space<vmem>>, vector<16xf32>,
    %add3A_919 = arith.constant 3 : i32
    %add3A_920 = arith.addi %mul3A_36, %add3A_919 : i32
    %get3A_921 = arith.index_cast %add3A_920 : i32 to index
    %get3A_922 = arith.constant 48 : index
    %get3A_923 = tpu.vector_load %arg8[%get3A_921, %get3A_922] {strides = array<i32>} : memref<8x256xf32, #tpu.memory_space<vmem>>, vector<16xf32>,
    %mul3A_924 = arith.mulf %while3A_885#3, %get3A_923 : vector<16xf32>
    %get3A_925 = arith.constant 48 : index
    %get3A_926 = tpu.vector_load %arg9[%get3A_925] {strides = array<i32>} : memref<256xf32, #tpu.memory_space<vmem>>, vector<16xf32>,
    %add3A_927 = arith.addf %mul3A_924, %get3A_926 : vector<16xf32>
    %swap3A_928 = arith.constant 48 : index
    %swap3A_929 = tpu.vector_load %arg11[%swap3A_928] {strides = array<i32>} : memref<256xf32, #tpu.memory_space<vmem>>, vector<16xf32>,
    tpu.vector_store %arg11[%swap3A_928], %add3A_927 {strides = array<i32>} : memref<256xf32, #tpu.memory_space<vmem>>, vector<16xf32>,
    %add3A_930 = arith.constant 3 : i32
    %add3A_931 = arith.addi %mul3A_36, %add3A_930 : i32
    %get3A_932 = arith.index_cast %add3A_931 : i32 to index
    %get3A_933 = arith.constant 64 : index
    %get3A_934 = tpu.vector_load %arg8[%get3A_932, %get3A_933] {strides = array<i32>} : memref<8x256xf32, #tpu.memory_space<vmem>>, vector<16xf32>,
    %mul3A_935 = arith.mulf %while3A_885#4, %get3A_934 : vector<16xf32>
    %get3A_936 = arith.constant 64 : index
    %get3A_937 = tpu.vector_load %arg9[%get3A_936] {strides = array<i32>} : memref<256xf32, #tpu.memory_space<vmem>>, vector<16xf32>,
    %add3A_938 = arith.addf %mul3A_935, %get3A_937 : vector<16xf32>
    %swap3A_939 = arith.constant 64 : index
    %swap3A_940 = tpu.vector_load %arg11[%swap3A_939] {strides = array<i32>} : memref<256xf32, #tpu.memory_space<vmem>>, vector<16xf32>,
    tpu.vector_store %arg11[%swap3A_939], %add3A_938 {strides = array<i32>} : memref<256xf32, #tpu.memory_space<vmem>>, vector<16xf32>,
    %add3A_941 = arith.constant 3 : i32
    %add3A_942 = arith.addi %mul3A_36, %add3A_941 : i32
    %get3A_943 = arith.index_cast %add3A_942 : i32 to index
    %get3A_944 = arith.constant 80 : index
    %get3A_945 = tpu.vector_load %arg8[%get3A_943, %get3A_944] {strides = array<i32>} : memref<8x256xf32, #tpu.memory_space<vmem>>, vector<16xf32>,
    %mul3A_946 = arith.mulf %while3A_885#5, %get3A_945 : vector<16xf32>
    %get3A_947 = arith.constant 80 : index
    %get3A_948 = tpu.vector_load %arg9[%get3A_947] {strides = array<i32>} : memref<256xf32, #tpu.memory_space<vmem>>, vector<16xf32>,
    %add3A_949 = arith.addf %mul3A_946, %get3A_948 : vector<16xf32>
    %swap3A_950 = arith.constant 80 : index
    %swap3A_951 = tpu.vector_load %arg11[%swap3A_950] {strides = array<i32>} : memref<256xf32, #tpu.memory_space<vmem>>, vector<16xf32>,
    tpu.vector_store %arg11[%swap3A_950], %add3A_949 {strides = array<i32>} : memref<256xf32, #tpu.memory_space<vmem>>, vector<16xf32>,
    %add3A_952 = arith.constant 3 : i32
    %add3A_953 = arith.addi %mul3A_36, %add3A_952 : i32
    %get3A_954 = arith.index_cast %add3A_953 : i32 to index
    %get3A_955 = arith.constant 96 : index
    %get3A_956 = tpu.vector_load %arg8[%get3A_954, %get3A_955] {strides = array<i32>} : memref<8x256xf32, #tpu.memory_space<vmem>>, vector<16xf32>,
    %mul3A_957 = arith.mulf %while3A_885#6, %get3A_956 : vector<16xf32>
    %get3A_958 = arith.constant 96 : index
    %get3A_959 = tpu.vector_load %arg9[%get3A_958] {strides = array<i32>} : memref<256xf32, #tpu.memory_space<vmem>>, vector<16xf32>,
    %add3A_960 = arith.addf %mul3A_957, %get3A_959 : vector<16xf32>
    %swap3A_961 = arith.constant 96 : index
    %swap3A_962 = tpu.vector_load %arg11[%swap3A_961] {strides = array<i32>} : memref<256xf32, #tpu.memory_space<vmem>>, vector<16xf32>,
    tpu.vector_store %arg11[%swap3A_961], %add3A_960 {strides = array<i32>} : memref<256xf32, #tpu.memory_space<vmem>>, vector<16xf32>,
    %add3A_963 = arith.constant 3 : i32
    %add3A_964 = arith.addi %mul3A_36, %add3A_963 : i32
    %get3A_965 = arith.index_cast %add3A_964 : i32 to index
    %get3A_966 = arith.constant 112 : index
    %get3A_967 = tpu.vector_load %arg8[%get3A_965, %get3A_966] {strides = array<i32>} : memref<8x256xf32, #tpu.memory_space<vmem>>, vector<16xf32>,
    %mul3A_968 = arith.mulf %while3A_885#7, %get3A_967 : vector<16xf32>
    %get3A_969 = arith.constant 112 : index
    %get3A_970 = tpu.vector_load %arg9[%get3A_969] {strides = array<i32>} : memref<256xf32, #tpu.memory_space<vmem>>, vector<16xf32>,
    %add3A_971 = arith.addf %mul3A_968, %get3A_970 : vector<16xf32>
    %swap3A_972 = arith.constant 112 : index
    %swap3A_973 = tpu.vector_load %arg11[%swap3A_972] {strides = array<i32>} : memref<256xf32, #tpu.memory_space<vmem>>, vector<16xf32>,
    tpu.vector_store %arg11[%swap3A_972], %add3A_971 {strides = array<i32>} : memref<256xf32, #tpu.memory_space<vmem>>, vector<16xf32>,
    %add3A_974 = arith.constant 3 : i32
    %add3A_975 = arith.addi %mul3A_36, %add3A_974 : i32
    %get3A_976 = arith.index_cast %add3A_975 : i32 to index
    %get3A_977 = arith.constant 128 : index
    %get3A_978 = tpu.vector_load %arg8[%get3A_976, %get3A_977] {strides = array<i32>} : memref<8x256xf32, #tpu.memory_space<vmem>>, vector<16xf32>,
    %mul3A_979 = arith.mulf %while3A_885#8, %get3A_978 : vector<16xf32>
    %get3A_980 = arith.constant 128 : index
    %get3A_981 = tpu.vector_load %arg9[%get3A_980] {strides = array<i32>} : memref<256xf32, #tpu.memory_space<vmem>>, vector<16xf32>,
    %add3A_982 = arith.addf %mul3A_979, %get3A_981 : vector<16xf32>
    %swap3A_983 = arith.constant 128 : index
    %swap3A_984 = tpu.vector_load %arg11[%swap3A_983] {strides = array<i32>} : memref<256xf32, #tpu.memory_space<vmem>>, vector<16xf32>,
    tpu.vector_store %arg11[%swap3A_983], %add3A_982 {strides = array<i32>} : memref<256xf32, #tpu.memory_space<vmem>>, vector<16xf32>,
    %add3A_985 = arith.constant 3 : i32
    %add3A_986 = arith.addi %mul3A_36, %add3A_985 : i32
    %get3A_987 = arith.index_cast %add3A_986 : i32 to index
    %get3A_988 = arith.constant 144 : index
    %get3A_989 = tpu.vector_load %arg8[%get3A_987, %get3A_988] {strides = array<i32>} : memref<8x256xf32, #tpu.memory_space<vmem>>, vector<16xf32>,
    %mul3A_990 = arith.mulf %while3A_885#9, %get3A_989 : vector<16xf32>
    %get3A_991 = arith.constant 144 : index
    %get3A_992 = tpu.vector_load %arg9[%get3A_991] {strides = array<i32>} : memref<256xf32, #tpu.memory_space<vmem>>, vector<16xf32>,
    %add3A_993 = arith.addf %mul3A_990, %get3A_992 : vector<16xf32>
    %swap3A_994 = arith.constant 144 : index
    %swap3A_995 = tpu.vector_load %arg11[%swap3A_994] {strides = array<i32>} : memref<256xf32, #tpu.memory_space<vmem>>, vector<16xf32>,
    tpu.vector_store %arg11[%swap3A_994], %add3A_993 {strides = array<i32>} : memref<256xf32, #tpu.memory_space<vmem>>, vector<16xf32>,
    %add3A_996 = arith.constant 3 : i32
    %add3A_997 = arith.addi %mul3A_36, %add3A_996 : i32
    %get3A_998 = arith.index_cast %add3A_997 : i32 to index
    %get3A_999 = arith.constant 160 : index
    %get3A_1000 = tpu.vector_load %arg8[%get3A_998, %get3A_999] {strides = array<i32>} : memref<8x256xf32, #tpu.memory_space<vmem>>, vector<16xf32>,
    %mul3A_1001 = arith.mulf %while3A_885#10, %get3A_1000 : vector<16xf32>
    %get3A_1002 = arith.constant 160 : index
    %get3A_1003 = tpu.vector_load %arg9[%get3A_1002] {strides = array<i32>} : memref<256xf32, #tpu.memory_space<vmem>>, vector<16xf32>,
    %add3A_1004 = arith.addf %mul3A_1001, %get3A_1003 : vector<16xf32>
    %swap3A_1005 = arith.constant 160 : index
    %swap3A_1006 = tpu.vector_load %arg11[%swap3A_1005] {strides = array<i32>} : memref<256xf32, #tpu.memory_space<vmem>>, vector<16xf32>,
    tpu.vector_store %arg11[%swap3A_1005], %add3A_1004 {strides = array<i32>} : memref<256xf32, #tpu.memory_space<vmem>>, vector<16xf32>,
    %add3A_1007 = arith.constant 3 : i32
    %add3A_1008 = arith.addi %mul3A_36, %add3A_1007 : i32
    %get3A_1009 = arith.index_cast %add3A_1008 : i32 to index
    %get3A_1010 = arith.constant 176 : index
    %get3A_1011 = tpu.vector_load %arg8[%get3A_1009, %get3A_1010] {strides = array<i32>} : memref<8x256xf32, #tpu.memory_space<vmem>>, vector<16xf32>,
    %mul3A_1012 = arith.mulf %while3A_885#11, %get3A_1011 : vector<16xf32>
    %get3A_1013 = arith.constant 176 : index
    %get3A_1014 = tpu.vector_load %arg9[%get3A_1013] {strides = array<i32>} : memref<256xf32, #tpu.memory_space<vmem>>, vector<16xf32>,
    %add3A_1015 = arith.addf %mul3A_1012, %get3A_1014 : vector<16xf32>
    %swap3A_1016 = arith.constant 176 : index
    %swap3A_1017 = tpu.vector_load %arg11[%swap3A_1016] {strides = array<i32>} : memref<256xf32, #tpu.memory_space<vmem>>, vector<16xf32>,
    tpu.vector_store %arg11[%swap3A_1016], %add3A_1015 {strides = array<i32>} : memref<256xf32, #tpu.memory_space<vmem>>, vector<16xf32>,
    %add3A_1018 = arith.constant 3 : i32
    %add3A_1019 = arith.addi %mul3A_36, %add3A_1018 : i32
    %get3A_1020 = arith.index_cast %add3A_1019 : i32 to index
    %get3A_1021 = arith.constant 192 : index
    %get3A_1022 = tpu.vector_load %arg8[%get3A_1020, %get3A_1021] {strides = array<i32>} : memref<8x256xf32, #tpu.memory_space<vmem>>, vector<16xf32>,
    %mul3A_1023 = arith.mulf %while3A_885#12, %get3A_1022 : vector<16xf32>
    %get3A_1024 = arith.constant 192 : index
    %get3A_1025 = tpu.vector_load %arg9[%get3A_1024] {strides = array<i32>} : memref<256xf32, #tpu.memory_space<vmem>>, vector<16xf32>,
    %add3A_1026 = arith.addf %mul3A_1023, %get3A_1025 : vector<16xf32>
    %swap3A_1027 = arith.constant 192 : index
    %swap3A_1028 = tpu.vector_load %arg11[%swap3A_1027] {strides = array<i32>} : memref<256xf32, #tpu.memory_space<vmem>>, vector<16xf32>,
    tpu.vector_store %arg11[%swap3A_1027], %add3A_1026 {strides = array<i32>} : memref<256xf32, #tpu.memory_space<vmem>>, vector<16xf32>,
    %add3A_1029 = arith.constant 3 : i32
    %add3A_1030 = arith.addi %mul3A_36, %add3A_1029 : i32
    %get3A_1031 = arith.index_cast %add3A_1030 : i32 to index
    %get3A_1032 = arith.constant 208 : index
    %get3A_1033 = tpu.vector_load %arg8[%get3A_1031, %get3A_1032] {strides = array<i32>} : memref<8x256xf32, #tpu.memory_space<vmem>>, vector<16xf32>,
    %mul3A_1034 = arith.mulf %while3A_885#13, %get3A_1033 : vector<16xf32>
    %get3A_1035 = arith.constant 208 : index
    %get3A_1036 = tpu.vector_load %arg9[%get3A_1035] {strides = array<i32>} : memref<256xf32, #tpu.memory_space<vmem>>, vector<16xf32>,
    %add3A_1037 = arith.addf %mul3A_1034, %get3A_1036 : vector<16xf32>
    %swap3A_1038 = arith.constant 208 : index
    %swap3A_1039 = tpu.vector_load %arg11[%swap3A_1038] {strides = array<i32>} : memref<256xf32, #tpu.memory_space<vmem>>, vector<16xf32>,
    tpu.vector_store %arg11[%swap3A_1038], %add3A_1037 {strides = array<i32>} : memref<256xf32, #tpu.memory_space<vmem>>, vector<16xf32>,
    %add3A_1040 = arith.constant 3 : i32
    %add3A_1041 = arith.addi %mul3A_36, %add3A_1040 : i32
    %get3A_1042 = arith.index_cast %add3A_1041 : i32 to index
    %get3A_1043 = arith.constant 224 : index
    %get3A_1044 = tpu.vector_load %arg8[%get3A_1042, %get3A_1043] {strides = array<i32>} : memref<8x256xf32, #tpu.memory_space<vmem>>, vector<16xf32>,
    %mul3A_1045 = arith.mulf %while3A_885#14, %get3A_1044 : vector<16xf32>
    %get3A_1046 = arith.constant 224 : index
    %get3A_1047 = tpu.vector_load %arg9[%get3A_1046] {strides = array<i32>} : memref<256xf32, #tpu.memory_space<vmem>>, vector<16xf32>,
    %add3A_1048 = arith.addf %mul3A_1045, %get3A_1047 : vector<16xf32>
    %swap3A_1049 = arith.constant 224 : index
    %swap3A_1050 = tpu.vector_load %arg11[%swap3A_1049] {strides = array<i32>} : memref<256xf32, #tpu.memory_space<vmem>>, vector<16xf32>,
    tpu.vector_store %arg11[%swap3A_1049], %add3A_1048 {strides = array<i32>} : memref<256xf32, #tpu.memory_space<vmem>>, vector<16xf32>,
    %add3A_1051 = arith.constant 3 : i32
    %add3A_1052 = arith.addi %mul3A_36, %add3A_1051 : i32
    %get3A_1053 = arith.index_cast %add3A_1052 : i32 to index
    %get3A_1054 = arith.constant 240 : index
    %get3A_1055 = tpu.vector_load %arg8[%get3A_1053, %get3A_1054] {strides = array<i32>} : memref<8x256xf32, #tpu.memory_space<vmem>>, vector<16xf32>,
    %mul3A_1056 = arith.mulf %while3A_885#15, %get3A_1055 : vector<16xf32>
    %get3A_1057 = arith.constant 240 : index
    %get3A_1058 = tpu.vector_load %arg9[%get3A_1057] {strides = array<i32>} : memref<256xf32, #tpu.memory_space<vmem>>, vector<16xf32>,
    %add3A_1059 = arith.addf %mul3A_1056, %get3A_1058 : vector<16xf32>
    %swap3A_1060 = arith.constant 240 : index
    %swap3A_1061 = tpu.vector_load %arg11[%swap3A_1060] {strides = array<i32>} : memref<256xf32, #tpu.memory_space<vmem>>, vector<16xf32>,
    tpu.vector_store %arg11[%swap3A_1060], %add3A_1059 {strides = array<i32>} : memref<256xf32, #tpu.memory_space<vmem>>, vector<16xf32>,
    %add3A_1062 = arith.constant 3 : i32
    %add3A_1063 = arith.addi %mul3A_2, %add3A_1062 : i32
    %mul3A_1064 = arith.constant 256 : i32
    %mul3A_1065 = arith.muli %add3A_1063, %mul3A_1064 : i32
    %multiple_of3A_1066 = tpu.assume_multiple %mul3A_1065, 8 : i32
    "tpu.region"() ({
      %run_scoped3A = tpu.sem_alloc : memref<!tpu.dma_semaphore, #tpu.memory_space<semaphore_mem>>
      %dma_start3A = tpu.memref_slice %arg6[%multiple_of3A_1066] : memref<32768xf32, #tpu.memory_space<hbm>> -> memref<256xf32, #tpu.memory_space<hbm>>
      %dma_start3A_1067 = tpu.memref_slice %arg6[%multiple_of3A_1066] : memref<32768xf32, #tpu.memory_space<hbm>> -> memref<256xf32, #tpu.memory_space<hbm>>
      tpu.enqueue_dma source(%arg11 : memref<256xf32, #tpu.memory_space<vmem>>) target(%dma_start3A_1067 : memref<256xf32, #tpu.memory_space<hbm>>) target_semaphore(%run_scoped3A : memref<!tpu.dma_semaphore, #tpu.memory_space<semaphore_mem>>)
      %dma_wait3A = tpu.memref_slice %arg6[%multiple_of3A_1066] : memref<32768xf32, #tpu.memory_space<hbm>> -> memref<256xf32, #tpu.memory_space<hbm>>
      %dma_wait3A_1068 = tpu.memref_slice %arg6[%multiple_of3A_1066] : memref<32768xf32, #tpu.memory_space<hbm>> -> memref<256xf32, #tpu.memory_space<hbm>>
      tpu.wait_dma2 semaphore(%run_scoped3A : memref<!tpu.dma_semaphore, #tpu.memory_space<semaphore_mem>>) src(%arg11 : memref<256xf32, #tpu.memory_space<vmem>>) dst(%dma_wait3A_1068 : memref<256xf32, #tpu.memory_space<hbm>>)
      tpu.yield
    }) : () -> ()
    return
  }
}

module attributes {stable_mosaic.version = 14 : i64} {
  func.func @_tc_body(%arg0: i32, %arg1: memref<1024x256xf32, #tpu.memory_space<vmem>>, %arg2: memref<1x1x1024xi32, #tpu.memory_space<vmem>>, %arg3: memref<256x1024xbf16, #tpu.memory_space<vmem>>, %arg4: memref<1x1024xf32, #tpu.memory_space<vmem>>, %arg5: memref<1024x8xbf16, #tpu.memory_space<vmem>>, %arg6: memref<1x8xf32, #tpu.memory_space<vmem>>, %arg7: memref<256x256xbf16, #tpu.memory_space<vmem>>, %arg8: memref<1024x128xi32, #tpu.memory_space<vmem>>, %arg9: memref<128x256xf32, #tpu.memory_space<vmem>>, %arg10: memref<128x16xi32, #tpu.memory_space<vmem>>, %arg11: memref<128x8xf32, #tpu.memory_space<vmem>>) attributes {dimension_semantics = [#tpu.dimension_semantics<arbitrary>], iteration_bounds = array<i64: 49>, scalar_prefetch = 0 : i64, scratch_operands = 1 : i64, tpu.core_type = #tpu.core_type<tc>, window_params = [{transform_indices = @transform_0, window_bounds = array<i64: 1024, 256>}, {transform_indices = @transform_1, window_bounds = array<i64: 1, 1, 1024>}, {pipeline_mode = #tpu.pipeline_mode<synchronous>, transform_indices = @transform_2, window_bounds = array<i64: 256, 1024>}, {pipeline_mode = #tpu.pipeline_mode<synchronous>, transform_indices = @transform_3, window_bounds = array<i64: 1, 1024>}, {pipeline_mode = #tpu.pipeline_mode<synchronous>, transform_indices = @transform_4, window_bounds = array<i64: 1024, 8>}, {pipeline_mode = #tpu.pipeline_mode<synchronous>, transform_indices = @transform_5, window_bounds = array<i64: 1, 8>}, {pipeline_mode = #tpu.pipeline_mode<synchronous>, transform_indices = @transform_6, window_bounds = array<i64: 256, 256>}, {transform_indices = @transform_7, window_bounds = array<i64: 1024, 128>}, {pipeline_mode = #tpu.pipeline_mode<synchronous>, transform_indices = @transform_8, window_bounds = array<i64: 128, 256>}, {pipeline_mode = #tpu.pipeline_mode<synchronous>, transform_indices = @transform_9, window_bounds = array<i64: 128, 16>}]} {
    %eq3A = arith.constant 0 : i32
    %eq3A_0 = arith.cmpi eq, %arg0, %eq3A : i32
    %convert_element_type3A = arith.extui %eq3A_0 : i1 to i32
    %cond3A = arith.constant 0 : i32
    %cond3A_1 = arith.cmpi ne, %convert_element_type3A, %cond3A : i32
    scf.if %cond3A_1 {
      %broadcast_in_dim3A_81 = arith.constant 0.000000e+00 : f32
      %broadcast_in_dim3A_82 = vector.broadcast %broadcast_in_dim3A_81 : f32 to vector<128x8xf32>
      %swap3A_83 = arith.constant 0 : index
      %swap3A_84 = arith.constant 0 : index
      %swap3A_85 = vector.load %arg11[%swap3A_83, %swap3A_84] : memref<128x8xf32, #tpu.memory_space<vmem>>, vector<128x8xf32>
      tpu.vector_store %arg11[%swap3A_83, %swap3A_84], %broadcast_in_dim3A_82 {strides = array<i32>} : memref<128x8xf32, #tpu.memory_space<vmem>>, vector<128x8xf32>,
    } else {
    }
    %get3A = arith.constant 0 : index
    %get3A_2 = arith.constant 0 : index
    %get3A_3 = vector.load %arg1[%get3A, %get3A_2] : memref<1024x256xf32, #tpu.memory_space<vmem>>, vector<1024x256xf32>
    %convert_element_type3A_4 = arith.truncf %get3A_3 : vector<1024x256xf32> to vector<1024x256xbf16>
    %get3A_5 = arith.constant 0 : index
    %get3A_6 = arith.constant 0 : index
    %get3A_7 = vector.load %arg3[%get3A_5, %get3A_6] : memref<256x1024xbf16, #tpu.memory_space<vmem>>, vector<256x1024xbf16>
    %dot_general3A = arith.constant dense<0.000000e+00> : vector<1024x1024xf32>
    %dot_general3A_8 = tpu.matmul %convert_element_type3A_4, %get3A_7, %dot_general3A {dimension_numbers = #tpu.dot_dimension_numbers<[1], [0], [0], [1], [0, 0, 1, 1], [], []>, transpose_lhs_hint = false} : vector<1024x256xbf16>, vector<256x1024xbf16>, vector<1024x1024xf32> -> vector<1024x1024xf32>
    %get3A_9 = arith.constant 0 : index
    %get3A_10 = arith.constant 0 : index
    %get3A_11 = vector.load %arg4[%get3A_9, %get3A_10] : memref<1x1024xf32, #tpu.memory_space<vmem>>, vector<1x1024xf32>
    %add3A = vector.broadcast %get3A_11 : vector<1x1024xf32> to vector<1024x1024xf32>
    %add3A_12 = arith.addf %dot_general3A_8, %add3A : vector<1024x1024xf32>
    %tanh3A = math.tanh %add3A_12 : vector<1024x1024xf32>
    %convert_element_type3A_13 = arith.truncf %tanh3A : vector<1024x1024xf32> to vector<1024x1024xbf16>
    %get3A_14 = arith.constant 0 : index
    %get3A_15 = arith.constant 0 : index
    %get3A_16 = vector.load %arg5[%get3A_14, %get3A_15] : memref<1024x8xbf16, #tpu.memory_space<vmem>>, vector<1024x8xbf16>
    %dot_general3A_17 = arith.constant dense<0.000000e+00> : vector<1024x8xf32>
    %dot_general3A_18 = tpu.matmul %convert_element_type3A_13, %get3A_16, %dot_general3A_17 {dimension_numbers = #tpu.dot_dimension_numbers<[1], [0], [0], [1], [0, 0, 1, 1], [], []>, transpose_lhs_hint = false} : vector<1024x1024xbf16>, vector<1024x8xbf16>, vector<1024x8xf32> -> vector<1024x8xf32>
    %get3A_19 = arith.constant 0 : index
    %get3A_20 = arith.constant 0 : index
    %get3A_21 = vector.load %arg6[%get3A_19, %get3A_20] : memref<1x8xf32, #tpu.memory_space<vmem>>, vector<1x8xf32>
    %add3A_22 = vector.broadcast %get3A_21 : vector<1x8xf32> to vector<1024x8xf32>
    %add3A_23 = arith.addf %dot_general3A_18, %add3A_22 : vector<1024x8xf32>
    %exp3A = math.exp %add3A_23 : vector<1024x8xf32>
    %iota3A = tpu.iota {dimensions = array<i32: 0>} : vector<1024x8xi32>
    %mul3A = arith.constant 1024 : i32
    %mul3A_24 = arith.muli %arg0, %mul3A : i32
    %add3A_25 = vector.broadcast %mul3A_24 : i32 to vector<1024x8xi32>
    %add3A_26 = arith.addi %iota3A, %add3A_25 : vector<1024x8xi32>
    %lt3A = arith.constant 50000 : i32
    %lt3A_27 = vector.broadcast %lt3A : i32 to vector<1024x8xi32>
    %lt3A_28 = arith.cmpi slt, %add3A_26, %lt3A_27 : vector<1024x8xi32>
    %jit3A = arith.constant 0.000000e+00 : f32
    %broadcast_in_dim3A = vector.broadcast %jit3A : f32 to vector<1024x8xf32>
    %select_n3A = arith.select %lt3A_28, %exp3A, %broadcast_in_dim3A : vector<1024x8xi1>, vector<1024x8xf32>
    %get3A_29 = arith.constant 0 : index
    %get3A_30 = arith.constant 0 : index
    %get3A_31 = vector.load %arg7[%get3A_29, %get3A_30] : memref<256x256xbf16, #tpu.memory_space<vmem>>, vector<256x256xbf16>
    %dot_general3A_32 = arith.constant dense<0.000000e+00> : vector<1024x256xf32>
    %dot_general3A_33 = tpu.matmul %convert_element_type3A_4, %get3A_31, %dot_general3A_32 {dimension_numbers = #tpu.dot_dimension_numbers<[1], [0], [0], [1], [0, 0, 1, 1], [], []>, transpose_lhs_hint = false} : vector<1024x256xbf16>, vector<256x256xbf16>, vector<1024x256xf32> -> vector<1024x256xf32>
    %get3A_34 = arith.constant 0 : index
    %get3A_35 = arith.constant 0 : index
    %get3A_36 = arith.constant 0 : index
    %get3A_37 = vector.load %arg2[%get3A_34, %get3A_35, %get3A_36] : memref<1x1x1024xi32, #tpu.memory_space<vmem>>, vector<1x1x1024xi32>
    %get3A_38 = vector.shape_cast %get3A_37 : vector<1x1x1024xi32> to vector<1x1024xi32>
    %iota3A_39 = tpu.iota {dimensions = array<i32: 0>} : vector<128x1024xi32>
    %eq3A_40 = vector.broadcast %get3A_38 : vector<1x1024xi32> to vector<128x1024xi32>
    %eq3A_41 = arith.cmpi eq, %iota3A_39, %eq3A_40 : vector<128x1024xi32>
    %convert_element_type3A_42 = arith.extui %eq3A_41 : vector<128x1024xi1> to vector<128x1024xi32>
    %convert_element_type3A_43 = arith.sitofp %convert_element_type3A_42 : vector<128x1024xi32> to vector<128x1024xf32>
    %slice3A = vector.extract_strided_slice %select_n3A {offsets = [0, 0], sizes = [1024, 1], strides = [1, 1]} : vector<1024x8xf32> to vector<1024x1xf32>
    %broadcast_in_dim3A_44 = vector.shape_cast %slice3A : vector<1024x1xf32> to vector<1024x1xf32>
    %broadcast_in_dim3A_45 = vector.broadcast %broadcast_in_dim3A_44 : vector<1024x1xf32> to vector<1024x64xf32>
    %slice3A_46 = vector.extract_strided_slice %select_n3A {offsets = [0, 1], sizes = [1024, 1], strides = [1, 1]} : vector<1024x8xf32> to vector<1024x1xf32>
    %broadcast_in_dim3A_47 = vector.shape_cast %slice3A_46 : vector<1024x1xf32> to vector<1024x1xf32>
    %broadcast_in_dim3A_48 = vector.broadcast %broadcast_in_dim3A_47 : vector<1024x1xf32> to vector<1024x64xf32>
    %slice3A_49 = vector.extract_strided_slice %select_n3A {offsets = [0, 2], sizes = [1024, 1], strides = [1, 1]} : vector<1024x8xf32> to vector<1024x1xf32>
    %broadcast_in_dim3A_50 = vector.shape_cast %slice3A_49 : vector<1024x1xf32> to vector<1024x1xf32>
    %broadcast_in_dim3A_51 = vector.broadcast %broadcast_in_dim3A_50 : vector<1024x1xf32> to vector<1024x64xf32>
    %slice3A_52 = vector.extract_strided_slice %select_n3A {offsets = [0, 3], sizes = [1024, 1], strides = [1, 1]} : vector<1024x8xf32> to vector<1024x1xf32>
    %broadcast_in_dim3A_53 = vector.shape_cast %slice3A_52 : vector<1024x1xf32> to vector<1024x1xf32>
    %broadcast_in_dim3A_54 = vector.broadcast %broadcast_in_dim3A_53 : vector<1024x1xf32> to vector<1024x64xf32>
    %concatenate3A = tpu.concatenate %broadcast_in_dim3A_45, %broadcast_in_dim3A_48, %broadcast_in_dim3A_51, %broadcast_in_dim3A_54 in 1 : vector<1024x64xf32>, vector<1024x64xf32>, vector<1024x64xf32>, vector<1024x64xf32> -> vector<1024x256xf32>
    %mul3A_55 = arith.mulf %dot_general3A_33, %concatenate3A : vector<1024x256xf32>
    %slice3A_56 = vector.extract_strided_slice %mul3A_55 {offsets = [0, 0], sizes = [1024, 128], strides = [1, 1]} : vector<1024x256xf32> to vector<1024x128xf32>
    %convert_element_type3A_57 = arith.truncf %slice3A_56 : vector<1024x128xf32> to vector<1024x128xbf16>
    %bitcast_convert_type3A = tpu.bitcast %convert_element_type3A_57 : vector<1024x128xbf16> -> vector<1024x128xi16>
    %convert_element_type3A_58 = arith.extui %bitcast_convert_type3A : vector<1024x128xi16> to vector<1024x128xi32>
    %slice3A_59 = vector.extract_strided_slice %mul3A_55 {offsets = [0, 128], sizes = [1024, 128], strides = [1, 1]} : vector<1024x256xf32> to vector<1024x128xf32>
    %convert_element_type3A_60 = arith.truncf %slice3A_59 : vector<1024x128xf32> to vector<1024x128xbf16>
    %bitcast_convert_type3A_61 = tpu.bitcast %convert_element_type3A_60 : vector<1024x128xbf16> -> vector<1024x128xi16>
    %convert_element_type3A_62 = arith.extui %bitcast_convert_type3A_61 : vector<1024x128xi16> to vector<1024x128xi32>
    %shift_left3A = arith.constant 16 : i32
    %shift_left3A_63 = vector.broadcast %shift_left3A : i32 to vector<1024x128xi32>
    %shift_left3A_64 = arith.shli %convert_element_type3A_62, %shift_left3A_63 : vector<1024x128xi32>
    %or3A = arith.ori %convert_element_type3A_58, %shift_left3A_64 : vector<1024x128xi32>
    %swap3A = arith.constant 0 : index
    %swap3A_65 = arith.constant 0 : index
    %swap3A_66 = vector.load %arg8[%swap3A, %swap3A_65] : memref<1024x128xi32, #tpu.memory_space<vmem>>, vector<1024x128xi32>
    tpu.vector_store %arg8[%swap3A, %swap3A_65], %or3A {strides = array<i32>} : memref<1024x128xi32, #tpu.memory_space<vmem>>, vector<1024x128xi32>,
    %get3A_67 = arith.constant 0 : index
    %get3A_68 = arith.constant 0 : index
    %get3A_69 = vector.load %arg11[%get3A_67, %get3A_68] : memref<128x8xf32, #tpu.memory_space<vmem>>, vector<128x8xf32>
    %dot_general3A_70 = arith.constant dense<0.000000e+00> : vector<128x8xf32>
    %dot_general3A_71 = tpu.matmul %convert_element_type3A_43, %select_n3A, %dot_general3A_70 {dimension_numbers = #tpu.dot_dimension_numbers<[1], [0], [0], [1], [0, 0, 1, 1], [], []>, transpose_lhs_hint = false} : vector<128x1024xf32>, vector<1024x8xf32>, vector<128x8xf32> -> vector<128x8xf32>
    %add3A_72 = arith.addf %get3A_69, %dot_general3A_71 : vector<128x8xf32>
    %swap3A_73 = arith.constant 0 : index
    %swap3A_74 = arith.constant 0 : index
    %swap3A_75 = vector.load %arg11[%swap3A_73, %swap3A_74] : memref<128x8xf32, #tpu.memory_space<vmem>>, vector<128x8xf32>
    tpu.vector_store %arg11[%swap3A_73, %swap3A_74], %add3A_72 {strides = array<i32>} : memref<128x8xf32, #tpu.memory_space<vmem>>, vector<128x8xf32>,
    %eq3A_76 = arith.constant 48 : i32
    %eq3A_77 = arith.cmpi eq, %arg0, %eq3A_76 : i32
    %convert_element_type3A_78 = arith.extui %eq3A_77 : i1 to i32
    %cond3A_79 = arith.constant 0 : i32
    %cond3A_80 = arith.cmpi ne, %convert_element_type3A_78, %cond3A_79 : i32
    scf.if %cond3A_80 {
      %get3A_81 = arith.constant 0 : index
      %get3A_82 = arith.constant 0 : index
      %get3A_83 = vector.load %arg11[%get3A_81, %get3A_82] : memref<128x8xf32, #tpu.memory_space<vmem>>, vector<128x8xf32>
      %jit3A_84 = arith.constant 1.000000e-10 : f32
      %max3A = vector.broadcast %jit3A_84 : f32 to vector<128x8xf32>
      %max3A_85 = arith.maximumf %max3A, %get3A_83 : vector<128x8xf32>
      %div3A = arith.constant 1.000000e+00 : f32
      %div3A_86 = vector.broadcast %div3A : f32 to vector<128x8xf32>
      %div3A_87 = arith.divf %div3A_86, %max3A_85 : vector<128x8xf32>
      %slice3A_88 = vector.extract_strided_slice %div3A_87 {offsets = [0, 0], sizes = [128, 1], strides = [1, 1]} : vector<128x8xf32> to vector<128x1xf32>
      %broadcast_in_dim3A_89 = vector.shape_cast %slice3A_88 : vector<128x1xf32> to vector<128x1xf32>
      %broadcast_in_dim3A_90 = vector.broadcast %broadcast_in_dim3A_89 : vector<128x1xf32> to vector<128x64xf32>
      %slice3A_91 = vector.extract_strided_slice %div3A_87 {offsets = [0, 1], sizes = [128, 1], strides = [1, 1]} : vector<128x8xf32> to vector<128x1xf32>
      %broadcast_in_dim3A_92 = vector.shape_cast %slice3A_91 : vector<128x1xf32> to vector<128x1xf32>
      %broadcast_in_dim3A_93 = vector.broadcast %broadcast_in_dim3A_92 : vector<128x1xf32> to vector<128x64xf32>
      %slice3A_94 = vector.extract_strided_slice %div3A_87 {offsets = [0, 2], sizes = [128, 1], strides = [1, 1]} : vector<128x8xf32> to vector<128x1xf32>
      %broadcast_in_dim3A_95 = vector.shape_cast %slice3A_94 : vector<128x1xf32> to vector<128x1xf32>
      %broadcast_in_dim3A_96 = vector.broadcast %broadcast_in_dim3A_95 : vector<128x1xf32> to vector<128x64xf32>
      %slice3A_97 = vector.extract_strided_slice %div3A_87 {offsets = [0, 3], sizes = [128, 1], strides = [1, 1]} : vector<128x8xf32> to vector<128x1xf32>
      %broadcast_in_dim3A_98 = vector.shape_cast %slice3A_97 : vector<128x1xf32> to vector<128x1xf32>
      %broadcast_in_dim3A_99 = vector.broadcast %broadcast_in_dim3A_98 : vector<128x1xf32> to vector<128x64xf32>
      %concatenate3A_100 = tpu.concatenate %broadcast_in_dim3A_90, %broadcast_in_dim3A_93, %broadcast_in_dim3A_96, %broadcast_in_dim3A_99 in 1 : vector<128x64xf32>, vector<128x64xf32>, vector<128x64xf32>, vector<128x64xf32> -> vector<128x256xf32>
      %swap3A_101 = arith.constant 0 : index
      %swap3A_102 = arith.constant 0 : index
      %swap3A_103 = vector.load %arg9[%swap3A_101, %swap3A_102] : memref<128x256xf32, #tpu.memory_space<vmem>>, vector<128x256xf32>
      tpu.vector_store %arg9[%swap3A_101, %swap3A_102], %concatenate3A_100 {strides = array<i32>} : memref<128x256xf32, #tpu.memory_space<vmem>>, vector<128x256xf32>,
      %iota3A_104 = tpu.iota {dimensions = array<i32: 1>} : vector<128x128xi32>
      %iota3A_105 = tpu.iota {dimensions = array<i32: 0>} : vector<128x128xi32>
      %lt3A_106 = arith.cmpi slt, %iota3A_104, %iota3A_105 : vector<128x128xi32>
      %convert_element_type3A_107 = arith.extui %lt3A_106 : vector<128x128xi1> to vector<128x128xi32>
      %convert_element_type3A_108 = arith.sitofp %convert_element_type3A_107 : vector<128x128xi32> to vector<128x128xf32>
      %dot_general3A_109 = arith.constant dense<0.000000e+00> : vector<128x8xf32>
      %dot_general3A_110 = tpu.matmul %convert_element_type3A_108, %get3A_83, %dot_general3A_109 {dimension_numbers = #tpu.dot_dimension_numbers<[1], [0], [0], [1], [0, 0, 1, 1], [], []>, precision = #tpu.contract_precision<fp32>, transpose_lhs_hint = false} : vector<128x128xf32>, vector<128x8xf32>, vector<128x8xf32> -> vector<128x8xf32>
      %slice3A_111 = vector.extract_strided_slice %dot_general3A_110 {offsets = [0, 4], sizes = [128, 1], strides = [1, 1]} : vector<128x8xf32> to vector<128x1xf32>
      %slice3A_112 = vector.extract_strided_slice %get3A_83 {offsets = [0, 4], sizes = [128, 1], strides = [1, 1]} : vector<128x8xf32> to vector<128x1xf32>
      %iota3A_113 = tpu.iota {dimensions = array<i32: 1>} : vector<128x16xi32>
      %eq3A_114 = arith.constant 0 : i32
      %eq3A_115 = vector.broadcast %eq3A_114 : i32 to vector<128x16xi32>
      %eq3A_116 = arith.cmpi eq, %iota3A_113, %eq3A_115 : vector<128x16xi32>
      %eq3A_117 = arith.constant 1 : i32
      %eq3A_118 = vector.broadcast %eq3A_117 : i32 to vector<128x16xi32>
      %eq3A_119 = arith.cmpi eq, %iota3A_113, %eq3A_118 : vector<128x16xi32>
      %jit3A_120 = arith.constant 0.000000e+00 : f32
      %broadcast_in_dim3A_121 = vector.shape_cast %slice3A_112 : vector<128x1xf32> to vector<128x1xf32>
      %broadcast_in_dim3A_122 = vector.broadcast %broadcast_in_dim3A_121 : vector<128x1xf32> to vector<128x16xf32>
      %broadcast_in_dim3A_123 = vector.broadcast %jit3A_120 : f32 to vector<128x16xf32>
      %select_n3A_124 = arith.select %eq3A_119, %broadcast_in_dim3A_122, %broadcast_in_dim3A_123 : vector<128x16xi1>, vector<128x16xf32>
      %broadcast_in_dim3A_125 = vector.shape_cast %slice3A_111 : vector<128x1xf32> to vector<128x1xf32>
      %broadcast_in_dim3A_126 = vector.broadcast %broadcast_in_dim3A_125 : vector<128x1xf32> to vector<128x16xf32>
      %select_n3A_127 = arith.select %eq3A_116, %broadcast_in_dim3A_126, %select_n3A_124 : vector<128x16xi1>, vector<128x16xf32>
      %convert_element_type3A_128 = arith.fptosi %select_n3A_127 : vector<128x16xf32> to vector<128x16xi32>
      %swap3A_129 = arith.constant 0 : index
      %swap3A_130 = arith.constant 0 : index
      %swap3A_131 = vector.load %arg10[%swap3A_129, %swap3A_130] : memref<128x16xi32, #tpu.memory_space<vmem>>, vector<128x16xi32>
      tpu.vector_store %arg10[%swap3A_129, %swap3A_130], %convert_element_type3A_128 {strides = array<i32>} : memref<128x16xi32, #tpu.memory_space<vmem>>, vector<128x16xi32>,
    } else {
    }
    return
  }
  func.func @transform_0(%arg0: i32) -> (i32, i32) {
    %c0_i32 = arith.constant 0 : i32
    %c0_i32_0 = arith.constant 0 : i32
    return %arg0, %c0_i32 : i32, i32
  }
  func.func @transform_1(%arg0: i32) -> (i32, i32, i32) {
    %c0_i32 = arith.constant 0 : i32
    %c0_i32_0 = arith.constant 0 : i32
    %c0_i32_1 = arith.constant 0 : i32
    return %arg0, %c0_i32, %c0_i32_0 : i32, i32, i32
  }
  func.func @transform_2(%arg0: i32) -> (i32, i32) {
    %c0_i32 = arith.constant 0 : i32
    %c0_i32_0 = arith.constant 0 : i32
    %c0_i32_1 = arith.constant 0 : i32
    return %c0_i32, %c0_i32_0 : i32, i32
  }
  func.func @transform_3(%arg0: i32) -> (i32, i32) {
    %c0_i32 = arith.constant 0 : i32
    %c0_i32_0 = arith.constant 0 : i32
    %c0_i32_1 = arith.constant 0 : i32
    return %c0_i32, %c0_i32_0 : i32, i32
  }
  func.func @transform_4(%arg0: i32) -> (i32, i32) {
    %c0_i32 = arith.constant 0 : i32
    %c0_i32_0 = arith.constant 0 : i32
    %c0_i32_1 = arith.constant 0 : i32
    return %c0_i32, %c0_i32_0 : i32, i32
  }
  func.func @transform_5(%arg0: i32) -> (i32, i32) {
    %c0_i32 = arith.constant 0 : i32
    %c0_i32_0 = arith.constant 0 : i32
    %c0_i32_1 = arith.constant 0 : i32
    return %c0_i32, %c0_i32_0 : i32, i32
  }
  func.func @transform_6(%arg0: i32) -> (i32, i32) {
    %c0_i32 = arith.constant 0 : i32
    %c0_i32_0 = arith.constant 0 : i32
    %c0_i32_1 = arith.constant 0 : i32
    return %c0_i32, %c0_i32_0 : i32, i32
  }
  func.func @transform_7(%arg0: i32) -> (i32, i32) {
    %c0_i32 = arith.constant 0 : i32
    %c0_i32_0 = arith.constant 0 : i32
    return %arg0, %c0_i32 : i32, i32
  }
  func.func @transform_8(%arg0: i32) -> (i32, i32) {
    %c0_i32 = arith.constant 0 : i32
    %c0_i32_0 = arith.constant 0 : i32
    %c0_i32_1 = arith.constant 0 : i32
    return %c0_i32, %c0_i32_0 : i32, i32
  }
  func.func @transform_9(%arg0: i32) -> (i32, i32) {
    %c0_i32 = arith.constant 0 : i32
    %c0_i32_0 = arith.constant 0 : i32
    %c0_i32_1 = arith.constant 0 : i32
    return %c0_i32, %c0_i32_0 : i32, i32
  }
}

</mosaic_0001>

<sc_bundles>
// kernel: kernel.4.cloned.1.call-start
scs
__scs_entry_jumppad:
0x0: {  	(pc) =	sbr.rel $0x88, $3  }
0x1: {  	(tag) =	ssettag $0x0;
	lr =	simm.s32 $0x1  }
0x2: {  	[smem:$0x3F99] =	sst lr;
	_ =	strace $0xD0000000  }
0x3: {  	_ = 	snop  }
0x4: {  	_ = 	snop  }
0x5: {  	_ = 	snop  }
0x6: {  	_ = 	snop  }
0x7: {  	_ = 	snop  }
__scs_overlays_trampoline_lowered:
0x8: {  	[smem:$0x3FA8] =	sst s0  }
0x9: {  	[smem:$0x3FA9] =	sst s1  }
0xa: {  	[smem:$0x3FAA] =	sst s2  }
0xb: {  	[smem:$0x3FAB] =	sst s3  }
0xc: {  	[smem:$0x3FAC] =	sst s4  }
0xd: {  	[smem:$0x3FAD] =	sst s5  }
0xe: {  	[smem:$0x3FAE] =	sst s6  }
0xf: {  	[smem:$0x3FAF] =	sst s7  }
0x10: {  	[smem:$0x3FB0] =	sst s8  }
0x11: {  	[smem:$0x3FB1] =	sst s9;
	s0 =	simm.s32 @!p0 $0x0  }
0x12: {  	s1 =	sld [smem:$0x3F97];
	s0 =	simm.s32 @p0 $0x1  }
0x13: {  	[smem:$0x3FB2] =	sst s0;
	s0 =	simm.s32 @!p1 $0x0  }
0x14: {  	s2 =	sld [smem:$0x3F96];
	s0 =	simm.s32 @p1 $0x1  }
0x15: {  	[smem:$0x3FB3] =	sst s0;
	s0 =	simm.s32 @!p2 $0x0  }
0x16: {  	s3 =	sld [smem:$0x3FDB];
	s0 =	simm.s32 @p2 $0x1  }
0x17: {  	s4 =	simm.s32 $0x1BF5;
	[smem:$0x3FB5] =	sst s0  }
0x18: {  	s0 =	sld [smem:$0x3F98];
	_ =	swait.ge [sflag:s4], $0x0  }
0x19: {  	s7 =	sld [smem:$0x3F99]  }
0x1a: {  	s8 =	sadd.s32 $0xFFFFE003, lr  }
0x1b: {  	s9 =	sadd.s32 $0xFFFFFEF7, lr;
	s5 =	simm.s32 $0xFFFFFFFF;
	p2 =	slt.u32 s8, $0xFFFFF086  }
0x1c: {  	p1 =	slt.u32 s9, $0xF7A;
	s5 =	simm.s32 @!p2 $0x0  }
0x1d: {  	s5 =	simm.s32 @p1 $0x1;
	p0 =	seq.s32 s7, s2  }
0x1e: {  	s7 =	smul.u32 @!p0 $0xF7A, s2;
	p2 =	seq.s32 @!p0 s5, $0x0  }
0x1f: {  	s9 =	smul.u32 $0xF7A, s1;
	s8 =	simm.s32 @!p0 $0x1BF5;
	p2 =	por !p2, p0  }
0x20: {  	[sflag:s8] =	ssyncset.s32 @!p0 $0xFFFFF086;
	s6 =	sadd.s32 @!p0 s3, s7;
	s7 =	simm.s32 @!p0 $0x108  }
0x21: {  	s3 =	sadd.s32 s3, s9;
	s6 =	sadd.s32 @!p0 $0x88, s6;
	s7 =	simm.s32 @p2 $0x1082  }
0x22: {  	[simem:s7], [sflag:s8] =	dma.local @!p0 [hbm:s6], $0xF7A  }
0x23: {  	s9 =	sor.u32 $0xD0000000, s2;
	s6 =	simm.s32 $0x108;
	_ =	swait.ge @!p0 [sflag:s8], $0x0  }
0x24: {  	s3 =	sadd.s32 $0x88, s3;
	s6 =	simm.s32 @!p1 $0x1082;
	[sflag:s4] =	ssyncset.s32 $0xFFFFF086  }
0x25: {  	[simem:s6], [sflag:s4] =	dma.local [hbm:s3], $0xF7A  }
0x26: {  	[smem:$0x3F99] =	sst s1;
	(tag) =	ssettag s2;
	_ =	strace s9  }
0x27: {  	s1 =	sld [smem:$0x3FA9]  }
0x28: {  	s2 =	sld [smem:$0x3FAA]  }
0x29: {  	s4 =	sld [smem:$0x3FAC]  }
0x2a: {  	p0 =	seq.s32 s5, $0x0;
	s5 =	sld [smem:$0x3FAD]  }
0x2b: {  	s6 =	sld [smem:$0x3FAE]  }
0x2c: {  	s7 =	sld [smem:$0x3FAF]  }
0x2d: {  	s3 =	simm.s32 $0x108;
	s8 =	sld [smem:$0x3FB0]  }
0x2e: {  	s3 =	simm.s32 @!p0 $0x1082;
	s9 =	sld [smem:$0x3FB1]  }
0x2f: {  	lr =	sadd.s32 s0, s3;
	s0 =	sld [smem:$0x3FA8]  }
0x30: {  	s3 =	sld [smem:$0x3FAB]  }
0x31: {  	[smem:$0x3FB4] =	sst s10  }
0x32: {  	s10 =	sld [smem:$0x3FB2];
	_ =	sdelay $0x3  }
0x33: {  	p0 =	seq.s32 s10, $0x1;
	s10 =	sld [smem:$0x3FB4];
	_ =	sdelay $0x3  }
0x34: {  	[smem:$0x3FB4] =	sst s10  }
0x35: {  	s10 =	sld [smem:$0x3FB3];
	_ =	sdelay $0x3  }
0x36: {  	p1 =	seq.s32 s10, $0x1;
	s10 =	sld [smem:$0x3FB4];
	_ =	sdelay $0x3  }
0x37: {  	[smem:$0x3FB4] =	sst s10  }
0x38: {  	s10 =	sld [smem:$0x3FB5]  }
0x39: {  	_ = 	snop;
	(pc) =	sbr.ind lr, $3  }
0x3a: {  	_ = 	snop  }
0x3b: {  	_ = 	snop  }
0x3c: {  	p2 =	seq.s32 s10, $0x1;
	s10 =	sld [smem:$0x3FB4]  }
0x3d: {  	_ =	shalt  }
0x3e: {  	_ =	shalt  }
0x3f: {  	_ =	shalt  }
0x40: {  	_ =	shalt  }
0x41: {  	_ =	shalt  }
0x42: {  	_ =	shalt  }
0x43: {  	_ =	shalt  }
0x44: {  	_ =	shalt  }
0x45: {  	_ =	shalt  }
0x46: {  	_ =	shalt  }
0x47: {  	_ =	shalt  }
0x48: {  	_ =	shalt  }
0x49: {  	_ =	shalt  }
0x4a: {  	_ =	shalt  }
0x4b: {  	_ =	shalt  }
0x4c: {  	_ =	shalt  }
0x4d: {  	_ =	shalt  }
0x4e: {  	_ =	shalt  }
0x4f: {  	_ =	shalt  }
0x50: {  	_ =	shalt  }
0x51: {  	_ =	shalt  }
0x52: {  	_ =	shalt  }
0x53: {  	_ =	shalt  }
0x54: {  	_ =	shalt  }
0x55: {  	_ =	shalt  }
0x56: {  	_ =	shalt  }
0x57: {  	_ =	shalt  }
0x58: {  	_ =	shalt  }
0x59: {  	_ =	shalt  }
0x5a: {  	_ =	shalt  }
0x5b: {  	_ =	shalt  }
0x5c: {  	_ =	shalt  }
0x5d: {  	_ =	shalt  }
0x5e: {  	_ =	shalt  }
0x5f: {  	_ =	shalt  }
0x60: {  	_ =	shalt  }
0x61: {  	_ =	shalt  }
0x62: {  	_ =	shalt  }
0x63: {  	_ =	shalt  }
0x64: {  	_ =	shalt  }
0x65: {  	_ =	shalt  }
0x66: {  	_ =	shalt  }
0x67: {  	_ =	shalt  }
0x68: {  	_ =	shalt  }
0x69: {  	_ =	shalt  }
0x6a: {  	_ =	shalt  }
0x6b: {  	_ =	shalt  }
0x6c: {  	_ =	shalt  }
0x6d: {  	_ =	shalt  }
0x6e: {  	_ =	shalt  }
0x6f: {  	_ =	shalt  }
0x70: {  	_ =	shalt  }
0x71: {  	_ =	shalt  }
0x72: {  	_ =	shalt  }
0x73: {  	_ =	shalt  }
0x74: {  	_ =	shalt  }
0x75: {  	_ =	shalt  }
0x76: {  	_ =	shalt  }
0x77: {  	_ =	shalt  }
0x78: {  	_ =	shalt  }
0x79: {  	_ =	shalt  }
0x7a: {  	_ =	shalt  }
0x7b: {  	_ =	shalt  }
0x7c: {  	_ =	shalt  }
0x7d: {  	_ =	shalt  }
0x7e: {  	_ =	shalt  }
0x7f: {  	_ =	shalt  }
0x80: {  	_ =	shalt  }
0x81: {  	_ =	shalt  }
0x82: {  	_ =	shalt  }
0x83: {  	_ =	shalt  }
0x84: {  	_ =	shalt  }
0x85: {  	_ =	shalt  }
0x86: {  	_ =	shalt  }
0x87: {  	_ =	shalt  }
.Lfunc_end0:
.L_simem_size_0:
called_computation_lowered:
.L_overlay_start_0:
0x88: {  	s2 =	sld [smem:$0x3FD9]  }
0x89: {  	s3 =	sld [smem:$0x3FFE];
	_ =	sdelay $0x1  }
0x8a: {  	s1 =	srdreg.scid  }
0x8b: {  	s0 =	sand.u32 $0x1, s1  }
0x8c: {  	s17 =	sshll.u32 s0, $0xA;
	s2 =	sadd.s32 s3, s2  }
0x8d: {  	s2 =	sadd.s32 s2, s17  }
0x8e: {  	[smem:$0x3FC0] =	sst s2  }
0x8f: {  	_ = 	snop  }
0x90: {  	s2 =	sld [smem:$0x3FD0];
	(tm) =	ssettm $0x1  }
0x91: {  	s18 =	sld [smem:$0x3FFB];
	_ =	sdelay $0x3  }
0x92: {  	_ =	strace s18  }
0x93: {  	s3 =	sld [smem:$0x3FFC];
	_ =	sdelay $0x3  }
0x94: {  	_ =	strace s3  }
0x95: {  	s3 =	sld [smem:$0x3FFD];
	_ =	sdelay $0x3  }
0x96: {  	_ =	strace s3  }
0x97: {  	_ =	strace $0x8FFFFFFF  }
0x98: {  	s19 =	sld [smem:$0x3FDB];
	_ =	sdelay $0x1  }
0x99: {  	s4 =	simm.s32 $_scs_section_size  }
0x9a: {  	s5 =	simm.s32 $_size__tile_overlayer_lowered;
	s6 =	simm.s32 $_tile_overlayer_lowered  }
0x9b: {  	s22 =	simm.s32 $0x1BFF;
	s21 =	sshll.u32 s6, $0x1;
	s3 =	sadd.s32 s4, s19  }
0x9c: {  	s7 =	simm.s32 $0x0;
	s20 =	sshll.u32 s5, $0x1;
	s5 =	sadd.s32 s21, s3  }
0x9d: {  	[timem:s7], [sflag:s22] =	dma.local [hbm:s5], s20  }
0x9e: {  	_ =	swait.ge [sflag:s22], s20  }
0x9f: {  	s4 =	ssub.s32 $0x0, s20;
	[sflag:s22] =	ssyncset.done $0x0  }
0xa0: {  	[sflag:s22] =	ssyncadd.s32 s4;
	_ =	sdelay $0x1  }
0xa1: {  	s23 =	simm.s32 $0x1B8B  }
0xa2: {  	_ =	swait.ge [sflag:s23], $0x1  }
0xa3: {  	[sflag:s23] =	ssyncset.done $0x0  }
0xa4: {  	s25 =	simm.s32 $0x1B8E;
	s24 =	sld [smem:$0x3FFE];
	[sflag:s23] =	ssyncadd.s32 $0xFFFFFFFF  }
0xa5: {  	s26 =	simm.s32 $execute0_lowered;
	[smem:$0x3FD2] =	sst s25  }
0xa6: {  	s5 =	sshll.u32 s26, $0x1;
	_ =	strace $0x80000046;
	[dreg:$0x1] =	wrdreg $0xFFFFFFFF  }
0xa7: {  	s28 =	simm.s32 $_size_execute0_lowered;
	s3 =	sadd.s32 s3, s5;
	[dreg:$0x0] =	wrdreg $0x0  }
0xa8: {  	s5 =	sshll.u32 s28, $0x1;
	[dreg:$0x2] =	wrdreg s3  }
0xa9: {  	[dreg:$0x3] =	wrdreg s5  }
0xaa: {  	[dreg:$0x4] =	wrdreg $0xC0  }
0xab: {  	_ =	task [dreg:s7], $0x5FFFF  }
0xac: {  	[dreg:$0x1] =	wrdreg $0xFFFFFFFF  }
0xad: {  	[dreg:$0x0] =	wrdreg $0x60  }
0xae: {  	[dreg:$0x2] =	wrdreg s24  }
0xaf: {  	[dreg:$0x3] =	wrdreg s2  }
0xb0: {  	[dreg:$0x4] =	wrdreg $0x9  }
0xb1: {  	_ =	task.clear_ibuf [dreg:s7], $0x5FFFF;
	_ =	strace $0x90000046  }
0xb2: {  	s29 =	simm.s32 $0x9;
	_ =	strace $0x80000048  }
0xb3: {  	_ =	swait.ge [sflag:s29], $0x1  }
0xb4: {  	[sflag:s29] =	ssyncadd.s32 $0xFFFFFFFF  }
0xb5: {  	_ =	strace $0x90000048  }
0xb6: {  	_ =	sfence  }
0xb7: {  	s30 =	sld [smem:$0x0];
	_ =	sdelay $0x2  }
0xb8: {  	s31 =	sshll.u32 s1, $0xD;
	s1 =	sshrl.u32 s1, $0x2  }
0xb9: {  	s3 =	sand.u32 $0x4000, s31;
	s1 =	sadd.s32 s1, s30  }
0xba: {  	s0 =	sor.u32 s3, s0;
	s1 =	sshll.u32 s1, $0x11  }
0xbb: {  	s0 =	sor.u32 s1, s0  }
0xbc: {  	s0 =	sadd.s32 $0x8F2B, s0  }
0xbd: {  	[sflag:s0] =	ssyncadd.remote.s32 $0x1  }
0xbe: {  	_ =	sfence.sel $0xFFFF  }
0xbf: {  	[dreg:$0x0] =	wrdreg $0xFFFFFFFF;
	(pc) =	sbr.abs _section_cstart, $3  }
0xc0: {  	[dreg:$0x1] =	wrdreg $0xFFFFFFFF  }
0xc1: {  	_ =	task.clear_ibuf [dreg:s7], $0x2FFFF;
	_ =	strace $0x9FFFFFFF  }
0xc2: {  	(tm) =	ssettm $0x7FFFFFFF  }
0xc3: {  	_ =	shalt  }
tec
execute0_lowered:
.L_overlay_start_1:
0x0: {  	(tag) =	ssettag $0x1  }
0x1: {  	s1 =	srdreg.scid;
	s8 =	rddreg [dreg:$0x0]  }
0x2: {  	s0 =	stileid.u32;
	s9 =	rddreg [dreg:$0x1]  }
0x3: {  	s3 =	simm.s32 $0x1;
	s2 =	simm.s32 $0x0;
	s17 =	simm.s32 $0x400  }
0x4: {  	s18 =	simm.s32 $0xC00;
	s19 =	simm.s32 $0xD00;
	s20 =	simm.s32 $0x4D00  }
0x5: {  	s6 =	sand.u32 $0x1, s1;
	s26 =	sshll.u32 s0, $0x1;
	s1 =	rddreg [dreg:$0x2]  }
0x6: {  	s21 =	simm.s32 $0x0;
	[smem:$0x7FF] =	sst s2;
	s7 =	sor.u32 s6, s26  }
0x7: {  	p1 =	seq.s32 s6, $0x1;
	_ =	strace $0x80000047;
	s12 =	ssub.s32 $0x2, s6  }
0x8: {  	s29 =	sshll.u32 s6, $0xB;
	p0 =	seq.s32 s7, $0x0;
	s7 =	sshll.u32 s7, $0x7  }
0x9: {  	s13 =	sshrl.u32 s12, $0x1;
	s30 =	sor.u32 $0x200, s29;
	s31 =	sor.u32 $0x400, s29  }
0xa: {  	s14 =	sor.u32 $0x600, s29;
	p0 =	por !p0, !p1;
	s15 =	sadd.s32 s7, s8  }
0xb: {  	s16 =	ssub.s32 s12, s13;
	s12 =	sshrl.u32 s31, $0x2;
	p0 =	por !p0, !p0  }
0xc: {  	s14 =	sshrl.u32 s14, $0x2;
	s13 =	sadd.s32 $0xC5440, s15;
	s3 =	simm.s32 @!p0 $0x0  }
0xd: {  	s16 =	smax.u32 s16, $0x1;
	s10 =	ssub.s32 s0, s3;
	s3 =	sadd.s32 $0xC00, s8  }
.Ltmp0:
0xe: {  	s4 =	sshll.u32 s10, $0x7;
	s28 =	sshll.u32 s10, $0x8;
	(pc) =	sbr.rel .LBB2_1-.Ltmp0, $4  }
0xf: {  	s10 =	sshrl.u32 s30, $0x2;
	s5 =	sand.u32 $0x1FFFFF80, s4;
	s4 =	simm.s32 $0x1  }
0x10: {  	s7 =	sand.u32 $0x1FFFFF00, s28;
	s11 =	sadd.s32 s5, s8;
	s5 =	sadd.s32 $0xA00, s8  }
0x11: {  	s7 =	sadd.s32 s9, s7;
	s8 =	sshrl.u32 s29, $0x2;
	s9 =	sadd.s32 $0xC5400, s15  }
0x12: {  	s6 =	sadd.s32 $0xC4C00, s11;
	s11 =	sadd.s32 $0xC5420, s15;
	s15 =	sadd.s32 $0xC5460, s15  }
.LBB2_29:
0x13: {  	v16 =	vld [tilespmem:s14+$0x400];
	_ =	sdelay $0x1  }
0x14: {  	v17 =	vld [tilespmem:$0xC00];
	_ =	sdelay $0x2  }
0x15: {  	v0 =	vmul.f32 v16, v0;
	_ =	sdelay $0x1  }
0x16: {  	v0 =	vadd.f32 v17, v0;
	_ =	sdelay $0x1  }
0x17: {  	[tilespmem:$0x4D00] =	vst v0  }
0x18: {  	v0 =	vld [tilespmem:s14+$0x410];
	_ =	sdelay $0x1  }
0x19: {  	v49 =	vld [tilespmem:$0xC10];
	_ =	sdelay $0x2  }
0x1a: {  	v0 =	vmul.f32 v0, v15;
	_ =	sdelay $0x1  }
0x1b: {  	v0 =	vadd.f32 v49, v0;
	_ =	sdelay $0x1  }
0x1c: {  	[tilespmem:$0x4D10] =	vst v0  }
0x1d: {  	v0 =	vld [tilespmem:s14+$0x420];
	_ =	sdelay $0x1  }
0x1e: {  	v50 =	vld [tilespmem:$0xC20];
	_ =	sdelay $0x2  }
0x1f: {  	v0 =	vmul.f32 v0, v14;
	_ =	sdelay $0x1  }
0x20: {  	v0 =	vadd.f32 v50, v0;
	_ =	sdelay $0x1  }
0x21: {  	[tilespmem:$0x4D20] =	vst v0  }
0x22: {  	v0 =	vld [tilespmem:s14+$0x430];
	_ =	sdelay $0x1  }
0x23: {  	v51 =	vld [tilespmem:$0xC30];
	_ =	sdelay $0x2  }
0x24: {  	v0 =	vmul.f32 v0, v13;
	_ =	sdelay $0x1  }
0x25: {  	v0 =	vadd.f32 v51, v0;
	_ =	sdelay $0x1  }
0x26: {  	[tilespmem:$0x4D30] =	vst v0  }
0x27: {  	v0 =	vld [tilespmem:s14+$0x440];
	_ =	sdelay $0x1  }
0x28: {  	v52 =	vld [tilespmem:$0xC40];
	_ =	sdelay $0x2  }
0x29: {  	v0 =	vmul.f32 v0, v12;
	_ =	sdelay $0x1  }
0x2a: {  	v0 =	vadd.f32 v52, v0;
	_ =	sdelay $0x1  }
0x2b: {  	[tilespmem:$0x4D40] =	vst v0  }
0x2c: {  	v0 =	vld [tilespmem:s14+$0x450];
	_ =	sdelay $0x1  }
0x2d: {  	v53 =	vld [tilespmem:$0xC50];
	_ =	sdelay $0x2  }
0x2e: {  	v0 =	vmul.f32 v0, v11;
	_ =	sdelay $0x1  }
0x2f: {  	v0 =	vadd.f32 v53, v0;
	_ =	sdelay $0x1  }
0x30: {  	[tilespmem:$0x4D50] =	vst v0  }
0x31: {  	v0 =	vld [tilespmem:s14+$0x460];
	_ =	sdelay $0x1  }
0x32: {  	v54 =	vld [tilespmem:$0xC60];
	_ =	sdelay $0x2  }
0x33: {  	v0 =	vmul.f32 v0, v10;
	_ =	sdelay $0x1  }
0x34: {  	v0 =	vadd.f32 v54, v0;
	_ =	sdelay $0x1  }
0x35: {  	[tilespmem:$0x4D60] =	vst v0  }
0x36: {  	v0 =	vld [tilespmem:s14+$0x470];
	_ =	sdelay $0x1  }
0x37: {  	v55 =	vld [tilespmem:$0xC70];
	_ =	sdelay $0x2  }
0x38: {  	v0 =	vmul.f32 v0, v9;
	_ =	sdelay $0x1  }
0x39: {  	v0 =	vadd.f32 v55, v0;
	_ =	sdelay $0x1  }
0x3a: {  	[tilespmem:$0x4D70] =	vst v0  }
0x3b: {  	v0 =	vld [tilespmem:s14+$0x800];
	_ =	sdelay $0x1  }
0x3c: {  	v56 =	vld [tilespmem:$0xC80];
	_ =	sdelay $0x2  }
0x3d: {  	v0 =	vmul.f32 v0, v8;
	_ =	sdelay $0x1  }
0x3e: {  	v0 =	vadd.f32 v56, v0;
	_ =	sdelay $0x1  }
0x3f: {  	[tilespmem:$0x4D80] =	vst v0  }
0x40: {  	v0 =	vld [tilespmem:s14+$0x810];
	_ =	sdelay $0x1  }
0x41: {  	v57 =	vld [tilespmem:$0xC90];
	_ =	sdelay $0x2  }
0x42: {  	v0 =	vmul.f32 v0, v7;
	_ =	sdelay $0x1  }
0x43: {  	v0 =	vadd.f32 v57, v0;
	_ =	sdelay $0x1  }
0x44: {  	[tilespmem:$0x4D90] =	vst v0  }
0x45: {  	v0 =	vld [tilespmem:s14+$0x820];
	_ =	sdelay $0x1  }
0x46: {  	v58 =	vld [tilespmem:$0xCA0];
	_ =	sdelay $0x2  }
0x47: {  	v0 =	vmul.f32 v0, v6;
	_ =	sdelay $0x1  }
0x48: {  	v0 =	vadd.f32 v58, v0;
	_ =	sdelay $0x1  }
0x49: {  	[tilespmem:$0x4DA0] =	vst v0  }
0x4a: {  	v0 =	vld [tilespmem:s14+$0x830];
	_ =	sdelay $0x1  }
0x4b: {  	v59 =	vld [tilespmem:$0xCB0];
	_ =	sdelay $0x2  }
0x4c: {  	v0 =	vmul.f32 v0, v5;
	_ =	sdelay $0x1  }
0x4d: {  	v0 =	vadd.f32 v59, v0;
	_ =	sdelay $0x1  }
0x4e: {  	[tilespmem:$0x4DB0] =	vst v0  }
0x4f: {  	v0 =	vld [tilespmem:s14+$0x840];
	_ =	sdelay $0x1  }
0x50: {  	v60 =	vld [tilespmem:$0xCC0];
	_ =	sdelay $0x2  }
0x51: {  	v0 =	vmul.f32 v0, v4;
	_ =	sdelay $0x1  }
0x52: {  	v0 =	vadd.f32 v60, v0;
	_ =	sdelay $0x1  }
0x53: {  	[tilespmem:$0x4DC0] =	vst v0  }
0x54: {  	v0 =	vld [tilespmem:s14+$0x850];
	_ =	sdelay $0x1  }
0x55: {  	v61 =	vld [tilespmem:$0xCD0];
	_ =	sdelay $0x2  }
0x56: {  	v0 =	vmul.f32 v0, v3;
	_ =	sdelay $0x1  }
0x57: {  	v0 =	vadd.f32 v61, v0;
	_ =	sdelay $0x1  }
0x58: {  	[tilespmem:$0x4DD0] =	vst v0  }
0x59: {  	v0 =	vld [tilespmem:s14+$0x860];
	_ =	sdelay $0x1  }
0x5a: {  	v62 =	vld [tilespmem:$0xCE0];
	_ =	sdelay $0x2  }
0x5b: {  	v0 =	vmul.f32 v0, v2;
	_ =	sdelay $0x1  }
0x5c: {  	v0 =	vadd.f32 v62, v0;
	_ =	sdelay $0x1  }
0x5d: {  	[tilespmem:$0x4DE0] =	vst v0  }
0x5e: {  	v0 =	vld [tilespmem:s14+$0x870];
	_ =	sdelay $0x1  }
0x5f: {  	v63 =	vld [tilespmem:$0xCF0];
	_ =	sdelay $0x2  }
0x60: {  	v0 =	vmul.f32 v0, v1;
	_ =	sdelay $0x1  }
0x61: {  	s21 =	sadd.s32 $0x1, s21;
	v0 =	vadd.f32 v63, v0  }
0x62: {  	p0 =	sne.s32 s21, s16  }
.Ltmp1:
0x63: {  	[tilespmem:$0x4DF0] =	vst v0;
	(pc) =	sbr.rel @!p0 .LBB2_30-.Ltmp1, $4  }
0x64: {  	[hbm4b:s15+s2] =	stream.linear.scatter [tilespmem:s20], [sflag:$0x1], $0x100, $0x38;
	[tilespmem:$0x4E00] =	vst v63  }
0x65: {  	_ =	swait.ge [sflag:s4], $0x100  }
0x66: {  	[sflag:s4] =	ssyncset.done $0x0  }
0x67: {  	[sflag:s4] =	ssyncadd.s32 $0xFFFFFF00  }
.LBB2_1:
0x68: {  	[tilespmem:s2], [sflag:$0x1] =	stream.linear.gather [hbm4b:s6+s2], $0x400, $0x38;
	[tilespmem:$0x4E00] =	vst v63  }
0x69: {  	_ =	swait.ge [sflag:s4], $0x400  }
0x6a: {  	[sflag:s4] =	ssyncset.done $0x0  }
0x6b: {  	[sflag:s4] =	ssyncadd.s32 $0xFFFFFC00  }
0x6c: {  	[tilespmem:s17], [sflag:$0x1] =	stream.linear.gather [hbm4b:s7+s2], $0x800, $0x38;
	[tilespmem:$0x4E00] =	vst v63  }
0x6d: {  	_ =	swait.ge [sflag:s4], $0x800  }
0x6e: {  	[sflag:s4] =	ssyncset.done $0x0  }
0x6f: {  	[sflag:s4] =	ssyncadd.s32 $0xFFFFF800  }
0x70: {  	[tilespmem:s18], [sflag:$0x1] =	stream.linear.gather [hbm4b:s5+s2], $0x100, $0x38;
	[tilespmem:$0x4E00] =	vst v63  }
0x71: {  	_ =	swait.ge [sflag:s4], $0x100  }
0x72: {  	[sflag:s4] =	ssyncset.done $0x0  }
0x73: {  	[sflag:s4] =	ssyncadd.s32 $0xFFFFFF00  }
0x74: {  	v0 =	vld [tilespmem:s8+$0x0];
	_ =	sdelay $0x4  }
0x75: {  	(v2sf) =	vpush v0, $0x0;
	_ =	sdelay $0x5  }
0x76: {  	(v2sf) =	vpush v0, $0x1;
	_ =	sdelay $0x8  }
0x77: {  	s22 =	spop (v2sf)  }
0x78: {  	s23 =	sand.u32 $0x7, s22  }
0x79: {  	s24 =	sshra.s32 s22, $0x1F;
	p0 =	slt.s32 s22, $0x1;
	p1 =	sne.s32 s23, $0x0  }
0x7a: {  	s30 =	sshrl.u32 s24, $0x1D;
	p0 =	por !p0, !p1  }
0x7b: {  	s24 =	simm.s32 $0x1;
	s23 =	sadd.s32 s30, s22;
	p0 =	por !p0, !p0  }
0x7c: {  	s23 =	sshrl.u32 s23, $0x3;
	s24 =	simm.s32 @!p0 $0x0  }
0x7d: {  	s25 =	spop (v2sf);
	s23 =	ssub.s32 s23, s24  }
0x7e: {  	s24 =	sadd.s32 s25, s22;
	s23 =	sshll.u32 s23, $0x3  }
0x7f: {  	s25 =	ssub.s32 s24, s23  }
0x80: {  	s25 =	sadd.s32 $0x7F, s25  }
0x81: {  	s26 =	sand.u32 $0x7F, s25  }
0x82: {  	s31 =	sshra.s32 s25, $0x1F;
	p6 =	slt.s32 s25, $0x1;
	p5 =	sne.s32 s26, $0x0  }
0x83: {  	s26 =	sshrl.u32 s31, $0x19;
	p0 =	por !p6, !p5  }
0x84: {  	s25 =	sadd.s32 s26, s25;
	s26 =	simm.s32 $0x1;
	p0 =	por !p0, !p0  }
0x85: {  	s25 =	sshra.s32 s25, $0x7;
	s26 =	simm.s32 @!p0 $0x0  }
0x86: {  	s25 =	ssub.s32 s25, s26  }
0x87: {  	v16 =	vimm.f32 $0.0e+00;
	v15 =	vimm.f32 $0.0e+00;
	p0 =	slt.s32 s25, $0x1  }
.Ltmp2:
0x88: {  	v14 =	vimm.f32 $0.0e+00;
	v13 =	vimm.f32 $0.0e+00;
	v12 =	vimm.f32 $0.0e+00;
	(pc) =	sbr.rel @p0 .LBB2_8-.Ltmp2, $4  }
0x89: {  	v11 =	vimm.f32 $0.0e+00;
	v10 =	vimm.f32 $0.0e+00;
	v9 =	vimm.f32 $0.0e+00  }
0x8a: {  	v8 =	vimm.f32 $0.0e+00;
	v7 =	vimm.f32 $0.0e+00;
	v6 =	vimm.f32 $0.0e+00  }
0x8b: {  	v5 =	vimm.f32 $0.0e+00;
	v4 =	vimm.f32 $0.0e+00;
	v3 =	vimm.f32 $0.0e+00  }
0x8c: {  	v2 =	vimm.f32 $0.0e+00;
	v1 =	vimm.f32 $0.0e+00;
	v0 =	vimm.f32 $0.0e+00  }
0x8d: {  	v1 =	vimm.f32 $0.0e+00  }
.Ltmp3:
0x8e: {  	v2 =	vimm.f32 $0.0e+00;
	v3 =	vimm.f32 $0.0e+00;
	v4 =	vimm.f32 $0.0e+00;
	(pc) =	sbr.rel .LBB2_3-.Ltmp3, $4  }
0x8f: {  	v5 =	vimm.f32 $0.0e+00;
	v6 =	vimm.f32 $0.0e+00;
	v7 =	vimm.f32 $0.0e+00  }
0x90: {  	v8 =	vimm.f32 $0.0e+00;
	v9 =	vimm.f32 $0.0e+00;
	v10 =	vimm.f32 $0.0e+00  }
0x91: {  	v11 =	vimm.f32 $0.0e+00;
	v12 =	vimm.f32 $0.0e+00;
	v13 =	vimm.f32 $0.0e+00  }
0x92: {  	s26 =	ssub.s32 s22, s23;
	s28 =	simm.s32 $0x0;
	v14 =	vimm.f32 $0.0e+00;
	v15 =	vimm.f32 $0.0e+00;
	v16 =	vimm.f32 $0.0e+00  }
.LBB2_6:
0x93: {  	v24 =	vshll.u32 v19, $0x10;
	v62 =	vand.u32 $0xFFFF0000, v21  }
0x94: {  	v19 =	vand.u32 $0xFFFF0000, v19;
	v63 =	vshll.u32 v17, $0x10;
	v12 =	vadd.f32 v22, v12  }
0x95: {  	v25 =	vand.u32 $0xFFFF0000, v18;
	v4 =	vadd.f32 v23, v4;
	v5 =	vadd.f32 v19, v5  }
0x96: {  	v17 =	vand.u32 $0xFFFF0000, v17;
	v6 =	vadd.f32 v25, v6;
	v11 =	vadd.f32 v20, v11  }
0x97: {  	v18 =	vshll.u32 v18, $0x10;
	v8 =	vadd.f32 v62, v8;
	v13 =	vadd.f32 v24, v13  }
0x98: {  	v19 =	vshll.u32 v21, $0x10;
	v9 =	vadd.f32 v63, v9;
	v1 =	vadd.f32 v17, v1  }
0x99: {  	v14 =	vadd.f32 v18, v14;
	v16 =	vadd.f32 v19, v16  }
.LBB2_7:
0x9a: {  	s28 =	sadd.s32 $0x1, s28  }
0x9b: {  	p0 =	sne.s32 s28, s25  }
.Ltmp4:
0x9c: {  	_ = 	snop;
	(pc) =	sbr.rel @!p0 .LBB2_8-.Ltmp4, $2  }
0x9d: {  	_ =	sdelay $0x2  }
0x9e: {  	s26 =	sadd.s32 $0xFFFFFF80, s26  }
.LBB2_3:
0x9f: {  	s29 =	sshll.u32 s28, $0x7  }
0xa0: {  	s29 =	sadd.s32 s23, s29  }
0xa1: {  	s30 =	sshll.u32 s29, $0x4  }
0xa2: {  	s30 =	sadd.s32 s3, s30  }
0xa3: {  	[tilespmem:s19], [sflag:$0x1] =	stream.linear.gather [hbm4b:s30+s2], $0x4000, $0x38;
	[tilespmem:$0x4E00] =	vst v63  }
0xa4: {  	s30 =	ssub.s32 s22, s29;
	s29 =	ssub.s32 s24, s29  }
0xa5: {  	p0 =	sgt.s32 s30, $0x0;
	p1 =	slt.s32 s29, $0x80  }
0xa6: {  	s30 =	simm.s32 @!p0 $0x0;
	s29 =	simm.s32 @!p1 $0x80  }
0xa7: {  	p0 =	sge.s32 s30, s29  }
.Ltmp5:
0xa8: {  	_ = 	snop;
	(pc) =	sbr.rel @p0 .LBB2_7-.Ltmp5, $4  }
0xa9: {  	_ = 	snop  }
0xaa: {  	_ =	swait.ge [sflag:s4], $0x4000  }
0xab: {  	[sflag:s4] =	ssyncset.done $0x0  }
0xac: {  	[sflag:s4] =	ssyncadd.s32 $0xFFFFC000  }
0xad: {  	p0 =	sgt.s32 s26, $0x0;
	s31 =	smov.u32 s26  }
0xae: {  	s31 =	simm.s32 @!p0 $0x0  }
0xaf: {  	s31 =	sshll.u32 s31, $0x9  }
0xb0: {  	s31 =	sshra.s32 s31, $0x2  }
0xb1: {  	s31 =	sadd.s32 $0xD40, s31  }
0xb2: {  	v17 =	vld [tilespmem:s31+$0xFFFFFFD0]  }
0xb3: {  	v21 =	vld [tilespmem:s31+$0x10];
	_ =	sdelay $0x1  }
0xb4: {  	v18 =	vld [tilespmem:s31+$0x20]  }
0xb5: {  	s30 =	sadd.s32 $0x1, s30;
	v23 =	vld [tilespmem:s31+$0x0]  }
0xb6: {  	p0 =	slt.s32 s30, s29;
	v19 =	vld [tilespmem:s31+$0xFFFFFFF0];
	v20 =	vshll.u32 v17, $0x10;
	v17 =	vand.u32 $0xFFFF0000, v17  }
.Ltmp6:
0xb7: {  	v25 =	vand.u32 $0xFFFF0000, v21;
	v15 =	vadd.f32 v20, v15;
	v20 =	vshll.u32 v21, $0x10;
	v21 =	vld [tilespmem:s31+$0xFFFFFFC0];
	(pc) =	sbr.rel @!p0 .LBB2_6-.Ltmp6, $4  }
0xb8: {  	v7 =	vadd.f32 v17, v7;
	v17 =	vld [tilespmem:s31+$0x30]  }
0xb9: {  	v22 =	vshll.u32 v18, $0x10;
	v24 =	vand.u32 $0xFFFF0000, v18;
	v18 =	vld [tilespmem:s31+$0xFFFFFFE0]  }
0xba: {  	v10 =	vadd.f32 v22, v10;
	v22 =	vshll.u32 v23, $0x10  }
0xbb: {  	v2 =	vadd.f32 v24, v2;
	v23 =	vand.u32 $0xFFFF0000, v23;
	v3 =	vadd.f32 v25, v3;
	s31 =	sadd.s32 $0x80, s31  }
.LBB2_5:
0xbc: {  	v24 =	vld [tilespmem:s31+$0xFFFFFFD0];
	s30 =	sadd.s32 $0x1, s30;
	v25 =	vshll.u32 v19, $0x10;
	v12 =	vadd.f32 v22, v12;
	v4 =	vadd.f32 v23, v4  }
0xbd: {  	v22 =	vand.u32 $0xFFFF0000, v21;
	v19 =	vand.u32 $0xFFFF0000, v19;
	v26 =	vshll.u32 v17, $0x10;
	v23 =	vld [tilespmem:s31+$0x10];
	p0 =	slt.s32 s30, s29  }
0xbe: {  	v21 =	vshll.u32 v21, $0x10;
	v28 =	vand.u32 $0xFFFF0000, v18;
	v5 =	vadd.f32 v19, v5;
	v27 =	vld [tilespmem:s31+$0x20]  }
0xbf: {  	v11 =	vadd.f32 v20, v11;
	v20 =	vand.u32 $0xFFFF0000, v17;
	v6 =	vadd.f32 v28, v6;
	v29 =	vld [tilespmem:s31+$0x0]  }
0xc0: {  	v8 =	vadd.f32 v22, v8;
	v22 =	vshll.u32 v18, $0x10;
	v13 =	vadd.f32 v25, v13;
	v19 =	vld [tilespmem:s31+$0xFFFFFFF0]  }
0xc1: {  	v16 =	vadd.f32 v21, v16;
	v9 =	vadd.f32 v26, v9;
	v18 =	vshll.u32 v24, $0x10;
	v17 =	vld [tilespmem:s31+$0x30]  }
.Ltmp7:
0xc2: {  	v1 =	vadd.f32 v20, v1;
	v24 =	vand.u32 $0xFFFF0000, v24;
	v15 =	vadd.f32 v18, v15;
	v18 =	vld [tilespmem:s31+$0xFFFFFFE0];
	(pc) =	sbr.rel @p0 .LBB2_5-.Ltmp7, $4  }
0xc3: {  	v7 =	vadd.f32 v24, v7;
	v21 =	vld [tilespmem:s31+$0xFFFFFFC0];
	v24 =	vshll.u32 v27, $0x10;
	v25 =	vand.u32 $0xFFFF0000, v27  }
0xc4: {  	v14 =	vadd.f32 v22, v14;
	v20 =	vshll.u32 v23, $0x10;
	v10 =	vadd.f32 v24, v10  }
0xc5: {  	v22 =	vshll.u32 v29, $0x10;
	v24 =	vand.u32 $0xFFFF0000, v23;
	v2 =	vadd.f32 v25, v2  }
0xc6: {  	s31 =	sadd.s32 $0x80, s31;
	v23 =	vand.u32 $0xFFFF0000, v29;
	v3 =	vadd.f32 v24, v3  }
.Ltmp8:
0xc7: {  	_ = 	snop;
	(pc) =	sbr.rel .LBB2_6-.Ltmp8, $1  }
0xc8: {  	_ =	sdelay $0x3  }
.LBB2_8:
0xc9: {  	v17 =	vld [tilespmem:s8+$0x400];
	_ =	sdelay $0x1  }
0xca: {  	v18 =	vld [tilespmem:$0xC00];
	_ =	sdelay $0x2  }
0xcb: {  	v16 =	vmul.f32 v17, v16;
	_ =	sdelay $0x1  }
0xcc: {  	v16 =	vadd.f32 v18, v16;
	_ =	sdelay $0x1  }
0xcd: {  	[tilespmem:$0x4D00] =	vst v16  }
0xce: {  	v16 =	vld [tilespmem:s8+$0x410];
	_ =	sdelay $0x1  }
0xcf: {  	v17 =	vld [tilespmem:$0xC10];
	_ =	sdelay $0x2  }
0xd0: {  	v15 =	vmul.f32 v16, v15;
	_ =	sdelay $0x1  }
0xd1: {  	v15 =	vadd.f32 v17, v15;
	_ =	sdelay $0x1  }
0xd2: {  	[tilespmem:$0x4D10] =	vst v15  }
0xd3: {  	v15 =	vld [tilespmem:s8+$0x420];
	_ =	sdelay $0x1  }
0xd4: {  	v16 =	vld [tilespmem:$0xC20];
	_ =	sdelay $0x2  }
0xd5: {  	v14 =	vmul.f32 v15, v14;
	_ =	sdelay $0x1  }
0xd6: {  	v14 =	vadd.f32 v16, v14;
	_ =	sdelay $0x1  }
0xd7: {  	[tilespmem:$0x4D20] =	vst v14  }
0xd8: {  	v14 =	vld [tilespmem:s8+$0x430];
	_ =	sdelay $0x1  }
0xd9: {  	v15 =	vld [tilespmem:$0xC30];
	_ =	sdelay $0x2  }
0xda: {  	v13 =	vmul.f32 v14, v13;
	_ =	sdelay $0x1  }
0xdb: {  	v13 =	vadd.f32 v15, v13;
	_ =	sdelay $0x1  }
0xdc: {  	[tilespmem:$0x4D30] =	vst v13  }
0xdd: {  	v13 =	vld [tilespmem:s8+$0x440];
	_ =	sdelay $0x1  }
0xde: {  	v14 =	vld [tilespmem:$0xC40];
	_ =	sdelay $0x2  }
0xdf: {  	v12 =	vmul.f32 v13, v12;
	_ =	sdelay $0x1  }
0xe0: {  	v12 =	vadd.f32 v14, v12;
	_ =	sdelay $0x1  }
0xe1: {  	[tilespmem:$0x4D40] =	vst v12  }
0xe2: {  	v12 =	vld [tilespmem:s8+$0x450];
	_ =	sdelay $0x1  }
0xe3: {  	v13 =	vld [tilespmem:$0xC50];
	_ =	sdelay $0x2  }
0xe4: {  	v11 =	vmul.f32 v12, v11;
	_ =	sdelay $0x1  }
0xe5: {  	v11 =	vadd.f32 v13, v11;
	_ =	sdelay $0x1  }
0xe6: {  	[tilespmem:$0x4D50] =	vst v11  }
0xe7: {  	v11 =	vld [tilespmem:s8+$0x460];
	_ =	sdelay $0x1  }
0xe8: {  	v12 =	vld [tilespmem:$0xC60];
	_ =	sdelay $0x2  }
0xe9: {  	v10 =	vmul.f32 v11, v10;
	_ =	sdelay $0x1  }
0xea: {  	v10 =	vadd.f32 v12, v10;
	_ =	sdelay $0x1  }
0xeb: {  	[tilespmem:$0x4D60] =	vst v10  }
0xec: {  	v10 =	vld [tilespmem:s8+$0x470];
	_ =	sdelay $0x1  }
0xed: {  	v11 =	vld [tilespmem:$0xC70];
	_ =	sdelay $0x2  }
0xee: {  	v9 =	vmul.f32 v10, v9;
	_ =	sdelay $0x1  }
0xef: {  	v9 =	vadd.f32 v11, v9;
	_ =	sdelay $0x1  }
0xf0: {  	[tilespmem:$0x4D70] =	vst v9  }
0xf1: {  	v9 =	vld [tilespmem:s8+$0x800];
	_ =	sdelay $0x1  }
0xf2: {  	v10 =	vld [tilespmem:$0xC80];
	_ =	sdelay $0x2  }
0xf3: {  	v8 =	vmul.f32 v9, v8;
	_ =	sdelay $0x1  }
0xf4: {  	v8 =	vadd.f32 v10, v8;
	_ =	sdelay $0x1  }
0xf5: {  	[tilespmem:$0x4D80] =	vst v8  }
0xf6: {  	v8 =	vld [tilespmem:s8+$0x810];
	_ =	sdelay $0x1  }
0xf7: {  	v9 =	vld [tilespmem:$0xC90];
	_ =	sdelay $0x2  }
0xf8: {  	v7 =	vmul.f32 v8, v7;
	_ =	sdelay $0x1  }
0xf9: {  	v7 =	vadd.f32 v9, v7;
	_ =	sdelay $0x1  }
0xfa: {  	[tilespmem:$0x4D90] =	vst v7  }
0xfb: {  	v7 =	vld [tilespmem:s8+$0x820];
	_ =	sdelay $0x1  }
0xfc: {  	v8 =	vld [tilespmem:$0xCA0];
	_ =	sdelay $0x2  }
0xfd: {  	v6 =	vmul.f32 v7, v6;
	_ =	sdelay $0x1  }
0xfe: {  	v6 =	vadd.f32 v8, v6;
	_ =	sdelay $0x1  }
0xff: {  	[tilespmem:$0x4DA0] =	vst v6  }
0x100: {  	v6 =	vld [tilespmem:s8+$0x830];
	_ =	sdelay $0x1  }
0x101: {  	v7 =	vld [tilespmem:$0xCB0];
	_ =	sdelay $0x2  }
0x102: {  	v5 =	vmul.f32 v6, v5;
	_ =	sdelay $0x1  }
0x103: {  	v5 =	vadd.f32 v7, v5;
	_ =	sdelay $0x1  }
0x104: {  	[tilespmem:$0x4DB0] =	vst v5  }
0x105: {  	v5 =	vld [tilespmem:s8+$0x840];
	_ =	sdelay $0x1  }
0x106: {  	v6 =	vld [tilespmem:$0xCC0];
	_ =	sdelay $0x2  }
0x107: {  	v4 =	vmul.f32 v5, v4;
	_ =	sdelay $0x1  }
0x108: {  	v4 =	vadd.f32 v6, v4;
	_ =	sdelay $0x1  }
0x109: {  	[tilespmem:$0x4DC0] =	vst v4  }
0x10a: {  	v4 =	vld [tilespmem:s8+$0x850];
	_ =	sdelay $0x1  }
0x10b: {  	v5 =	vld [tilespmem:$0xCD0];
	_ =	sdelay $0x2  }
0x10c: {  	v3 =	vmul.f32 v4, v3;
	_ =	sdelay $0x1  }
0x10d: {  	v3 =	vadd.f32 v5, v3;
	_ =	sdelay $0x1  }
0x10e: {  	[tilespmem:$0x4DD0] =	vst v3  }
0x10f: {  	v3 =	vld [tilespmem:s8+$0x860];
	_ =	sdelay $0x1  }
0x110: {  	v4 =	vld [tilespmem:$0xCE0];
	_ =	sdelay $0x2  }
0x111: {  	v2 =	vmul.f32 v3, v2;
	_ =	sdelay $0x1  }
0x112: {  	v2 =	vadd.f32 v4, v2;
	_ =	sdelay $0x1  }
0x113: {  	[tilespmem:$0x4DE0] =	vst v2  }
0x114: {  	v2 =	vld [tilespmem:s8+$0x870];
	_ =	sdelay $0x1  }
0x115: {  	v3 =	vld [tilespmem:$0xCF0];
	_ =	sdelay $0x2  }
0x116: {  	v1 =	vmul.f32 v2, v1;
	_ =	sdelay $0x1  }
0x117: {  	v1 =	vadd.f32 v3, v1;
	_ =	sdelay $0x1  }
0x118: {  	[tilespmem:$0x4DF0] =	vst v1  }
0x119: {  	[hbm4b:s9+s2] =	stream.linear.scatter [tilespmem:s20], [sflag:$0x1], $0x100, $0x38;
	[tilespmem:$0x4E00] =	vst v63  }
0x11a: {  	_ =	swait.ge [sflag:s4], $0x100  }
0x11b: {  	[sflag:s4] =	ssyncset.done $0x0  }
0x11c: {  	[sflag:s4] =	ssyncadd.s32 $0xFFFFFF00  }
0x11d: {  	v1 =	vld [tilespmem:s10+$0x0];
	_ =	sdelay $0x4  }
0x11e: {  	(v2sf) =	vpush v1, $0x0;
	_ =	sdelay $0x5  }
0x11f: {  	(v2sf) =	vpush v1, $0x1;
	_ =	sdelay $0x8  }
0x120: {  	s22 =	spop (v2sf)  }
0x121: {  	s23 =	sand.u32 $0x7, s22  }
0x122: {  	s24 =	sshra.s32 s22, $0x1F;
	p0 =	slt.s32 s22, $0x1;
	p1 =	sne.s32 s23, $0x0  }
0x123: {  	s30 =	sshrl.u32 s24, $0x1D;
	p0 =	por !p0, !p1  }
0x124: {  	s24 =	simm.s32 $0x1;
	s23 =	sadd.s32 s30, s22;
	p0 =	por !p0, !p0  }
0x125: {  	s23 =	sshrl.u32 s23, $0x3;
	s24 =	simm.s32 @!p0 $0x0  }
0x126: {  	s25 =	spop (v2sf);
	s23 =	ssub.s32 s23, s24  }
0x127: {  	s24 =	sadd.s32 s25, s22;
	s23 =	sshll.u32 s23, $0x3  }
0x128: {  	s25 =	ssub.s32 s24, s23  }
0x129: {  	s25 =	sadd.s32 $0x7F, s25  }
0x12a: {  	s26 =	sand.u32 $0x7F, s25  }
0x12b: {  	s31 =	sshra.s32 s25, $0x1F;
	p6 =	slt.s32 s25, $0x1;
	p5 =	sne.s32 s26, $0x0  }
0x12c: {  	s26 =	sshrl.u32 s31, $0x19;
	p0 =	por !p6, !p5  }
0x12d: {  	s25 =	sadd.s32 s26, s25;
	s26 =	simm.s32 $0x1;
	p0 =	por !p0, !p0  }
0x12e: {  	s25 =	sshra.s32 s25, $0x7;
	s26 =	simm.s32 @!p0 $0x0  }
0x12f: {  	s25 =	ssub.s32 s25, s26  }
0x130: {  	p0 =	slt.s32 s25, $0x1  }
.Ltmp9:
0x131: {  	v15 =	vimm.f32 $0.0e+00;
	v14 =	vimm.f32 $0.0e+00;
	v13 =	vimm.f32 $0.0e+00;
	(pc) =	sbr.rel @p0 .LBB2_15-.Ltmp9, $4  }
0x132: {  	v12 =	vimm.f32 $0.0e+00;
	v11 =	vimm.f32 $0.0e+00;
	v10 =	vimm.f32 $0.0e+00  }
0x133: {  	v9 =	vimm.f32 $0.0e+00;
	v8 =	vimm.f32 $0.0e+00;
	v7 =	vimm.f32 $0.0e+00  }
0x134: {  	v6 =	vimm.f32 $0.0e+00;
	v5 =	vimm.f32 $0.0e+00;
	v4 =	vimm.f32 $0.0e+00  }
0x135: {  	v2 =	vimm.f32 $0.0e+00;
	v3 =	vimm.f32 $0.0e+00;
	v1 =	vimm.f32 $0.0e+00  }
0x136: {  	v1 =	vimm.f32 $0.0e+00  }
.Ltmp10:
0x137: {  	v2 =	vimm.f32 $0.0e+00;
	v3 =	vimm.f32 $0.0e+00;
	v4 =	vimm.f32 $0.0e+00;
	(pc) =	sbr.rel .LBB2_10-.Ltmp10, $4  }
0x138: {  	v5 =	vimm.f32 $0.0e+00;
	v6 =	vimm.f32 $0.0e+00;
	v7 =	vimm.f32 $0.0e+00  }
0x139: {  	v8 =	vimm.f32 $0.0e+00;
	v9 =	vimm.f32 $0.0e+00;
	v10 =	vimm.f32 $0.0e+00  }
0x13a: {  	v11 =	vimm.f32 $0.0e+00;
	v12 =	vimm.f32 $0.0e+00;
	v13 =	vimm.f32 $0.0e+00  }
0x13b: {  	s26 =	ssub.s32 s22, s23;
	s28 =	simm.s32 $0x0;
	v14 =	vimm.f32 $0.0e+00;
	v15 =	vimm.f32 $0.0e+00;
	v0 =	vimm.f32 $0.0e+00  }
.LBB2_13:
0x13c: {  	v23 =	vshll.u32 v18, $0x10;
	v60 =	vand.u32 $0xFFFF0000, v20  }
0x13d: {  	v61 =	vand.u32 $0xFFFF0000, v18;
	v62 =	vshll.u32 v16, $0x10;
	v12 =	vadd.f32 v21, v12  }
0x13e: {  	v24 =	vand.u32 $0xFFFF0000, v17;
	v4 =	vadd.f32 v22, v4;
	v5 =	vadd.f32 v61, v5  }
0x13f: {  	v63 =	vshll.u32 v20, $0x10;
	v6 =	vadd.f32 v24, v6;
	v11 =	vadd.f32 v19, v11  }
0x140: {  	v16 =	vand.u32 $0xFFFF0000, v16;
	v8 =	vadd.f32 v60, v8;
	v13 =	vadd.f32 v23, v13  }
0x141: {  	v17 =	vshll.u32 v17, $0x10;
	v0 =	vadd.f32 v63, v0;
	v9 =	vadd.f32 v62, v9  }
0x142: {  	v1 =	vadd.f32 v16, v1;
	v14 =	vadd.f32 v17, v14  }
.LBB2_14:
0x143: {  	s28 =	sadd.s32 $0x1, s28  }
0x144: {  	p0 =	sne.s32 s28, s25  }
.Ltmp11:
0x145: {  	_ = 	snop;
	(pc) =	sbr.rel @!p0 .LBB2_15-.Ltmp11, $2  }
0x146: {  	_ =	sdelay $0x2  }
0x147: {  	s26 =	sadd.s32 $0xFFFFFF80, s26  }
.LBB2_10:
0x148: {  	s29 =	sshll.u32 s28, $0x7  }
0x149: {  	s29 =	sadd.s32 s23, s29  }
0x14a: {  	s30 =	sshll.u32 s29, $0x4  }
0x14b: {  	s30 =	sadd.s32 s3, s30  }
0x14c: {  	[tilespmem:s19], [sflag:$0x1] =	stream.linear.gather [hbm4b:s30+s2], $0x4000, $0x38;
	[tilespmem:$0x4E00] =	vst v63  }
0x14d: {  	s30 =	ssub.s32 s22, s29;
	s29 =	ssub.s32 s24, s29  }
0x14e: {  	p0 =	sgt.s32 s30, $0x0;
	p1 =	slt.s32 s29, $0x80  }
0x14f: {  	s30 =	simm.s32 @!p0 $0x0;
	s29 =	simm.s32 @!p1 $0x80  }
0x150: {  	p0 =	sge.s32 s30, s29  }
.Ltmp12:
0x151: {  	_ = 	snop;
	(pc) =	sbr.rel @p0 .LBB2_14-.Ltmp12, $4  }
0x152: {  	_ = 	snop  }
0x153: {  	_ =	swait.ge [sflag:s4], $0x4000  }
0x154: {  	[sflag:s4] =	ssyncset.done $0x0  }
0x155: {  	[sflag:s4] =	ssyncadd.s32 $0xFFFFC000  }
0x156: {  	p0 =	sgt.s32 s26, $0x0;
	s31 =	smov.u32 s26  }
0x157: {  	s31 =	simm.s32 @!p0 $0x0  }
0x158: {  	s31 =	sshll.u32 s31, $0x9  }
0x159: {  	s31 =	sshra.s32 s31, $0x2  }
0x15a: {  	s31 =	sadd.s32 $0xD40, s31  }
0x15b: {  	v16 =	vld [tilespmem:s31+$0xFFFFFFD0]  }
0x15c: {  	v20 =	vld [tilespmem:s31+$0x10];
	_ =	sdelay $0x1  }
0x15d: {  	v17 =	vld [tilespmem:s31+$0x20]  }
0x15e: {  	s30 =	sadd.s32 $0x1, s30;
	v22 =	vld [tilespmem:s31+$0x0]  }
0x15f: {  	p0 =	slt.s32 s30, s29;
	v18 =	vld [tilespmem:s31+$0xFFFFFFF0];
	v19 =	vshll.u32 v16, $0x10;
	v16 =	vand.u32 $0xFFFF0000, v16  }
.Ltmp13:
0x160: {  	v24 =	vand.u32 $0xFFFF0000, v20;
	v15 =	vadd.f32 v19, v15;
	v19 =	vshll.u32 v20, $0x10;
	v20 =	vld [tilespmem:s31+$0xFFFFFFC0];
	(pc) =	sbr.rel @!p0 .LBB2_13-.Ltmp13, $4  }
0x161: {  	v7 =	vadd.f32 v16, v7;
	v16 =	vld [tilespmem:s31+$0x30]  }
0x162: {  	v21 =	vshll.u32 v17, $0x10;
	v23 =	vand.u32 $0xFFFF0000, v17;
	v17 =	vld [tilespmem:s31+$0xFFFFFFE0]  }
0x163: {  	v10 =	vadd.f32 v21, v10;
	v21 =	vshll.u32 v22, $0x10  }
0x164: {  	v2 =	vadd.f32 v23, v2;
	v22 =	vand.u32 $0xFFFF0000, v22;
	v3 =	vadd.f32 v24, v3;
	s31 =	sadd.s32 $0x80, s31  }
.LBB2_12:
0x165: {  	v23 =	vld [tilespmem:s31+$0xFFFFFFD0];
	s30 =	sadd.s32 $0x1, s30;
	v24 =	vshll.u32 v18, $0x10;
	v12 =	vadd.f32 v21, v12;
	v4 =	vadd.f32 v22, v4  }
0x166: {  	v21 =	vand.u32 $0xFFFF0000, v20;
	v18 =	vand.u32 $0xFFFF0000, v18;
	v25 =	vshll.u32 v16, $0x10;
	v22 =	vld [tilespmem:s31+$0x10];
	p0 =	slt.s32 s30, s29  }
0x167: {  	v20 =	vshll.u32 v20, $0x10;
	v27 =	vand.u32 $0xFFFF0000, v17;
	v5 =	vadd.f32 v18, v5;
	v26 =	vld [tilespmem:s31+$0x20]  }
0x168: {  	v11 =	vadd.f32 v19, v11;
	v19 =	vand.u32 $0xFFFF0000, v16;
	v6 =	vadd.f32 v27, v6;
	v28 =	vld [tilespmem:s31+$0x0]  }
0x169: {  	v8 =	vadd.f32 v21, v8;
	v21 =	vshll.u32 v17, $0x10;
	v13 =	vadd.f32 v24, v13;
	v18 =	vld [tilespmem:s31+$0xFFFFFFF0]  }
0x16a: {  	v0 =	vadd.f32 v20, v0;
	v9 =	vadd.f32 v25, v9;
	v17 =	vshll.u32 v23, $0x10;
	v16 =	vld [tilespmem:s31+$0x30]  }
.Ltmp14:
0x16b: {  	v1 =	vadd.f32 v19, v1;
	v23 =	vand.u32 $0xFFFF0000, v23;
	v15 =	vadd.f32 v17, v15;
	v17 =	vld [tilespmem:s31+$0xFFFFFFE0];
	(pc) =	sbr.rel @p0 .LBB2_12-.Ltmp14, $4  }
0x16c: {  	v7 =	vadd.f32 v23, v7;
	v20 =	vld [tilespmem:s31+$0xFFFFFFC0];
	v23 =	vshll.u32 v26, $0x10;
	v24 =	vand.u32 $0xFFFF0000, v26  }
0x16d: {  	v14 =	vadd.f32 v21, v14;
	v19 =	vshll.u32 v22, $0x10;
	v10 =	vadd.f32 v23, v10  }
0x16e: {  	v21 =	vshll.u32 v28, $0x10;
	v23 =	vand.u32 $0xFFFF0000, v22;
	v2 =	vadd.f32 v24, v2  }
0x16f: {  	s31 =	sadd.s32 $0x80, s31;
	v22 =	vand.u32 $0xFFFF0000, v28;
	v3 =	vadd.f32 v23, v3  }
.Ltmp15:
0x170: {  	_ = 	snop;
	(pc) =	sbr.rel .LBB2_13-.Ltmp15, $1  }
0x171: {  	_ =	sdelay $0x3  }
.LBB2_15:
0x172: {  	v16 =	vld [tilespmem:s10+$0x400];
	_ =	sdelay $0x1  }
0x173: {  	v17 =	vld [tilespmem:$0xC00];
	_ =	sdelay $0x2  }
0x174: {  	v0 =	vmul.f32 v16, v0;
	_ =	sdelay $0x1  }
0x175: {  	v0 =	vadd.f32 v17, v0;
	_ =	sdelay $0x1  }
0x176: {  	[tilespmem:$0x4D00] =	vst v0  }
0x177: {  	v0 =	vld [tilespmem:s10+$0x410];
	_ =	sdelay $0x1  }
0x178: {  	v16 =	vld [tilespmem:$0xC10];
	_ =	sdelay $0x2  }
0x179: {  	v0 =	vmul.f32 v0, v15;
	_ =	sdelay $0x1  }
0x17a: {  	v0 =	vadd.f32 v16, v0;
	_ =	sdelay $0x1  }
0x17b: {  	[tilespmem:$0x4D10] =	vst v0  }
0x17c: {  	v0 =	vld [tilespmem:s10+$0x420];
	_ =	sdelay $0x1  }
0x17d: {  	v15 =	vld [tilespmem:$0xC20];
	_ =	sdelay $0x2  }
0x17e: {  	v0 =	vmul.f32 v0, v14;
	_ =	sdelay $0x1  }
0x17f: {  	v0 =	vadd.f32 v15, v0;
	_ =	sdelay $0x1  }
0x180: {  	[tilespmem:$0x4D20] =	vst v0  }
0x181: {  	v0 =	vld [tilespmem:s10+$0x430];
	_ =	sdelay $0x1  }
0x182: {  	v14 =	vld [tilespmem:$0xC30];
	_ =	sdelay $0x2  }
0x183: {  	v0 =	vmul.f32 v0, v13;
	_ =	sdelay $0x1  }
0x184: {  	v0 =	vadd.f32 v14, v0;
	_ =	sdelay $0x1  }
0x185: {  	[tilespmem:$0x4D30] =	vst v0  }
0x186: {  	v0 =	vld [tilespmem:s10+$0x440];
	_ =	sdelay $0x1  }
0x187: {  	v13 =	vld [tilespmem:$0xC40];
	_ =	sdelay $0x2  }
0x188: {  	v0 =	vmul.f32 v0, v12;
	_ =	sdelay $0x1  }
0x189: {  	v0 =	vadd.f32 v13, v0;
	_ =	sdelay $0x1  }
0x18a: {  	[tilespmem:$0x4D40] =	vst v0  }
0x18b: {  	v0 =	vld [tilespmem:s10+$0x450];
	_ =	sdelay $0x1  }
0x18c: {  	v12 =	vld [tilespmem:$0xC50];
	_ =	sdelay $0x2  }
0x18d: {  	v0 =	vmul.f32 v0, v11;
	_ =	sdelay $0x1  }
0x18e: {  	v0 =	vadd.f32 v12, v0;
	_ =	sdelay $0x1  }
0x18f: {  	[tilespmem:$0x4D50] =	vst v0  }
0x190: {  	v0 =	vld [tilespmem:s10+$0x460];
	_ =	sdelay $0x1  }
0x191: {  	v11 =	vld [tilespmem:$0xC60];
	_ =	sdelay $0x2  }
0x192: {  	v0 =	vmul.f32 v0, v10;
	_ =	sdelay $0x1  }
0x193: {  	v0 =	vadd.f32 v11, v0;
	_ =	sdelay $0x1  }
0x194: {  	[tilespmem:$0x4D60] =	vst v0  }
0x195: {  	v0 =	vld [tilespmem:s10+$0x470];
	_ =	sdelay $0x1  }
0x196: {  	v10 =	vld [tilespmem:$0xC70];
	_ =	sdelay $0x2  }
0x197: {  	v0 =	vmul.f32 v0, v9;
	_ =	sdelay $0x1  }
0x198: {  	v0 =	vadd.f32 v10, v0;
	_ =	sdelay $0x1  }
0x199: {  	[tilespmem:$0x4D70] =	vst v0  }
0x19a: {  	v0 =	vld [tilespmem:s10+$0x800];
	_ =	sdelay $0x1  }
0x19b: {  	v9 =	vld [tilespmem:$0xC80];
	_ =	sdelay $0x2  }
0x19c: {  	v0 =	vmul.f32 v0, v8;
	_ =	sdelay $0x1  }
0x19d: {  	v0 =	vadd.f32 v9, v0;
	_ =	sdelay $0x1  }
0x19e: {  	[tilespmem:$0x4D80] =	vst v0  }
0x19f: {  	v0 =	vld [tilespmem:s10+$0x810];
	_ =	sdelay $0x1  }
0x1a0: {  	v8 =	vld [tilespmem:$0xC90];
	_ =	sdelay $0x2  }
0x1a1: {  	v0 =	vmul.f32 v0, v7;
	_ =	sdelay $0x1  }
0x1a2: {  	v0 =	vadd.f32 v8, v0;
	_ =	sdelay $0x1  }
0x1a3: {  	[tilespmem:$0x4D90] =	vst v0  }
0x1a4: {  	v0 =	vld [tilespmem:s10+$0x820];
	_ =	sdelay $0x1  }
0x1a5: {  	v7 =	vld [tilespmem:$0xCA0];
	_ =	sdelay $0x2  }
0x1a6: {  	v0 =	vmul.f32 v0, v6;
	_ =	sdelay $0x1  }
0x1a7: {  	v0 =	vadd.f32 v7, v0;
	_ =	sdelay $0x1  }
0x1a8: {  	[tilespmem:$0x4DA0] =	vst v0  }
0x1a9: {  	v0 =	vld [tilespmem:s10+$0x830];
	_ =	sdelay $0x1  }
0x1aa: {  	v6 =	vld [tilespmem:$0xCB0];
	_ =	sdelay $0x2  }
0x1ab: {  	v0 =	vmul.f32 v0, v5;
	_ =	sdelay $0x1  }
0x1ac: {  	v0 =	vadd.f32 v6, v0;
	_ =	sdelay $0x1  }
0x1ad: {  	[tilespmem:$0x4DB0] =	vst v0  }
0x1ae: {  	v0 =	vld [tilespmem:s10+$0x840];
	_ =	sdelay $0x1  }
0x1af: {  	v5 =	vld [tilespmem:$0xCC0];
	_ =	sdelay $0x2  }
0x1b0: {  	v0 =	vmul.f32 v0, v4;
	_ =	sdelay $0x1  }
0x1b1: {  	v0 =	vadd.f32 v5, v0;
	_ =	sdelay $0x1  }
0x1b2: {  	[tilespmem:$0x4DC0] =	vst v0  }
0x1b3: {  	v0 =	vld [tilespmem:s10+$0x850];
	_ =	sdelay $0x1  }
0x1b4: {  	v4 =	vld [tilespmem:$0xCD0];
	_ =	sdelay $0x2  }
0x1b5: {  	v0 =	vmul.f32 v0, v3;
	_ =	sdelay $0x1  }
0x1b6: {  	v0 =	vadd.f32 v4, v0;
	_ =	sdelay $0x1  }
0x1b7: {  	[tilespmem:$0x4DD0] =	vst v0  }
0x1b8: {  	v0 =	vld [tilespmem:s10+$0x860];
	_ =	sdelay $0x1  }
0x1b9: {  	v3 =	vld [tilespmem:$0xCE0];
	_ =	sdelay $0x2  }
0x1ba: {  	v0 =	vmul.f32 v0, v2;
	_ =	sdelay $0x1  }
0x1bb: {  	v0 =	vadd.f32 v3, v0;
	_ =	sdelay $0x1  }
0x1bc: {  	[tilespmem:$0x4DE0] =	vst v0  }
0x1bd: {  	v0 =	vld [tilespmem:s10+$0x870];
	_ =	sdelay $0x1  }
0x1be: {  	v2 =	vld [tilespmem:$0xCF0];
	_ =	sdelay $0x2  }
0x1bf: {  	v0 =	vmul.f32 v0, v1;
	_ =	sdelay $0x1  }
0x1c0: {  	v0 =	vadd.f32 v2, v0;
	_ =	sdelay $0x1  }
0x1c1: {  	[tilespmem:$0x4DF0] =	vst v0  }
0x1c2: {  	[hbm4b:s11+s2] =	stream.linear.scatter [tilespmem:s20], [sflag:$0x1], $0x100, $0x38;
	[tilespmem:$0x4E00] =	vst v63  }
0x1c3: {  	_ =	swait.ge [sflag:s4], $0x100  }
0x1c4: {  	[sflag:s4] =	ssyncset.done $0x0  }
0x1c5: {  	[sflag:s4] =	ssyncadd.s32 $0xFFFFFF00  }
0x1c6: {  	v0 =	vld [tilespmem:s12+$0x0];
	_ =	sdelay $0x4  }
0x1c7: {  	(v2sf) =	vpush v0, $0x0;
	_ =	sdelay $0x5  }
0x1c8: {  	(v2sf) =	vpush v0, $0x1;
	_ =	sdelay $0x8  }
0x1c9: {  	s22 =	spop (v2sf)  }
0x1ca: {  	s23 =	sand.u32 $0x7, s22  }
0x1cb: {  	s24 =	sshra.s32 s22, $0x1F;
	p0 =	slt.s32 s22, $0x1;
	p1 =	sne.s32 s23, $0x0  }
0x1cc: {  	s30 =	sshrl.u32 s24, $0x1D;
	p0 =	por !p0, !p1  }
0x1cd: {  	s24 =	simm.s32 $0x1;
	s23 =	sadd.s32 s30, s22;
	p0 =	por !p0, !p0  }
0x1ce: {  	s23 =	sshrl.u32 s23, $0x3;
	s24 =	simm.s32 @!p0 $0x0  }
0x1cf: {  	s25 =	spop (v2sf);
	s23 =	ssub.s32 s23, s24  }
0x1d0: {  	s24 =	sadd.s32 s25, s22;
	s23 =	sshll.u32 s23, $0x3  }
0x1d1: {  	s25 =	ssub.s32 s24, s23  }
0x1d2: {  	s25 =	sadd.s32 $0x7F, s25  }
0x1d3: {  	s26 =	sand.u32 $0x7F, s25  }
0x1d4: {  	s31 =	sshra.s32 s25, $0x1F;
	p6 =	slt.s32 s25, $0x1;
	p5 =	sne.s32 s26, $0x0  }
0x1d5: {  	s26 =	sshrl.u32 s31, $0x19;
	p0 =	por !p6, !p5  }
0x1d6: {  	s25 =	sadd.s32 s26, s25;
	s26 =	simm.s32 $0x1;
	p0 =	por !p0, !p0  }
0x1d7: {  	s25 =	sshra.s32 s25, $0x7;
	s26 =	simm.s32 @!p0 $0x0  }
0x1d8: {  	s25 =	ssub.s32 s25, s26  }
0x1d9: {  	v16 =	vimm.f32 $0.0e+00;
	v15 =	vimm.f32 $0.0e+00;
	p0 =	slt.s32 s25, $0x1  }
.Ltmp16:
0x1da: {  	v14 =	vimm.f32 $0.0e+00;
	v13 =	vimm.f32 $0.0e+00;
	v12 =	vimm.f32 $0.0e+00;
	(pc) =	sbr.rel @p0 .LBB2_22-.Ltmp16, $4  }
0x1db: {  	v11 =	vimm.f32 $0.0e+00;
	v10 =	vimm.f32 $0.0e+00;
	v9 =	vimm.f32 $0.0e+00  }
0x1dc: {  	v8 =	vimm.f32 $0.0e+00;
	v7 =	vimm.f32 $0.0e+00;
	v6 =	vimm.f32 $0.0e+00  }
0x1dd: {  	v5 =	vimm.f32 $0.0e+00;
	v4 =	vimm.f32 $0.0e+00;
	v3 =	vimm.f32 $0.0e+00  }
0x1de: {  	v1 =	vimm.f32 $0.0e+00;
	v2 =	vimm.f32 $0.0e+00;
	v0 =	vimm.f32 $0.0e+00  }
0x1df: {  	v1 =	vimm.f32 $0.0e+00  }
.Ltmp17:
0x1e0: {  	v2 =	vimm.f32 $0.0e+00;
	v3 =	vimm.f32 $0.0e+00;
	v4 =	vimm.f32 $0.0e+00;
	(pc) =	sbr.rel .LBB2_17-.Ltmp17, $4  }
0x1e1: {  	v5 =	vimm.f32 $0.0e+00;
	v6 =	vimm.f32 $0.0e+00;
	v7 =	vimm.f32 $0.0e+00  }
0x1e2: {  	v8 =	vimm.f32 $0.0e+00;
	v9 =	vimm.f32 $0.0e+00;
	v10 =	vimm.f32 $0.0e+00  }
0x1e3: {  	v11 =	vimm.f32 $0.0e+00;
	v12 =	vimm.f32 $0.0e+00;
	v13 =	vimm.f32 $0.0e+00  }
0x1e4: {  	s26 =	ssub.s32 s22, s23;
	s28 =	simm.s32 $0x0;
	v14 =	vimm.f32 $0.0e+00;
	v15 =	vimm.f32 $0.0e+00;
	v16 =	vimm.f32 $0.0e+00  }
.LBB2_20:
0x1e5: {  	v24 =	vshll.u32 v19, $0x10;
	v62 =	vand.u32 $0xFFFF0000, v21  }
0x1e6: {  	v19 =	vand.u32 $0xFFFF0000, v19;
	v63 =	vshll.u32 v17, $0x10;
	v12 =	vadd.f32 v22, v12  }
0x1e7: {  	v25 =	vand.u32 $0xFFFF0000, v18;
	v4 =	vadd.f32 v23, v4;
	v5 =	vadd.f32 v19, v5  }
0x1e8: {  	v17 =	vand.u32 $0xFFFF0000, v17;
	v6 =	vadd.f32 v25, v6;
	v11 =	vadd.f32 v20, v11  }
0x1e9: {  	v18 =	vshll.u32 v18, $0x10;
	v8 =	vadd.f32 v62, v8;
	v13 =	vadd.f32 v24, v13  }
0x1ea: {  	v19 =	vshll.u32 v21, $0x10;
	v9 =	vadd.f32 v63, v9;
	v1 =	vadd.f32 v17, v1  }
0x1eb: {  	v14 =	vadd.f32 v18, v14;
	v16 =	vadd.f32 v19, v16  }
.LBB2_21:
0x1ec: {  	s28 =	sadd.s32 $0x1, s28  }
0x1ed: {  	p0 =	sne.s32 s28, s25  }
.Ltmp18:
0x1ee: {  	_ = 	snop;
	(pc) =	sbr.rel @!p0 .LBB2_22-.Ltmp18, $2  }
0x1ef: {  	_ =	sdelay $0x2  }
0x1f0: {  	s26 =	sadd.s32 $0xFFFFFF80, s26  }
.LBB2_17:
0x1f1: {  	s29 =	sshll.u32 s28, $0x7  }
0x1f2: {  	s29 =	sadd.s32 s23, s29  }
0x1f3: {  	s30 =	sshll.u32 s29, $0x4  }
0x1f4: {  	s30 =	sadd.s32 s3, s30  }
0x1f5: {  	[tilespmem:s19], [sflag:$0x1] =	stream.linear.gather [hbm4b:s30+s2], $0x4000, $0x38;
	[tilespmem:$0x4E00] =	vst v63  }
0x1f6: {  	s30 =	ssub.s32 s22, s29;
	s29 =	ssub.s32 s24, s29  }
0x1f7: {  	p0 =	sgt.s32 s30, $0x0;
	p1 =	slt.s32 s29, $0x80  }
0x1f8: {  	s30 =	simm.s32 @!p0 $0x0;
	s29 =	simm.s32 @!p1 $0x80  }
0x1f9: {  	p0 =	sge.s32 s30, s29  }
.Ltmp19:
0x1fa: {  	_ = 	snop;
	(pc) =	sbr.rel @p0 .LBB2_21-.Ltmp19, $4  }
0x1fb: {  	_ = 	snop  }
0x1fc: {  	_ =	swait.ge [sflag:s4], $0x4000  }
0x1fd: {  	[sflag:s4] =	ssyncset.done $0x0  }
0x1fe: {  	[sflag:s4] =	ssyncadd.s32 $0xFFFFC000  }
0x1ff: {  	p0 =	sgt.s32 s26, $0x0;
	s31 =	smov.u32 s26  }
0x200: {  	s31 =	simm.s32 @!p0 $0x0  }
0x201: {  	s31 =	sshll.u32 s31, $0x9  }
0x202: {  	s31 =	sshra.s32 s31, $0x2  }
0x203: {  	s31 =	sadd.s32 $0xD40, s31  }
0x204: {  	v17 =	vld [tilespmem:s31+$0xFFFFFFD0]  }
0x205: {  	v21 =	vld [tilespmem:s31+$0x10];
	_ =	sdelay $0x1  }
0x206: {  	v18 =	vld [tilespmem:s31+$0x20]  }
0x207: {  	s30 =	sadd.s32 $0x1, s30;
	v23 =	vld [tilespmem:s31+$0x0]  }
0x208: {  	p0 =	slt.s32 s30, s29;
	v19 =	vld [tilespmem:s31+$0xFFFFFFF0];
	v20 =	vshll.u32 v17, $0x10;
	v17 =	vand.u32 $0xFFFF0000, v17  }
.Ltmp20:
0x209: {  	v25 =	vand.u32 $0xFFFF0000, v21;
	v15 =	vadd.f32 v20, v15;
	v20 =	vshll.u32 v21, $0x10;
	v21 =	vld [tilespmem:s31+$0xFFFFFFC0];
	(pc) =	sbr.rel @!p0 .LBB2_20-.Ltmp20, $4  }
0x20a: {  	v7 =	vadd.f32 v17, v7;
	v17 =	vld [tilespmem:s31+$0x30]  }
0x20b: {  	v22 =	vshll.u32 v18, $0x10;
	v24 =	vand.u32 $0xFFFF0000, v18;
	v18 =	vld [tilespmem:s31+$0xFFFFFFE0]  }
0x20c: {  	v10 =	vadd.f32 v22, v10;
	v22 =	vshll.u32 v23, $0x10  }
0x20d: {  	v2 =	vadd.f32 v24, v2;
	v23 =	vand.u32 $0xFFFF0000, v23;
	v3 =	vadd.f32 v25, v3;
	s31 =	sadd.s32 $0x80, s31  }
.LBB2_19:
0x20e: {  	v24 =	vld [tilespmem:s31+$0xFFFFFFD0];
	s30 =	sadd.s32 $0x1, s30;
	v25 =	vshll.u32 v19, $0x10;
	v12 =	vadd.f32 v22, v12;
	v4 =	vadd.f32 v23, v4  }
0x20f: {  	v22 =	vand.u32 $0xFFFF0000, v21;
	v19 =	vand.u32 $0xFFFF0000, v19;
	v26 =	vshll.u32 v17, $0x10;
	v23 =	vld [tilespmem:s31+$0x10];
	p0 =	slt.s32 s30, s29  }
0x210: {  	v21 =	vshll.u32 v21, $0x10;
	v28 =	vand.u32 $0xFFFF0000, v18;
	v5 =	vadd.f32 v19, v5;
	v27 =	vld [tilespmem:s31+$0x20]  }
0x211: {  	v11 =	vadd.f32 v20, v11;
	v20 =	vand.u32 $0xFFFF0000, v17;
	v6 =	vadd.f32 v28, v6;
	v29 =	vld [tilespmem:s31+$0x0]  }
0x212: {  	v8 =	vadd.f32 v22, v8;
	v22 =	vshll.u32 v18, $0x10;
	v13 =	vadd.f32 v25, v13;
	v19 =	vld [tilespmem:s31+$0xFFFFFFF0]  }
0x213: {  	v16 =	vadd.f32 v21, v16;
	v9 =	vadd.f32 v26, v9;
	v18 =	vshll.u32 v24, $0x10;
	v17 =	vld [tilespmem:s31+$0x30]  }
.Ltmp21:
0x214: {  	v1 =	vadd.f32 v20, v1;
	v24 =	vand.u32 $0xFFFF0000, v24;
	v15 =	vadd.f32 v18, v15;
	v18 =	vld [tilespmem:s31+$0xFFFFFFE0];
	(pc) =	sbr.rel @p0 .LBB2_19-.Ltmp21, $4  }
0x215: {  	v7 =	vadd.f32 v24, v7;
	v21 =	vld [tilespmem:s31+$0xFFFFFFC0];
	v24 =	vshll.u32 v27, $0x10;
	v25 =	vand.u32 $0xFFFF0000, v27  }
0x216: {  	v14 =	vadd.f32 v22, v14;
	v20 =	vshll.u32 v23, $0x10;
	v10 =	vadd.f32 v24, v10  }
0x217: {  	v22 =	vshll.u32 v29, $0x10;
	v24 =	vand.u32 $0xFFFF0000, v23;
	v2 =	vadd.f32 v25, v2  }
0x218: {  	s31 =	sadd.s32 $0x80, s31;
	v23 =	vand.u32 $0xFFFF0000, v29;
	v3 =	vadd.f32 v24, v3  }
.Ltmp22:
0x219: {  	_ = 	snop;
	(pc) =	sbr.rel .LBB2_20-.Ltmp22, $1  }
0x21a: {  	_ =	sdelay $0x3  }
.LBB2_22:
0x21b: {  	v17 =	vld [tilespmem:s12+$0x400];
	_ =	sdelay $0x1  }
0x21c: {  	v18 =	vld [tilespmem:$0xC00];
	_ =	sdelay $0x2  }
0x21d: {  	v16 =	vmul.f32 v17, v16;
	_ =	sdelay $0x1  }
0x21e: {  	v16 =	vadd.f32 v18, v16;
	_ =	sdelay $0x1  }
0x21f: {  	[tilespmem:$0x4D00] =	vst v16  }
0x220: {  	v16 =	vld [tilespmem:s12+$0x410];
	_ =	sdelay $0x1  }
0x221: {  	v17 =	vld [tilespmem:$0xC10];
	_ =	sdelay $0x2  }
0x222: {  	v15 =	vmul.f32 v16, v15;
	_ =	sdelay $0x1  }
0x223: {  	v15 =	vadd.f32 v17, v15;
	_ =	sdelay $0x1  }
0x224: {  	[tilespmem:$0x4D10] =	vst v15  }
0x225: {  	v15 =	vld [tilespmem:s12+$0x420];
	_ =	sdelay $0x1  }
0x226: {  	v16 =	vld [tilespmem:$0xC20];
	_ =	sdelay $0x2  }
0x227: {  	v14 =	vmul.f32 v15, v14;
	_ =	sdelay $0x1  }
0x228: {  	v14 =	vadd.f32 v16, v14;
	_ =	sdelay $0x1  }
0x229: {  	[tilespmem:$0x4D20] =	vst v14  }
0x22a: {  	v14 =	vld [tilespmem:s12+$0x430];
	_ =	sdelay $0x1  }
0x22b: {  	v15 =	vld [tilespmem:$0xC30];
	_ =	sdelay $0x2  }
0x22c: {  	v13 =	vmul.f32 v14, v13;
	_ =	sdelay $0x1  }
0x22d: {  	v13 =	vadd.f32 v15, v13;
	_ =	sdelay $0x1  }
0x22e: {  	[tilespmem:$0x4D30] =	vst v13  }
0x22f: {  	v13 =	vld [tilespmem:s12+$0x440];
	_ =	sdelay $0x1  }
0x230: {  	v14 =	vld [tilespmem:$0xC40];
	_ =	sdelay $0x2  }
0x231: {  	v12 =	vmul.f32 v13, v12;
	_ =	sdelay $0x1  }
0x232: {  	v12 =	vadd.f32 v14, v12;
	_ =	sdelay $0x1  }
0x233: {  	[tilespmem:$0x4D40] =	vst v12  }
0x234: {  	v12 =	vld [tilespmem:s12+$0x450];
	_ =	sdelay $0x1  }
0x235: {  	v13 =	vld [tilespmem:$0xC50];
	_ =	sdelay $0x2  }
0x236: {  	v11 =	vmul.f32 v12, v11;
	_ =	sdelay $0x1  }
0x237: {  	v11 =	vadd.f32 v13, v11;
	_ =	sdelay $0x1  }
0x238: {  	[tilespmem:$0x4D50] =	vst v11  }
0x239: {  	v11 =	vld [tilespmem:s12+$0x460];
	_ =	sdelay $0x1  }
0x23a: {  	v12 =	vld [tilespmem:$0xC60];
	_ =	sdelay $0x2  }
0x23b: {  	v10 =	vmul.f32 v11, v10;
	_ =	sdelay $0x1  }
0x23c: {  	v10 =	vadd.f32 v12, v10;
	_ =	sdelay $0x1  }
0x23d: {  	[tilespmem:$0x4D60] =	vst v10  }
0x23e: {  	v10 =	vld [tilespmem:s12+$0x470];
	_ =	sdelay $0x1  }
0x23f: {  	v11 =	vld [tilespmem:$0xC70];
	_ =	sdelay $0x2  }
0x240: {  	v9 =	vmul.f32 v10, v9;
	_ =	sdelay $0x1  }
0x241: {  	v9 =	vadd.f32 v11, v9;
	_ =	sdelay $0x1  }
0x242: {  	[tilespmem:$0x4D70] =	vst v9  }
0x243: {  	v9 =	vld [tilespmem:s12+$0x800];
	_ =	sdelay $0x1  }
0x244: {  	v10 =	vld [tilespmem:$0xC80];
	_ =	sdelay $0x2  }
0x245: {  	v8 =	vmul.f32 v9, v8;
	_ =	sdelay $0x1  }
0x246: {  	v8 =	vadd.f32 v10, v8;
	_ =	sdelay $0x1  }
0x247: {  	[tilespmem:$0x4D80] =	vst v8  }
0x248: {  	v8 =	vld [tilespmem:s12+$0x810];
	_ =	sdelay $0x1  }
0x249: {  	v9 =	vld [tilespmem:$0xC90];
	_ =	sdelay $0x2  }
0x24a: {  	v7 =	vmul.f32 v8, v7;
	_ =	sdelay $0x1  }
0x24b: {  	v7 =	vadd.f32 v9, v7;
	_ =	sdelay $0x1  }
0x24c: {  	[tilespmem:$0x4D90] =	vst v7  }
0x24d: {  	v7 =	vld [tilespmem:s12+$0x820];
	_ =	sdelay $0x1  }
0x24e: {  	v8 =	vld [tilespmem:$0xCA0];
	_ =	sdelay $0x2  }
0x24f: {  	v6 =	vmul.f32 v7, v6;
	_ =	sdelay $0x1  }
0x250: {  	v6 =	vadd.f32 v8, v6;
	_ =	sdelay $0x1  }
0x251: {  	[tilespmem:$0x4DA0] =	vst v6  }
0x252: {  	v6 =	vld [tilespmem:s12+$0x830];
	_ =	sdelay $0x1  }
0x253: {  	v7 =	vld [tilespmem:$0xCB0];
	_ =	sdelay $0x2  }
0x254: {  	v5 =	vmul.f32 v6, v5;
	_ =	sdelay $0x1  }
0x255: {  	v5 =	vadd.f32 v7, v5;
	_ =	sdelay $0x1  }
0x256: {  	[tilespmem:$0x4DB0] =	vst v5  }
0x257: {  	v5 =	vld [tilespmem:s12+$0x840];
	_ =	sdelay $0x1  }
0x258: {  	v6 =	vld [tilespmem:$0xCC0];
	_ =	sdelay $0x2  }
0x259: {  	v4 =	vmul.f32 v5, v4;
	_ =	sdelay $0x1  }
0x25a: {  	v4 =	vadd.f32 v6, v4;
	_ =	sdelay $0x1  }
0x25b: {  	[tilespmem:$0x4DC0] =	vst v4  }
0x25c: {  	v4 =	vld [tilespmem:s12+$0x850];
	_ =	sdelay $0x1  }
0x25d: {  	v5 =	vld [tilespmem:$0xCD0];
	_ =	sdelay $0x2  }
0x25e: {  	v3 =	vmul.f32 v4, v3;
	_ =	sdelay $0x1  }
0x25f: {  	v3 =	vadd.f32 v5, v3;
	_ =	sdelay $0x1  }
0x260: {  	[tilespmem:$0x4DD0] =	vst v3  }
0x261: {  	v3 =	vld [tilespmem:s12+$0x860];
	_ =	sdelay $0x1  }
0x262: {  	v4 =	vld [tilespmem:$0xCE0];
	_ =	sdelay $0x2  }
0x263: {  	v2 =	vmul.f32 v3, v2;
	_ =	sdelay $0x1  }
0x264: {  	v2 =	vadd.f32 v4, v2;
	_ =	sdelay $0x1  }
0x265: {  	[tilespmem:$0x4DE0] =	vst v2  }
0x266: {  	v2 =	vld [tilespmem:s12+$0x870];
	_ =	sdelay $0x1  }
0x267: {  	v3 =	vld [tilespmem:$0xCF0];
	_ =	sdelay $0x2  }
0x268: {  	v1 =	vmul.f32 v2, v1;
	_ =	sdelay $0x1  }
0x269: {  	v1 =	vadd.f32 v3, v1;
	_ =	sdelay $0x1  }
0x26a: {  	[tilespmem:$0x4DF0] =	vst v1  }
0x26b: {  	[hbm4b:s13+s2] =	stream.linear.scatter [tilespmem:s20], [sflag:$0x1], $0x100, $0x38;
	[tilespmem:$0x4E00] =	vst v63  }
0x26c: {  	_ =	swait.ge [sflag:s4], $0x100  }
0x26d: {  	[sflag:s4] =	ssyncset.done $0x0  }
0x26e: {  	[sflag:s4] =	ssyncadd.s32 $0xFFFFFF00  }
0x26f: {  	v1 =	vld [tilespmem:s14+$0x0];
	_ =	sdelay $0x4  }
0x270: {  	(v2sf) =	vpush v1, $0x0;
	_ =	sdelay $0x5  }
0x271: {  	(v2sf) =	vpush v1, $0x1;
	_ =	sdelay $0x8  }
0x272: {  	s22 =	spop (v2sf)  }
0x273: {  	s23 =	sand.u32 $0x7, s22  }
0x274: {  	s24 =	sshra.s32 s22, $0x1F;
	p0 =	slt.s32 s22, $0x1;
	p1 =	sne.s32 s23, $0x0  }
0x275: {  	s30 =	sshrl.u32 s24, $0x1D;
	p0 =	por !p0, !p1  }
0x276: {  	s24 =	simm.s32 $0x1;
	s23 =	sadd.s32 s30, s22;
	p0 =	por !p0, !p0  }
0x277: {  	s23 =	sshrl.u32 s23, $0x3;
	s24 =	simm.s32 @!p0 $0x0  }
0x278: {  	s25 =	spop (v2sf);
	s23 =	ssub.s32 s23, s24  }
0x279: {  	s24 =	sadd.s32 s25, s22;
	s23 =	sshll.u32 s23, $0x3  }
0x27a: {  	s25 =	ssub.s32 s24, s23  }
0x27b: {  	s25 =	sadd.s32 $0x7F, s25  }
0x27c: {  	s26 =	sand.u32 $0x7F, s25  }
0x27d: {  	s31 =	sshra.s32 s25, $0x1F;
	p6 =	slt.s32 s25, $0x1;
	p5 =	sne.s32 s26, $0x0  }
0x27e: {  	s26 =	sshrl.u32 s31, $0x19;
	p0 =	por !p6, !p5  }
0x27f: {  	s25 =	sadd.s32 s26, s25;
	s26 =	simm.s32 $0x1;
	p0 =	por !p0, !p0  }
0x280: {  	s25 =	sshra.s32 s25, $0x7;
	s26 =	simm.s32 @!p0 $0x0  }
0x281: {  	s25 =	ssub.s32 s25, s26  }
0x282: {  	p0 =	slt.s32 s25, $0x1  }
.Ltmp23:
0x283: {  	v15 =	vimm.f32 $0.0e+00;
	v14 =	vimm.f32 $0.0e+00;
	v13 =	vimm.f32 $0.0e+00;
	(pc) =	sbr.rel @p0 .LBB2_29-.Ltmp23, $4  }
0x284: {  	v12 =	vimm.f32 $0.0e+00;
	v11 =	vimm.f32 $0.0e+00;
	v10 =	vimm.f32 $0.0e+00  }
0x285: {  	v9 =	vimm.f32 $0.0e+00;
	v8 =	vimm.f32 $0.0e+00;
	v7 =	vimm.f32 $0.0e+00  }
0x286: {  	v6 =	vimm.f32 $0.0e+00;
	v5 =	vimm.f32 $0.0e+00;
	v4 =	vimm.f32 $0.0e+00  }
0x287: {  	v2 =	vimm.f32 $0.0e+00;
	v3 =	vimm.f32 $0.0e+00;
	v1 =	vimm.f32 $0.0e+00  }
0x288: {  	v1 =	vimm.f32 $0.0e+00  }
.Ltmp24:
0x289: {  	v2 =	vimm.f32 $0.0e+00;
	v3 =	vimm.f32 $0.0e+00;
	v4 =	vimm.f32 $0.0e+00;
	(pc) =	sbr.rel .LBB2_24-.Ltmp24, $4  }
0x28a: {  	v5 =	vimm.f32 $0.0e+00;
	v6 =	vimm.f32 $0.0e+00;
	v7 =	vimm.f32 $0.0e+00  }
0x28b: {  	v8 =	vimm.f32 $0.0e+00;
	v9 =	vimm.f32 $0.0e+00;
	v10 =	vimm.f32 $0.0e+00  }
0x28c: {  	v11 =	vimm.f32 $0.0e+00;
	v12 =	vimm.f32 $0.0e+00;
	v13 =	vimm.f32 $0.0e+00  }
0x28d: {  	s26 =	ssub.s32 s22, s23;
	s28 =	simm.s32 $0x0;
	v14 =	vimm.f32 $0.0e+00;
	v15 =	vimm.f32 $0.0e+00;
	v0 =	vimm.f32 $0.0e+00  }
.LBB2_27:
0x28e: {  	v23 =	vshll.u32 v18, $0x10;
	v60 =	vand.u32 $0xFFFF0000, v20  }
0x28f: {  	v61 =	vand.u32 $0xFFFF0000, v18;
	v62 =	vshll.u32 v16, $0x10;
	v12 =	vadd.f32 v21, v12  }
0x290: {  	v24 =	vand.u32 $0xFFFF0000, v17;
	v4 =	vadd.f32 v22, v4;
	v5 =	vadd.f32 v61, v5  }
0x291: {  	v63 =	vshll.u32 v20, $0x10;
	v6 =	vadd.f32 v24, v6;
	v11 =	vadd.f32 v19, v11  }
0x292: {  	v16 =	vand.u32 $0xFFFF0000, v16;
	v8 =	vadd.f32 v60, v8;
	v13 =	vadd.f32 v23, v13  }
0x293: {  	v17 =	vshll.u32 v17, $0x10;
	v0 =	vadd.f32 v63, v0;
	v9 =	vadd.f32 v62, v9  }
0x294: {  	v1 =	vadd.f32 v16, v1;
	v14 =	vadd.f32 v17, v14  }
.LBB2_28:
0x295: {  	s28 =	sadd.s32 $0x1, s28  }
0x296: {  	p0 =	sne.s32 s28, s25  }
.Ltmp25:
0x297: {  	_ = 	snop;
	(pc) =	sbr.rel @!p0 .LBB2_29-.Ltmp25, $2  }
0x298: {  	_ =	sdelay $0x2  }
0x299: {  	s26 =	sadd.s32 $0xFFFFFF80, s26  }
.LBB2_24:
0x29a: {  	s29 =	sshll.u32 s28, $0x7  }
0x29b: {  	s29 =	sadd.s32 s23, s29  }
0x29c: {  	s30 =	sshll.u32 s29, $0x4  }
0x29d: {  	s30 =	sadd.s32 s3, s30  }
0x29e: {  	[tilespmem:s19], [sflag:$0x1] =	stream.linear.gather [hbm4b:s30+s2], $0x4000, $0x38;
	[tilespmem:$0x4E00] =	vst v63  }
0x29f: {  	s30 =	ssub.s32 s22, s29;
	s29 =	ssub.s32 s24, s29  }
0x2a0: {  	p0 =	sgt.s32 s30, $0x0;
	p1 =	slt.s32 s29, $0x80  }
0x2a1: {  	s30 =	simm.s32 @!p0 $0x0;
	s29 =	simm.s32 @!p1 $0x80  }
0x2a2: {  	p0 =	sge.s32 s30, s29  }
.Ltmp26:
0x2a3: {  	_ = 	snop;
	(pc) =	sbr.rel @p0 .LBB2_28-.Ltmp26, $4  }
0x2a4: {  	_ = 	snop  }
0x2a5: {  	_ =	swait.ge [sflag:s4], $0x4000  }
0x2a6: {  	[sflag:s4] =	ssyncset.done $0x0  }
0x2a7: {  	[sflag:s4] =	ssyncadd.s32 $0xFFFFC000  }
0x2a8: {  	p0 =	sgt.s32 s26, $0x0;
	s31 =	smov.u32 s26  }
0x2a9: {  	s31 =	simm.s32 @!p0 $0x0  }
0x2aa: {  	s31 =	sshll.u32 s31, $0x9  }
0x2ab: {  	s31 =	sshra.s32 s31, $0x2  }
0x2ac: {  	s31 =	sadd.s32 $0xD40, s31  }
0x2ad: {  	v16 =	vld [tilespmem:s31+$0xFFFFFFD0]  }
0x2ae: {  	v20 =	vld [tilespmem:s31+$0x10];
	_ =	sdelay $0x1  }
0x2af: {  	v17 =	vld [tilespmem:s31+$0x20]  }
0x2b0: {  	s30 =	sadd.s32 $0x1, s30;
	v22 =	vld [tilespmem:s31+$0x0]  }
0x2b1: {  	p0 =	slt.s32 s30, s29;
	v18 =	vld [tilespmem:s31+$0xFFFFFFF0];
	v19 =	vshll.u32 v16, $0x10;
	v16 =	vand.u32 $0xFFFF0000, v16  }
.Ltmp27:
0x2b2: {  	v24 =	vand.u32 $0xFFFF0000, v20;
	v15 =	vadd.f32 v19, v15;
	v19 =	vshll.u32 v20, $0x10;
	v20 =	vld [tilespmem:s31+$0xFFFFFFC0];
	(pc) =	sbr.rel @!p0 .LBB2_27-.Ltmp27, $4  }
0x2b3: {  	v7 =	vadd.f32 v16, v7;
	v16 =	vld [tilespmem:s31+$0x30]  }
0x2b4: {  	v21 =	vshll.u32 v17, $0x10;
	v23 =	vand.u32 $0xFFFF0000, v17;
	v17 =	vld [tilespmem:s31+$0xFFFFFFE0]  }
0x2b5: {  	v10 =	vadd.f32 v21, v10;
	v21 =	vshll.u32 v22, $0x10  }
0x2b6: {  	v2 =	vadd.f32 v23, v2;
	v22 =	vand.u32 $0xFFFF0000, v22;
	v3 =	vadd.f32 v24, v3;
	s31 =	sadd.s32 $0x80, s31  }
.LBB2_26:
0x2b7: {  	v23 =	vld [tilespmem:s31+$0xFFFFFFD0];
	s30 =	sadd.s32 $0x1, s30;
	v24 =	vshll.u32 v18, $0x10;
	v12 =	vadd.f32 v21, v12;
	v4 =	vadd.f32 v22, v4  }
0x2b8: {  	v21 =	vand.u32 $0xFFFF0000, v20;
	v18 =	vand.u32 $0xFFFF0000, v18;
	v25 =	vshll.u32 v16, $0x10;
	v22 =	vld [tilespmem:s31+$0x10];
	p0 =	slt.s32 s30, s29  }
0x2b9: {  	v20 =	vshll.u32 v20, $0x10;
	v27 =	vand.u32 $0xFFFF0000, v17;
	v5 =	vadd.f32 v18, v5;
	v26 =	vld [tilespmem:s31+$0x20]  }
0x2ba: {  	v11 =	vadd.f32 v19, v11;
	v19 =	vand.u32 $0xFFFF0000, v16;
	v6 =	vadd.f32 v27, v6;
	v28 =	vld [tilespmem:s31+$0x0]  }
0x2bb: {  	v8 =	vadd.f32 v21, v8;
	v21 =	vshll.u32 v17, $0x10;
	v13 =	vadd.f32 v24, v13;
	v18 =	vld [tilespmem:s31+$0xFFFFFFF0]  }
0x2bc: {  	v0 =	vadd.f32 v20, v0;
	v9 =	vadd.f32 v25, v9;
	v17 =	vshll.u32 v23, $0x10;
	v16 =	vld [tilespmem:s31+$0x30]  }
.Ltmp28:
0x2bd: {  	v1 =	vadd.f32 v19, v1;
	v23 =	vand.u32 $0xFFFF0000, v23;
	v15 =	vadd.f32 v17, v15;
	v17 =	vld [tilespmem:s31+$0xFFFFFFE0];
	(pc) =	sbr.rel @p0 .LBB2_26-.Ltmp28, $4  }
0x2be: {  	v7 =	vadd.f32 v23, v7;
	v20 =	vld [tilespmem:s31+$0xFFFFFFC0];
	v23 =	vshll.u32 v26, $0x10;
	v24 =	vand.u32 $0xFFFF0000, v26  }
0x2bf: {  	v14 =	vadd.f32 v21, v14;
	v19 =	vshll.u32 v22, $0x10;
	v10 =	vadd.f32 v23, v10  }
0x2c0: {  	v21 =	vshll.u32 v28, $0x10;
	v23 =	vand.u32 $0xFFFF0000, v22;
	v2 =	vadd.f32 v24, v2  }
0x2c1: {  	s31 =	sadd.s32 $0x80, s31;
	v22 =	vand.u32 $0xFFFF0000, v28;
	v3 =	vadd.f32 v23, v3  }
.Ltmp29:
0x2c2: {  	_ = 	snop;
	(pc) =	sbr.rel .LBB2_27-.Ltmp29, $1  }
0x2c3: {  	_ =	sdelay $0x3  }
.LBB2_30:
0x2c4: {  	_ =	sfence.sel $0x180000  }
0x2c5: {  	[bflag:$0x0] =	sbarrier.arrive $0xFFFF  }
0x2c6: {  	p0 =	sne.s32 s0, $0x0;
	_ =	strace $0x90000047  }
0x2c7: {  	s0 =	sadd.s32 @!p0 $0x100000, s1;
	[bflag:$0x2] =	sbarrier.arrive $0xFFFF  }
0x2c8: {  	[sflag:s0] =	ssyncadd.tile.s32 @!p0 $0x1;
	_ =	shalt  }
.Lfunc_end2:
_tile_overlayer_lowered:
.L_overlay_start_2:
0x2c9: {  	(tag) =	ssettag $0x2  }
0x2ca: {  	s0 =	rddreg [dreg:$0x0];
	s2 =	stileid.u32  }
0x2cb: {  	s1 =	rddreg [dreg:$0x1];
	p0 =	sne.s32 s2, $0x0  }
0x2cc: {  	s3 =	rddreg [dreg:$0x2];
	[bflag:$0x3] =	sbarrier.arrive $0xFFFF;
	s2 =	simm.s32 @!p0 $0x1C01  }
0x2cd: {  	[timem:s3], [sflag:s2] =	dma.local @!p0 [hbm:s0], s1  }
0x2ce: {  	s0 =	simm.s32 @!p0 $0x1  }
0x2cf: {  	_ =	swait.ge @!p0 [sflag:s0], s1  }
0x2d0: {  	s1 =	ssub.s32 @!p0 $0x0, s1;
	[sflag:s0] =	ssyncset.done @!p0 $0x0  }
0x2d1: {  	[sflag:s0] =	ssyncadd.s32 @!p0 s1  }
0x2d2: {  	[bflag:$0x3] =	sbarrier.arrive $0xFFFF  }
0x2d3: {  	_ =	shalt  }

</sc_bundles>
